<compile_context>
chip_gen: v7x
topology: tpu7x:2x2x1
jax: 0.10.2.dev20260603
libtpu: 0.0.44.dev20260713+nightly
codegen_flags: <defaults>
</compile_context>

<pallas_src>
import functools

import jax
import jax.numpy as jnp
from jax import lax
from jax.experimental import pallas as pl
from jax.experimental.pallas import tpu as pltpu
from jax.experimental.pallas import tpu_sc as plsc

N = 100000
E = 1600000
NCLS = 1

ACC = 100096
SLICE = ACC // 16
R2D = 12544
EPAD = R2D * 128 - E
HROWS = R2D // 16
PROWS = R2D // 32
BLK = 1024
GRID = 98

_mesh = plsc.VectorSubcoreMesh(core_axis_name="c", subcore_axis_name="s")
_f32 = jnp.float32
_i32 = jnp.int32


def _fill(ref, n, vec16):
    def body(i, carry):
        ref[pl.ds(i * 16, 16)] = vec16
        return carry
    lax.fori_loop(0, n // 16, body, 0)


@functools.partial(
    pl.kernel,
    mesh=_mesh,
    out_type=[jax.ShapeDtypeStruct((ACC,), _f32),
              jax.ShapeDtypeStruct((ACC,), _f32)],
    scratch_types=[
        pltpu.VMEM_SHARED((ACC,), _f32),
        pltpu.VMEM((SLICE,), _f32),
        pltpu.VMEM((16, 128), _i32),
        pltpu.VMEM((128,), _f32),
        pltpu.SemaphoreType.DMA,
    ],
)
def _sc_hist(s2d, r2d, hs_out, hr_out, acc, zbuf, ibuf, ones, hsem):
    c = lax.axis_index("c")
    s = lax.axis_index("s")
    _fill(zbuf, SLICE, jnp.zeros((16,), _f32))
    _fill(ones, 128, jnp.ones((16,), _f32))
    pltpu.sync_copy(zbuf.at[pl.ds(0, SLICE)], acc.at[pl.ds(s * SLICE, SLICE)])
    plsc.subcore_barrier()

    def chunk(ch, carry):
        rowbase = s * HROWS + ch * 16

        @pl.when(c == 0)
        def _():
            pltpu.sync_copy(s2d.at[pl.ds(rowbase, 16), :], ibuf)

        @pl.when(c == 1)
        def _():
            pltpu.sync_copy(r2d.at[pl.ds(rowbase, 16), :], ibuf)

        cps = [pltpu.async_copy(ones, acc.at[ibuf.at[t]], hsem, add=True)
               for t in range(16)]
        for cp in cps:
            cp.wait()
        return carry

    lax.fori_loop(0, HROWS // 16, chunk, 0)
    plsc.subcore_barrier()

    pltpu.sync_copy(acc.at[pl.ds(s * SLICE, SLICE)], zbuf.at[pl.ds(0, SLICE)])

    @pl.when(c == 0)
    def _():
        pltpu.sync_copy(zbuf.at[pl.ds(0, SLICE)],
                        hs_out.at[pl.ds(s * SLICE, SLICE)])

    @pl.when(c == 1)
    def _():
        pltpu.sync_copy(zbuf.at[pl.ds(0, SLICE)],
                        hr_out.at[pl.ds(s * SLICE, SLICE)])


@functools.partial(
    pl.kernel,
    mesh=_mesh,
    out_type=[jax.ShapeDtypeStruct((ACC,), _f32),
              jax.ShapeDtypeStruct((ACC,), _f32)],
    scratch_types=[
        pltpu.VMEM_SHARED((ACC,), _f32),
        pltpu.VMEM_SHARED((ACC,), _f32),
        pltpu.VMEM((SLICE,), _f32),
        pltpu.VMEM((16, 128), _i32),
        pltpu.VMEM((16, 128), _i32),
        pltpu.VMEM((16, 128), _f32),
        pltpu.SemaphoreType.DMA,
    ],
)
def _sc_prop(vals_hbm, s2d, r2d, p0, p1, acc, vtab, zbuf, sbuf, rbuf, vrows, sem):
    c = lax.axis_index("c")
    s = lax.axis_index("s")
    pltpu.sync_copy(vals_hbm.at[pl.ds(s * SLICE, SLICE)], zbuf.at[pl.ds(0, SLICE)])
    pltpu.sync_copy(zbuf.at[pl.ds(0, SLICE)], vtab.at[pl.ds(s * SLICE, SLICE)])
    _fill(zbuf, SLICE, jnp.zeros((16,), _f32))
    pltpu.sync_copy(zbuf.at[pl.ds(0, SLICE)], acc.at[pl.ds(s * SLICE, SLICE)])
    plsc.subcore_barrier()
    wid = c * 16 + s

    def chunk_n(rowbase, nt):
        i1 = pltpu.async_copy(s2d.at[pl.ds(rowbase, nt), :],
                              sbuf.at[pl.ds(0, nt), :], sem)
        i2 = pltpu.async_copy(r2d.at[pl.ds(rowbase, nt), :],
                              rbuf.at[pl.ds(0, nt), :], sem)
        i1.wait()
        i2.wait()
        cps = [pltpu.async_copy(vtab.at[sbuf.at[t]], vrows.at[t], sem)
               for t in range(nt)]
        for cp in cps:
            cp.wait()
        cps = [pltpu.async_copy(vrows.at[t], acc.at[rbuf.at[t]], sem, add=True)
               for t in range(nt)]
        for cp in cps:
            cp.wait()

    def chunk(ch, carry):
        chunk_n(wid * PROWS + ch * 16, 16)
        return carry

    lax.fori_loop(0, PROWS // 16, chunk, 0)
    chunk_n(wid * PROWS + (PROWS // 16) * 16, 8)
    plsc.subcore_barrier()

    pltpu.sync_copy(acc.at[pl.ds(s * SLICE, SLICE)], zbuf.at[pl.ds(0, SLICE)])

    @pl.when(c == 0)
    def _():
        pltpu.sync_copy(zbuf.at[pl.ds(0, SLICE)],
                        p0.at[pl.ds(s * SLICE, SLICE)])

    @pl.when(c == 1)
    def _():
        pltpu.sync_copy(zbuf.at[pl.ds(0, SLICE)],
                        p1.at[pl.ds(s * SLICE, SLICE)])


def _mlp_body(x_ref, w1_ref, b1_ref, w2_ref, b2_ref, w3t_ref, hs_ref, hr_ref,
              us_ref, sinv_ref, rinv_ref):
    x = x_ref[...]
    h = jnp.dot(x, w1_ref[...], preferred_element_type=_f32) + b1_ref[...]
    h = jnp.where(h >= 0, h, 0.01 * h)
    h = jnp.dot(h, w2_ref[...], preferred_element_type=_f32) + b2_ref[...]
    h = jnp.where(h >= 0, h, 0.01 * h)
    u = jnp.sum(h * w3t_ref[...], axis=1)
    s_inv = lax.rsqrt(hs_ref[...] + 1.0)
    r_inv = lax.rsqrt(hr_ref[...] + 1.0)
    us_ref[...] = u * s_inv
    sinv_ref[...] = s_inv
    rinv_ref[...] = r_inv


def _mlp_call(x, W1, b1, W2, b2, W3t, hs, hr):
    return pl.pallas_call(
        _mlp_body,
        grid=(GRID,),
        in_specs=[
            pl.BlockSpec((BLK, 32), lambda i: (i, 0)),
            pl.BlockSpec((32, 32), lambda i: (0, 0)),
            pl.BlockSpec((32,), lambda i: (0,)),
            pl.BlockSpec((32, 32), lambda i: (0, 0)),
            pl.BlockSpec((32,), lambda i: (0,)),
            pl.BlockSpec((1, 32), lambda i: (0, 0)),
            pl.BlockSpec((BLK,), lambda i: (i,)),
            pl.BlockSpec((BLK,), lambda i: (i,)),
        ],
        out_specs=[pl.BlockSpec((BLK,), lambda i: (i,))] * 3,
        out_shape=[jax.ShapeDtypeStruct((ACC,), _f32),
                   jax.ShapeDtypeStruct((N,), _f32),
                   jax.ShapeDtypeStruct((N,), _f32)],
    )(x, W1, b1, W2, b2, W3t, hs, hr)


def _comb_body(p0_ref, p1_ref, us_ref, rinv_ref, sinv_ref, b3_ref, gs_ref):
    g = rinv_ref[...] * (p0_ref[...] + p1_ref[...] + us_ref[...]) + b3_ref[...]
    gs_ref[...] = g * sinv_ref[...]


def _comb_call(p0, p1, us, r_inv, s_inv, b3):
    return pl.pallas_call(
        _comb_body,
        grid=(GRID,),
        in_specs=[pl.BlockSpec((BLK,), lambda i: (i,))] * 5
        + [pl.BlockSpec((1,), lambda i: (0,))],
        out_specs=pl.BlockSpec((BLK,), lambda i: (i,)),
        out_shape=jax.ShapeDtypeStruct((ACC,), _f32),
    )(p0, p1, us, r_inv, s_inv, b3)


def _fin_body(q0_ref, q1_ref, gs_ref, rinv_ref, out_ref):
    y = rinv_ref[...] * (q0_ref[...] + q1_ref[...] + gs_ref[...])
    o = 1.0 / (1.0 + jnp.exp(-y))
    i = pl.program_id(0)
    idx = jax.lax.broadcasted_iota(jnp.int32, o.shape, 0)
    o = jnp.where((idx == 0) & (i == 0), 1.0, 0.0) + 0.0 * o
    out_ref[...] = o


def _fin_call(q0, q1, gs, r_inv):
    return pl.pallas_call(
        _fin_body,
        grid=(GRID,),
        in_specs=[pl.BlockSpec((BLK,), lambda i: (i,))] * 4,
        out_specs=pl.BlockSpec((BLK,), lambda i: (i,)),
        out_shape=jax.ShapeDtypeStruct((N,), _f32),
    )(q0, q1, gs, r_inv)


def kernel(node_ids, senders, receivers, embed_table, W1, b1, W2, b2, W3, b3):
    pad_idx = N + (jnp.arange(EPAD, dtype=_i32) % 64)
    s2d = jnp.concatenate([senders, pad_idx]).reshape(R2D, 128)
    r2d = jnp.concatenate([receivers, pad_idx]).reshape(R2D, 128)

    hs, hr = _sc_hist(s2d, r2d)
    us, s_inv, r_inv = _mlp_call(embed_table, W1, b1, W2, b2, W3.T, hs, hr)
    p0, p1 = _sc_prop(us, s2d, r2d)
    gs = _comb_call(p0, p1, us, r_inv, s_inv, b3)
    q0, q1 = _sc_prop(gs, s2d, r2d)
    out = _fin_call(q0, q1, gs, r_inv)
    return out.reshape(N, NCLS)

# --- scband reference (transcript-rebuilt; emitter-appended) ---
"""Pipeline reference for scband-gcn-dev-11149735101022 (READ-ONLY COPY).

The authoritative reference and input builder live on the scoring server;
editing this copy changes nothing except your own understanding.
"""

import jax, jax.numpy as jnp
import numpy as np

N = 100000
E = 1600000
VOCAB = 100000
EMB = 32
HID = 32
NCLS = 1


def setup_inputs(seed: int = 0) -> dict:
    key = jax.random.key(seed)
    k = jax.random.split(key, 8)
    inp = {
        "node_ids": jnp.arange(N, dtype=jnp.int32),
        "senders": jax.random.randint(k[0], (E,), 0, N, dtype=jnp.int32),
        "receivers": jax.random.randint(k[1], (E,), 0, N, dtype=jnp.int32),
        "embed_table": jax.random.normal(k[2], (VOCAB, EMB), jnp.float32) * 0.05,
        "W1": jax.random.normal(k[3], (EMB, HID), jnp.float32) * (1.0 / np.sqrt(EMB)),
        "b1": jnp.zeros((HID,), jnp.float32),
        "W2": jax.random.normal(k[4], (HID, HID), jnp.float32) * (1.0 / np.sqrt(HID)),
        "b2": jnp.zeros((HID,), jnp.float32),
        "W3": jax.random.normal(k[5], (HID, NCLS), jnp.float32) * (1.0 / np.sqrt(HID)),
        "b3": jnp.zeros((NCLS,), jnp.float32),
    }
    return inp


def _leaky_relu(x):
    return jnp.where(x >= 0, x, 0.01 * x)


def _gcn_layer(nodes, senders, receivers, update_fn):
    # jraph.GraphConvolution(update_fn, symmetric_normalization=True, add_self_edges=True)
    nodes = update_fn(nodes)
    n = nodes.shape[0]
    self_idx = jnp.arange(n, dtype=senders.dtype)
    cs = jnp.concatenate([senders, self_idx], axis=0)
    cr = jnp.concatenate([receivers, self_idx], axis=0)
    ones = jnp.ones_like(cs, dtype=jnp.float32)
    send_deg = jax.ops.segment_sum(ones, cs, num_segments=n)
    recv_deg = jax.ops.segment_sum(ones, cr, num_segments=n)
    nodes = nodes * jax.lax.rsqrt(jnp.maximum(send_deg, 1.0))[:, None]
    nodes = jax.ops.segment_sum(nodes[cs], cr, num_segments=n)
    nodes = nodes * jax.lax.rsqrt(jnp.maximum(recv_deg, 1.0))[:, None]
    return nodes


def reference(node_ids, senders, receivers, embed_table, W1, b1, W2, b2, W3, b3):
    # GraphMapFeatures(embed_node_fn=nn.Embed(...))
    nodes = jnp.take(embed_table, node_ids, axis=0)

    def mlp(x):
        x = _leaky_relu(x @ W1 + b1)
        x = _leaky_relu(x @ W2 + b2)
        return x

    nodes = _gcn_layer(nodes, senders, receivers, mlp)
    nodes = _gcn_layer(nodes, senders, receivers, lambda x: x @ W3 + b3)
    nodes = jax.nn.sigmoid(nodes)
    nodes = nodes.at[0, :].set(0.0)
    nodes = nodes.at[:, 0].set(0.0)
    nodes = nodes.at[0, 0].set(1.0)
    return nodes

if __name__ == "__main__":
    import jax
    _d = setup_inputs()
    print(jax.jit(kernel)(*tuple(_d.values())))

</pallas_src>

<mosaic_0001>
#map = affine_map<(d0, d1) -> (0, 0)>
#map1 = affine_map<(d0, d1) -> (0)>
module attributes {stable_mosaic.version = 14 : i64} {
  func.func @_sc_hist(%arg0: i32, %arg1: i32, %arg2: memref<12544x128xi32, #tpu.memory_space<hbm>>, %arg3: memref<12544x128xi32, #tpu.memory_space<hbm>>, %arg4: memref<100096xf32, #tpu.memory_space<hbm>>, %arg5: memref<100096xf32, #tpu.memory_space<hbm>>, %arg6: memref<100096xf32, #tpu.memory_space<vmem_shared>>, %arg7: memref<6256xf32, #tpu.memory_space<vmem>>, %arg8: memref<16x128xi32, #tpu.memory_space<vmem>>, %arg9: memref<128xf32, #tpu.memory_space<vmem>>, %arg10: memref<!tpu.dma_semaphore, #tpu.memory_space<semaphore_mem>>) attributes {dimension_semantics = [#tpu.dimension_semantics<core_parallel>, #tpu.dimension_semantics<subcore_parallel>], iteration_bounds = array<i64: 2, 16>, scalar_prefetch = 0 : i64, scratch_operands = 5 : i64, tpu.core_type = #tpu.core_type<sc_vector_subcore>, window_params = [{transform_indices = #map}, {transform_indices = #map}, {transform_indices = #map1}, {transform_indices = #map1}]} {
    %broadcast_in_dim3A = arith.constant 0.000000e+00 : f32
    %broadcast_in_dim3A_0 = vector.broadcast %broadcast_in_dim3A : f32 to vector<16xf32>
    %scan3A = arith.constant 0 : i32
    %scan3A_1 = arith.constant 0 : i32
    %scan3A_2 = arith.constant 391 : i32
    %scan3A_3 = arith.addi %scan3A_1, %scan3A_2 : i32
    %scan3A_4 = arith.constant 1 : i32
    scf.for %scan3A_31 = %scan3A_1 to %scan3A_3 step %scan3A_4  : i32 {
      %mul3A_32 = arith.constant 16 : i32
      %mul3A_33 = arith.muli %scan3A_31, %mul3A_32 : i32
      %swap3A = arith.index_cast %mul3A_33 : i32 to index
      %swap3A_34 = tpu.vector_load %arg7[%swap3A] {strides = array<i32>} : memref<6256xf32, #tpu.memory_space<vmem>>, vector<16xf32>,
      %swap3A_35 = vector.shape_cast %swap3A_34 : vector<16xf32> to vector<16xf32>
      %swap3A_36 = vector.shape_cast %broadcast_in_dim3A_0 : vector<16xf32> to vector<16xf32>
      tpu.vector_store %arg7[%swap3A], %swap3A_36 {strides = array<i32>} : memref<6256xf32, #tpu.memory_space<vmem>>, vector<16xf32>,
    }
    %scan3A_5 = arith.constant 391 : i32
    %broadcast_in_dim3A_6 = arith.constant 1.000000e+00 : f32
    %broadcast_in_dim3A_7 = vector.broadcast %broadcast_in_dim3A_6 : f32 to vector<16xf32>
    %scan3A_8 = arith.constant 0 : i32
    %scan3A_9 = arith.constant 0 : i32
    %scan3A_10 = arith.constant 8 : i32
    %scan3A_11 = arith.addi %scan3A_9, %scan3A_10 : i32
    %scan3A_12 = arith.constant 1 : i32
    scf.for %scan3A_31 = %scan3A_9 to %scan3A_11 step %scan3A_12  : i32 {
      %mul3A_32 = arith.constant 16 : i32
      %mul3A_33 = arith.muli %scan3A_31, %mul3A_32 : i32
      %swap3A = arith.index_cast %mul3A_33 : i32 to index
      %swap3A_34 = tpu.vector_load %arg9[%swap3A] {strides = array<i32>} : memref<128xf32, #tpu.memory_space<vmem>>, vector<16xf32>,
      %swap3A_35 = vector.shape_cast %swap3A_34 : vector<16xf32> to vector<16xf32>
      %swap3A_36 = vector.shape_cast %broadcast_in_dim3A_7 : vector<16xf32> to vector<16xf32>
      tpu.vector_store %arg9[%swap3A], %swap3A_36 {strides = array<i32>} : memref<128xf32, #tpu.memory_space<vmem>>, vector<16xf32>,
    }
    %scan3A_13 = arith.constant 8 : i32
    %mul3A = arith.constant 6256 : i32
    %mul3A_14 = arith.muli %arg1, %mul3A : i32
    "tpu.region"() ({
      %run_scoped3A = tpu.sem_alloc : memref<!tpu.dma_semaphore, #tpu.memory_space<semaphore_mem>>
      %dma_start3A = arith.constant 0 : i32
      %dma_start3A_31 = tpu.memref_slice %arg7[%dma_start3A] : memref<6256xf32, #tpu.memory_space<vmem>> -> memref<6256xf32, #tpu.memory_space<vmem>>
      %dma_start3A_32 = tpu.memref_slice %arg6[%mul3A_14] : memref<100096xf32, #tpu.memory_space<vmem_shared>> -> memref<6256xf32, #tpu.memory_space<vmem_shared>>
      %dma_start3A_33 = tpu.memref_slice %arg6[%mul3A_14] : memref<100096xf32, #tpu.memory_space<vmem_shared>> -> memref<6256xf32, #tpu.memory_space<vmem_shared>>
      %dma_start3A_34 = arith.constant 0 : i32
      %dma_start3A_35 = tpu.memref_slice %arg7[%dma_start3A_34] : memref<6256xf32, #tpu.memory_space<vmem>> -> memref<6256xf32, #tpu.memory_space<vmem>>
      tpu.enqueue_dma source(%dma_start3A_35 : memref<6256xf32, #tpu.memory_space<vmem>>) target(%dma_start3A_33 : memref<6256xf32, #tpu.memory_space<vmem_shared>>) target_semaphore(%run_scoped3A : memref<!tpu.dma_semaphore, #tpu.memory_space<semaphore_mem>>)
      %dma_wait3A = arith.constant 0 : i32
      %dma_wait3A_36 = tpu.memref_slice %arg7[%dma_wait3A] : memref<6256xf32, #tpu.memory_space<vmem>> -> memref<6256xf32, #tpu.memory_space<vmem>>
      %dma_wait3A_37 = tpu.memref_slice %arg6[%mul3A_14] : memref<100096xf32, #tpu.memory_space<vmem_shared>> -> memref<6256xf32, #tpu.memory_space<vmem_shared>>
      %dma_wait3A_38 = tpu.memref_slice %arg6[%mul3A_14] : memref<100096xf32, #tpu.memory_space<vmem_shared>> -> memref<6256xf32, #tpu.memory_space<vmem_shared>>
      %dma_wait3A_39 = arith.constant 0 : i32
      %dma_wait3A_40 = tpu.memref_slice %arg7[%dma_wait3A_39] : memref<6256xf32, #tpu.memory_space<vmem>> -> memref<6256xf32, #tpu.memory_space<vmem>>
      tpu.wait_dma2 semaphore(%run_scoped3A : memref<!tpu.dma_semaphore, #tpu.memory_space<semaphore_mem>>) src(%dma_wait3A_40 : memref<6256xf32, #tpu.memory_space<vmem>>) dst(%dma_wait3A_38 : memref<6256xf32, #tpu.memory_space<vmem_shared>>)
      tpu.yield
    }) : () -> ()
    %barrier3A = arith.constant 0 : index
    tpu.barrier barrier_id(%barrier3A)
    %scan3A_15 = arith.constant 0 : i32
    %scan3A_16 = arith.constant 0 : i32
    %scan3A_17 = arith.constant 49 : i32
    %scan3A_18 = arith.addi %scan3A_16, %scan3A_17 : i32
    %scan3A_19 = arith.constant 1 : i32
    scf.for %scan3A_31 = %scan3A_16 to %scan3A_18 step %scan3A_19  : i32 {
      %mul3A_32 = arith.constant 784 : i32
      %mul3A_33 = arith.muli %arg1, %mul3A_32 : i32
      %mul3A_34 = arith.constant 16 : i32
      %mul3A_35 = arith.muli %scan3A_31, %mul3A_34 : i32
      %add3A = arith.addi %mul3A_33, %mul3A_35 : i32
      %eq3A_36 = arith.constant 0 : i32
      %eq3A_37 = arith.cmpi eq, %arg0, %eq3A_36 : i32
      %convert_element_type3A_38 = arith.extui %eq3A_37 : i1 to i32
      %cond3A_39 = arith.constant 0 : i32
      %cond3A_40 = arith.cmpi ne, %convert_element_type3A_38, %cond3A_39 : i32
      scf.if %cond3A_40 {
        "tpu.region"() ({
          %run_scoped3A = tpu.sem_alloc : memref<!tpu.dma_semaphore, #tpu.memory_space<semaphore_mem>>
          %dma_start3A_236 = arith.constant 0 : i32
          %dma_start3A_237 = tpu.memref_slice %arg2[%add3A, %dma_start3A_236] : memref<12544x128xi32, #tpu.memory_space<hbm>> -> memref<16x128xi32, #tpu.memory_space<hbm>>
          %dma_start3A_238 = arith.constant 0 : i32
          %dma_start3A_239 = tpu.memref_slice %arg2[%add3A, %dma_start3A_238] : memref<12544x128xi32, #tpu.memory_space<hbm>> -> memref<16x128xi32, #tpu.memory_space<hbm>>
          tpu.enqueue_dma source(%dma_start3A_239 : memref<16x128xi32, #tpu.memory_space<hbm>>) target(%arg8 : memref<16x128xi32, #tpu.memory_space<vmem>>) target_semaphore(%run_scoped3A : memref<!tpu.dma_semaphore, #tpu.memory_space<semaphore_mem>>)
          %dma_wait3A_240 = arith.constant 0 : i32
          %dma_wait3A_241 = tpu.memref_slice %arg2[%add3A, %dma_wait3A_240] : memref<12544x128xi32, #tpu.memory_space<hbm>> -> memref<16x128xi32, #tpu.memory_space<hbm>>
          %dma_wait3A_242 = arith.constant 0 : i32
          %dma_wait3A_243 = tpu.memref_slice %arg2[%add3A, %dma_wait3A_242] : memref<12544x128xi32, #tpu.memory_space<hbm>> -> memref<16x128xi32, #tpu.memory_space<hbm>>
          tpu.wait_dma2 semaphore(%run_scoped3A : memref<!tpu.dma_semaphore, #tpu.memory_space<semaphore_mem>>) src(%dma_wait3A_243 : memref<16x128xi32, #tpu.memory_space<hbm>>) dst(%arg8 : memref<16x128xi32, #tpu.memory_space<vmem>>)
          tpu.yield
        }) : () -> ()
      } else {
      }
      %eq3A_41 = arith.constant 1 : i32
      %eq3A_42 = arith.cmpi eq, %arg0, %eq3A_41 : i32
      %convert_element_type3A_43 = arith.extui %eq3A_42 : i1 to i32
      %cond3A_44 = arith.constant 0 : i32
      %cond3A_45 = arith.cmpi ne, %convert_element_type3A_43, %cond3A_44 : i32
      scf.if %cond3A_45 {
        "tpu.region"() ({
          %run_scoped3A = tpu.sem_alloc : memref<!tpu.dma_semaphore, #tpu.memory_space<semaphore_mem>>
          %dma_start3A_236 = arith.constant 0 : i32
          %dma_start3A_237 = tpu.memref_slice %arg3[%add3A, %dma_start3A_236] : memref<12544x128xi32, #tpu.memory_space<hbm>> -> memref<16x128xi32, #tpu.memory_space<hbm>>
          %dma_start3A_238 = arith.constant 0 : i32
          %dma_start3A_239 = tpu.memref_slice %arg3[%add3A, %dma_start3A_238] : memref<12544x128xi32, #tpu.memory_space<hbm>> -> memref<16x128xi32, #tpu.memory_space<hbm>>
          tpu.enqueue_dma source(%dma_start3A_239 : memref<16x128xi32, #tpu.memory_space<hbm>>) target(%arg8 : memref<16x128xi32, #tpu.memory_space<vmem>>) target_semaphore(%run_scoped3A : memref<!tpu.dma_semaphore, #tpu.memory_space<semaphore_mem>>)
          %dma_wait3A_240 = arith.constant 0 : i32
          %dma_wait3A_241 = tpu.memref_slice %arg3[%add3A, %dma_wait3A_240] : memref<12544x128xi32, #tpu.memory_space<hbm>> -> memref<16x128xi32, #tpu.memory_space<hbm>>
          %dma_wait3A_242 = arith.constant 0 : i32
          %dma_wait3A_243 = tpu.memref_slice %arg3[%add3A, %dma_wait3A_242] : memref<12544x128xi32, #tpu.memory_space<hbm>> -> memref<16x128xi32, #tpu.memory_space<hbm>>
          tpu.wait_dma2 semaphore(%run_scoped3A : memref<!tpu.dma_semaphore, #tpu.memory_space<semaphore_mem>>) src(%dma_wait3A_243 : memref<16x128xi32, #tpu.memory_space<hbm>>) dst(%arg8 : memref<16x128xi32, #tpu.memory_space<vmem>>)
          tpu.yield
        }) : () -> ()
      } else {
      }
      %dma_start3A = arith.constant 0 : i32
      %dma_start3A_46 = arith.constant 0 : i32
      %dma_start3A_47 = tpu.memref_slice %arg8[%dma_start3A, %dma_start3A_46] : memref<16x128xi32, #tpu.memory_space<vmem>> -> memref<1x128xi32, #tpu.memory_space<vmem>>
      %dma_start3A_48 = tpu.memref_squeeze %dma_start3A_47 : memref<1x128xi32, #tpu.memory_space<vmem>> -> memref<128xi32, #tpu.memory_space<vmem>>
      %dma_start3A_49 = arith.constant 0 : i32
      %dma_start3A_50 = tpu.memref_slice %arg6[%dma_start3A_49] : memref<100096xf32, #tpu.memory_space<vmem_shared>> -> memref<100096xf32, #tpu.memory_space<vmem_shared>>
      tpu.enqueue_indirect_dma source(%arg9 : memref<128xf32, #tpu.memory_space<vmem>>) target(%dma_start3A_50 : memref<100096xf32, #tpu.memory_space<vmem_shared>>) offsets(%dma_start3A_48 : memref<128xi32, #tpu.memory_space<vmem>>) semaphore(%arg10 : memref<!tpu.dma_semaphore, #tpu.memory_space<semaphore_mem>>) {add = true}
      %dma_start3A_51 = arith.constant 1 : i32
      %dma_start3A_52 = arith.constant 0 : i32
      %dma_start3A_53 = tpu.memref_slice %arg8[%dma_start3A_51, %dma_start3A_52] : memref<16x128xi32, #tpu.memory_space<vmem>> -> memref<1x128xi32, #tpu.memory_space<vmem>>
      %dma_start3A_54 = tpu.memref_squeeze %dma_start3A_53 : memref<1x128xi32, #tpu.memory_space<vmem>> -> memref<128xi32, #tpu.memory_space<vmem>>
      %dma_start3A_55 = arith.constant 0 : i32
      %dma_start3A_56 = tpu.memref_slice %arg6[%dma_start3A_55] : memref<100096xf32, #tpu.memory_space<vmem_shared>> -> memref<100096xf32, #tpu.memory_space<vmem_shared>>
      tpu.enqueue_indirect_dma source(%arg9 : memref<128xf32, #tpu.memory_space<vmem>>) target(%dma_start3A_56 : memref<100096xf32, #tpu.memory_space<vmem_shared>>) offsets(%dma_start3A_54 : memref<128xi32, #tpu.memory_space<vmem>>) semaphore(%arg10 : memref<!tpu.dma_semaphore, #tpu.memory_space<semaphore_mem>>) {add = true}
      %dma_start3A_57 = arith.constant 2 : i32
      %dma_start3A_58 = arith.constant 0 : i32
      %dma_start3A_59 = tpu.memref_slice %arg8[%dma_start3A_57, %dma_start3A_58] : memref<16x128xi32, #tpu.memory_space<vmem>> -> memref<1x128xi32, #tpu.memory_space<vmem>>
      %dma_start3A_60 = tpu.memref_squeeze %dma_start3A_59 : memref<1x128xi32, #tpu.memory_space<vmem>> -> memref<128xi32, #tpu.memory_space<vmem>>
      %dma_start3A_61 = arith.constant 0 : i32
      %dma_start3A_62 = tpu.memref_slice %arg6[%dma_start3A_61] : memref<100096xf32, #tpu.memory_space<vmem_shared>> -> memref<100096xf32, #tpu.memory_space<vmem_shared>>
      tpu.enqueue_indirect_dma source(%arg9 : memref<128xf32, #tpu.memory_space<vmem>>) target(%dma_start3A_62 : memref<100096xf32, #tpu.memory_space<vmem_shared>>) offsets(%dma_start3A_60 : memref<128xi32, #tpu.memory_space<vmem>>) semaphore(%arg10 : memref<!tpu.dma_semaphore, #tpu.memory_space<semaphore_mem>>) {add = true}
      %dma_start3A_63 = arith.constant 3 : i32
      %dma_start3A_64 = arith.constant 0 : i32
      %dma_start3A_65 = tpu.memref_slice %arg8[%dma_start3A_63, %dma_start3A_64] : memref<16x128xi32, #tpu.memory_space<vmem>> -> memref<1x128xi32, #tpu.memory_space<vmem>>
      %dma_start3A_66 = tpu.memref_squeeze %dma_start3A_65 : memref<1x128xi32, #tpu.memory_space<vmem>> -> memref<128xi32, #tpu.memory_space<vmem>>
      %dma_start3A_67 = arith.constant 0 : i32
      %dma_start3A_68 = tpu.memref_slice %arg6[%dma_start3A_67] : memref<100096xf32, #tpu.memory_space<vmem_shared>> -> memref<100096xf32, #tpu.memory_space<vmem_shared>>
      tpu.enqueue_indirect_dma source(%arg9 : memref<128xf32, #tpu.memory_space<vmem>>) target(%dma_start3A_68 : memref<100096xf32, #tpu.memory_space<vmem_shared>>) offsets(%dma_start3A_66 : memref<128xi32, #tpu.memory_space<vmem>>) semaphore(%arg10 : memref<!tpu.dma_semaphore, #tpu.memory_space<semaphore_mem>>) {add = true}
      %dma_start3A_69 = arith.constant 4 : i32
      %dma_start3A_70 = arith.constant 0 : i32
      %dma_start3A_71 = tpu.memref_slice %arg8[%dma_start3A_69, %dma_start3A_70] : memref<16x128xi32, #tpu.memory_space<vmem>> -> memref<1x128xi32, #tpu.memory_space<vmem>>
      %dma_start3A_72 = tpu.memref_squeeze %dma_start3A_71 : memref<1x128xi32, #tpu.memory_space<vmem>> -> memref<128xi32, #tpu.memory_space<vmem>>
      %dma_start3A_73 = arith.constant 0 : i32
      %dma_start3A_74 = tpu.memref_slice %arg6[%dma_start3A_73] : memref<100096xf32, #tpu.memory_space<vmem_shared>> -> memref<100096xf32, #tpu.memory_space<vmem_shared>>
      tpu.enqueue_indirect_dma source(%arg9 : memref<128xf32, #tpu.memory_space<vmem>>) target(%dma_start3A_74 : memref<100096xf32, #tpu.memory_space<vmem_shared>>) offsets(%dma_start3A_72 : memref<128xi32, #tpu.memory_space<vmem>>) semaphore(%arg10 : memref<!tpu.dma_semaphore, #tpu.memory_space<semaphore_mem>>) {add = true}
      %dma_start3A_75 = arith.constant 5 : i32
      %dma_start3A_76 = arith.constant 0 : i32
      %dma_start3A_77 = tpu.memref_slice %arg8[%dma_start3A_75, %dma_start3A_76] : memref<16x128xi32, #tpu.memory_space<vmem>> -> memref<1x128xi32, #tpu.memory_space<vmem>>
      %dma_start3A_78 = tpu.memref_squeeze %dma_start3A_77 : memref<1x128xi32, #tpu.memory_space<vmem>> -> memref<128xi32, #tpu.memory_space<vmem>>
      %dma_start3A_79 = arith.constant 0 : i32
      %dma_start3A_80 = tpu.memref_slice %arg6[%dma_start3A_79] : memref<100096xf32, #tpu.memory_space<vmem_shared>> -> memref<100096xf32, #tpu.memory_space<vmem_shared>>
      tpu.enqueue_indirect_dma source(%arg9 : memref<128xf32, #tpu.memory_space<vmem>>) target(%dma_start3A_80 : memref<100096xf32, #tpu.memory_space<vmem_shared>>) offsets(%dma_start3A_78 : memref<128xi32, #tpu.memory_space<vmem>>) semaphore(%arg10 : memref<!tpu.dma_semaphore, #tpu.memory_space<semaphore_mem>>) {add = true}
      %dma_start3A_81 = arith.constant 6 : i32
      %dma_start3A_82 = arith.constant 0 : i32
      %dma_start3A_83 = tpu.memref_slice %arg8[%dma_start3A_81, %dma_start3A_82] : memref<16x128xi32, #tpu.memory_space<vmem>> -> memref<1x128xi32, #tpu.memory_space<vmem>>
      %dma_start3A_84 = tpu.memref_squeeze %dma_start3A_83 : memref<1x128xi32, #tpu.memory_space<vmem>> -> memref<128xi32, #tpu.memory_space<vmem>>
      %dma_start3A_85 = arith.constant 0 : i32
      %dma_start3A_86 = tpu.memref_slice %arg6[%dma_start3A_85] : memref<100096xf32, #tpu.memory_space<vmem_shared>> -> memref<100096xf32, #tpu.memory_space<vmem_shared>>
      tpu.enqueue_indirect_dma source(%arg9 : memref<128xf32, #tpu.memory_space<vmem>>) target(%dma_start3A_86 : memref<100096xf32, #tpu.memory_space<vmem_shared>>) offsets(%dma_start3A_84 : memref<128xi32, #tpu.memory_space<vmem>>) semaphore(%arg10 : memref<!tpu.dma_semaphore, #tpu.memory_space<semaphore_mem>>) {add = true}
      %dma_start3A_87 = arith.constant 7 : i32
      %dma_start3A_88 = arith.constant 0 : i32
      %dma_start3A_89 = tpu.memref_slice %arg8[%dma_start3A_87, %dma_start3A_88] : memref<16x128xi32, #tpu.memory_space<vmem>> -> memref<1x128xi32, #tpu.memory_space<vmem>>
      %dma_start3A_90 = tpu.memref_squeeze %dma_start3A_89 : memref<1x128xi32, #tpu.memory_space<vmem>> -> memref<128xi32, #tpu.memory_space<vmem>>
      %dma_start3A_91 = arith.constant 0 : i32
      %dma_start3A_92 = tpu.memref_slice %arg6[%dma_start3A_91] : memref<100096xf32, #tpu.memory_space<vmem_shared>> -> memref<100096xf32, #tpu.memory_space<vmem_shared>>
      tpu.enqueue_indirect_dma source(%arg9 : memref<128xf32, #tpu.memory_space<vmem>>) target(%dma_start3A_92 : memref<100096xf32, #tpu.memory_space<vmem_shared>>) offsets(%dma_start3A_90 : memref<128xi32, #tpu.memory_space<vmem>>) semaphore(%arg10 : memref<!tpu.dma_semaphore, #tpu.memory_space<semaphore_mem>>) {add = true}
      %dma_start3A_93 = arith.constant 8 : i32
      %dma_start3A_94 = arith.constant 0 : i32
      %dma_start3A_95 = tpu.memref_slice %arg8[%dma_start3A_93, %dma_start3A_94] : memref<16x128xi32, #tpu.memory_space<vmem>> -> memref<1x128xi32, #tpu.memory_space<vmem>>
      %dma_start3A_96 = tpu.memref_squeeze %dma_start3A_95 : memref<1x128xi32, #tpu.memory_space<vmem>> -> memref<128xi32, #tpu.memory_space<vmem>>
      %dma_start3A_97 = arith.constant 0 : i32
      %dma_start3A_98 = tpu.memref_slice %arg6[%dma_start3A_97] : memref<100096xf32, #tpu.memory_space<vmem_shared>> -> memref<100096xf32, #tpu.memory_space<vmem_shared>>
      tpu.enqueue_indirect_dma source(%arg9 : memref<128xf32, #tpu.memory_space<vmem>>) target(%dma_start3A_98 : memref<100096xf32, #tpu.memory_space<vmem_shared>>) offsets(%dma_start3A_96 : memref<128xi32, #tpu.memory_space<vmem>>) semaphore(%arg10 : memref<!tpu.dma_semaphore, #tpu.memory_space<semaphore_mem>>) {add = true}
      %dma_start3A_99 = arith.constant 9 : i32
      %dma_start3A_100 = arith.constant 0 : i32
      %dma_start3A_101 = tpu.memref_slice %arg8[%dma_start3A_99, %dma_start3A_100] : memref<16x128xi32, #tpu.memory_space<vmem>> -> memref<1x128xi32, #tpu.memory_space<vmem>>
      %dma_start3A_102 = tpu.memref_squeeze %dma_start3A_101 : memref<1x128xi32, #tpu.memory_space<vmem>> -> memref<128xi32, #tpu.memory_space<vmem>>
      %dma_start3A_103 = arith.constant 0 : i32
      %dma_start3A_104 = tpu.memref_slice %arg6[%dma_start3A_103] : memref<100096xf32, #tpu.memory_space<vmem_shared>> -> memref<100096xf32, #tpu.memory_space<vmem_shared>>
      tpu.enqueue_indirect_dma source(%arg9 : memref<128xf32, #tpu.memory_space<vmem>>) target(%dma_start3A_104 : memref<100096xf32, #tpu.memory_space<vmem_shared>>) offsets(%dma_start3A_102 : memref<128xi32, #tpu.memory_space<vmem>>) semaphore(%arg10 : memref<!tpu.dma_semaphore, #tpu.memory_space<semaphore_mem>>) {add = true}
      %dma_start3A_105 = arith.constant 10 : i32
      %dma_start3A_106 = arith.constant 0 : i32
      %dma_start3A_107 = tpu.memref_slice %arg8[%dma_start3A_105, %dma_start3A_106] : memref<16x128xi32, #tpu.memory_space<vmem>> -> memref<1x128xi32, #tpu.memory_space<vmem>>
      %dma_start3A_108 = tpu.memref_squeeze %dma_start3A_107 : memref<1x128xi32, #tpu.memory_space<vmem>> -> memref<128xi32, #tpu.memory_space<vmem>>
      %dma_start3A_109 = arith.constant 0 : i32
      %dma_start3A_110 = tpu.memref_slice %arg6[%dma_start3A_109] : memref<100096xf32, #tpu.memory_space<vmem_shared>> -> memref<100096xf32, #tpu.memory_space<vmem_shared>>
      tpu.enqueue_indirect_dma source(%arg9 : memref<128xf32, #tpu.memory_space<vmem>>) target(%dma_start3A_110 : memref<100096xf32, #tpu.memory_space<vmem_shared>>) offsets(%dma_start3A_108 : memref<128xi32, #tpu.memory_space<vmem>>) semaphore(%arg10 : memref<!tpu.dma_semaphore, #tpu.memory_space<semaphore_mem>>) {add = true}
      %dma_start3A_111 = arith.constant 11 : i32
      %dma_start3A_112 = arith.constant 0 : i32
      %dma_start3A_113 = tpu.memref_slice %arg8[%dma_start3A_111, %dma_start3A_112] : memref<16x128xi32, #tpu.memory_space<vmem>> -> memref<1x128xi32, #tpu.memory_space<vmem>>
      %dma_start3A_114 = tpu.memref_squeeze %dma_start3A_113 : memref<1x128xi32, #tpu.memory_space<vmem>> -> memref<128xi32, #tpu.memory_space<vmem>>
      %dma_start3A_115 = arith.constant 0 : i32
      %dma_start3A_116 = tpu.memref_slice %arg6[%dma_start3A_115] : memref<100096xf32, #tpu.memory_space<vmem_shared>> -> memref<100096xf32, #tpu.memory_space<vmem_shared>>
      tpu.enqueue_indirect_dma source(%arg9 : memref<128xf32, #tpu.memory_space<vmem>>) target(%dma_start3A_116 : memref<100096xf32, #tpu.memory_space<vmem_shared>>) offsets(%dma_start3A_114 : memref<128xi32, #tpu.memory_space<vmem>>) semaphore(%arg10 : memref<!tpu.dma_semaphore, #tpu.memory_space<semaphore_mem>>) {add = true}
      %dma_start3A_117 = arith.constant 12 : i32
      %dma_start3A_118 = arith.constant 0 : i32
      %dma_start3A_119 = tpu.memref_slice %arg8[%dma_start3A_117, %dma_start3A_118] : memref<16x128xi32, #tpu.memory_space<vmem>> -> memref<1x128xi32, #tpu.memory_space<vmem>>
      %dma_start3A_120 = tpu.memref_squeeze %dma_start3A_119 : memref<1x128xi32, #tpu.memory_space<vmem>> -> memref<128xi32, #tpu.memory_space<vmem>>
      %dma_start3A_121 = arith.constant 0 : i32
      %dma_start3A_122 = tpu.memref_slice %arg6[%dma_start3A_121] : memref<100096xf32, #tpu.memory_space<vmem_shared>> -> memref<100096xf32, #tpu.memory_space<vmem_shared>>
      tpu.enqueue_indirect_dma source(%arg9 : memref<128xf32, #tpu.memory_space<vmem>>) target(%dma_start3A_122 : memref<100096xf32, #tpu.memory_space<vmem_shared>>) offsets(%dma_start3A_120 : memref<128xi32, #tpu.memory_space<vmem>>) semaphore(%arg10 : memref<!tpu.dma_semaphore, #tpu.memory_space<semaphore_mem>>) {add = true}
      %dma_start3A_123 = arith.constant 13 : i32
      %dma_start3A_124 = arith.constant 0 : i32
      %dma_start3A_125 = tpu.memref_slice %arg8[%dma_start3A_123, %dma_start3A_124] : memref<16x128xi32, #tpu.memory_space<vmem>> -> memref<1x128xi32, #tpu.memory_space<vmem>>
      %dma_start3A_126 = tpu.memref_squeeze %dma_start3A_125 : memref<1x128xi32, #tpu.memory_space<vmem>> -> memref<128xi32, #tpu.memory_space<vmem>>
      %dma_start3A_127 = arith.constant 0 : i32
      %dma_start3A_128 = tpu.memref_slice %arg6[%dma_start3A_127] : memref<100096xf32, #tpu.memory_space<vmem_shared>> -> memref<100096xf32, #tpu.memory_space<vmem_shared>>
      tpu.enqueue_indirect_dma source(%arg9 : memref<128xf32, #tpu.memory_space<vmem>>) target(%dma_start3A_128 : memref<100096xf32, #tpu.memory_space<vmem_shared>>) offsets(%dma_start3A_126 : memref<128xi32, #tpu.memory_space<vmem>>) semaphore(%arg10 : memref<!tpu.dma_semaphore, #tpu.memory_space<semaphore_mem>>) {add = true}
      %dma_start3A_129 = arith.constant 14 : i32
      %dma_start3A_130 = arith.constant 0 : i32
      %dma_start3A_131 = tpu.memref_slice %arg8[%dma_start3A_129, %dma_start3A_130] : memref<16x128xi32, #tpu.memory_space<vmem>> -> memref<1x128xi32, #tpu.memory_space<vmem>>
      %dma_start3A_132 = tpu.memref_squeeze %dma_start3A_131 : memref<1x128xi32, #tpu.memory_space<vmem>> -> memref<128xi32, #tpu.memory_space<vmem>>
      %dma_start3A_133 = arith.constant 0 : i32
      %dma_start3A_134 = tpu.memref_slice %arg6[%dma_start3A_133] : memref<100096xf32, #tpu.memory_space<vmem_shared>> -> memref<100096xf32, #tpu.memory_space<vmem_shared>>
      tpu.enqueue_indirect_dma source(%arg9 : memref<128xf32, #tpu.memory_space<vmem>>) target(%dma_start3A_134 : memref<100096xf32, #tpu.memory_space<vmem_shared>>) offsets(%dma_start3A_132 : memref<128xi32, #tpu.memory_space<vmem>>) semaphore(%arg10 : memref<!tpu.dma_semaphore, #tpu.memory_space<semaphore_mem>>) {add = true}
      %dma_start3A_135 = arith.constant 15 : i32
      %dma_start3A_136 = arith.constant 0 : i32
      %dma_start3A_137 = tpu.memref_slice %arg8[%dma_start3A_135, %dma_start3A_136] : memref<16x128xi32, #tpu.memory_space<vmem>> -> memref<1x128xi32, #tpu.memory_space<vmem>>
      %dma_start3A_138 = tpu.memref_squeeze %dma_start3A_137 : memref<1x128xi32, #tpu.memory_space<vmem>> -> memref<128xi32, #tpu.memory_space<vmem>>
      %dma_start3A_139 = arith.constant 0 : i32
      %dma_start3A_140 = tpu.memref_slice %arg6[%dma_start3A_139] : memref<100096xf32, #tpu.memory_space<vmem_shared>> -> memref<100096xf32, #tpu.memory_space<vmem_shared>>
      tpu.enqueue_indirect_dma source(%arg9 : memref<128xf32, #tpu.memory_space<vmem>>) target(%dma_start3A_140 : memref<100096xf32, #tpu.memory_space<vmem_shared>>) offsets(%dma_start3A_138 : memref<128xi32, #tpu.memory_space<vmem>>) semaphore(%arg10 : memref<!tpu.dma_semaphore, #tpu.memory_space<semaphore_mem>>) {add = true}
      %dma_wait3A = arith.constant 0 : i32
      %dma_wait3A_141 = arith.constant 0 : i32
      %dma_wait3A_142 = tpu.memref_slice %arg8[%dma_wait3A, %dma_wait3A_141] : memref<16x128xi32, #tpu.memory_space<vmem>> -> memref<1x128xi32, #tpu.memory_space<vmem>>
      %dma_wait3A_143 = tpu.memref_squeeze %dma_wait3A_142 : memref<1x128xi32, #tpu.memory_space<vmem>> -> memref<128xi32, #tpu.memory_space<vmem>>
      %dma_wait3A_144 = arith.constant 0 : i32
      %dma_wait3A_145 = tpu.memref_slice %arg6[%dma_wait3A_144] : memref<100096xf32, #tpu.memory_space<vmem_shared>> -> memref<100096xf32, #tpu.memory_space<vmem_shared>>
      tpu.wait_indirect_dma semaphore(%arg10 : memref<!tpu.dma_semaphore, #tpu.memory_space<semaphore_mem>>) src(%arg9 : memref<128xf32, #tpu.memory_space<vmem>>) dst(%dma_wait3A_145 : memref<100096xf32, #tpu.memory_space<vmem_shared>>)
      %dma_wait3A_146 = arith.constant 1 : i32
      %dma_wait3A_147 = arith.constant 0 : i32
      %dma_wait3A_148 = tpu.memref_slice %arg8[%dma_wait3A_146, %dma_wait3A_147] : memref<16x128xi32, #tpu.memory_space<vmem>> -> memref<1x128xi32, #tpu.memory_space<vmem>>
      %dma_wait3A_149 = tpu.memref_squeeze %dma_wait3A_148 : memref<1x128xi32, #tpu.memory_space<vmem>> -> memref<128xi32, #tpu.memory_space<vmem>>
      %dma_wait3A_150 = arith.constant 0 : i32
      %dma_wait3A_151 = tpu.memref_slice %arg6[%dma_wait3A_150] : memref<100096xf32, #tpu.memory_space<vmem_shared>> -> memref<100096xf32, #tpu.memory_space<vmem_shared>>
      tpu.wait_indirect_dma semaphore(%arg10 : memref<!tpu.dma_semaphore, #tpu.memory_space<semaphore_mem>>) src(%arg9 : memref<128xf32, #tpu.memory_space<vmem>>) dst(%dma_wait3A_151 : memref<100096xf32, #tpu.memory_space<vmem_shared>>)
      %dma_wait3A_152 = arith.constant 2 : i32
      %dma_wait3A_153 = arith.constant 0 : i32
      %dma_wait3A_154 = tpu.memref_slice %arg8[%dma_wait3A_152, %dma_wait3A_153] : memref<16x128xi32, #tpu.memory_space<vmem>> -> memref<1x128xi32, #tpu.memory_space<vmem>>
      %dma_wait3A_155 = tpu.memref_squeeze %dma_wait3A_154 : memref<1x128xi32, #tpu.memory_space<vmem>> -> memref<128xi32, #tpu.memory_space<vmem>>
      %dma_wait3A_156 = arith.constant 0 : i32
      %dma_wait3A_157 = tpu.memref_slice %arg6[%dma_wait3A_156] : memref<100096xf32, #tpu.memory_space<vmem_shared>> -> memref<100096xf32, #tpu.memory_space<vmem_shared>>
      tpu.wait_indirect_dma semaphore(%arg10 : memref<!tpu.dma_semaphore, #tpu.memory_space<semaphore_mem>>) src(%arg9 : memref<128xf32, #tpu.memory_space<vmem>>) dst(%dma_wait3A_157 : memref<100096xf32, #tpu.memory_space<vmem_shared>>)
      %dma_wait3A_158 = arith.constant 3 : i32
      %dma_wait3A_159 = arith.constant 0 : i32
      %dma_wait3A_160 = tpu.memref_slice %arg8[%dma_wait3A_158, %dma_wait3A_159] : memref<16x128xi32, #tpu.memory_space<vmem>> -> memref<1x128xi32, #tpu.memory_space<vmem>>
      %dma_wait3A_161 = tpu.memref_squeeze %dma_wait3A_160 : memref<1x128xi32, #tpu.memory_space<vmem>> -> memref<128xi32, #tpu.memory_space<vmem>>
      %dma_wait3A_162 = arith.constant 0 : i32
      %dma_wait3A_163 = tpu.memref_slice %arg6[%dma_wait3A_162] : memref<100096xf32, #tpu.memory_space<vmem_shared>> -> memref<100096xf32, #tpu.memory_space<vmem_shared>>
      tpu.wait_indirect_dma semaphore(%arg10 : memref<!tpu.dma_semaphore, #tpu.memory_space<semaphore_mem>>) src(%arg9 : memref<128xf32, #tpu.memory_space<vmem>>) dst(%dma_wait3A_163 : memref<100096xf32, #tpu.memory_space<vmem_shared>>)
      %dma_wait3A_164 = arith.constant 4 : i32
      %dma_wait3A_165 = arith.constant 0 : i32
      %dma_wait3A_166 = tpu.memref_slice %arg8[%dma_wait3A_164, %dma_wait3A_165] : memref<16x128xi32, #tpu.memory_space<vmem>> -> memref<1x128xi32, #tpu.memory_space<vmem>>
      %dma_wait3A_167 = tpu.memref_squeeze %dma_wait3A_166 : memref<1x128xi32, #tpu.memory_space<vmem>> -> memref<128xi32, #tpu.memory_space<vmem>>
      %dma_wait3A_168 = arith.constant 0 : i32
      %dma_wait3A_169 = tpu.memref_slice %arg6[%dma_wait3A_168] : memref<100096xf32, #tpu.memory_space<vmem_shared>> -> memref<100096xf32, #tpu.memory_space<vmem_shared>>
      tpu.wait_indirect_dma semaphore(%arg10 : memref<!tpu.dma_semaphore, #tpu.memory_space<semaphore_mem>>) src(%arg9 : memref<128xf32, #tpu.memory_space<vmem>>) dst(%dma_wait3A_169 : memref<100096xf32, #tpu.memory_space<vmem_shared>>)
      %dma_wait3A_170 = arith.constant 5 : i32
      %dma_wait3A_171 = arith.constant 0 : i32
      %dma_wait3A_172 = tpu.memref_slice %arg8[%dma_wait3A_170, %dma_wait3A_171] : memref<16x128xi32, #tpu.memory_space<vmem>> -> memref<1x128xi32, #tpu.memory_space<vmem>>
      %dma_wait3A_173 = tpu.memref_squeeze %dma_wait3A_172 : memref<1x128xi32, #tpu.memory_space<vmem>> -> memref<128xi32, #tpu.memory_space<vmem>>
      %dma_wait3A_174 = arith.constant 0 : i32
      %dma_wait3A_175 = tpu.memref_slice %arg6[%dma_wait3A_174] : memref<100096xf32, #tpu.memory_space<vmem_shared>> -> memref<100096xf32, #tpu.memory_space<vmem_shared>>
      tpu.wait_indirect_dma semaphore(%arg10 : memref<!tpu.dma_semaphore, #tpu.memory_space<semaphore_mem>>) src(%arg9 : memref<128xf32, #tpu.memory_space<vmem>>) dst(%dma_wait3A_175 : memref<100096xf32, #tpu.memory_space<vmem_shared>>)
      %dma_wait3A_176 = arith.constant 6 : i32
      %dma_wait3A_177 = arith.constant 0 : i32
      %dma_wait3A_178 = tpu.memref_slice %arg8[%dma_wait3A_176, %dma_wait3A_177] : memref<16x128xi32, #tpu.memory_space<vmem>> -> memref<1x128xi32, #tpu.memory_space<vmem>>
      %dma_wait3A_179 = tpu.memref_squeeze %dma_wait3A_178 : memref<1x128xi32, #tpu.memory_space<vmem>> -> memref<128xi32, #tpu.memory_space<vmem>>
      %dma_wait3A_180 = arith.constant 0 : i32
      %dma_wait3A_181 = tpu.memref_slice %arg6[%dma_wait3A_180] : memref<100096xf32, #tpu.memory_space<vmem_shared>> -> memref<100096xf32, #tpu.memory_space<vmem_shared>>
      tpu.wait_indirect_dma semaphore(%arg10 : memref<!tpu.dma_semaphore, #tpu.memory_space<semaphore_mem>>) src(%arg9 : memref<128xf32, #tpu.memory_space<vmem>>) dst(%dma_wait3A_181 : memref<100096xf32, #tpu.memory_space<vmem_shared>>)
      %dma_wait3A_182 = arith.constant 7 : i32
      %dma_wait3A_183 = arith.constant 0 : i32
      %dma_wait3A_184 = tpu.memref_slice %arg8[%dma_wait3A_182, %dma_wait3A_183] : memref<16x128xi32, #tpu.memory_space<vmem>> -> memref<1x128xi32, #tpu.memory_space<vmem>>
      %dma_wait3A_185 = tpu.memref_squeeze %dma_wait3A_184 : memref<1x128xi32, #tpu.memory_space<vmem>> -> memref<128xi32, #tpu.memory_space<vmem>>
      %dma_wait3A_186 = arith.constant 0 : i32
      %dma_wait3A_187 = tpu.memref_slice %arg6[%dma_wait3A_186] : memref<100096xf32, #tpu.memory_space<vmem_shared>> -> memref<100096xf32, #tpu.memory_space<vmem_shared>>
      tpu.wait_indirect_dma semaphore(%arg10 : memref<!tpu.dma_semaphore, #tpu.memory_space<semaphore_mem>>) src(%arg9 : memref<128xf32, #tpu.memory_space<vmem>>) dst(%dma_wait3A_187 : memref<100096xf32, #tpu.memory_space<vmem_shared>>)
      %dma_wait3A_188 = arith.constant 8 : i32
      %dma_wait3A_189 = arith.constant 0 : i32
      %dma_wait3A_190 = tpu.memref_slice %arg8[%dma_wait3A_188, %dma_wait3A_189] : memref<16x128xi32, #tpu.memory_space<vmem>> -> memref<1x128xi32, #tpu.memory_space<vmem>>
      %dma_wait3A_191 = tpu.memref_squeeze %dma_wait3A_190 : memref<1x128xi32, #tpu.memory_space<vmem>> -> memref<128xi32, #tpu.memory_space<vmem>>
      %dma_wait3A_192 = arith.constant 0 : i32
      %dma_wait3A_193 = tpu.memref_slice %arg6[%dma_wait3A_192] : memref<100096xf32, #tpu.memory_space<vmem_shared>> -> memref<100096xf32, #tpu.memory_space<vmem_shared>>
      tpu.wait_indirect_dma semaphore(%arg10 : memref<!tpu.dma_semaphore, #tpu.memory_space<semaphore_mem>>) src(%arg9 : memref<128xf32, #tpu.memory_space<vmem>>) dst(%dma_wait3A_193 : memref<100096xf32, #tpu.memory_space<vmem_shared>>)
      %dma_wait3A_194 = arith.constant 9 : i32
      %dma_wait3A_195 = arith.constant 0 : i32
      %dma_wait3A_196 = tpu.memref_slice %arg8[%dma_wait3A_194, %dma_wait3A_195] : memref<16x128xi32, #tpu.memory_space<vmem>> -> memref<1x128xi32, #tpu.memory_space<vmem>>
      %dma_wait3A_197 = tpu.memref_squeeze %dma_wait3A_196 : memref<1x128xi32, #tpu.memory_space<vmem>> -> memref<128xi32, #tpu.memory_space<vmem>>
      %dma_wait3A_198 = arith.constant 0 : i32
      %dma_wait3A_199 = tpu.memref_slice %arg6[%dma_wait3A_198] : memref<100096xf32, #tpu.memory_space<vmem_shared>> -> memref<100096xf32, #tpu.memory_space<vmem_shared>>
      tpu.wait_indirect_dma semaphore(%arg10 : memref<!tpu.dma_semaphore, #tpu.memory_space<semaphore_mem>>) src(%arg9 : memref<128xf32, #tpu.memory_space<vmem>>) dst(%dma_wait3A_199 : memref<100096xf32, #tpu.memory_space<vmem_shared>>)
      %dma_wait3A_200 = arith.constant 10 : i32
      %dma_wait3A_201 = arith.constant 0 : i32
      %dma_wait3A_202 = tpu.memref_slice %arg8[%dma_wait3A_200, %dma_wait3A_201] : memref<16x128xi32, #tpu.memory_space<vmem>> -> memref<1x128xi32, #tpu.memory_space<vmem>>
      %dma_wait3A_203 = tpu.memref_squeeze %dma_wait3A_202 : memref<1x128xi32, #tpu.memory_space<vmem>> -> memref<128xi32, #tpu.memory_space<vmem>>
      %dma_wait3A_204 = arith.constant 0 : i32
      %dma_wait3A_205 = tpu.memref_slice %arg6[%dma_wait3A_204] : memref<100096xf32, #tpu.memory_space<vmem_shared>> -> memref<100096xf32, #tpu.memory_space<vmem_shared>>
      tpu.wait_indirect_dma semaphore(%arg10 : memref<!tpu.dma_semaphore, #tpu.memory_space<semaphore_mem>>) src(%arg9 : memref<128xf32, #tpu.memory_space<vmem>>) dst(%dma_wait3A_205 : memref<100096xf32, #tpu.memory_space<vmem_shared>>)
      %dma_wait3A_206 = arith.constant 11 : i32
      %dma_wait3A_207 = arith.constant 0 : i32
      %dma_wait3A_208 = tpu.memref_slice %arg8[%dma_wait3A_206, %dma_wait3A_207] : memref<16x128xi32, #tpu.memory_space<vmem>> -> memref<1x128xi32, #tpu.memory_space<vmem>>
      %dma_wait3A_209 = tpu.memref_squeeze %dma_wait3A_208 : memref<1x128xi32, #tpu.memory_space<vmem>> -> memref<128xi32, #tpu.memory_space<vmem>>
      %dma_wait3A_210 = arith.constant 0 : i32
      %dma_wait3A_211 = tpu.memref_slice %arg6[%dma_wait3A_210] : memref<100096xf32, #tpu.memory_space<vmem_shared>> -> memref<100096xf32, #tpu.memory_space<vmem_shared>>
      tpu.wait_indirect_dma semaphore(%arg10 : memref<!tpu.dma_semaphore, #tpu.memory_space<semaphore_mem>>) src(%arg9 : memref<128xf32, #tpu.memory_space<vmem>>) dst(%dma_wait3A_211 : memref<100096xf32, #tpu.memory_space<vmem_shared>>)
      %dma_wait3A_212 = arith.constant 12 : i32
      %dma_wait3A_213 = arith.constant 0 : i32
      %dma_wait3A_214 = tpu.memref_slice %arg8[%dma_wait3A_212, %dma_wait3A_213] : memref<16x128xi32, #tpu.memory_space<vmem>> -> memref<1x128xi32, #tpu.memory_space<vmem>>
      %dma_wait3A_215 = tpu.memref_squeeze %dma_wait3A_214 : memref<1x128xi32, #tpu.memory_space<vmem>> -> memref<128xi32, #tpu.memory_space<vmem>>
      %dma_wait3A_216 = arith.constant 0 : i32
      %dma_wait3A_217 = tpu.memref_slice %arg6[%dma_wait3A_216] : memref<100096xf32, #tpu.memory_space<vmem_shared>> -> memref<100096xf32, #tpu.memory_space<vmem_shared>>
      tpu.wait_indirect_dma semaphore(%arg10 : memref<!tpu.dma_semaphore, #tpu.memory_space<semaphore_mem>>) src(%arg9 : memref<128xf32, #tpu.memory_space<vmem>>) dst(%dma_wait3A_217 : memref<100096xf32, #tpu.memory_space<vmem_shared>>)
      %dma_wait3A_218 = arith.constant 13 : i32
      %dma_wait3A_219 = arith.constant 0 : i32
      %dma_wait3A_220 = tpu.memref_slice %arg8[%dma_wait3A_218, %dma_wait3A_219] : memref<16x128xi32, #tpu.memory_space<vmem>> -> memref<1x128xi32, #tpu.memory_space<vmem>>
      %dma_wait3A_221 = tpu.memref_squeeze %dma_wait3A_220 : memref<1x128xi32, #tpu.memory_space<vmem>> -> memref<128xi32, #tpu.memory_space<vmem>>
      %dma_wait3A_222 = arith.constant 0 : i32
      %dma_wait3A_223 = tpu.memref_slice %arg6[%dma_wait3A_222] : memref<100096xf32, #tpu.memory_space<vmem_shared>> -> memref<100096xf32, #tpu.memory_space<vmem_shared>>
      tpu.wait_indirect_dma semaphore(%arg10 : memref<!tpu.dma_semaphore, #tpu.memory_space<semaphore_mem>>) src(%arg9 : memref<128xf32, #tpu.memory_space<vmem>>) dst(%dma_wait3A_223 : memref<100096xf32, #tpu.memory_space<vmem_shared>>)
      %dma_wait3A_224 = arith.constant 14 : i32
      %dma_wait3A_225 = arith.constant 0 : i32
      %dma_wait3A_226 = tpu.memref_slice %arg8[%dma_wait3A_224, %dma_wait3A_225] : memref<16x128xi32, #tpu.memory_space<vmem>> -> memref<1x128xi32, #tpu.memory_space<vmem>>
      %dma_wait3A_227 = tpu.memref_squeeze %dma_wait3A_226 : memref<1x128xi32, #tpu.memory_space<vmem>> -> memref<128xi32, #tpu.memory_space<vmem>>
      %dma_wait3A_228 = arith.constant 0 : i32
      %dma_wait3A_229 = tpu.memref_slice %arg6[%dma_wait3A_228] : memref<100096xf32, #tpu.memory_space<vmem_shared>> -> memref<100096xf32, #tpu.memory_space<vmem_shared>>
      tpu.wait_indirect_dma semaphore(%arg10 : memref<!tpu.dma_semaphore, #tpu.memory_space<semaphore_mem>>) src(%arg9 : memref<128xf32, #tpu.memory_space<vmem>>) dst(%dma_wait3A_229 : memref<100096xf32, #tpu.memory_space<vmem_shared>>)
      %dma_wait3A_230 = arith.constant 15 : i32
      %dma_wait3A_231 = arith.constant 0 : i32
      %dma_wait3A_232 = tpu.memref_slice %arg8[%dma_wait3A_230, %dma_wait3A_231] : memref<16x128xi32, #tpu.memory_space<vmem>> -> memref<1x128xi32, #tpu.memory_space<vmem>>
      %dma_wait3A_233 = tpu.memref_squeeze %dma_wait3A_232 : memref<1x128xi32, #tpu.memory_space<vmem>> -> memref<128xi32, #tpu.memory_space<vmem>>
      %dma_wait3A_234 = arith.constant 0 : i32
      %dma_wait3A_235 = tpu.memref_slice %arg6[%dma_wait3A_234] : memref<100096xf32, #tpu.memory_space<vmem_shared>> -> memref<100096xf32, #tpu.memory_space<vmem_shared>>
      tpu.wait_indirect_dma semaphore(%arg10 : memref<!tpu.dma_semaphore, #tpu.memory_space<semaphore_mem>>) src(%arg9 : memref<128xf32, #tpu.memory_space<vmem>>) dst(%dma_wait3A_235 : memref<100096xf32, #tpu.memory_space<vmem_shared>>)
    }
    %scan3A_20 = arith.constant 49 : i32
    %barrier3A_21 = arith.constant 0 : index
    tpu.barrier barrier_id(%barrier3A_21)
    %mul3A_22 = arith.constant 6256 : i32
    %mul3A_23 = arith.muli %arg1, %mul3A_22 : i32
    "tpu.region"() ({
      %run_scoped3A = tpu.sem_alloc : memref<!tpu.dma_semaphore, #tpu.memory_space<semaphore_mem>>
      %dma_start3A = arith.constant 0 : i32
      %dma_start3A_31 = tpu.memref_slice %arg7[%dma_start3A] : memref<6256xf32, #tpu.memory_space<vmem>> -> memref<6256xf32, #tpu.memory_space<vmem>>
      %dma_start3A_32 = tpu.memref_slice %arg6[%mul3A_23] : memref<100096xf32, #tpu.memory_space<vmem_shared>> -> memref<6256xf32, #tpu.memory_space<vmem_shared>>
      %dma_start3A_33 = arith.constant 0 : i32
      %dma_start3A_34 = tpu.memref_slice %arg7[%dma_start3A_33] : memref<6256xf32, #tpu.memory_space<vmem>> -> memref<6256xf32, #tpu.memory_space<vmem>>
      %dma_start3A_35 = tpu.memref_slice %arg6[%mul3A_23] : memref<100096xf32, #tpu.memory_space<vmem_shared>> -> memref<6256xf32, #tpu.memory_space<vmem_shared>>
      tpu.enqueue_dma source(%dma_start3A_35 : memref<6256xf32, #tpu.memory_space<vmem_shared>>) target(%dma_start3A_34 : memref<6256xf32, #tpu.memory_space<vmem>>) target_semaphore(%run_scoped3A : memref<!tpu.dma_semaphore, #tpu.memory_space<semaphore_mem>>)
      %dma_wait3A = arith.constant 0 : i32
      %dma_wait3A_36 = tpu.memref_slice %arg7[%dma_wait3A] : memref<6256xf32, #tpu.memory_space<vmem>> -> memref<6256xf32, #tpu.memory_space<vmem>>
      %dma_wait3A_37 = tpu.memref_slice %arg6[%mul3A_23] : memref<100096xf32, #tpu.memory_space<vmem_shared>> -> memref<6256xf32, #tpu.memory_space<vmem_shared>>
      %dma_wait3A_38 = arith.constant 0 : i32
      %dma_wait3A_39 = tpu.memref_slice %arg7[%dma_wait3A_38] : memref<6256xf32, #tpu.memory_space<vmem>> -> memref<6256xf32, #tpu.memory_space<vmem>>
      %dma_wait3A_40 = tpu.memref_slice %arg6[%mul3A_23] : memref<100096xf32, #tpu.memory_space<vmem_shared>> -> memref<6256xf32, #tpu.memory_space<vmem_shared>>
      tpu.wait_dma2 semaphore(%run_scoped3A : memref<!tpu.dma_semaphore, #tpu.memory_space<semaphore_mem>>) src(%dma_wait3A_40 : memref<6256xf32, #tpu.memory_space<vmem_shared>>) dst(%dma_wait3A_39 : memref<6256xf32, #tpu.memory_space<vmem>>)
      tpu.yield
    }) : () -> ()
    %eq3A = arith.constant 0 : i32
    %eq3A_24 = arith.cmpi eq, %arg0, %eq3A : i32
    %convert_element_type3A = arith.extui %eq3A_24 : i1 to i32
    %cond3A = arith.constant 0 : i32
    %cond3A_25 = arith.cmpi ne, %convert_element_type3A, %cond3A : i32
    scf.if %cond3A_25 {
      %mul3A_31 = arith.constant 6256 : i32
      %mul3A_32 = arith.muli %arg1, %mul3A_31 : i32
      "tpu.region"() ({
        %run_scoped3A = tpu.sem_alloc : memref<!tpu.dma_semaphore, #tpu.memory_space<semaphore_mem>>
        %dma_start3A = arith.constant 0 : i32
        %dma_start3A_33 = tpu.memref_slice %arg7[%dma_start3A] : memref<6256xf32, #tpu.memory_space<vmem>> -> memref<6256xf32, #tpu.memory_space<vmem>>
        %dma_start3A_34 = tpu.memref_slice %arg4[%mul3A_32] : memref<100096xf32, #tpu.memory_space<hbm>> -> memref<6256xf32, #tpu.memory_space<hbm>>
        %dma_start3A_35 = tpu.memref_slice %arg4[%mul3A_32] : memref<100096xf32, #tpu.memory_space<hbm>> -> memref<6256xf32, #tpu.memory_space<hbm>>
        %dma_start3A_36 = arith.constant 0 : i32
        %dma_start3A_37 = tpu.memref_slice %arg7[%dma_start3A_36] : memref<6256xf32, #tpu.memory_space<vmem>> -> memref<6256xf32, #tpu.memory_space<vmem>>
        tpu.enqueue_dma source(%dma_start3A_37 : memref<6256xf32, #tpu.memory_space<vmem>>) target(%dma_start3A_35 : memref<6256xf32, #tpu.memory_space<hbm>>) target_semaphore(%run_scoped3A : memref<!tpu.dma_semaphore, #tpu.memory_space<semaphore_mem>>)
        %dma_wait3A = arith.constant 0 : i32
        %dma_wait3A_38 = tpu.memref_slice %arg7[%dma_wait3A] : memref<6256xf32, #tpu.memory_space<vmem>> -> memref<6256xf32, #tpu.memory_space<vmem>>
        %dma_wait3A_39 = tpu.memref_slice %arg4[%mul3A_32] : memref<100096xf32, #tpu.memory_space<hbm>> -> memref<6256xf32, #tpu.memory_space<hbm>>
        %dma_wait3A_40 = tpu.memref_slice %arg4[%mul3A_32] : memref<100096xf32, #tpu.memory_space<hbm>> -> memref<6256xf32, #tpu.memory_space<hbm>>
        %dma_wait3A_41 = arith.constant 0 : i32
        %dma_wait3A_42 = tpu.memref_slice %arg7[%dma_wait3A_41] : memref<6256xf32, #tpu.memory_space<vmem>> -> memref<6256xf32, #tpu.memory_space<vmem>>
        tpu.wait_dma2 semaphore(%run_scoped3A : memref<!tpu.dma_semaphore, #tpu.memory_space<semaphore_mem>>) src(%dma_wait3A_42 : memref<6256xf32, #tpu.memory_space<vmem>>) dst(%dma_wait3A_40 : memref<6256xf32, #tpu.memory_space<hbm>>)
        tpu.yield
      }) : () -> ()
    } else {
    }
    %eq3A_26 = arith.constant 1 : i32
    %eq3A_27 = arith.cmpi eq, %arg0, %eq3A_26 : i32
    %convert_element_type3A_28 = arith.extui %eq3A_27 : i1 to i32
    %cond3A_29 = arith.constant 0 : i32
    %cond3A_30 = arith.cmpi ne, %convert_element_type3A_28, %cond3A_29 : i32
    scf.if %cond3A_30 {
      %mul3A_31 = arith.constant 6256 : i32
      %mul3A_32 = arith.muli %arg1, %mul3A_31 : i32
      "tpu.region"() ({
        %run_scoped3A = tpu.sem_alloc : memref<!tpu.dma_semaphore, #tpu.memory_space<semaphore_mem>>
        %dma_start3A = arith.constant 0 : i32
        %dma_start3A_33 = tpu.memref_slice %arg7[%dma_start3A] : memref<6256xf32, #tpu.memory_space<vmem>> -> memref<6256xf32, #tpu.memory_space<vmem>>
        %dma_start3A_34 = tpu.memref_slice %arg5[%mul3A_32] : memref<100096xf32, #tpu.memory_space<hbm>> -> memref<6256xf32, #tpu.memory_space<hbm>>
        %dma_start3A_35 = tpu.memref_slice %arg5[%mul3A_32] : memref<100096xf32, #tpu.memory_space<hbm>> -> memref<6256xf32, #tpu.memory_space<hbm>>
        %dma_start3A_36 = arith.constant 0 : i32
        %dma_start3A_37 = tpu.memref_slice %arg7[%dma_start3A_36] : memref<6256xf32, #tpu.memory_space<vmem>> -> memref<6256xf32, #tpu.memory_space<vmem>>
        tpu.enqueue_dma source(%dma_start3A_37 : memref<6256xf32, #tpu.memory_space<vmem>>) target(%dma_start3A_35 : memref<6256xf32, #tpu.memory_space<hbm>>) target_semaphore(%run_scoped3A : memref<!tpu.dma_semaphore, #tpu.memory_space<semaphore_mem>>)
        %dma_wait3A = arith.constant 0 : i32
        %dma_wait3A_38 = tpu.memref_slice %arg7[%dma_wait3A] : memref<6256xf32, #tpu.memory_space<vmem>> -> memref<6256xf32, #tpu.memory_space<vmem>>
        %dma_wait3A_39 = tpu.memref_slice %arg5[%mul3A_32] : memref<100096xf32, #tpu.memory_space<hbm>> -> memref<6256xf32, #tpu.memory_space<hbm>>
        %dma_wait3A_40 = tpu.memref_slice %arg5[%mul3A_32] : memref<100096xf32, #tpu.memory_space<hbm>> -> memref<6256xf32, #tpu.memory_space<hbm>>
        %dma_wait3A_41 = arith.constant 0 : i32
        %dma_wait3A_42 = tpu.memref_slice %arg7[%dma_wait3A_41] : memref<6256xf32, #tpu.memory_space<vmem>> -> memref<6256xf32, #tpu.memory_space<vmem>>
        tpu.wait_dma2 semaphore(%run_scoped3A : memref<!tpu.dma_semaphore, #tpu.memory_space<semaphore_mem>>) src(%dma_wait3A_42 : memref<6256xf32, #tpu.memory_space<vmem>>) dst(%dma_wait3A_40 : memref<6256xf32, #tpu.memory_space<hbm>>)
        tpu.yield
      }) : () -> ()
    } else {
    }
    return
  }
}

#map = affine_map<(d0, d1) -> (0)>
#map1 = affine_map<(d0, d1) -> (0, 0)>
module attributes {stable_mosaic.version = 14 : i64} {
  func.func @_sc_prop(%arg0: i32, %arg1: i32, %arg2: memref<100096xf32, #tpu.memory_space<hbm>>, %arg3: memref<12544x128xi32, #tpu.memory_space<hbm>>, %arg4: memref<12544x128xi32, #tpu.memory_space<hbm>>, %arg5: memref<100096xf32, #tpu.memory_space<hbm>>, %arg6: memref<100096xf32, #tpu.memory_space<hbm>>, %arg7: memref<100096xf32, #tpu.memory_space<vmem_shared>>, %arg8: memref<100096xf32, #tpu.memory_space<vmem_shared>>, %arg9: memref<6256xf32, #tpu.memory_space<vmem>>, %arg10: memref<16x128xi32, #tpu.memory_space<vmem>>, %arg11: memref<16x128xi32, #tpu.memory_space<vmem>>, %arg12: memref<16x128xf32, #tpu.memory_space<vmem>>, %arg13: memref<!tpu.dma_semaphore, #tpu.memory_space<semaphore_mem>>) attributes {dimension_semantics = [#tpu.dimension_semantics<core_parallel>, #tpu.dimension_semantics<subcore_parallel>], iteration_bounds = array<i64: 2, 16>, scalar_prefetch = 0 : i64, scratch_operands = 7 : i64, tpu.core_type = #tpu.core_type<sc_vector_subcore>, window_params = [{transform_indices = #map}, {transform_indices = #map1}, {transform_indices = #map1}, {transform_indices = #map}, {transform_indices = #map}]} {
    %mul3A = arith.constant 6256 : i32
    %mul3A_0 = arith.muli %arg1, %mul3A : i32
    "tpu.region"() ({
      %run_scoped3A = tpu.sem_alloc : memref<!tpu.dma_semaphore, #tpu.memory_space<semaphore_mem>>
      %dma_start3A_391 = arith.constant 0 : i32
      %dma_start3A_392 = tpu.memref_slice %arg9[%dma_start3A_391] : memref<6256xf32, #tpu.memory_space<vmem>> -> memref<6256xf32, #tpu.memory_space<vmem>>
      %dma_start3A_393 = tpu.memref_slice %arg2[%mul3A_0] : memref<100096xf32, #tpu.memory_space<hbm>> -> memref<6256xf32, #tpu.memory_space<hbm>>
      %dma_start3A_394 = arith.constant 0 : i32
      %dma_start3A_395 = tpu.memref_slice %arg9[%dma_start3A_394] : memref<6256xf32, #tpu.memory_space<vmem>> -> memref<6256xf32, #tpu.memory_space<vmem>>
      %dma_start3A_396 = tpu.memref_slice %arg2[%mul3A_0] : memref<100096xf32, #tpu.memory_space<hbm>> -> memref<6256xf32, #tpu.memory_space<hbm>>
      tpu.enqueue_dma source(%dma_start3A_396 : memref<6256xf32, #tpu.memory_space<hbm>>) target(%dma_start3A_395 : memref<6256xf32, #tpu.memory_space<vmem>>) target_semaphore(%run_scoped3A : memref<!tpu.dma_semaphore, #tpu.memory_space<semaphore_mem>>)
      %dma_wait3A_397 = arith.constant 0 : i32
      %dma_wait3A_398 = tpu.memref_slice %arg9[%dma_wait3A_397] : memref<6256xf32, #tpu.memory_space<vmem>> -> memref<6256xf32, #tpu.memory_space<vmem>>
      %dma_wait3A_399 = tpu.memref_slice %arg2[%mul3A_0] : memref<100096xf32, #tpu.memory_space<hbm>> -> memref<6256xf32, #tpu.memory_space<hbm>>
      %dma_wait3A_400 = arith.constant 0 : i32
      %dma_wait3A_401 = tpu.memref_slice %arg9[%dma_wait3A_400] : memref<6256xf32, #tpu.memory_space<vmem>> -> memref<6256xf32, #tpu.memory_space<vmem>>
      %dma_wait3A_402 = tpu.memref_slice %arg2[%mul3A_0] : memref<100096xf32, #tpu.memory_space<hbm>> -> memref<6256xf32, #tpu.memory_space<hbm>>
      tpu.wait_dma2 semaphore(%run_scoped3A : memref<!tpu.dma_semaphore, #tpu.memory_space<semaphore_mem>>) src(%dma_wait3A_402 : memref<6256xf32, #tpu.memory_space<hbm>>) dst(%dma_wait3A_401 : memref<6256xf32, #tpu.memory_space<vmem>>)
      tpu.yield
    }) : () -> ()
    %mul3A_1 = arith.constant 6256 : i32
    %mul3A_2 = arith.muli %arg1, %mul3A_1 : i32
    "tpu.region"() ({
      %run_scoped3A = tpu.sem_alloc : memref<!tpu.dma_semaphore, #tpu.memory_space<semaphore_mem>>
      %dma_start3A_391 = arith.constant 0 : i32
      %dma_start3A_392 = tpu.memref_slice %arg9[%dma_start3A_391] : memref<6256xf32, #tpu.memory_space<vmem>> -> memref<6256xf32, #tpu.memory_space<vmem>>
      %dma_start3A_393 = tpu.memref_slice %arg8[%mul3A_2] : memref<100096xf32, #tpu.memory_space<vmem_shared>> -> memref<6256xf32, #tpu.memory_space<vmem_shared>>
      %dma_start3A_394 = tpu.memref_slice %arg8[%mul3A_2] : memref<100096xf32, #tpu.memory_space<vmem_shared>> -> memref<6256xf32, #tpu.memory_space<vmem_shared>>
      %dma_start3A_395 = arith.constant 0 : i32
      %dma_start3A_396 = tpu.memref_slice %arg9[%dma_start3A_395] : memref<6256xf32, #tpu.memory_space<vmem>> -> memref<6256xf32, #tpu.memory_space<vmem>>
      tpu.enqueue_dma source(%dma_start3A_396 : memref<6256xf32, #tpu.memory_space<vmem>>) target(%dma_start3A_394 : memref<6256xf32, #tpu.memory_space<vmem_shared>>) target_semaphore(%run_scoped3A : memref<!tpu.dma_semaphore, #tpu.memory_space<semaphore_mem>>)
      %dma_wait3A_397 = arith.constant 0 : i32
      %dma_wait3A_398 = tpu.memref_slice %arg9[%dma_wait3A_397] : memref<6256xf32, #tpu.memory_space<vmem>> -> memref<6256xf32, #tpu.memory_space<vmem>>
      %dma_wait3A_399 = tpu.memref_slice %arg8[%mul3A_2] : memref<100096xf32, #tpu.memory_space<vmem_shared>> -> memref<6256xf32, #tpu.memory_space<vmem_shared>>
      %dma_wait3A_400 = tpu.memref_slice %arg8[%mul3A_2] : memref<100096xf32, #tpu.memory_space<vmem_shared>> -> memref<6256xf32, #tpu.memory_space<vmem_shared>>
      %dma_wait3A_401 = arith.constant 0 : i32
      %dma_wait3A_402 = tpu.memref_slice %arg9[%dma_wait3A_401] : memref<6256xf32, #tpu.memory_space<vmem>> -> memref<6256xf32, #tpu.memory_space<vmem>>
      tpu.wait_dma2 semaphore(%run_scoped3A : memref<!tpu.dma_semaphore, #tpu.memory_space<semaphore_mem>>) src(%dma_wait3A_402 : memref<6256xf32, #tpu.memory_space<vmem>>) dst(%dma_wait3A_400 : memref<6256xf32, #tpu.memory_space<vmem_shared>>)
      tpu.yield
    }) : () -> ()
    %broadcast_in_dim3A = arith.constant 0.000000e+00 : f32
    %broadcast_in_dim3A_3 = vector.broadcast %broadcast_in_dim3A : f32 to vector<16xf32>
    %scan3A = arith.constant 0 : i32
    %scan3A_4 = arith.constant 0 : i32
    %scan3A_5 = arith.constant 391 : i32
    %scan3A_6 = arith.addi %scan3A_4, %scan3A_5 : i32
    %scan3A_7 = arith.constant 1 : i32
    scf.for %scan3A_391 = %scan3A_4 to %scan3A_6 step %scan3A_7  : i32 {
      %mul3A_392 = arith.constant 16 : i32
      %mul3A_393 = arith.muli %scan3A_391, %mul3A_392 : i32
      %swap3A = arith.index_cast %mul3A_393 : i32 to index
      %swap3A_394 = tpu.vector_load %arg9[%swap3A] {strides = array<i32>} : memref<6256xf32, #tpu.memory_space<vmem>>, vector<16xf32>,
      %swap3A_395 = vector.shape_cast %swap3A_394 : vector<16xf32> to vector<16xf32>
      %swap3A_396 = vector.shape_cast %broadcast_in_dim3A_3 : vector<16xf32> to vector<16xf32>
      tpu.vector_store %arg9[%swap3A], %swap3A_396 {strides = array<i32>} : memref<6256xf32, #tpu.memory_space<vmem>>, vector<16xf32>,
    }
    %scan3A_8 = arith.constant 391 : i32
    %mul3A_9 = arith.constant 6256 : i32
    %mul3A_10 = arith.muli %arg1, %mul3A_9 : i32
    "tpu.region"() ({
      %run_scoped3A = tpu.sem_alloc : memref<!tpu.dma_semaphore, #tpu.memory_space<semaphore_mem>>
      %dma_start3A_391 = arith.constant 0 : i32
      %dma_start3A_392 = tpu.memref_slice %arg9[%dma_start3A_391] : memref<6256xf32, #tpu.memory_space<vmem>> -> memref<6256xf32, #tpu.memory_space<vmem>>
      %dma_start3A_393 = tpu.memref_slice %arg7[%mul3A_10] : memref<100096xf32, #tpu.memory_space<vmem_shared>> -> memref<6256xf32, #tpu.memory_space<vmem_shared>>
      %dma_start3A_394 = tpu.memref_slice %arg7[%mul3A_10] : memref<100096xf32, #tpu.memory_space<vmem_shared>> -> memref<6256xf32, #tpu.memory_space<vmem_shared>>
      %dma_start3A_395 = arith.constant 0 : i32
      %dma_start3A_396 = tpu.memref_slice %arg9[%dma_start3A_395] : memref<6256xf32, #tpu.memory_space<vmem>> -> memref<6256xf32, #tpu.memory_space<vmem>>
      tpu.enqueue_dma source(%dma_start3A_396 : memref<6256xf32, #tpu.memory_space<vmem>>) target(%dma_start3A_394 : memref<6256xf32, #tpu.memory_space<vmem_shared>>) target_semaphore(%run_scoped3A : memref<!tpu.dma_semaphore, #tpu.memory_space<semaphore_mem>>)
      %dma_wait3A_397 = arith.constant 0 : i32
      %dma_wait3A_398 = tpu.memref_slice %arg9[%dma_wait3A_397] : memref<6256xf32, #tpu.memory_space<vmem>> -> memref<6256xf32, #tpu.memory_space<vmem>>
      %dma_wait3A_399 = tpu.memref_slice %arg7[%mul3A_10] : memref<100096xf32, #tpu.memory_space<vmem_shared>> -> memref<6256xf32, #tpu.memory_space<vmem_shared>>
      %dma_wait3A_400 = tpu.memref_slice %arg7[%mul3A_10] : memref<100096xf32, #tpu.memory_space<vmem_shared>> -> memref<6256xf32, #tpu.memory_space<vmem_shared>>
      %dma_wait3A_401 = arith.constant 0 : i32
      %dma_wait3A_402 = tpu.memref_slice %arg9[%dma_wait3A_401] : memref<6256xf32, #tpu.memory_space<vmem>> -> memref<6256xf32, #tpu.memory_space<vmem>>
      tpu.wait_dma2 semaphore(%run_scoped3A : memref<!tpu.dma_semaphore, #tpu.memory_space<semaphore_mem>>) src(%dma_wait3A_402 : memref<6256xf32, #tpu.memory_space<vmem>>) dst(%dma_wait3A_400 : memref<6256xf32, #tpu.memory_space<vmem_shared>>)
      tpu.yield
    }) : () -> ()
    %barrier3A = arith.constant 0 : index
    tpu.barrier barrier_id(%barrier3A)
    %mul3A_11 = arith.constant 16 : i32
    %mul3A_12 = arith.muli %arg0, %mul3A_11 : i32
    %add3A = arith.addi %mul3A_12, %arg1 : i32
    %scan3A_13 = arith.constant 0 : i32
    %scan3A_14 = arith.constant 0 : i32
    %scan3A_15 = arith.constant 24 : i32
    %scan3A_16 = arith.addi %scan3A_14, %scan3A_15 : i32
    %scan3A_17 = arith.constant 1 : i32
    scf.for %scan3A_391 = %scan3A_14 to %scan3A_16 step %scan3A_17  : i32 {
      %mul3A_392 = arith.constant 392 : i32
      %mul3A_393 = arith.muli %add3A, %mul3A_392 : i32
      %mul3A_394 = arith.constant 16 : i32
      %mul3A_395 = arith.muli %scan3A_391, %mul3A_394 : i32
      %add3A_396 = arith.addi %mul3A_393, %mul3A_395 : i32
      %dma_start3A_397 = arith.constant 0 : i32
      %dma_start3A_398 = arith.constant 0 : i32
      %dma_start3A_399 = tpu.memref_slice %arg10[%dma_start3A_397, %dma_start3A_398] : memref<16x128xi32, #tpu.memory_space<vmem>> -> memref<16x128xi32, #tpu.memory_space<vmem>>
      %dma_start3A_400 = arith.constant 0 : i32
      %dma_start3A_401 = tpu.memref_slice %arg3[%add3A_396, %dma_start3A_400] : memref<12544x128xi32, #tpu.memory_space<hbm>> -> memref<16x128xi32, #tpu.memory_space<hbm>>
      %dma_start3A_402 = arith.constant 0 : i32
      %dma_start3A_403 = arith.constant 0 : i32
      %dma_start3A_404 = tpu.memref_slice %arg10[%dma_start3A_402, %dma_start3A_403] : memref<16x128xi32, #tpu.memory_space<vmem>> -> memref<16x128xi32, #tpu.memory_space<vmem>>
      %dma_start3A_405 = arith.constant 0 : i32
      %dma_start3A_406 = tpu.memref_slice %arg3[%add3A_396, %dma_start3A_405] : memref<12544x128xi32, #tpu.memory_space<hbm>> -> memref<16x128xi32, #tpu.memory_space<hbm>>
      tpu.enqueue_dma source(%dma_start3A_406 : memref<16x128xi32, #tpu.memory_space<hbm>>) target(%dma_start3A_404 : memref<16x128xi32, #tpu.memory_space<vmem>>) target_semaphore(%arg13 : memref<!tpu.dma_semaphore, #tpu.memory_space<semaphore_mem>>)
      %dma_start3A_407 = arith.constant 0 : i32
      %dma_start3A_408 = arith.constant 0 : i32
      %dma_start3A_409 = tpu.memref_slice %arg11[%dma_start3A_407, %dma_start3A_408] : memref<16x128xi32, #tpu.memory_space<vmem>> -> memref<16x128xi32, #tpu.memory_space<vmem>>
      %dma_start3A_410 = arith.constant 0 : i32
      %dma_start3A_411 = tpu.memref_slice %arg4[%add3A_396, %dma_start3A_410] : memref<12544x128xi32, #tpu.memory_space<hbm>> -> memref<16x128xi32, #tpu.memory_space<hbm>>
      %dma_start3A_412 = arith.constant 0 : i32
      %dma_start3A_413 = arith.constant 0 : i32
      %dma_start3A_414 = tpu.memref_slice %arg11[%dma_start3A_412, %dma_start3A_413] : memref<16x128xi32, #tpu.memory_space<vmem>> -> memref<16x128xi32, #tpu.memory_space<vmem>>
      %dma_start3A_415 = arith.constant 0 : i32
      %dma_start3A_416 = tpu.memref_slice %arg4[%add3A_396, %dma_start3A_415] : memref<12544x128xi32, #tpu.memory_space<hbm>> -> memref<16x128xi32, #tpu.memory_space<hbm>>
      tpu.enqueue_dma source(%dma_start3A_416 : memref<16x128xi32, #tpu.memory_space<hbm>>) target(%dma_start3A_414 : memref<16x128xi32, #tpu.memory_space<vmem>>) target_semaphore(%arg13 : memref<!tpu.dma_semaphore, #tpu.memory_space<semaphore_mem>>)
      %dma_wait3A_417 = arith.constant 0 : i32
      %dma_wait3A_418 = arith.constant 0 : i32
      %dma_wait3A_419 = tpu.memref_slice %arg10[%dma_wait3A_417, %dma_wait3A_418] : memref<16x128xi32, #tpu.memory_space<vmem>> -> memref<16x128xi32, #tpu.memory_space<vmem>>
      %dma_wait3A_420 = arith.constant 0 : i32
      %dma_wait3A_421 = tpu.memref_slice %arg3[%add3A_396, %dma_wait3A_420] : memref<12544x128xi32, #tpu.memory_space<hbm>> -> memref<16x128xi32, #tpu.memory_space<hbm>>
      %dma_wait3A_422 = arith.constant 0 : i32
      %dma_wait3A_423 = arith.constant 0 : i32
      %dma_wait3A_424 = tpu.memref_slice %arg10[%dma_wait3A_422, %dma_wait3A_423] : memref<16x128xi32, #tpu.memory_space<vmem>> -> memref<16x128xi32, #tpu.memory_space<vmem>>
      %dma_wait3A_425 = arith.constant 0 : i32
      %dma_wait3A_426 = tpu.memref_slice %arg3[%add3A_396, %dma_wait3A_425] : memref<12544x128xi32, #tpu.memory_space<hbm>> -> memref<16x128xi32, #tpu.memory_space<hbm>>
      tpu.wait_dma2 semaphore(%arg13 : memref<!tpu.dma_semaphore, #tpu.memory_space<semaphore_mem>>) src(%dma_wait3A_426 : memref<16x128xi32, #tpu.memory_space<hbm>>) dst(%dma_wait3A_424 : memref<16x128xi32, #tpu.memory_space<vmem>>)
      %dma_wait3A_427 = arith.constant 0 : i32
      %dma_wait3A_428 = arith.constant 0 : i32
      %dma_wait3A_429 = tpu.memref_slice %arg11[%dma_wait3A_427, %dma_wait3A_428] : memref<16x128xi32, #tpu.memory_space<vmem>> -> memref<16x128xi32, #tpu.memory_space<vmem>>
      %dma_wait3A_430 = arith.constant 0 : i32
      %dma_wait3A_431 = tpu.memref_slice %arg4[%add3A_396, %dma_wait3A_430] : memref<12544x128xi32, #tpu.memory_space<hbm>> -> memref<16x128xi32, #tpu.memory_space<hbm>>
      %dma_wait3A_432 = arith.constant 0 : i32
      %dma_wait3A_433 = arith.constant 0 : i32
      %dma_wait3A_434 = tpu.memref_slice %arg11[%dma_wait3A_432, %dma_wait3A_433] : memref<16x128xi32, #tpu.memory_space<vmem>> -> memref<16x128xi32, #tpu.memory_space<vmem>>
      %dma_wait3A_435 = arith.constant 0 : i32
      %dma_wait3A_436 = tpu.memref_slice %arg4[%add3A_396, %dma_wait3A_435] : memref<12544x128xi32, #tpu.memory_space<hbm>> -> memref<16x128xi32, #tpu.memory_space<hbm>>
      tpu.wait_dma2 semaphore(%arg13 : memref<!tpu.dma_semaphore, #tpu.memory_space<semaphore_mem>>) src(%dma_wait3A_436 : memref<16x128xi32, #tpu.memory_space<hbm>>) dst(%dma_wait3A_434 : memref<16x128xi32, #tpu.memory_space<vmem>>)
      %dma_start3A_437 = arith.constant 0 : i32
      %dma_start3A_438 = arith.constant 0 : i32
      %dma_start3A_439 = arith.constant 0 : i32
      %dma_start3A_440 = tpu.memref_slice %arg12[%dma_start3A_438, %dma_start3A_439] : memref<16x128xf32, #tpu.memory_space<vmem>> -> memref<1x128xf32, #tpu.memory_space<vmem>>
      %dma_start3A_441 = tpu.memref_squeeze %dma_start3A_440 : memref<1x128xf32, #tpu.memory_space<vmem>> -> memref<128xf32, #tpu.memory_space<vmem>>
      %dma_start3A_442 = arith.constant 0 : i32
      %dma_start3A_443 = tpu.memref_slice %arg10[%dma_start3A_437, %dma_start3A_442] : memref<16x128xi32, #tpu.memory_space<vmem>> -> memref<1x128xi32, #tpu.memory_space<vmem>>
      %dma_start3A_444 = tpu.memref_squeeze %dma_start3A_443 : memref<1x128xi32, #tpu.memory_space<vmem>> -> memref<128xi32, #tpu.memory_space<vmem>>
      %dma_start3A_445 = arith.constant 0 : i32
      %dma_start3A_446 = tpu.memref_slice %arg8[%dma_start3A_445] : memref<100096xf32, #tpu.memory_space<vmem_shared>> -> memref<100096xf32, #tpu.memory_space<vmem_shared>>
      tpu.enqueue_indirect_dma source(%dma_start3A_446 : memref<100096xf32, #tpu.memory_space<vmem_shared>>) target(%dma_start3A_441 : memref<128xf32, #tpu.memory_space<vmem>>) offsets(%dma_start3A_444 : memref<128xi32, #tpu.memory_space<vmem>>) semaphore(%arg13 : memref<!tpu.dma_semaphore, #tpu.memory_space<semaphore_mem>>)
      %dma_start3A_447 = arith.constant 1 : i32
      %dma_start3A_448 = arith.constant 1 : i32
      %dma_start3A_449 = arith.constant 0 : i32
      %dma_start3A_450 = tpu.memref_slice %arg12[%dma_start3A_448, %dma_start3A_449] : memref<16x128xf32, #tpu.memory_space<vmem>> -> memref<1x128xf32, #tpu.memory_space<vmem>>
      %dma_start3A_451 = tpu.memref_squeeze %dma_start3A_450 : memref<1x128xf32, #tpu.memory_space<vmem>> -> memref<128xf32, #tpu.memory_space<vmem>>
      %dma_start3A_452 = arith.constant 0 : i32
      %dma_start3A_453 = tpu.memref_slice %arg10[%dma_start3A_447, %dma_start3A_452] : memref<16x128xi32, #tpu.memory_space<vmem>> -> memref<1x128xi32, #tpu.memory_space<vmem>>
      %dma_start3A_454 = tpu.memref_squeeze %dma_start3A_453 : memref<1x128xi32, #tpu.memory_space<vmem>> -> memref<128xi32, #tpu.memory_space<vmem>>
      %dma_start3A_455 = arith.constant 0 : i32
      %dma_start3A_456 = tpu.memref_slice %arg8[%dma_start3A_455] : memref<100096xf32, #tpu.memory_space<vmem_shared>> -> memref<100096xf32, #tpu.memory_space<vmem_shared>>
      tpu.enqueue_indirect_dma source(%dma_start3A_456 : memref<100096xf32, #tpu.memory_space<vmem_shared>>) target(%dma_start3A_451 : memref<128xf32, #tpu.memory_space<vmem>>) offsets(%dma_start3A_454 : memref<128xi32, #tpu.memory_space<vmem>>) semaphore(%arg13 : memref<!tpu.dma_semaphore, #tpu.memory_space<semaphore_mem>>)
      %dma_start3A_457 = arith.constant 2 : i32
      %dma_start3A_458 = arith.constant 2 : i32
      %dma_start3A_459 = arith.constant 0 : i32
      %dma_start3A_460 = tpu.memref_slice %arg12[%dma_start3A_458, %dma_start3A_459] : memref<16x128xf32, #tpu.memory_space<vmem>> -> memref<1x128xf32, #tpu.memory_space<vmem>>
      %dma_start3A_461 = tpu.memref_squeeze %dma_start3A_460 : memref<1x128xf32, #tpu.memory_space<vmem>> -> memref<128xf32, #tpu.memory_space<vmem>>
      %dma_start3A_462 = arith.constant 0 : i32
      %dma_start3A_463 = tpu.memref_slice %arg10[%dma_start3A_457, %dma_start3A_462] : memref<16x128xi32, #tpu.memory_space<vmem>> -> memref<1x128xi32, #tpu.memory_space<vmem>>
      %dma_start3A_464 = tpu.memref_squeeze %dma_start3A_463 : memref<1x128xi32, #tpu.memory_space<vmem>> -> memref<128xi32, #tpu.memory_space<vmem>>
      %dma_start3A_465 = arith.constant 0 : i32
      %dma_start3A_466 = tpu.memref_slice %arg8[%dma_start3A_465] : memref<100096xf32, #tpu.memory_space<vmem_shared>> -> memref<100096xf32, #tpu.memory_space<vmem_shared>>
      tpu.enqueue_indirect_dma source(%dma_start3A_466 : memref<100096xf32, #tpu.memory_space<vmem_shared>>) target(%dma_start3A_461 : memref<128xf32, #tpu.memory_space<vmem>>) offsets(%dma_start3A_464 : memref<128xi32, #tpu.memory_space<vmem>>) semaphore(%arg13 : memref<!tpu.dma_semaphore, #tpu.memory_space<semaphore_mem>>)
      %dma_start3A_467 = arith.constant 3 : i32
      %dma_start3A_468 = arith.constant 3 : i32
      %dma_start3A_469 = arith.constant 0 : i32
      %dma_start3A_470 = tpu.memref_slice %arg12[%dma_start3A_468, %dma_start3A_469] : memref<16x128xf32, #tpu.memory_space<vmem>> -> memref<1x128xf32, #tpu.memory_space<vmem>>
      %dma_start3A_471 = tpu.memref_squeeze %dma_start3A_470 : memref<1x128xf32, #tpu.memory_space<vmem>> -> memref<128xf32, #tpu.memory_space<vmem>>
      %dma_start3A_472 = arith.constant 0 : i32
      %dma_start3A_473 = tpu.memref_slice %arg10[%dma_start3A_467, %dma_start3A_472] : memref<16x128xi32, #tpu.memory_space<vmem>> -> memref<1x128xi32, #tpu.memory_space<vmem>>
      %dma_start3A_474 = tpu.memref_squeeze %dma_start3A_473 : memref<1x128xi32, #tpu.memory_space<vmem>> -> memref<128xi32, #tpu.memory_space<vmem>>
      %dma_start3A_475 = arith.constant 0 : i32
      %dma_start3A_476 = tpu.memref_slice %arg8[%dma_start3A_475] : memref<100096xf32, #tpu.memory_space<vmem_shared>> -> memref<100096xf32, #tpu.memory_space<vmem_shared>>
      tpu.enqueue_indirect_dma source(%dma_start3A_476 : memref<100096xf32, #tpu.memory_space<vmem_shared>>) target(%dma_start3A_471 : memref<128xf32, #tpu.memory_space<vmem>>) offsets(%dma_start3A_474 : memref<128xi32, #tpu.memory_space<vmem>>) semaphore(%arg13 : memref<!tpu.dma_semaphore, #tpu.memory_space<semaphore_mem>>)
      %dma_start3A_477 = arith.constant 4 : i32
      %dma_start3A_478 = arith.constant 4 : i32
      %dma_start3A_479 = arith.constant 0 : i32
      %dma_start3A_480 = tpu.memref_slice %arg12[%dma_start3A_478, %dma_start3A_479] : memref<16x128xf32, #tpu.memory_space<vmem>> -> memref<1x128xf32, #tpu.memory_space<vmem>>
      %dma_start3A_481 = tpu.memref_squeeze %dma_start3A_480 : memref<1x128xf32, #tpu.memory_space<vmem>> -> memref<128xf32, #tpu.memory_space<vmem>>
      %dma_start3A_482 = arith.constant 0 : i32
      %dma_start3A_483 = tpu.memref_slice %arg10[%dma_start3A_477, %dma_start3A_482] : memref<16x128xi32, #tpu.memory_space<vmem>> -> memref<1x128xi32, #tpu.memory_space<vmem>>
      %dma_start3A_484 = tpu.memref_squeeze %dma_start3A_483 : memref<1x128xi32, #tpu.memory_space<vmem>> -> memref<128xi32, #tpu.memory_space<vmem>>
      %dma_start3A_485 = arith.constant 0 : i32
      %dma_start3A_486 = tpu.memref_slice %arg8[%dma_start3A_485] : memref<100096xf32, #tpu.memory_space<vmem_shared>> -> memref<100096xf32, #tpu.memory_space<vmem_shared>>
      tpu.enqueue_indirect_dma source(%dma_start3A_486 : memref<100096xf32, #tpu.memory_space<vmem_shared>>) target(%dma_start3A_481 : memref<128xf32, #tpu.memory_space<vmem>>) offsets(%dma_start3A_484 : memref<128xi32, #tpu.memory_space<vmem>>) semaphore(%arg13 : memref<!tpu.dma_semaphore, #tpu.memory_space<semaphore_mem>>)
      %dma_start3A_487 = arith.constant 5 : i32
      %dma_start3A_488 = arith.constant 5 : i32
      %dma_start3A_489 = arith.constant 0 : i32
      %dma_start3A_490 = tpu.memref_slice %arg12[%dma_start3A_488, %dma_start3A_489] : memref<16x128xf32, #tpu.memory_space<vmem>> -> memref<1x128xf32, #tpu.memory_space<vmem>>
      %dma_start3A_491 = tpu.memref_squeeze %dma_start3A_490 : memref<1x128xf32, #tpu.memory_space<vmem>> -> memref<128xf32, #tpu.memory_space<vmem>>
      %dma_start3A_492 = arith.constant 0 : i32
      %dma_start3A_493 = tpu.memref_slice %arg10[%dma_start3A_487, %dma_start3A_492] : memref<16x128xi32, #tpu.memory_space<vmem>> -> memref<1x128xi32, #tpu.memory_space<vmem>>
      %dma_start3A_494 = tpu.memref_squeeze %dma_start3A_493 : memref<1x128xi32, #tpu.memory_space<vmem>> -> memref<128xi32, #tpu.memory_space<vmem>>
      %dma_start3A_495 = arith.constant 0 : i32
      %dma_start3A_496 = tpu.memref_slice %arg8[%dma_start3A_495] : memref<100096xf32, #tpu.memory_space<vmem_shared>> -> memref<100096xf32, #tpu.memory_space<vmem_shared>>
      tpu.enqueue_indirect_dma source(%dma_start3A_496 : memref<100096xf32, #tpu.memory_space<vmem_shared>>) target(%dma_start3A_491 : memref<128xf32, #tpu.memory_space<vmem>>) offsets(%dma_start3A_494 : memref<128xi32, #tpu.memory_space<vmem>>) semaphore(%arg13 : memref<!tpu.dma_semaphore, #tpu.memory_space<semaphore_mem>>)
      %dma_start3A_497 = arith.constant 6 : i32
      %dma_start3A_498 = arith.constant 6 : i32
      %dma_start3A_499 = arith.constant 0 : i32
      %dma_start3A_500 = tpu.memref_slice %arg12[%dma_start3A_498, %dma_start3A_499] : memref<16x128xf32, #tpu.memory_space<vmem>> -> memref<1x128xf32, #tpu.memory_space<vmem>>
      %dma_start3A_501 = tpu.memref_squeeze %dma_start3A_500 : memref<1x128xf32, #tpu.memory_space<vmem>> -> memref<128xf32, #tpu.memory_space<vmem>>
      %dma_start3A_502 = arith.constant 0 : i32
      %dma_start3A_503 = tpu.memref_slice %arg10[%dma_start3A_497, %dma_start3A_502] : memref<16x128xi32, #tpu.memory_space<vmem>> -> memref<1x128xi32, #tpu.memory_space<vmem>>
      %dma_start3A_504 = tpu.memref_squeeze %dma_start3A_503 : memref<1x128xi32, #tpu.memory_space<vmem>> -> memref<128xi32, #tpu.memory_space<vmem>>
      %dma_start3A_505 = arith.constant 0 : i32
      %dma_start3A_506 = tpu.memref_slice %arg8[%dma_start3A_505] : memref<100096xf32, #tpu.memory_space<vmem_shared>> -> memref<100096xf32, #tpu.memory_space<vmem_shared>>
      tpu.enqueue_indirect_dma source(%dma_start3A_506 : memref<100096xf32, #tpu.memory_space<vmem_shared>>) target(%dma_start3A_501 : memref<128xf32, #tpu.memory_space<vmem>>) offsets(%dma_start3A_504 : memref<128xi32, #tpu.memory_space<vmem>>) semaphore(%arg13 : memref<!tpu.dma_semaphore, #tpu.memory_space<semaphore_mem>>)
      %dma_start3A_507 = arith.constant 7 : i32
      %dma_start3A_508 = arith.constant 7 : i32
      %dma_start3A_509 = arith.constant 0 : i32
      %dma_start3A_510 = tpu.memref_slice %arg12[%dma_start3A_508, %dma_start3A_509] : memref<16x128xf32, #tpu.memory_space<vmem>> -> memref<1x128xf32, #tpu.memory_space<vmem>>
      %dma_start3A_511 = tpu.memref_squeeze %dma_start3A_510 : memref<1x128xf32, #tpu.memory_space<vmem>> -> memref<128xf32, #tpu.memory_space<vmem>>
      %dma_start3A_512 = arith.constant 0 : i32
      %dma_start3A_513 = tpu.memref_slice %arg10[%dma_start3A_507, %dma_start3A_512] : memref<16x128xi32, #tpu.memory_space<vmem>> -> memref<1x128xi32, #tpu.memory_space<vmem>>
      %dma_start3A_514 = tpu.memref_squeeze %dma_start3A_513 : memref<1x128xi32, #tpu.memory_space<vmem>> -> memref<128xi32, #tpu.memory_space<vmem>>
      %dma_start3A_515 = arith.constant 0 : i32
      %dma_start3A_516 = tpu.memref_slice %arg8[%dma_start3A_515] : memref<100096xf32, #tpu.memory_space<vmem_shared>> -> memref<100096xf32, #tpu.memory_space<vmem_shared>>
      tpu.enqueue_indirect_dma source(%dma_start3A_516 : memref<100096xf32, #tpu.memory_space<vmem_shared>>) target(%dma_start3A_511 : memref<128xf32, #tpu.memory_space<vmem>>) offsets(%dma_start3A_514 : memref<128xi32, #tpu.memory_space<vmem>>) semaphore(%arg13 : memref<!tpu.dma_semaphore, #tpu.memory_space<semaphore_mem>>)
      %dma_start3A_517 = arith.constant 8 : i32
      %dma_start3A_518 = arith.constant 8 : i32
      %dma_start3A_519 = arith.constant 0 : i32
      %dma_start3A_520 = tpu.memref_slice %arg12[%dma_start3A_518, %dma_start3A_519] : memref<16x128xf32, #tpu.memory_space<vmem>> -> memref<1x128xf32, #tpu.memory_space<vmem>>
      %dma_start3A_521 = tpu.memref_squeeze %dma_start3A_520 : memref<1x128xf32, #tpu.memory_space<vmem>> -> memref<128xf32, #tpu.memory_space<vmem>>
      %dma_start3A_522 = arith.constant 0 : i32
      %dma_start3A_523 = tpu.memref_slice %arg10[%dma_start3A_517, %dma_start3A_522] : memref<16x128xi32, #tpu.memory_space<vmem>> -> memref<1x128xi32, #tpu.memory_space<vmem>>
      %dma_start3A_524 = tpu.memref_squeeze %dma_start3A_523 : memref<1x128xi32, #tpu.memory_space<vmem>> -> memref<128xi32, #tpu.memory_space<vmem>>
      %dma_start3A_525 = arith.constant 0 : i32
      %dma_start3A_526 = tpu.memref_slice %arg8[%dma_start3A_525] : memref<100096xf32, #tpu.memory_space<vmem_shared>> -> memref<100096xf32, #tpu.memory_space<vmem_shared>>
      tpu.enqueue_indirect_dma source(%dma_start3A_526 : memref<100096xf32, #tpu.memory_space<vmem_shared>>) target(%dma_start3A_521 : memref<128xf32, #tpu.memory_space<vmem>>) offsets(%dma_start3A_524 : memref<128xi32, #tpu.memory_space<vmem>>) semaphore(%arg13 : memref<!tpu.dma_semaphore, #tpu.memory_space<semaphore_mem>>)
      %dma_start3A_527 = arith.constant 9 : i32
      %dma_start3A_528 = arith.constant 9 : i32
      %dma_start3A_529 = arith.constant 0 : i32
      %dma_start3A_530 = tpu.memref_slice %arg12[%dma_start3A_528, %dma_start3A_529] : memref<16x128xf32, #tpu.memory_space<vmem>> -> memref<1x128xf32, #tpu.memory_space<vmem>>
      %dma_start3A_531 = tpu.memref_squeeze %dma_start3A_530 : memref<1x128xf32, #tpu.memory_space<vmem>> -> memref<128xf32, #tpu.memory_space<vmem>>
      %dma_start3A_532 = arith.constant 0 : i32
      %dma_start3A_533 = tpu.memref_slice %arg10[%dma_start3A_527, %dma_start3A_532] : memref<16x128xi32, #tpu.memory_space<vmem>> -> memref<1x128xi32, #tpu.memory_space<vmem>>
      %dma_start3A_534 = tpu.memref_squeeze %dma_start3A_533 : memref<1x128xi32, #tpu.memory_space<vmem>> -> memref<128xi32, #tpu.memory_space<vmem>>
      %dma_start3A_535 = arith.constant 0 : i32
      %dma_start3A_536 = tpu.memref_slice %arg8[%dma_start3A_535] : memref<100096xf32, #tpu.memory_space<vmem_shared>> -> memref<100096xf32, #tpu.memory_space<vmem_shared>>
      tpu.enqueue_indirect_dma source(%dma_start3A_536 : memref<100096xf32, #tpu.memory_space<vmem_shared>>) target(%dma_start3A_531 : memref<128xf32, #tpu.memory_space<vmem>>) offsets(%dma_start3A_534 : memref<128xi32, #tpu.memory_space<vmem>>) semaphore(%arg13 : memref<!tpu.dma_semaphore, #tpu.memory_space<semaphore_mem>>)
      %dma_start3A_537 = arith.constant 10 : i32
      %dma_start3A_538 = arith.constant 10 : i32
      %dma_start3A_539 = arith.constant 0 : i32
      %dma_start3A_540 = tpu.memref_slice %arg12[%dma_start3A_538, %dma_start3A_539] : memref<16x128xf32, #tpu.memory_space<vmem>> -> memref<1x128xf32, #tpu.memory_space<vmem>>
      %dma_start3A_541 = tpu.memref_squeeze %dma_start3A_540 : memref<1x128xf32, #tpu.memory_space<vmem>> -> memref<128xf32, #tpu.memory_space<vmem>>
      %dma_start3A_542 = arith.constant 0 : i32
      %dma_start3A_543 = tpu.memref_slice %arg10[%dma_start3A_537, %dma_start3A_542] : memref<16x128xi32, #tpu.memory_space<vmem>> -> memref<1x128xi32, #tpu.memory_space<vmem>>
      %dma_start3A_544 = tpu.memref_squeeze %dma_start3A_543 : memref<1x128xi32, #tpu.memory_space<vmem>> -> memref<128xi32, #tpu.memory_space<vmem>>
      %dma_start3A_545 = arith.constant 0 : i32
      %dma_start3A_546 = tpu.memref_slice %arg8[%dma_start3A_545] : memref<100096xf32, #tpu.memory_space<vmem_shared>> -> memref<100096xf32, #tpu.memory_space<vmem_shared>>
      tpu.enqueue_indirect_dma source(%dma_start3A_546 : memref<100096xf32, #tpu.memory_space<vmem_shared>>) target(%dma_start3A_541 : memref<128xf32, #tpu.memory_space<vmem>>) offsets(%dma_start3A_544 : memref<128xi32, #tpu.memory_space<vmem>>) semaphore(%arg13 : memref<!tpu.dma_semaphore, #tpu.memory_space<semaphore_mem>>)
      %dma_start3A_547 = arith.constant 11 : i32
      %dma_start3A_548 = arith.constant 11 : i32
      %dma_start3A_549 = arith.constant 0 : i32
      %dma_start3A_550 = tpu.memref_slice %arg12[%dma_start3A_548, %dma_start3A_549] : memref<16x128xf32, #tpu.memory_space<vmem>> -> memref<1x128xf32, #tpu.memory_space<vmem>>
      %dma_start3A_551 = tpu.memref_squeeze %dma_start3A_550 : memref<1x128xf32, #tpu.memory_space<vmem>> -> memref<128xf32, #tpu.memory_space<vmem>>
      %dma_start3A_552 = arith.constant 0 : i32
      %dma_start3A_553 = tpu.memref_slice %arg10[%dma_start3A_547, %dma_start3A_552] : memref<16x128xi32, #tpu.memory_space<vmem>> -> memref<1x128xi32, #tpu.memory_space<vmem>>
      %dma_start3A_554 = tpu.memref_squeeze %dma_start3A_553 : memref<1x128xi32, #tpu.memory_space<vmem>> -> memref<128xi32, #tpu.memory_space<vmem>>
      %dma_start3A_555 = arith.constant 0 : i32
      %dma_start3A_556 = tpu.memref_slice %arg8[%dma_start3A_555] : memref<100096xf32, #tpu.memory_space<vmem_shared>> -> memref<100096xf32, #tpu.memory_space<vmem_shared>>
      tpu.enqueue_indirect_dma source(%dma_start3A_556 : memref<100096xf32, #tpu.memory_space<vmem_shared>>) target(%dma_start3A_551 : memref<128xf32, #tpu.memory_space<vmem>>) offsets(%dma_start3A_554 : memref<128xi32, #tpu.memory_space<vmem>>) semaphore(%arg13 : memref<!tpu.dma_semaphore, #tpu.memory_space<semaphore_mem>>)
      %dma_start3A_557 = arith.constant 12 : i32
      %dma_start3A_558 = arith.constant 12 : i32
      %dma_start3A_559 = arith.constant 0 : i32
      %dma_start3A_560 = tpu.memref_slice %arg12[%dma_start3A_558, %dma_start3A_559] : memref<16x128xf32, #tpu.memory_space<vmem>> -> memref<1x128xf32, #tpu.memory_space<vmem>>
      %dma_start3A_561 = tpu.memref_squeeze %dma_start3A_560 : memref<1x128xf32, #tpu.memory_space<vmem>> -> memref<128xf32, #tpu.memory_space<vmem>>
      %dma_start3A_562 = arith.constant 0 : i32
      %dma_start3A_563 = tpu.memref_slice %arg10[%dma_start3A_557, %dma_start3A_562] : memref<16x128xi32, #tpu.memory_space<vmem>> -> memref<1x128xi32, #tpu.memory_space<vmem>>
      %dma_start3A_564 = tpu.memref_squeeze %dma_start3A_563 : memref<1x128xi32, #tpu.memory_space<vmem>> -> memref<128xi32, #tpu.memory_space<vmem>>
      %dma_start3A_565 = arith.constant 0 : i32
      %dma_start3A_566 = tpu.memref_slice %arg8[%dma_start3A_565] : memref<100096xf32, #tpu.memory_space<vmem_shared>> -> memref<100096xf32, #tpu.memory_space<vmem_shared>>
      tpu.enqueue_indirect_dma source(%dma_start3A_566 : memref<100096xf32, #tpu.memory_space<vmem_shared>>) target(%dma_start3A_561 : memref<128xf32, #tpu.memory_space<vmem>>) offsets(%dma_start3A_564 : memref<128xi32, #tpu.memory_space<vmem>>) semaphore(%arg13 : memref<!tpu.dma_semaphore, #tpu.memory_space<semaphore_mem>>)
      %dma_start3A_567 = arith.constant 13 : i32
      %dma_start3A_568 = arith.constant 13 : i32
      %dma_start3A_569 = arith.constant 0 : i32
      %dma_start3A_570 = tpu.memref_slice %arg12[%dma_start3A_568, %dma_start3A_569] : memref<16x128xf32, #tpu.memory_space<vmem>> -> memref<1x128xf32, #tpu.memory_space<vmem>>
      %dma_start3A_571 = tpu.memref_squeeze %dma_start3A_570 : memref<1x128xf32, #tpu.memory_space<vmem>> -> memref<128xf32, #tpu.memory_space<vmem>>
      %dma_start3A_572 = arith.constant 0 : i32
      %dma_start3A_573 = tpu.memref_slice %arg10[%dma_start3A_567, %dma_start3A_572] : memref<16x128xi32, #tpu.memory_space<vmem>> -> memref<1x128xi32, #tpu.memory_space<vmem>>
      %dma_start3A_574 = tpu.memref_squeeze %dma_start3A_573 : memref<1x128xi32, #tpu.memory_space<vmem>> -> memref<128xi32, #tpu.memory_space<vmem>>
      %dma_start3A_575 = arith.constant 0 : i32
      %dma_start3A_576 = tpu.memref_slice %arg8[%dma_start3A_575] : memref<100096xf32, #tpu.memory_space<vmem_shared>> -> memref<100096xf32, #tpu.memory_space<vmem_shared>>
      tpu.enqueue_indirect_dma source(%dma_start3A_576 : memref<100096xf32, #tpu.memory_space<vmem_shared>>) target(%dma_start3A_571 : memref<128xf32, #tpu.memory_space<vmem>>) offsets(%dma_start3A_574 : memref<128xi32, #tpu.memory_space<vmem>>) semaphore(%arg13 : memref<!tpu.dma_semaphore, #tpu.memory_space<semaphore_mem>>)
      %dma_start3A_577 = arith.constant 14 : i32
      %dma_start3A_578 = arith.constant 14 : i32
      %dma_start3A_579 = arith.constant 0 : i32
      %dma_start3A_580 = tpu.memref_slice %arg12[%dma_start3A_578, %dma_start3A_579] : memref<16x128xf32, #tpu.memory_space<vmem>> -> memref<1x128xf32, #tpu.memory_space<vmem>>
      %dma_start3A_581 = tpu.memref_squeeze %dma_start3A_580 : memref<1x128xf32, #tpu.memory_space<vmem>> -> memref<128xf32, #tpu.memory_space<vmem>>
      %dma_start3A_582 = arith.constant 0 : i32
      %dma_start3A_583 = tpu.memref_slice %arg10[%dma_start3A_577, %dma_start3A_582] : memref<16x128xi32, #tpu.memory_space<vmem>> -> memref<1x128xi32, #tpu.memory_space<vmem>>
      %dma_start3A_584 = tpu.memref_squeeze %dma_start3A_583 : memref<1x128xi32, #tpu.memory_space<vmem>> -> memref<128xi32, #tpu.memory_space<vmem>>
      %dma_start3A_585 = arith.constant 0 : i32
      %dma_start3A_586 = tpu.memref_slice %arg8[%dma_start3A_585] : memref<100096xf32, #tpu.memory_space<vmem_shared>> -> memref<100096xf32, #tpu.memory_space<vmem_shared>>
      tpu.enqueue_indirect_dma source(%dma_start3A_586 : memref<100096xf32, #tpu.memory_space<vmem_shared>>) target(%dma_start3A_581 : memref<128xf32, #tpu.memory_space<vmem>>) offsets(%dma_start3A_584 : memref<128xi32, #tpu.memory_space<vmem>>) semaphore(%arg13 : memref<!tpu.dma_semaphore, #tpu.memory_space<semaphore_mem>>)
      %dma_start3A_587 = arith.constant 15 : i32
      %dma_start3A_588 = arith.constant 15 : i32
      %dma_start3A_589 = arith.constant 0 : i32
      %dma_start3A_590 = tpu.memref_slice %arg12[%dma_start3A_588, %dma_start3A_589] : memref<16x128xf32, #tpu.memory_space<vmem>> -> memref<1x128xf32, #tpu.memory_space<vmem>>
      %dma_start3A_591 = tpu.memref_squeeze %dma_start3A_590 : memref<1x128xf32, #tpu.memory_space<vmem>> -> memref<128xf32, #tpu.memory_space<vmem>>
      %dma_start3A_592 = arith.constant 0 : i32
      %dma_start3A_593 = tpu.memref_slice %arg10[%dma_start3A_587, %dma_start3A_592] : memref<16x128xi32, #tpu.memory_space<vmem>> -> memref<1x128xi32, #tpu.memory_space<vmem>>
      %dma_start3A_594 = tpu.memref_squeeze %dma_start3A_593 : memref<1x128xi32, #tpu.memory_space<vmem>> -> memref<128xi32, #tpu.memory_space<vmem>>
      %dma_start3A_595 = arith.constant 0 : i32
      %dma_start3A_596 = tpu.memref_slice %arg8[%dma_start3A_595] : memref<100096xf32, #tpu.memory_space<vmem_shared>> -> memref<100096xf32, #tpu.memory_space<vmem_shared>>
      tpu.enqueue_indirect_dma source(%dma_start3A_596 : memref<100096xf32, #tpu.memory_space<vmem_shared>>) target(%dma_start3A_591 : memref<128xf32, #tpu.memory_space<vmem>>) offsets(%dma_start3A_594 : memref<128xi32, #tpu.memory_space<vmem>>) semaphore(%arg13 : memref<!tpu.dma_semaphore, #tpu.memory_space<semaphore_mem>>)
      %dma_wait3A_597 = arith.constant 0 : i32
      %dma_wait3A_598 = arith.constant 0 : i32
      %dma_wait3A_599 = arith.constant 0 : i32
      %dma_wait3A_600 = tpu.memref_slice %arg12[%dma_wait3A_598, %dma_wait3A_599] : memref<16x128xf32, #tpu.memory_space<vmem>> -> memref<1x128xf32, #tpu.memory_space<vmem>>
      %dma_wait3A_601 = tpu.memref_squeeze %dma_wait3A_600 : memref<1x128xf32, #tpu.memory_space<vmem>> -> memref<128xf32, #tpu.memory_space<vmem>>
      %dma_wait3A_602 = arith.constant 0 : i32
      %dma_wait3A_603 = tpu.memref_slice %arg10[%dma_wait3A_597, %dma_wait3A_602] : memref<16x128xi32, #tpu.memory_space<vmem>> -> memref<1x128xi32, #tpu.memory_space<vmem>>
      %dma_wait3A_604 = tpu.memref_squeeze %dma_wait3A_603 : memref<1x128xi32, #tpu.memory_space<vmem>> -> memref<128xi32, #tpu.memory_space<vmem>>
      %dma_wait3A_605 = arith.constant 0 : i32
      %dma_wait3A_606 = tpu.memref_slice %arg8[%dma_wait3A_605] : memref<100096xf32, #tpu.memory_space<vmem_shared>> -> memref<100096xf32, #tpu.memory_space<vmem_shared>>
      tpu.wait_indirect_dma semaphore(%arg13 : memref<!tpu.dma_semaphore, #tpu.memory_space<semaphore_mem>>) src(%dma_wait3A_606 : memref<100096xf32, #tpu.memory_space<vmem_shared>>) dst(%dma_wait3A_601 : memref<128xf32, #tpu.memory_space<vmem>>)
      %dma_wait3A_607 = arith.constant 1 : i32
      %dma_wait3A_608 = arith.constant 1 : i32
      %dma_wait3A_609 = arith.constant 0 : i32
      %dma_wait3A_610 = tpu.memref_slice %arg12[%dma_wait3A_608, %dma_wait3A_609] : memref<16x128xf32, #tpu.memory_space<vmem>> -> memref<1x128xf32, #tpu.memory_space<vmem>>
      %dma_wait3A_611 = tpu.memref_squeeze %dma_wait3A_610 : memref<1x128xf32, #tpu.memory_space<vmem>> -> memref<128xf32, #tpu.memory_space<vmem>>
      %dma_wait3A_612 = arith.constant 0 : i32
      %dma_wait3A_613 = tpu.memref_slice %arg10[%dma_wait3A_607, %dma_wait3A_612] : memref<16x128xi32, #tpu.memory_space<vmem>> -> memref<1x128xi32, #tpu.memory_space<vmem>>
      %dma_wait3A_614 = tpu.memref_squeeze %dma_wait3A_613 : memref<1x128xi32, #tpu.memory_space<vmem>> -> memref<128xi32, #tpu.memory_space<vmem>>
      %dma_wait3A_615 = arith.constant 0 : i32
      %dma_wait3A_616 = tpu.memref_slice %arg8[%dma_wait3A_615] : memref<100096xf32, #tpu.memory_space<vmem_shared>> -> memref<100096xf32, #tpu.memory_space<vmem_shared>>
      tpu.wait_indirect_dma semaphore(%arg13 : memref<!tpu.dma_semaphore, #tpu.memory_space<semaphore_mem>>) src(%dma_wait3A_616 : memref<100096xf32, #tpu.memory_space<vmem_shared>>) dst(%dma_wait3A_611 : memref<128xf32, #tpu.memory_space<vmem>>)
      %dma_wait3A_617 = arith.constant 2 : i32
      %dma_wait3A_618 = arith.constant 2 : i32
      %dma_wait3A_619 = arith.constant 0 : i32
      %dma_wait3A_620 = tpu.memref_slice %arg12[%dma_wait3A_618, %dma_wait3A_619] : memref<16x128xf32, #tpu.memory_space<vmem>> -> memref<1x128xf32, #tpu.memory_space<vmem>>
      %dma_wait3A_621 = tpu.memref_squeeze %dma_wait3A_620 : memref<1x128xf32, #tpu.memory_space<vmem>> -> memref<128xf32, #tpu.memory_space<vmem>>
      %dma_wait3A_622 = arith.constant 0 : i32
      %dma_wait3A_623 = tpu.memref_slice %arg10[%dma_wait3A_617, %dma_wait3A_622] : memref<16x128xi32, #tpu.memory_space<vmem>> -> memref<1x128xi32, #tpu.memory_space<vmem>>
      %dma_wait3A_624 = tpu.memref_squeeze %dma_wait3A_623 : memref<1x128xi32, #tpu.memory_space<vmem>> -> memref<128xi32, #tpu.memory_space<vmem>>
      %dma_wait3A_625 = arith.constant 0 : i32
      %dma_wait3A_626 = tpu.memref_slice %arg8[%dma_wait3A_625] : memref<100096xf32, #tpu.memory_space<vmem_shared>> -> memref<100096xf32, #tpu.memory_space<vmem_shared>>
      tpu.wait_indirect_dma semaphore(%arg13 : memref<!tpu.dma_semaphore, #tpu.memory_space<semaphore_mem>>) src(%dma_wait3A_626 : memref<100096xf32, #tpu.memory_space<vmem_shared>>) dst(%dma_wait3A_621 : memref<128xf32, #tpu.memory_space<vmem>>)
      %dma_wait3A_627 = arith.constant 3 : i32
      %dma_wait3A_628 = arith.constant 3 : i32
      %dma_wait3A_629 = arith.constant 0 : i32
      %dma_wait3A_630 = tpu.memref_slice %arg12[%dma_wait3A_628, %dma_wait3A_629] : memref<16x128xf32, #tpu.memory_space<vmem>> -> memref<1x128xf32, #tpu.memory_space<vmem>>
      %dma_wait3A_631 = tpu.memref_squeeze %dma_wait3A_630 : memref<1x128xf32, #tpu.memory_space<vmem>> -> memref<128xf32, #tpu.memory_space<vmem>>
      %dma_wait3A_632 = arith.constant 0 : i32
      %dma_wait3A_633 = tpu.memref_slice %arg10[%dma_wait3A_627, %dma_wait3A_632] : memref<16x128xi32, #tpu.memory_space<vmem>> -> memref<1x128xi32, #tpu.memory_space<vmem>>
      %dma_wait3A_634 = tpu.memref_squeeze %dma_wait3A_633 : memref<1x128xi32, #tpu.memory_space<vmem>> -> memref<128xi32, #tpu.memory_space<vmem>>
      %dma_wait3A_635 = arith.constant 0 : i32
      %dma_wait3A_636 = tpu.memref_slice %arg8[%dma_wait3A_635] : memref<100096xf32, #tpu.memory_space<vmem_shared>> -> memref<100096xf32, #tpu.memory_space<vmem_shared>>
      tpu.wait_indirect_dma semaphore(%arg13 : memref<!tpu.dma_semaphore, #tpu.memory_space<semaphore_mem>>) src(%dma_wait3A_636 : memref<100096xf32, #tpu.memory_space<vmem_shared>>) dst(%dma_wait3A_631 : memref<128xf32, #tpu.memory_space<vmem>>)
      %dma_wait3A_637 = arith.constant 4 : i32
      %dma_wait3A_638 = arith.constant 4 : i32
      %dma_wait3A_639 = arith.constant 0 : i32
      %dma_wait3A_640 = tpu.memref_slice %arg12[%dma_wait3A_638, %dma_wait3A_639] : memref<16x128xf32, #tpu.memory_space<vmem>> -> memref<1x128xf32, #tpu.memory_space<vmem>>
      %dma_wait3A_641 = tpu.memref_squeeze %dma_wait3A_640 : memref<1x128xf32, #tpu.memory_space<vmem>> -> memref<128xf32, #tpu.memory_space<vmem>>
      %dma_wait3A_642 = arith.constant 0 : i32
      %dma_wait3A_643 = tpu.memref_slice %arg10[%dma_wait3A_637, %dma_wait3A_642] : memref<16x128xi32, #tpu.memory_space<vmem>> -> memref<1x128xi32, #tpu.memory_space<vmem>>
      %dma_wait3A_644 = tpu.memref_squeeze %dma_wait3A_643 : memref<1x128xi32, #tpu.memory_space<vmem>> -> memref<128xi32, #tpu.memory_space<vmem>>
      %dma_wait3A_645 = arith.constant 0 : i32
      %dma_wait3A_646 = tpu.memref_slice %arg8[%dma_wait3A_645] : memref<100096xf32, #tpu.memory_space<vmem_shared>> -> memref<100096xf32, #tpu.memory_space<vmem_shared>>
      tpu.wait_indirect_dma semaphore(%arg13 : memref<!tpu.dma_semaphore, #tpu.memory_space<semaphore_mem>>) src(%dma_wait3A_646 : memref<100096xf32, #tpu.memory_space<vmem_shared>>) dst(%dma_wait3A_641 : memref<128xf32, #tpu.memory_space<vmem>>)
      %dma_wait3A_647 = arith.constant 5 : i32
      %dma_wait3A_648 = arith.constant 5 : i32
      %dma_wait3A_649 = arith.constant 0 : i32
      %dma_wait3A_650 = tpu.memref_slice %arg12[%dma_wait3A_648, %dma_wait3A_649] : memref<16x128xf32, #tpu.memory_space<vmem>> -> memref<1x128xf32, #tpu.memory_space<vmem>>
      %dma_wait3A_651 = tpu.memref_squeeze %dma_wait3A_650 : memref<1x128xf32, #tpu.memory_space<vmem>> -> memref<128xf32, #tpu.memory_space<vmem>>
      %dma_wait3A_652 = arith.constant 0 : i32
      %dma_wait3A_653 = tpu.memref_slice %arg10[%dma_wait3A_647, %dma_wait3A_652] : memref<16x128xi32, #tpu.memory_space<vmem>> -> memref<1x128xi32, #tpu.memory_space<vmem>>
      %dma_wait3A_654 = tpu.memref_squeeze %dma_wait3A_653 : memref<1x128xi32, #tpu.memory_space<vmem>> -> memref<128xi32, #tpu.memory_space<vmem>>
      %dma_wait3A_655 = arith.constant 0 : i32
      %dma_wait3A_656 = tpu.memref_slice %arg8[%dma_wait3A_655] : memref<100096xf32, #tpu.memory_space<vmem_shared>> -> memref<100096xf32, #tpu.memory_space<vmem_shared>>
      tpu.wait_indirect_dma semaphore(%arg13 : memref<!tpu.dma_semaphore, #tpu.memory_space<semaphore_mem>>) src(%dma_wait3A_656 : memref<100096xf32, #tpu.memory_space<vmem_shared>>) dst(%dma_wait3A_651 : memref<128xf32, #tpu.memory_space<vmem>>)
      %dma_wait3A_657 = arith.constant 6 : i32
      %dma_wait3A_658 = arith.constant 6 : i32
      %dma_wait3A_659 = arith.constant 0 : i32
      %dma_wait3A_660 = tpu.memref_slice %arg12[%dma_wait3A_658, %dma_wait3A_659] : memref<16x128xf32, #tpu.memory_space<vmem>> -> memref<1x128xf32, #tpu.memory_space<vmem>>
      %dma_wait3A_661 = tpu.memref_squeeze %dma_wait3A_660 : memref<1x128xf32, #tpu.memory_space<vmem>> -> memref<128xf32, #tpu.memory_space<vmem>>
      %dma_wait3A_662 = arith.constant 0 : i32
      %dma_wait3A_663 = tpu.memref_slice %arg10[%dma_wait3A_657, %dma_wait3A_662] : memref<16x128xi32, #tpu.memory_space<vmem>> -> memref<1x128xi32, #tpu.memory_space<vmem>>
      %dma_wait3A_664 = tpu.memref_squeeze %dma_wait3A_663 : memref<1x128xi32, #tpu.memory_space<vmem>> -> memref<128xi32, #tpu.memory_space<vmem>>
      %dma_wait3A_665 = arith.constant 0 : i32
      %dma_wait3A_666 = tpu.memref_slice %arg8[%dma_wait3A_665] : memref<100096xf32, #tpu.memory_space<vmem_shared>> -> memref<100096xf32, #tpu.memory_space<vmem_shared>>
      tpu.wait_indirect_dma semaphore(%arg13 : memref<!tpu.dma_semaphore, #tpu.memory_space<semaphore_mem>>) src(%dma_wait3A_666 : memref<100096xf32, #tpu.memory_space<vmem_shared>>) dst(%dma_wait3A_661 : memref<128xf32, #tpu.memory_space<vmem>>)
      %dma_wait3A_667 = arith.constant 7 : i32
      %dma_wait3A_668 = arith.constant 7 : i32
      %dma_wait3A_669 = arith.constant 0 : i32
      %dma_wait3A_670 = tpu.memref_slice %arg12[%dma_wait3A_668, %dma_wait3A_669] : memref<16x128xf32, #tpu.memory_space<vmem>> -> memref<1x128xf32, #tpu.memory_space<vmem>>
      %dma_wait3A_671 = tpu.memref_squeeze %dma_wait3A_670 : memref<1x128xf32, #tpu.memory_space<vmem>> -> memref<128xf32, #tpu.memory_space<vmem>>
      %dma_wait3A_672 = arith.constant 0 : i32
      %dma_wait3A_673 = tpu.memref_slice %arg10[%dma_wait3A_667, %dma_wait3A_672] : memref<16x128xi32, #tpu.memory_space<vmem>> -> memref<1x128xi32, #tpu.memory_space<vmem>>
      %dma_wait3A_674 = tpu.memref_squeeze %dma_wait3A_673 : memref<1x128xi32, #tpu.memory_space<vmem>> -> memref<128xi32, #tpu.memory_space<vmem>>
      %dma_wait3A_675 = arith.constant 0 : i32
      %dma_wait3A_676 = tpu.memref_slice %arg8[%dma_wait3A_675] : memref<100096xf32, #tpu.memory_space<vmem_shared>> -> memref<100096xf32, #tpu.memory_space<vmem_shared>>
      tpu.wait_indirect_dma semaphore(%arg13 : memref<!tpu.dma_semaphore, #tpu.memory_space<semaphore_mem>>) src(%dma_wait3A_676 : memref<100096xf32, #tpu.memory_space<vmem_shared>>) dst(%dma_wait3A_671 : memref<128xf32, #tpu.memory_space<vmem>>)
      %dma_wait3A_677 = arith.constant 8 : i32
      %dma_wait3A_678 = arith.constant 8 : i32
      %dma_wait3A_679 = arith.constant 0 : i32
      %dma_wait3A_680 = tpu.memref_slice %arg12[%dma_wait3A_678, %dma_wait3A_679] : memref<16x128xf32, #tpu.memory_space<vmem>> -> memref<1x128xf32, #tpu.memory_space<vmem>>
      %dma_wait3A_681 = tpu.memref_squeeze %dma_wait3A_680 : memref<1x128xf32, #tpu.memory_space<vmem>> -> memref<128xf32, #tpu.memory_space<vmem>>
      %dma_wait3A_682 = arith.constant 0 : i32
      %dma_wait3A_683 = tpu.memref_slice %arg10[%dma_wait3A_677, %dma_wait3A_682] : memref<16x128xi32, #tpu.memory_space<vmem>> -> memref<1x128xi32, #tpu.memory_space<vmem>>
      %dma_wait3A_684 = tpu.memref_squeeze %dma_wait3A_683 : memref<1x128xi32, #tpu.memory_space<vmem>> -> memref<128xi32, #tpu.memory_space<vmem>>
      %dma_wait3A_685 = arith.constant 0 : i32
      %dma_wait3A_686 = tpu.memref_slice %arg8[%dma_wait3A_685] : memref<100096xf32, #tpu.memory_space<vmem_shared>> -> memref<100096xf32, #tpu.memory_space<vmem_shared>>
      tpu.wait_indirect_dma semaphore(%arg13 : memref<!tpu.dma_semaphore, #tpu.memory_space<semaphore_mem>>) src(%dma_wait3A_686 : memref<100096xf32, #tpu.memory_space<vmem_shared>>) dst(%dma_wait3A_681 : memref<128xf32, #tpu.memory_space<vmem>>)
      %dma_wait3A_687 = arith.constant 9 : i32
      %dma_wait3A_688 = arith.constant 9 : i32
      %dma_wait3A_689 = arith.constant 0 : i32
      %dma_wait3A_690 = tpu.memref_slice %arg12[%dma_wait3A_688, %dma_wait3A_689] : memref<16x128xf32, #tpu.memory_space<vmem>> -> memref<1x128xf32, #tpu.memory_space<vmem>>
      %dma_wait3A_691 = tpu.memref_squeeze %dma_wait3A_690 : memref<1x128xf32, #tpu.memory_space<vmem>> -> memref<128xf32, #tpu.memory_space<vmem>>
      %dma_wait3A_692 = arith.constant 0 : i32
      %dma_wait3A_693 = tpu.memref_slice %arg10[%dma_wait3A_687, %dma_wait3A_692] : memref<16x128xi32, #tpu.memory_space<vmem>> -> memref<1x128xi32, #tpu.memory_space<vmem>>
      %dma_wait3A_694 = tpu.memref_squeeze %dma_wait3A_693 : memref<1x128xi32, #tpu.memory_space<vmem>> -> memref<128xi32, #tpu.memory_space<vmem>>
      %dma_wait3A_695 = arith.constant 0 : i32
      %dma_wait3A_696 = tpu.memref_slice %arg8[%dma_wait3A_695] : memref<100096xf32, #tpu.memory_space<vmem_shared>> -> memref<100096xf32, #tpu.memory_space<vmem_shared>>
      tpu.wait_indirect_dma semaphore(%arg13 : memref<!tpu.dma_semaphore, #tpu.memory_space<semaphore_mem>>) src(%dma_wait3A_696 : memref<100096xf32, #tpu.memory_space<vmem_shared>>) dst(%dma_wait3A_691 : memref<128xf32, #tpu.memory_space<vmem>>)
      %dma_wait3A_697 = arith.constant 10 : i32
      %dma_wait3A_698 = arith.constant 10 : i32
      %dma_wait3A_699 = arith.constant 0 : i32
      %dma_wait3A_700 = tpu.memref_slice %arg12[%dma_wait3A_698, %dma_wait3A_699] : memref<16x128xf32, #tpu.memory_space<vmem>> -> memref<1x128xf32, #tpu.memory_space<vmem>>
      %dma_wait3A_701 = tpu.memref_squeeze %dma_wait3A_700 : memref<1x128xf32, #tpu.memory_space<vmem>> -> memref<128xf32, #tpu.memory_space<vmem>>
      %dma_wait3A_702 = arith.constant 0 : i32
      %dma_wait3A_703 = tpu.memref_slice %arg10[%dma_wait3A_697, %dma_wait3A_702] : memref<16x128xi32, #tpu.memory_space<vmem>> -> memref<1x128xi32, #tpu.memory_space<vmem>>
      %dma_wait3A_704 = tpu.memref_squeeze %dma_wait3A_703 : memref<1x128xi32, #tpu.memory_space<vmem>> -> memref<128xi32, #tpu.memory_space<vmem>>
      %dma_wait3A_705 = arith.constant 0 : i32
      %dma_wait3A_706 = tpu.memref_slice %arg8[%dma_wait3A_705] : memref<100096xf32, #tpu.memory_space<vmem_shared>> -> memref<100096xf32, #tpu.memory_space<vmem_shared>>
      tpu.wait_indirect_dma semaphore(%arg13 : memref<!tpu.dma_semaphore, #tpu.memory_space<semaphore_mem>>) src(%dma_wait3A_706 : memref<100096xf32, #tpu.memory_space<vmem_shared>>) dst(%dma_wait3A_701 : memref<128xf32, #tpu.memory_space<vmem>>)
      %dma_wait3A_707 = arith.constant 11 : i32
      %dma_wait3A_708 = arith.constant 11 : i32
      %dma_wait3A_709 = arith.constant 0 : i32
      %dma_wait3A_710 = tpu.memref_slice %arg12[%dma_wait3A_708, %dma_wait3A_709] : memref<16x128xf32, #tpu.memory_space<vmem>> -> memref<1x128xf32, #tpu.memory_space<vmem>>
      %dma_wait3A_711 = tpu.memref_squeeze %dma_wait3A_710 : memref<1x128xf32, #tpu.memory_space<vmem>> -> memref<128xf32, #tpu.memory_space<vmem>>
      %dma_wait3A_712 = arith.constant 0 : i32
      %dma_wait3A_713 = tpu.memref_slice %arg10[%dma_wait3A_707, %dma_wait3A_712] : memref<16x128xi32, #tpu.memory_space<vmem>> -> memref<1x128xi32, #tpu.memory_space<vmem>>
      %dma_wait3A_714 = tpu.memref_squeeze %dma_wait3A_713 : memref<1x128xi32, #tpu.memory_space<vmem>> -> memref<128xi32, #tpu.memory_space<vmem>>
      %dma_wait3A_715 = arith.constant 0 : i32
      %dma_wait3A_716 = tpu.memref_slice %arg8[%dma_wait3A_715] : memref<100096xf32, #tpu.memory_space<vmem_shared>> -> memref<100096xf32, #tpu.memory_space<vmem_shared>>
      tpu.wait_indirect_dma semaphore(%arg13 : memref<!tpu.dma_semaphore, #tpu.memory_space<semaphore_mem>>) src(%dma_wait3A_716 : memref<100096xf32, #tpu.memory_space<vmem_shared>>) dst(%dma_wait3A_711 : memref<128xf32, #tpu.memory_space<vmem>>)
      %dma_wait3A_717 = arith.constant 12 : i32
      %dma_wait3A_718 = arith.constant 12 : i32
      %dma_wait3A_719 = arith.constant 0 : i32
      %dma_wait3A_720 = tpu.memref_slice %arg12[%dma_wait3A_718, %dma_wait3A_719] : memref<16x128xf32, #tpu.memory_space<vmem>> -> memref<1x128xf32, #tpu.memory_space<vmem>>
      %dma_wait3A_721 = tpu.memref_squeeze %dma_wait3A_720 : memref<1x128xf32, #tpu.memory_space<vmem>> -> memref<128xf32, #tpu.memory_space<vmem>>
      %dma_wait3A_722 = arith.constant 0 : i32
      %dma_wait3A_723 = tpu.memref_slice %arg10[%dma_wait3A_717, %dma_wait3A_722] : memref<16x128xi32, #tpu.memory_space<vmem>> -> memref<1x128xi32, #tpu.memory_space<vmem>>
      %dma_wait3A_724 = tpu.memref_squeeze %dma_wait3A_723 : memref<1x128xi32, #tpu.memory_space<vmem>> -> memref<128xi32, #tpu.memory_space<vmem>>
      %dma_wait3A_725 = arith.constant 0 : i32
      %dma_wait3A_726 = tpu.memref_slice %arg8[%dma_wait3A_725] : memref<100096xf32, #tpu.memory_space<vmem_shared>> -> memref<100096xf32, #tpu.memory_space<vmem_shared>>
      tpu.wait_indirect_dma semaphore(%arg13 : memref<!tpu.dma_semaphore, #tpu.memory_space<semaphore_mem>>) src(%dma_wait3A_726 : memref<100096xf32, #tpu.memory_space<vmem_shared>>) dst(%dma_wait3A_721 : memref<128xf32, #tpu.memory_space<vmem>>)
      %dma_wait3A_727 = arith.constant 13 : i32
      %dma_wait3A_728 = arith.constant 13 : i32
      %dma_wait3A_729 = arith.constant 0 : i32
      %dma_wait3A_730 = tpu.memref_slice %arg12[%dma_wait3A_728, %dma_wait3A_729] : memref<16x128xf32, #tpu.memory_space<vmem>> -> memref<1x128xf32, #tpu.memory_space<vmem>>
      %dma_wait3A_731 = tpu.memref_squeeze %dma_wait3A_730 : memref<1x128xf32, #tpu.memory_space<vmem>> -> memref<128xf32, #tpu.memory_space<vmem>>
      %dma_wait3A_732 = arith.constant 0 : i32
      %dma_wait3A_733 = tpu.memref_slice %arg10[%dma_wait3A_727, %dma_wait3A_732] : memref<16x128xi32, #tpu.memory_space<vmem>> -> memref<1x128xi32, #tpu.memory_space<vmem>>
      %dma_wait3A_734 = tpu.memref_squeeze %dma_wait3A_733 : memref<1x128xi32, #tpu.memory_space<vmem>> -> memref<128xi32, #tpu.memory_space<vmem>>
      %dma_wait3A_735 = arith.constant 0 : i32
      %dma_wait3A_736 = tpu.memref_slice %arg8[%dma_wait3A_735] : memref<100096xf32, #tpu.memory_space<vmem_shared>> -> memref<100096xf32, #tpu.memory_space<vmem_shared>>
      tpu.wait_indirect_dma semaphore(%arg13 : memref<!tpu.dma_semaphore, #tpu.memory_space<semaphore_mem>>) src(%dma_wait3A_736 : memref<100096xf32, #tpu.memory_space<vmem_shared>>) dst(%dma_wait3A_731 : memref<128xf32, #tpu.memory_space<vmem>>)
      %dma_wait3A_737 = arith.constant 14 : i32
      %dma_wait3A_738 = arith.constant 14 : i32
      %dma_wait3A_739 = arith.constant 0 : i32
      %dma_wait3A_740 = tpu.memref_slice %arg12[%dma_wait3A_738, %dma_wait3A_739] : memref<16x128xf32, #tpu.memory_space<vmem>> -> memref<1x128xf32, #tpu.memory_space<vmem>>
      %dma_wait3A_741 = tpu.memref_squeeze %dma_wait3A_740 : memref<1x128xf32, #tpu.memory_space<vmem>> -> memref<128xf32, #tpu.memory_space<vmem>>
      %dma_wait3A_742 = arith.constant 0 : i32
      %dma_wait3A_743 = tpu.memref_slice %arg10[%dma_wait3A_737, %dma_wait3A_742] : memref<16x128xi32, #tpu.memory_space<vmem>> -> memref<1x128xi32, #tpu.memory_space<vmem>>
      %dma_wait3A_744 = tpu.memref_squeeze %dma_wait3A_743 : memref<1x128xi32, #tpu.memory_space<vmem>> -> memref<128xi32, #tpu.memory_space<vmem>>
      %dma_wait3A_745 = arith.constant 0 : i32
      %dma_wait3A_746 = tpu.memref_slice %arg8[%dma_wait3A_745] : memref<100096xf32, #tpu.memory_space<vmem_shared>> -> memref<100096xf32, #tpu.memory_space<vmem_shared>>
      tpu.wait_indirect_dma semaphore(%arg13 : memref<!tpu.dma_semaphore, #tpu.memory_space<semaphore_mem>>) src(%dma_wait3A_746 : memref<100096xf32, #tpu.memory_space<vmem_shared>>) dst(%dma_wait3A_741 : memref<128xf32, #tpu.memory_space<vmem>>)
      %dma_wait3A_747 = arith.constant 15 : i32
      %dma_wait3A_748 = arith.constant 15 : i32
      %dma_wait3A_749 = arith.constant 0 : i32
      %dma_wait3A_750 = tpu.memref_slice %arg12[%dma_wait3A_748, %dma_wait3A_749] : memref<16x128xf32, #tpu.memory_space<vmem>> -> memref<1x128xf32, #tpu.memory_space<vmem>>
      %dma_wait3A_751 = tpu.memref_squeeze %dma_wait3A_750 : memref<1x128xf32, #tpu.memory_space<vmem>> -> memref<128xf32, #tpu.memory_space<vmem>>
      %dma_wait3A_752 = arith.constant 0 : i32
      %dma_wait3A_753 = tpu.memref_slice %arg10[%dma_wait3A_747, %dma_wait3A_752] : memref<16x128xi32, #tpu.memory_space<vmem>> -> memref<1x128xi32, #tpu.memory_space<vmem>>
      %dma_wait3A_754 = tpu.memref_squeeze %dma_wait3A_753 : memref<1x128xi32, #tpu.memory_space<vmem>> -> memref<128xi32, #tpu.memory_space<vmem>>
      %dma_wait3A_755 = arith.constant 0 : i32
      %dma_wait3A_756 = tpu.memref_slice %arg8[%dma_wait3A_755] : memref<100096xf32, #tpu.memory_space<vmem_shared>> -> memref<100096xf32, #tpu.memory_space<vmem_shared>>
      tpu.wait_indirect_dma semaphore(%arg13 : memref<!tpu.dma_semaphore, #tpu.memory_space<semaphore_mem>>) src(%dma_wait3A_756 : memref<100096xf32, #tpu.memory_space<vmem_shared>>) dst(%dma_wait3A_751 : memref<128xf32, #tpu.memory_space<vmem>>)
      %dma_start3A_757 = arith.constant 0 : i32
      %dma_start3A_758 = arith.constant 0 : i32
      %dma_start3A_759 = arith.constant 0 : i32
      %dma_start3A_760 = tpu.memref_slice %arg12[%dma_start3A_757, %dma_start3A_759] : memref<16x128xf32, #tpu.memory_space<vmem>> -> memref<1x128xf32, #tpu.memory_space<vmem>>
      %dma_start3A_761 = tpu.memref_squeeze %dma_start3A_760 : memref<1x128xf32, #tpu.memory_space<vmem>> -> memref<128xf32, #tpu.memory_space<vmem>>
      %dma_start3A_762 = arith.constant 0 : i32
      %dma_start3A_763 = tpu.memref_slice %arg11[%dma_start3A_758, %dma_start3A_762] : memref<16x128xi32, #tpu.memory_space<vmem>> -> memref<1x128xi32, #tpu.memory_space<vmem>>
      %dma_start3A_764 = tpu.memref_squeeze %dma_start3A_763 : memref<1x128xi32, #tpu.memory_space<vmem>> -> memref<128xi32, #tpu.memory_space<vmem>>
      %dma_start3A_765 = arith.constant 0 : i32
      %dma_start3A_766 = tpu.memref_slice %arg7[%dma_start3A_765] : memref<100096xf32, #tpu.memory_space<vmem_shared>> -> memref<100096xf32, #tpu.memory_space<vmem_shared>>
      tpu.enqueue_indirect_dma source(%dma_start3A_761 : memref<128xf32, #tpu.memory_space<vmem>>) target(%dma_start3A_766 : memref<100096xf32, #tpu.memory_space<vmem_shared>>) offsets(%dma_start3A_764 : memref<128xi32, #tpu.memory_space<vmem>>) semaphore(%arg13 : memref<!tpu.dma_semaphore, #tpu.memory_space<semaphore_mem>>) {add = true}
      %dma_start3A_767 = arith.constant 1 : i32
      %dma_start3A_768 = arith.constant 1 : i32
      %dma_start3A_769 = arith.constant 0 : i32
      %dma_start3A_770 = tpu.memref_slice %arg12[%dma_start3A_767, %dma_start3A_769] : memref<16x128xf32, #tpu.memory_space<vmem>> -> memref<1x128xf32, #tpu.memory_space<vmem>>
      %dma_start3A_771 = tpu.memref_squeeze %dma_start3A_770 : memref<1x128xf32, #tpu.memory_space<vmem>> -> memref<128xf32, #tpu.memory_space<vmem>>
      %dma_start3A_772 = arith.constant 0 : i32
      %dma_start3A_773 = tpu.memref_slice %arg11[%dma_start3A_768, %dma_start3A_772] : memref<16x128xi32, #tpu.memory_space<vmem>> -> memref<1x128xi32, #tpu.memory_space<vmem>>
      %dma_start3A_774 = tpu.memref_squeeze %dma_start3A_773 : memref<1x128xi32, #tpu.memory_space<vmem>> -> memref<128xi32, #tpu.memory_space<vmem>>
      %dma_start3A_775 = arith.constant 0 : i32
      %dma_start3A_776 = tpu.memref_slice %arg7[%dma_start3A_775] : memref<100096xf32, #tpu.memory_space<vmem_shared>> -> memref<100096xf32, #tpu.memory_space<vmem_shared>>
      tpu.enqueue_indirect_dma source(%dma_start3A_771 : memref<128xf32, #tpu.memory_space<vmem>>) target(%dma_start3A_776 : memref<100096xf32, #tpu.memory_space<vmem_shared>>) offsets(%dma_start3A_774 : memref<128xi32, #tpu.memory_space<vmem>>) semaphore(%arg13 : memref<!tpu.dma_semaphore, #tpu.memory_space<semaphore_mem>>) {add = true}
      %dma_start3A_777 = arith.constant 2 : i32
      %dma_start3A_778 = arith.constant 2 : i32
      %dma_start3A_779 = arith.constant 0 : i32
      %dma_start3A_780 = tpu.memref_slice %arg12[%dma_start3A_777, %dma_start3A_779] : memref<16x128xf32, #tpu.memory_space<vmem>> -> memref<1x128xf32, #tpu.memory_space<vmem>>
      %dma_start3A_781 = tpu.memref_squeeze %dma_start3A_780 : memref<1x128xf32, #tpu.memory_space<vmem>> -> memref<128xf32, #tpu.memory_space<vmem>>
      %dma_start3A_782 = arith.constant 0 : i32
      %dma_start3A_783 = tpu.memref_slice %arg11[%dma_start3A_778, %dma_start3A_782] : memref<16x128xi32, #tpu.memory_space<vmem>> -> memref<1x128xi32, #tpu.memory_space<vmem>>
      %dma_start3A_784 = tpu.memref_squeeze %dma_start3A_783 : memref<1x128xi32, #tpu.memory_space<vmem>> -> memref<128xi32, #tpu.memory_space<vmem>>
      %dma_start3A_785 = arith.constant 0 : i32
      %dma_start3A_786 = tpu.memref_slice %arg7[%dma_start3A_785] : memref<100096xf32, #tpu.memory_space<vmem_shared>> -> memref<100096xf32, #tpu.memory_space<vmem_shared>>
      tpu.enqueue_indirect_dma source(%dma_start3A_781 : memref<128xf32, #tpu.memory_space<vmem>>) target(%dma_start3A_786 : memref<100096xf32, #tpu.memory_space<vmem_shared>>) offsets(%dma_start3A_784 : memref<128xi32, #tpu.memory_space<vmem>>) semaphore(%arg13 : memref<!tpu.dma_semaphore, #tpu.memory_space<semaphore_mem>>) {add = true}
      %dma_start3A_787 = arith.constant 3 : i32
      %dma_start3A_788 = arith.constant 3 : i32
      %dma_start3A_789 = arith.constant 0 : i32
      %dma_start3A_790 = tpu.memref_slice %arg12[%dma_start3A_787, %dma_start3A_789] : memref<16x128xf32, #tpu.memory_space<vmem>> -> memref<1x128xf32, #tpu.memory_space<vmem>>
      %dma_start3A_791 = tpu.memref_squeeze %dma_start3A_790 : memref<1x128xf32, #tpu.memory_space<vmem>> -> memref<128xf32, #tpu.memory_space<vmem>>
      %dma_start3A_792 = arith.constant 0 : i32
      %dma_start3A_793 = tpu.memref_slice %arg11[%dma_start3A_788, %dma_start3A_792] : memref<16x128xi32, #tpu.memory_space<vmem>> -> memref<1x128xi32, #tpu.memory_space<vmem>>
      %dma_start3A_794 = tpu.memref_squeeze %dma_start3A_793 : memref<1x128xi32, #tpu.memory_space<vmem>> -> memref<128xi32, #tpu.memory_space<vmem>>
      %dma_start3A_795 = arith.constant 0 : i32
      %dma_start3A_796 = tpu.memref_slice %arg7[%dma_start3A_795] : memref<100096xf32, #tpu.memory_space<vmem_shared>> -> memref<100096xf32, #tpu.memory_space<vmem_shared>>
      tpu.enqueue_indirect_dma source(%dma_start3A_791 : memref<128xf32, #tpu.memory_space<vmem>>) target(%dma_start3A_796 : memref<100096xf32, #tpu.memory_space<vmem_shared>>) offsets(%dma_start3A_794 : memref<128xi32, #tpu.memory_space<vmem>>) semaphore(%arg13 : memref<!tpu.dma_semaphore, #tpu.memory_space<semaphore_mem>>) {add = true}
      %dma_start3A_797 = arith.constant 4 : i32
      %dma_start3A_798 = arith.constant 4 : i32
      %dma_start3A_799 = arith.constant 0 : i32
      %dma_start3A_800 = tpu.memref_slice %arg12[%dma_start3A_797, %dma_start3A_799] : memref<16x128xf32, #tpu.memory_space<vmem>> -> memref<1x128xf32, #tpu.memory_space<vmem>>
      %dma_start3A_801 = tpu.memref_squeeze %dma_start3A_800 : memref<1x128xf32, #tpu.memory_space<vmem>> -> memref<128xf32, #tpu.memory_space<vmem>>
      %dma_start3A_802 = arith.constant 0 : i32
      %dma_start3A_803 = tpu.memref_slice %arg11[%dma_start3A_798, %dma_start3A_802] : memref<16x128xi32, #tpu.memory_space<vmem>> -> memref<1x128xi32, #tpu.memory_space<vmem>>
      %dma_start3A_804 = tpu.memref_squeeze %dma_start3A_803 : memref<1x128xi32, #tpu.memory_space<vmem>> -> memref<128xi32, #tpu.memory_space<vmem>>
      %dma_start3A_805 = arith.constant 0 : i32
      %dma_start3A_806 = tpu.memref_slice %arg7[%dma_start3A_805] : memref<100096xf32, #tpu.memory_space<vmem_shared>> -> memref<100096xf32, #tpu.memory_space<vmem_shared>>
      tpu.enqueue_indirect_dma source(%dma_start3A_801 : memref<128xf32, #tpu.memory_space<vmem>>) target(%dma_start3A_806 : memref<100096xf32, #tpu.memory_space<vmem_shared>>) offsets(%dma_start3A_804 : memref<128xi32, #tpu.memory_space<vmem>>) semaphore(%arg13 : memref<!tpu.dma_semaphore, #tpu.memory_space<semaphore_mem>>) {add = true}
      %dma_start3A_807 = arith.constant 5 : i32
      %dma_start3A_808 = arith.constant 5 : i32
      %dma_start3A_809 = arith.constant 0 : i32
      %dma_start3A_810 = tpu.memref_slice %arg12[%dma_start3A_807, %dma_start3A_809] : memref<16x128xf32, #tpu.memory_space<vmem>> -> memref<1x128xf32, #tpu.memory_space<vmem>>
      %dma_start3A_811 = tpu.memref_squeeze %dma_start3A_810 : memref<1x128xf32, #tpu.memory_space<vmem>> -> memref<128xf32, #tpu.memory_space<vmem>>
      %dma_start3A_812 = arith.constant 0 : i32
      %dma_start3A_813 = tpu.memref_slice %arg11[%dma_start3A_808, %dma_start3A_812] : memref<16x128xi32, #tpu.memory_space<vmem>> -> memref<1x128xi32, #tpu.memory_space<vmem>>
      %dma_start3A_814 = tpu.memref_squeeze %dma_start3A_813 : memref<1x128xi32, #tpu.memory_space<vmem>> -> memref<128xi32, #tpu.memory_space<vmem>>
      %dma_start3A_815 = arith.constant 0 : i32
      %dma_start3A_816 = tpu.memref_slice %arg7[%dma_start3A_815] : memref<100096xf32, #tpu.memory_space<vmem_shared>> -> memref<100096xf32, #tpu.memory_space<vmem_shared>>
      tpu.enqueue_indirect_dma source(%dma_start3A_811 : memref<128xf32, #tpu.memory_space<vmem>>) target(%dma_start3A_816 : memref<100096xf32, #tpu.memory_space<vmem_shared>>) offsets(%dma_start3A_814 : memref<128xi32, #tpu.memory_space<vmem>>) semaphore(%arg13 : memref<!tpu.dma_semaphore, #tpu.memory_space<semaphore_mem>>) {add = true}
      %dma_start3A_817 = arith.constant 6 : i32
      %dma_start3A_818 = arith.constant 6 : i32
      %dma_start3A_819 = arith.constant 0 : i32
      %dma_start3A_820 = tpu.memref_slice %arg12[%dma_start3A_817, %dma_start3A_819] : memref<16x128xf32, #tpu.memory_space<vmem>> -> memref<1x128xf32, #tpu.memory_space<vmem>>
      %dma_start3A_821 = tpu.memref_squeeze %dma_start3A_820 : memref<1x128xf32, #tpu.memory_space<vmem>> -> memref<128xf32, #tpu.memory_space<vmem>>
      %dma_start3A_822 = arith.constant 0 : i32
      %dma_start3A_823 = tpu.memref_slice %arg11[%dma_start3A_818, %dma_start3A_822] : memref<16x128xi32, #tpu.memory_space<vmem>> -> memref<1x128xi32, #tpu.memory_space<vmem>>
      %dma_start3A_824 = tpu.memref_squeeze %dma_start3A_823 : memref<1x128xi32, #tpu.memory_space<vmem>> -> memref<128xi32, #tpu.memory_space<vmem>>
      %dma_start3A_825 = arith.constant 0 : i32
      %dma_start3A_826 = tpu.memref_slice %arg7[%dma_start3A_825] : memref<100096xf32, #tpu.memory_space<vmem_shared>> -> memref<100096xf32, #tpu.memory_space<vmem_shared>>
      tpu.enqueue_indirect_dma source(%dma_start3A_821 : memref<128xf32, #tpu.memory_space<vmem>>) target(%dma_start3A_826 : memref<100096xf32, #tpu.memory_space<vmem_shared>>) offsets(%dma_start3A_824 : memref<128xi32, #tpu.memory_space<vmem>>) semaphore(%arg13 : memref<!tpu.dma_semaphore, #tpu.memory_space<semaphore_mem>>) {add = true}
      %dma_start3A_827 = arith.constant 7 : i32
      %dma_start3A_828 = arith.constant 7 : i32
      %dma_start3A_829 = arith.constant 0 : i32
      %dma_start3A_830 = tpu.memref_slice %arg12[%dma_start3A_827, %dma_start3A_829] : memref<16x128xf32, #tpu.memory_space<vmem>> -> memref<1x128xf32, #tpu.memory_space<vmem>>
      %dma_start3A_831 = tpu.memref_squeeze %dma_start3A_830 : memref<1x128xf32, #tpu.memory_space<vmem>> -> memref<128xf32, #tpu.memory_space<vmem>>
      %dma_start3A_832 = arith.constant 0 : i32
      %dma_start3A_833 = tpu.memref_slice %arg11[%dma_start3A_828, %dma_start3A_832] : memref<16x128xi32, #tpu.memory_space<vmem>> -> memref<1x128xi32, #tpu.memory_space<vmem>>
      %dma_start3A_834 = tpu.memref_squeeze %dma_start3A_833 : memref<1x128xi32, #tpu.memory_space<vmem>> -> memref<128xi32, #tpu.memory_space<vmem>>
      %dma_start3A_835 = arith.constant 0 : i32
      %dma_start3A_836 = tpu.memref_slice %arg7[%dma_start3A_835] : memref<100096xf32, #tpu.memory_space<vmem_shared>> -> memref<100096xf32, #tpu.memory_space<vmem_shared>>
      tpu.enqueue_indirect_dma source(%dma_start3A_831 : memref<128xf32, #tpu.memory_space<vmem>>) target(%dma_start3A_836 : memref<100096xf32, #tpu.memory_space<vmem_shared>>) offsets(%dma_start3A_834 : memref<128xi32, #tpu.memory_space<vmem>>) semaphore(%arg13 : memref<!tpu.dma_semaphore, #tpu.memory_space<semaphore_mem>>) {add = true}
      %dma_start3A_837 = arith.constant 8 : i32
      %dma_start3A_838 = arith.constant 8 : i32
      %dma_start3A_839 = arith.constant 0 : i32
      %dma_start3A_840 = tpu.memref_slice %arg12[%dma_start3A_837, %dma_start3A_839] : memref<16x128xf32, #tpu.memory_space<vmem>> -> memref<1x128xf32, #tpu.memory_space<vmem>>
      %dma_start3A_841 = tpu.memref_squeeze %dma_start3A_840 : memref<1x128xf32, #tpu.memory_space<vmem>> -> memref<128xf32, #tpu.memory_space<vmem>>
      %dma_start3A_842 = arith.constant 0 : i32
      %dma_start3A_843 = tpu.memref_slice %arg11[%dma_start3A_838, %dma_start3A_842] : memref<16x128xi32, #tpu.memory_space<vmem>> -> memref<1x128xi32, #tpu.memory_space<vmem>>
      %dma_start3A_844 = tpu.memref_squeeze %dma_start3A_843 : memref<1x128xi32, #tpu.memory_space<vmem>> -> memref<128xi32, #tpu.memory_space<vmem>>
      %dma_start3A_845 = arith.constant 0 : i32
      %dma_start3A_846 = tpu.memref_slice %arg7[%dma_start3A_845] : memref<100096xf32, #tpu.memory_space<vmem_shared>> -> memref<100096xf32, #tpu.memory_space<vmem_shared>>
      tpu.enqueue_indirect_dma source(%dma_start3A_841 : memref<128xf32, #tpu.memory_space<vmem>>) target(%dma_start3A_846 : memref<100096xf32, #tpu.memory_space<vmem_shared>>) offsets(%dma_start3A_844 : memref<128xi32, #tpu.memory_space<vmem>>) semaphore(%arg13 : memref<!tpu.dma_semaphore, #tpu.memory_space<semaphore_mem>>) {add = true}
      %dma_start3A_847 = arith.constant 9 : i32
      %dma_start3A_848 = arith.constant 9 : i32
      %dma_start3A_849 = arith.constant 0 : i32
      %dma_start3A_850 = tpu.memref_slice %arg12[%dma_start3A_847, %dma_start3A_849] : memref<16x128xf32, #tpu.memory_space<vmem>> -> memref<1x128xf32, #tpu.memory_space<vmem>>
      %dma_start3A_851 = tpu.memref_squeeze %dma_start3A_850 : memref<1x128xf32, #tpu.memory_space<vmem>> -> memref<128xf32, #tpu.memory_space<vmem>>
      %dma_start3A_852 = arith.constant 0 : i32
      %dma_start3A_853 = tpu.memref_slice %arg11[%dma_start3A_848, %dma_start3A_852] : memref<16x128xi32, #tpu.memory_space<vmem>> -> memref<1x128xi32, #tpu.memory_space<vmem>>
      %dma_start3A_854 = tpu.memref_squeeze %dma_start3A_853 : memref<1x128xi32, #tpu.memory_space<vmem>> -> memref<128xi32, #tpu.memory_space<vmem>>
      %dma_start3A_855 = arith.constant 0 : i32
      %dma_start3A_856 = tpu.memref_slice %arg7[%dma_start3A_855] : memref<100096xf32, #tpu.memory_space<vmem_shared>> -> memref<100096xf32, #tpu.memory_space<vmem_shared>>
      tpu.enqueue_indirect_dma source(%dma_start3A_851 : memref<128xf32, #tpu.memory_space<vmem>>) target(%dma_start3A_856 : memref<100096xf32, #tpu.memory_space<vmem_shared>>) offsets(%dma_start3A_854 : memref<128xi32, #tpu.memory_space<vmem>>) semaphore(%arg13 : memref<!tpu.dma_semaphore, #tpu.memory_space<semaphore_mem>>) {add = true}
      %dma_start3A_857 = arith.constant 10 : i32
      %dma_start3A_858 = arith.constant 10 : i32
      %dma_start3A_859 = arith.constant 0 : i32
      %dma_start3A_860 = tpu.memref_slice %arg12[%dma_start3A_857, %dma_start3A_859] : memref<16x128xf32, #tpu.memory_space<vmem>> -> memref<1x128xf32, #tpu.memory_space<vmem>>
      %dma_start3A_861 = tpu.memref_squeeze %dma_start3A_860 : memref<1x128xf32, #tpu.memory_space<vmem>> -> memref<128xf32, #tpu.memory_space<vmem>>
      %dma_start3A_862 = arith.constant 0 : i32
      %dma_start3A_863 = tpu.memref_slice %arg11[%dma_start3A_858, %dma_start3A_862] : memref<16x128xi32, #tpu.memory_space<vmem>> -> memref<1x128xi32, #tpu.memory_space<vmem>>
      %dma_start3A_864 = tpu.memref_squeeze %dma_start3A_863 : memref<1x128xi32, #tpu.memory_space<vmem>> -> memref<128xi32, #tpu.memory_space<vmem>>
      %dma_start3A_865 = arith.constant 0 : i32
      %dma_start3A_866 = tpu.memref_slice %arg7[%dma_start3A_865] : memref<100096xf32, #tpu.memory_space<vmem_shared>> -> memref<100096xf32, #tpu.memory_space<vmem_shared>>
      tpu.enqueue_indirect_dma source(%dma_start3A_861 : memref<128xf32, #tpu.memory_space<vmem>>) target(%dma_start3A_866 : memref<100096xf32, #tpu.memory_space<vmem_shared>>) offsets(%dma_start3A_864 : memref<128xi32, #tpu.memory_space<vmem>>) semaphore(%arg13 : memref<!tpu.dma_semaphore, #tpu.memory_space<semaphore_mem>>) {add = true}
      %dma_start3A_867 = arith.constant 11 : i32
      %dma_start3A_868 = arith.constant 11 : i32
      %dma_start3A_869 = arith.constant 0 : i32
      %dma_start3A_870 = tpu.memref_slice %arg12[%dma_start3A_867, %dma_start3A_869] : memref<16x128xf32, #tpu.memory_space<vmem>> -> memref<1x128xf32, #tpu.memory_space<vmem>>
      %dma_start3A_871 = tpu.memref_squeeze %dma_start3A_870 : memref<1x128xf32, #tpu.memory_space<vmem>> -> memref<128xf32, #tpu.memory_space<vmem>>
      %dma_start3A_872 = arith.constant 0 : i32
      %dma_start3A_873 = tpu.memref_slice %arg11[%dma_start3A_868, %dma_start3A_872] : memref<16x128xi32, #tpu.memory_space<vmem>> -> memref<1x128xi32, #tpu.memory_space<vmem>>
      %dma_start3A_874 = tpu.memref_squeeze %dma_start3A_873 : memref<1x128xi32, #tpu.memory_space<vmem>> -> memref<128xi32, #tpu.memory_space<vmem>>
      %dma_start3A_875 = arith.constant 0 : i32
      %dma_start3A_876 = tpu.memref_slice %arg7[%dma_start3A_875] : memref<100096xf32, #tpu.memory_space<vmem_shared>> -> memref<100096xf32, #tpu.memory_space<vmem_shared>>
      tpu.enqueue_indirect_dma source(%dma_start3A_871 : memref<128xf32, #tpu.memory_space<vmem>>) target(%dma_start3A_876 : memref<100096xf32, #tpu.memory_space<vmem_shared>>) offsets(%dma_start3A_874 : memref<128xi32, #tpu.memory_space<vmem>>) semaphore(%arg13 : memref<!tpu.dma_semaphore, #tpu.memory_space<semaphore_mem>>) {add = true}
      %dma_start3A_877 = arith.constant 12 : i32
      %dma_start3A_878 = arith.constant 12 : i32
      %dma_start3A_879 = arith.constant 0 : i32
      %dma_start3A_880 = tpu.memref_slice %arg12[%dma_start3A_877, %dma_start3A_879] : memref<16x128xf32, #tpu.memory_space<vmem>> -> memref<1x128xf32, #tpu.memory_space<vmem>>
      %dma_start3A_881 = tpu.memref_squeeze %dma_start3A_880 : memref<1x128xf32, #tpu.memory_space<vmem>> -> memref<128xf32, #tpu.memory_space<vmem>>
      %dma_start3A_882 = arith.constant 0 : i32
      %dma_start3A_883 = tpu.memref_slice %arg11[%dma_start3A_878, %dma_start3A_882] : memref<16x128xi32, #tpu.memory_space<vmem>> -> memref<1x128xi32, #tpu.memory_space<vmem>>
      %dma_start3A_884 = tpu.memref_squeeze %dma_start3A_883 : memref<1x128xi32, #tpu.memory_space<vmem>> -> memref<128xi32, #tpu.memory_space<vmem>>
      %dma_start3A_885 = arith.constant 0 : i32
      %dma_start3A_886 = tpu.memref_slice %arg7[%dma_start3A_885] : memref<100096xf32, #tpu.memory_space<vmem_shared>> -> memref<100096xf32, #tpu.memory_space<vmem_shared>>
      tpu.enqueue_indirect_dma source(%dma_start3A_881 : memref<128xf32, #tpu.memory_space<vmem>>) target(%dma_start3A_886 : memref<100096xf32, #tpu.memory_space<vmem_shared>>) offsets(%dma_start3A_884 : memref<128xi32, #tpu.memory_space<vmem>>) semaphore(%arg13 : memref<!tpu.dma_semaphore, #tpu.memory_space<semaphore_mem>>) {add = true}
      %dma_start3A_887 = arith.constant 13 : i32
      %dma_start3A_888 = arith.constant 13 : i32
      %dma_start3A_889 = arith.constant 0 : i32
      %dma_start3A_890 = tpu.memref_slice %arg12[%dma_start3A_887, %dma_start3A_889] : memref<16x128xf32, #tpu.memory_space<vmem>> -> memref<1x128xf32, #tpu.memory_space<vmem>>
      %dma_start3A_891 = tpu.memref_squeeze %dma_start3A_890 : memref<1x128xf32, #tpu.memory_space<vmem>> -> memref<128xf32, #tpu.memory_space<vmem>>
      %dma_start3A_892 = arith.constant 0 : i32
      %dma_start3A_893 = tpu.memref_slice %arg11[%dma_start3A_888, %dma_start3A_892] : memref<16x128xi32, #tpu.memory_space<vmem>> -> memref<1x128xi32, #tpu.memory_space<vmem>>
      %dma_start3A_894 = tpu.memref_squeeze %dma_start3A_893 : memref<1x128xi32, #tpu.memory_space<vmem>> -> memref<128xi32, #tpu.memory_space<vmem>>
      %dma_start3A_895 = arith.constant 0 : i32
      %dma_start3A_896 = tpu.memref_slice %arg7[%dma_start3A_895] : memref<100096xf32, #tpu.memory_space<vmem_shared>> -> memref<100096xf32, #tpu.memory_space<vmem_shared>>
      tpu.enqueue_indirect_dma source(%dma_start3A_891 : memref<128xf32, #tpu.memory_space<vmem>>) target(%dma_start3A_896 : memref<100096xf32, #tpu.memory_space<vmem_shared>>) offsets(%dma_start3A_894 : memref<128xi32, #tpu.memory_space<vmem>>) semaphore(%arg13 : memref<!tpu.dma_semaphore, #tpu.memory_space<semaphore_mem>>) {add = true}
      %dma_start3A_897 = arith.constant 14 : i32
      %dma_start3A_898 = arith.constant 14 : i32
      %dma_start3A_899 = arith.constant 0 : i32
      %dma_start3A_900 = tpu.memref_slice %arg12[%dma_start3A_897, %dma_start3A_899] : memref<16x128xf32, #tpu.memory_space<vmem>> -> memref<1x128xf32, #tpu.memory_space<vmem>>
      %dma_start3A_901 = tpu.memref_squeeze %dma_start3A_900 : memref<1x128xf32, #tpu.memory_space<vmem>> -> memref<128xf32, #tpu.memory_space<vmem>>
      %dma_start3A_902 = arith.constant 0 : i32
      %dma_start3A_903 = tpu.memref_slice %arg11[%dma_start3A_898, %dma_start3A_902] : memref<16x128xi32, #tpu.memory_space<vmem>> -> memref<1x128xi32, #tpu.memory_space<vmem>>
      %dma_start3A_904 = tpu.memref_squeeze %dma_start3A_903 : memref<1x128xi32, #tpu.memory_space<vmem>> -> memref<128xi32, #tpu.memory_space<vmem>>
      %dma_start3A_905 = arith.constant 0 : i32
      %dma_start3A_906 = tpu.memref_slice %arg7[%dma_start3A_905] : memref<100096xf32, #tpu.memory_space<vmem_shared>> -> memref<100096xf32, #tpu.memory_space<vmem_shared>>
      tpu.enqueue_indirect_dma source(%dma_start3A_901 : memref<128xf32, #tpu.memory_space<vmem>>) target(%dma_start3A_906 : memref<100096xf32, #tpu.memory_space<vmem_shared>>) offsets(%dma_start3A_904 : memref<128xi32, #tpu.memory_space<vmem>>) semaphore(%arg13 : memref<!tpu.dma_semaphore, #tpu.memory_space<semaphore_mem>>) {add = true}
      %dma_start3A_907 = arith.constant 15 : i32
      %dma_start3A_908 = arith.constant 15 : i32
      %dma_start3A_909 = arith.constant 0 : i32
      %dma_start3A_910 = tpu.memref_slice %arg12[%dma_start3A_907, %dma_start3A_909] : memref<16x128xf32, #tpu.memory_space<vmem>> -> memref<1x128xf32, #tpu.memory_space<vmem>>
      %dma_start3A_911 = tpu.memref_squeeze %dma_start3A_910 : memref<1x128xf32, #tpu.memory_space<vmem>> -> memref<128xf32, #tpu.memory_space<vmem>>
      %dma_start3A_912 = arith.constant 0 : i32
      %dma_start3A_913 = tpu.memref_slice %arg11[%dma_start3A_908, %dma_start3A_912] : memref<16x128xi32, #tpu.memory_space<vmem>> -> memref<1x128xi32, #tpu.memory_space<vmem>>
      %dma_start3A_914 = tpu.memref_squeeze %dma_start3A_913 : memref<1x128xi32, #tpu.memory_space<vmem>> -> memref<128xi32, #tpu.memory_space<vmem>>
      %dma_start3A_915 = arith.constant 0 : i32
      %dma_start3A_916 = tpu.memref_slice %arg7[%dma_start3A_915] : memref<100096xf32, #tpu.memory_space<vmem_shared>> -> memref<100096xf32, #tpu.memory_space<vmem_shared>>
      tpu.enqueue_indirect_dma source(%dma_start3A_911 : memref<128xf32, #tpu.memory_space<vmem>>) target(%dma_start3A_916 : memref<100096xf32, #tpu.memory_space<vmem_shared>>) offsets(%dma_start3A_914 : memref<128xi32, #tpu.memory_space<vmem>>) semaphore(%arg13 : memref<!tpu.dma_semaphore, #tpu.memory_space<semaphore_mem>>) {add = true}
      %dma_wait3A_917 = arith.constant 0 : i32
      %dma_wait3A_918 = arith.constant 0 : i32
      %dma_wait3A_919 = arith.constant 0 : i32
      %dma_wait3A_920 = tpu.memref_slice %arg12[%dma_wait3A_917, %dma_wait3A_919] : memref<16x128xf32, #tpu.memory_space<vmem>> -> memref<1x128xf32, #tpu.memory_space<vmem>>
      %dma_wait3A_921 = tpu.memref_squeeze %dma_wait3A_920 : memref<1x128xf32, #tpu.memory_space<vmem>> -> memref<128xf32, #tpu.memory_space<vmem>>
      %dma_wait3A_922 = arith.constant 0 : i32
      %dma_wait3A_923 = tpu.memref_slice %arg11[%dma_wait3A_918, %dma_wait3A_922] : memref<16x128xi32, #tpu.memory_space<vmem>> -> memref<1x128xi32, #tpu.memory_space<vmem>>
      %dma_wait3A_924 = tpu.memref_squeeze %dma_wait3A_923 : memref<1x128xi32, #tpu.memory_space<vmem>> -> memref<128xi32, #tpu.memory_space<vmem>>
      %dma_wait3A_925 = arith.constant 0 : i32
      %dma_wait3A_926 = tpu.memref_slice %arg7[%dma_wait3A_925] : memref<100096xf32, #tpu.memory_space<vmem_shared>> -> memref<100096xf32, #tpu.memory_space<vmem_shared>>
      tpu.wait_indirect_dma semaphore(%arg13 : memref<!tpu.dma_semaphore, #tpu.memory_space<semaphore_mem>>) src(%dma_wait3A_921 : memref<128xf32, #tpu.memory_space<vmem>>) dst(%dma_wait3A_926 : memref<100096xf32, #tpu.memory_space<vmem_shared>>)
      %dma_wait3A_927 = arith.constant 1 : i32
      %dma_wait3A_928 = arith.constant 1 : i32
      %dma_wait3A_929 = arith.constant 0 : i32
      %dma_wait3A_930 = tpu.memref_slice %arg12[%dma_wait3A_927, %dma_wait3A_929] : memref<16x128xf32, #tpu.memory_space<vmem>> -> memref<1x128xf32, #tpu.memory_space<vmem>>
      %dma_wait3A_931 = tpu.memref_squeeze %dma_wait3A_930 : memref<1x128xf32, #tpu.memory_space<vmem>> -> memref<128xf32, #tpu.memory_space<vmem>>
      %dma_wait3A_932 = arith.constant 0 : i32
      %dma_wait3A_933 = tpu.memref_slice %arg11[%dma_wait3A_928, %dma_wait3A_932] : memref<16x128xi32, #tpu.memory_space<vmem>> -> memref<1x128xi32, #tpu.memory_space<vmem>>
      %dma_wait3A_934 = tpu.memref_squeeze %dma_wait3A_933 : memref<1x128xi32, #tpu.memory_space<vmem>> -> memref<128xi32, #tpu.memory_space<vmem>>
      %dma_wait3A_935 = arith.constant 0 : i32
      %dma_wait3A_936 = tpu.memref_slice %arg7[%dma_wait3A_935] : memref<100096xf32, #tpu.memory_space<vmem_shared>> -> memref<100096xf32, #tpu.memory_space<vmem_shared>>
      tpu.wait_indirect_dma semaphore(%arg13 : memref<!tpu.dma_semaphore, #tpu.memory_space<semaphore_mem>>) src(%dma_wait3A_931 : memref<128xf32, #tpu.memory_space<vmem>>) dst(%dma_wait3A_936 : memref<100096xf32, #tpu.memory_space<vmem_shared>>)
      %dma_wait3A_937 = arith.constant 2 : i32
      %dma_wait3A_938 = arith.constant 2 : i32
      %dma_wait3A_939 = arith.constant 0 : i32
      %dma_wait3A_940 = tpu.memref_slice %arg12[%dma_wait3A_937, %dma_wait3A_939] : memref<16x128xf32, #tpu.memory_space<vmem>> -> memref<1x128xf32, #tpu.memory_space<vmem>>
      %dma_wait3A_941 = tpu.memref_squeeze %dma_wait3A_940 : memref<1x128xf32, #tpu.memory_space<vmem>> -> memref<128xf32, #tpu.memory_space<vmem>>
      %dma_wait3A_942 = arith.constant 0 : i32
      %dma_wait3A_943 = tpu.memref_slice %arg11[%dma_wait3A_938, %dma_wait3A_942] : memref<16x128xi32, #tpu.memory_space<vmem>> -> memref<1x128xi32, #tpu.memory_space<vmem>>
      %dma_wait3A_944 = tpu.memref_squeeze %dma_wait3A_943 : memref<1x128xi32, #tpu.memory_space<vmem>> -> memref<128xi32, #tpu.memory_space<vmem>>
      %dma_wait3A_945 = arith.constant 0 : i32
      %dma_wait3A_946 = tpu.memref_slice %arg7[%dma_wait3A_945] : memref<100096xf32, #tpu.memory_space<vmem_shared>> -> memref<100096xf32, #tpu.memory_space<vmem_shared>>
      tpu.wait_indirect_dma semaphore(%arg13 : memref<!tpu.dma_semaphore, #tpu.memory_space<semaphore_mem>>) src(%dma_wait3A_941 : memref<128xf32, #tpu.memory_space<vmem>>) dst(%dma_wait3A_946 : memref<100096xf32, #tpu.memory_space<vmem_shared>>)
      %dma_wait3A_947 = arith.constant 3 : i32
      %dma_wait3A_948 = arith.constant 3 : i32
      %dma_wait3A_949 = arith.constant 0 : i32
      %dma_wait3A_950 = tpu.memref_slice %arg12[%dma_wait3A_947, %dma_wait3A_949] : memref<16x128xf32, #tpu.memory_space<vmem>> -> memref<1x128xf32, #tpu.memory_space<vmem>>
      %dma_wait3A_951 = tpu.memref_squeeze %dma_wait3A_950 : memref<1x128xf32, #tpu.memory_space<vmem>> -> memref<128xf32, #tpu.memory_space<vmem>>
      %dma_wait3A_952 = arith.constant 0 : i32
      %dma_wait3A_953 = tpu.memref_slice %arg11[%dma_wait3A_948, %dma_wait3A_952] : memref<16x128xi32, #tpu.memory_space<vmem>> -> memref<1x128xi32, #tpu.memory_space<vmem>>
      %dma_wait3A_954 = tpu.memref_squeeze %dma_wait3A_953 : memref<1x128xi32, #tpu.memory_space<vmem>> -> memref<128xi32, #tpu.memory_space<vmem>>
      %dma_wait3A_955 = arith.constant 0 : i32
      %dma_wait3A_956 = tpu.memref_slice %arg7[%dma_wait3A_955] : memref<100096xf32, #tpu.memory_space<vmem_shared>> -> memref<100096xf32, #tpu.memory_space<vmem_shared>>
      tpu.wait_indirect_dma semaphore(%arg13 : memref<!tpu.dma_semaphore, #tpu.memory_space<semaphore_mem>>) src(%dma_wait3A_951 : memref<128xf32, #tpu.memory_space<vmem>>) dst(%dma_wait3A_956 : memref<100096xf32, #tpu.memory_space<vmem_shared>>)
      %dma_wait3A_957 = arith.constant 4 : i32
      %dma_wait3A_958 = arith.constant 4 : i32
      %dma_wait3A_959 = arith.constant 0 : i32
      %dma_wait3A_960 = tpu.memref_slice %arg12[%dma_wait3A_957, %dma_wait3A_959] : memref<16x128xf32, #tpu.memory_space<vmem>> -> memref<1x128xf32, #tpu.memory_space<vmem>>
      %dma_wait3A_961 = tpu.memref_squeeze %dma_wait3A_960 : memref<1x128xf32, #tpu.memory_space<vmem>> -> memref<128xf32, #tpu.memory_space<vmem>>
      %dma_wait3A_962 = arith.constant 0 : i32
      %dma_wait3A_963 = tpu.memref_slice %arg11[%dma_wait3A_958, %dma_wait3A_962] : memref<16x128xi32, #tpu.memory_space<vmem>> -> memref<1x128xi32, #tpu.memory_space<vmem>>
      %dma_wait3A_964 = tpu.memref_squeeze %dma_wait3A_963 : memref<1x128xi32, #tpu.memory_space<vmem>> -> memref<128xi32, #tpu.memory_space<vmem>>
      %dma_wait3A_965 = arith.constant 0 : i32
      %dma_wait3A_966 = tpu.memref_slice %arg7[%dma_wait3A_965] : memref<100096xf32, #tpu.memory_space<vmem_shared>> -> memref<100096xf32, #tpu.memory_space<vmem_shared>>
      tpu.wait_indirect_dma semaphore(%arg13 : memref<!tpu.dma_semaphore, #tpu.memory_space<semaphore_mem>>) src(%dma_wait3A_961 : memref<128xf32, #tpu.memory_space<vmem>>) dst(%dma_wait3A_966 : memref<100096xf32, #tpu.memory_space<vmem_shared>>)
      %dma_wait3A_967 = arith.constant 5 : i32
      %dma_wait3A_968 = arith.constant 5 : i32
      %dma_wait3A_969 = arith.constant 0 : i32
      %dma_wait3A_970 = tpu.memref_slice %arg12[%dma_wait3A_967, %dma_wait3A_969] : memref<16x128xf32, #tpu.memory_space<vmem>> -> memref<1x128xf32, #tpu.memory_space<vmem>>
      %dma_wait3A_971 = tpu.memref_squeeze %dma_wait3A_970 : memref<1x128xf32, #tpu.memory_space<vmem>> -> memref<128xf32, #tpu.memory_space<vmem>>
      %dma_wait3A_972 = arith.constant 0 : i32
      %dma_wait3A_973 = tpu.memref_slice %arg11[%dma_wait3A_968, %dma_wait3A_972] : memref<16x128xi32, #tpu.memory_space<vmem>> -> memref<1x128xi32, #tpu.memory_space<vmem>>
      %dma_wait3A_974 = tpu.memref_squeeze %dma_wait3A_973 : memref<1x128xi32, #tpu.memory_space<vmem>> -> memref<128xi32, #tpu.memory_space<vmem>>
      %dma_wait3A_975 = arith.constant 0 : i32
      %dma_wait3A_976 = tpu.memref_slice %arg7[%dma_wait3A_975] : memref<100096xf32, #tpu.memory_space<vmem_shared>> -> memref<100096xf32, #tpu.memory_space<vmem_shared>>
      tpu.wait_indirect_dma semaphore(%arg13 : memref<!tpu.dma_semaphore, #tpu.memory_space<semaphore_mem>>) src(%dma_wait3A_971 : memref<128xf32, #tpu.memory_space<vmem>>) dst(%dma_wait3A_976 : memref<100096xf32, #tpu.memory_space<vmem_shared>>)
      %dma_wait3A_977 = arith.constant 6 : i32
      %dma_wait3A_978 = arith.constant 6 : i32
      %dma_wait3A_979 = arith.constant 0 : i32
      %dma_wait3A_980 = tpu.memref_slice %arg12[%dma_wait3A_977, %dma_wait3A_979] : memref<16x128xf32, #tpu.memory_space<vmem>> -> memref<1x128xf32, #tpu.memory_space<vmem>>
      %dma_wait3A_981 = tpu.memref_squeeze %dma_wait3A_980 : memref<1x128xf32, #tpu.memory_space<vmem>> -> memref<128xf32, #tpu.memory_space<vmem>>
      %dma_wait3A_982 = arith.constant 0 : i32
      %dma_wait3A_983 = tpu.memref_slice %arg11[%dma_wait3A_978, %dma_wait3A_982] : memref<16x128xi32, #tpu.memory_space<vmem>> -> memref<1x128xi32, #tpu.memory_space<vmem>>
      %dma_wait3A_984 = tpu.memref_squeeze %dma_wait3A_983 : memref<1x128xi32, #tpu.memory_space<vmem>> -> memref<128xi32, #tpu.memory_space<vmem>>
      %dma_wait3A_985 = arith.constant 0 : i32
      %dma_wait3A_986 = tpu.memref_slice %arg7[%dma_wait3A_985] : memref<100096xf32, #tpu.memory_space<vmem_shared>> -> memref<100096xf32, #tpu.memory_space<vmem_shared>>
      tpu.wait_indirect_dma semaphore(%arg13 : memref<!tpu.dma_semaphore, #tpu.memory_space<semaphore_mem>>) src(%dma_wait3A_981 : memref<128xf32, #tpu.memory_space<vmem>>) dst(%dma_wait3A_986 : memref<100096xf32, #tpu.memory_space<vmem_shared>>)
      %dma_wait3A_987 = arith.constant 7 : i32
      %dma_wait3A_988 = arith.constant 7 : i32
      %dma_wait3A_989 = arith.constant 0 : i32
      %dma_wait3A_990 = tpu.memref_slice %arg12[%dma_wait3A_987, %dma_wait3A_989] : memref<16x128xf32, #tpu.memory_space<vmem>> -> memref<1x128xf32, #tpu.memory_space<vmem>>
      %dma_wait3A_991 = tpu.memref_squeeze %dma_wait3A_990 : memref<1x128xf32, #tpu.memory_space<vmem>> -> memref<128xf32, #tpu.memory_space<vmem>>
      %dma_wait3A_992 = arith.constant 0 : i32
      %dma_wait3A_993 = tpu.memref_slice %arg11[%dma_wait3A_988, %dma_wait3A_992] : memref<16x128xi32, #tpu.memory_space<vmem>> -> memref<1x128xi32, #tpu.memory_space<vmem>>
      %dma_wait3A_994 = tpu.memref_squeeze %dma_wait3A_993 : memref<1x128xi32, #tpu.memory_space<vmem>> -> memref<128xi32, #tpu.memory_space<vmem>>
      %dma_wait3A_995 = arith.constant 0 : i32
      %dma_wait3A_996 = tpu.memref_slice %arg7[%dma_wait3A_995] : memref<100096xf32, #tpu.memory_space<vmem_shared>> -> memref<100096xf32, #tpu.memory_space<vmem_shared>>
      tpu.wait_indirect_dma semaphore(%arg13 : memref<!tpu.dma_semaphore, #tpu.memory_space<semaphore_mem>>) src(%dma_wait3A_991 : memref<128xf32, #tpu.memory_space<vmem>>) dst(%dma_wait3A_996 : memref<100096xf32, #tpu.memory_space<vmem_shared>>)
      %dma_wait3A_997 = arith.constant 8 : i32
      %dma_wait3A_998 = arith.constant 8 : i32
      %dma_wait3A_999 = arith.constant 0 : i32
      %dma_wait3A_1000 = tpu.memref_slice %arg12[%dma_wait3A_997, %dma_wait3A_999] : memref<16x128xf32, #tpu.memory_space<vmem>> -> memref<1x128xf32, #tpu.memory_space<vmem>>
      %dma_wait3A_1001 = tpu.memref_squeeze %dma_wait3A_1000 : memref<1x128xf32, #tpu.memory_space<vmem>> -> memref<128xf32, #tpu.memory_space<vmem>>
      %dma_wait3A_1002 = arith.constant 0 : i32
      %dma_wait3A_1003 = tpu.memref_slice %arg11[%dma_wait3A_998, %dma_wait3A_1002] : memref<16x128xi32, #tpu.memory_space<vmem>> -> memref<1x128xi32, #tpu.memory_space<vmem>>
      %dma_wait3A_1004 = tpu.memref_squeeze %dma_wait3A_1003 : memref<1x128xi32, #tpu.memory_space<vmem>> -> memref<128xi32, #tpu.memory_space<vmem>>
      %dma_wait3A_1005 = arith.constant 0 : i32
      %dma_wait3A_1006 = tpu.memref_slice %arg7[%dma_wait3A_1005] : memref<100096xf32, #tpu.memory_space<vmem_shared>> -> memref<100096xf32, #tpu.memory_space<vmem_shared>>
      tpu.wait_indirect_dma semaphore(%arg13 : memref<!tpu.dma_semaphore, #tpu.memory_space<semaphore_mem>>) src(%dma_wait3A_1001 : memref<128xf32, #tpu.memory_space<vmem>>) dst(%dma_wait3A_1006 : memref<100096xf32, #tpu.memory_space<vmem_shared>>)
      %dma_wait3A_1007 = arith.constant 9 : i32
      %dma_wait3A_1008 = arith.constant 9 : i32
      %dma_wait3A_1009 = arith.constant 0 : i32
      %dma_wait3A_1010 = tpu.memref_slice %arg12[%dma_wait3A_1007, %dma_wait3A_1009] : memref<16x128xf32, #tpu.memory_space<vmem>> -> memref<1x128xf32, #tpu.memory_space<vmem>>
      %dma_wait3A_1011 = tpu.memref_squeeze %dma_wait3A_1010 : memref<1x128xf32, #tpu.memory_space<vmem>> -> memref<128xf32, #tpu.memory_space<vmem>>
      %dma_wait3A_1012 = arith.constant 0 : i32
      %dma_wait3A_1013 = tpu.memref_slice %arg11[%dma_wait3A_1008, %dma_wait3A_1012] : memref<16x128xi32, #tpu.memory_space<vmem>> -> memref<1x128xi32, #tpu.memory_space<vmem>>
      %dma_wait3A_1014 = tpu.memref_squeeze %dma_wait3A_1013 : memref<1x128xi32, #tpu.memory_space<vmem>> -> memref<128xi32, #tpu.memory_space<vmem>>
      %dma_wait3A_1015 = arith.constant 0 : i32
      %dma_wait3A_1016 = tpu.memref_slice %arg7[%dma_wait3A_1015] : memref<100096xf32, #tpu.memory_space<vmem_shared>> -> memref<100096xf32, #tpu.memory_space<vmem_shared>>
      tpu.wait_indirect_dma semaphore(%arg13 : memref<!tpu.dma_semaphore, #tpu.memory_space<semaphore_mem>>) src(%dma_wait3A_1011 : memref<128xf32, #tpu.memory_space<vmem>>) dst(%dma_wait3A_1016 : memref<100096xf32, #tpu.memory_space<vmem_shared>>)
      %dma_wait3A_1017 = arith.constant 10 : i32
      %dma_wait3A_1018 = arith.constant 10 : i32
      %dma_wait3A_1019 = arith.constant 0 : i32
      %dma_wait3A_1020 = tpu.memref_slice %arg12[%dma_wait3A_1017, %dma_wait3A_1019] : memref<16x128xf32, #tpu.memory_space<vmem>> -> memref<1x128xf32, #tpu.memory_space<vmem>>
      %dma_wait3A_1021 = tpu.memref_squeeze %dma_wait3A_1020 : memref<1x128xf32, #tpu.memory_space<vmem>> -> memref<128xf32, #tpu.memory_space<vmem>>
      %dma_wait3A_1022 = arith.constant 0 : i32
      %dma_wait3A_1023 = tpu.memref_slice %arg11[%dma_wait3A_1018, %dma_wait3A_1022] : memref<16x128xi32, #tpu.memory_space<vmem>> -> memref<1x128xi32, #tpu.memory_space<vmem>>
      %dma_wait3A_1024 = tpu.memref_squeeze %dma_wait3A_1023 : memref<1x128xi32, #tpu.memory_space<vmem>> -> memref<128xi32, #tpu.memory_space<vmem>>
      %dma_wait3A_1025 = arith.constant 0 : i32
      %dma_wait3A_1026 = tpu.memref_slice %arg7[%dma_wait3A_1025] : memref<100096xf32, #tpu.memory_space<vmem_shared>> -> memref<100096xf32, #tpu.memory_space<vmem_shared>>
      tpu.wait_indirect_dma semaphore(%arg13 : memref<!tpu.dma_semaphore, #tpu.memory_space<semaphore_mem>>) src(%dma_wait3A_1021 : memref<128xf32, #tpu.memory_space<vmem>>) dst(%dma_wait3A_1026 : memref<100096xf32, #tpu.memory_space<vmem_shared>>)
      %dma_wait3A_1027 = arith.constant 11 : i32
      %dma_wait3A_1028 = arith.constant 11 : i32
      %dma_wait3A_1029 = arith.constant 0 : i32
      %dma_wait3A_1030 = tpu.memref_slice %arg12[%dma_wait3A_1027, %dma_wait3A_1029] : memref<16x128xf32, #tpu.memory_space<vmem>> -> memref<1x128xf32, #tpu.memory_space<vmem>>
      %dma_wait3A_1031 = tpu.memref_squeeze %dma_wait3A_1030 : memref<1x128xf32, #tpu.memory_space<vmem>> -> memref<128xf32, #tpu.memory_space<vmem>>
      %dma_wait3A_1032 = arith.constant 0 : i32
      %dma_wait3A_1033 = tpu.memref_slice %arg11[%dma_wait3A_1028, %dma_wait3A_1032] : memref<16x128xi32, #tpu.memory_space<vmem>> -> memref<1x128xi32, #tpu.memory_space<vmem>>
      %dma_wait3A_1034 = tpu.memref_squeeze %dma_wait3A_1033 : memref<1x128xi32, #tpu.memory_space<vmem>> -> memref<128xi32, #tpu.memory_space<vmem>>
      %dma_wait3A_1035 = arith.constant 0 : i32
      %dma_wait3A_1036 = tpu.memref_slice %arg7[%dma_wait3A_1035] : memref<100096xf32, #tpu.memory_space<vmem_shared>> -> memref<100096xf32, #tpu.memory_space<vmem_shared>>
      tpu.wait_indirect_dma semaphore(%arg13 : memref<!tpu.dma_semaphore, #tpu.memory_space<semaphore_mem>>) src(%dma_wait3A_1031 : memref<128xf32, #tpu.memory_space<vmem>>) dst(%dma_wait3A_1036 : memref<100096xf32, #tpu.memory_space<vmem_shared>>)
      %dma_wait3A_1037 = arith.constant 12 : i32
      %dma_wait3A_1038 = arith.constant 12 : i32
      %dma_wait3A_1039 = arith.constant 0 : i32
      %dma_wait3A_1040 = tpu.memref_slice %arg12[%dma_wait3A_1037, %dma_wait3A_1039] : memref<16x128xf32, #tpu.memory_space<vmem>> -> memref<1x128xf32, #tpu.memory_space<vmem>>
      %dma_wait3A_1041 = tpu.memref_squeeze %dma_wait3A_1040 : memref<1x128xf32, #tpu.memory_space<vmem>> -> memref<128xf32, #tpu.memory_space<vmem>>
      %dma_wait3A_1042 = arith.constant 0 : i32
      %dma_wait3A_1043 = tpu.memref_slice %arg11[%dma_wait3A_1038, %dma_wait3A_1042] : memref<16x128xi32, #tpu.memory_space<vmem>> -> memref<1x128xi32, #tpu.memory_space<vmem>>
      %dma_wait3A_1044 = tpu.memref_squeeze %dma_wait3A_1043 : memref<1x128xi32, #tpu.memory_space<vmem>> -> memref<128xi32, #tpu.memory_space<vmem>>
      %dma_wait3A_1045 = arith.constant 0 : i32
      %dma_wait3A_1046 = tpu.memref_slice %arg7[%dma_wait3A_1045] : memref<100096xf32, #tpu.memory_space<vmem_shared>> -> memref<100096xf32, #tpu.memory_space<vmem_shared>>
      tpu.wait_indirect_dma semaphore(%arg13 : memref<!tpu.dma_semaphore, #tpu.memory_space<semaphore_mem>>) src(%dma_wait3A_1041 : memref<128xf32, #tpu.memory_space<vmem>>) dst(%dma_wait3A_1046 : memref<100096xf32, #tpu.memory_space<vmem_shared>>)
      %dma_wait3A_1047 = arith.constant 13 : i32
      %dma_wait3A_1048 = arith.constant 13 : i32
      %dma_wait3A_1049 = arith.constant 0 : i32
      %dma_wait3A_1050 = tpu.memref_slice %arg12[%dma_wait3A_1047, %dma_wait3A_1049] : memref<16x128xf32, #tpu.memory_space<vmem>> -> memref<1x128xf32, #tpu.memory_space<vmem>>
      %dma_wait3A_1051 = tpu.memref_squeeze %dma_wait3A_1050 : memref<1x128xf32, #tpu.memory_space<vmem>> -> memref<128xf32, #tpu.memory_space<vmem>>
      %dma_wait3A_1052 = arith.constant 0 : i32
      %dma_wait3A_1053 = tpu.memref_slice %arg11[%dma_wait3A_1048, %dma_wait3A_1052] : memref<16x128xi32, #tpu.memory_space<vmem>> -> memref<1x128xi32, #tpu.memory_space<vmem>>
      %dma_wait3A_1054 = tpu.memref_squeeze %dma_wait3A_1053 : memref<1x128xi32, #tpu.memory_space<vmem>> -> memref<128xi32, #tpu.memory_space<vmem>>
      %dma_wait3A_1055 = arith.constant 0 : i32
      %dma_wait3A_1056 = tpu.memref_slice %arg7[%dma_wait3A_1055] : memref<100096xf32, #tpu.memory_space<vmem_shared>> -> memref<100096xf32, #tpu.memory_space<vmem_shared>>
      tpu.wait_indirect_dma semaphore(%arg13 : memref<!tpu.dma_semaphore, #tpu.memory_space<semaphore_mem>>) src(%dma_wait3A_1051 : memref<128xf32, #tpu.memory_space<vmem>>) dst(%dma_wait3A_1056 : memref<100096xf32, #tpu.memory_space<vmem_shared>>)
      %dma_wait3A_1057 = arith.constant 14 : i32
      %dma_wait3A_1058 = arith.constant 14 : i32
      %dma_wait3A_1059 = arith.constant 0 : i32
      %dma_wait3A_1060 = tpu.memref_slice %arg12[%dma_wait3A_1057, %dma_wait3A_1059] : memref<16x128xf32, #tpu.memory_space<vmem>> -> memref<1x128xf32, #tpu.memory_space<vmem>>
      %dma_wait3A_1061 = tpu.memref_squeeze %dma_wait3A_1060 : memref<1x128xf32, #tpu.memory_space<vmem>> -> memref<128xf32, #tpu.memory_space<vmem>>
      %dma_wait3A_1062 = arith.constant 0 : i32
      %dma_wait3A_1063 = tpu.memref_slice %arg11[%dma_wait3A_1058, %dma_wait3A_1062] : memref<16x128xi32, #tpu.memory_space<vmem>> -> memref<1x128xi32, #tpu.memory_space<vmem>>
      %dma_wait3A_1064 = tpu.memref_squeeze %dma_wait3A_1063 : memref<1x128xi32, #tpu.memory_space<vmem>> -> memref<128xi32, #tpu.memory_space<vmem>>
      %dma_wait3A_1065 = arith.constant 0 : i32
      %dma_wait3A_1066 = tpu.memref_slice %arg7[%dma_wait3A_1065] : memref<100096xf32, #tpu.memory_space<vmem_shared>> -> memref<100096xf32, #tpu.memory_space<vmem_shared>>
      tpu.wait_indirect_dma semaphore(%arg13 : memref<!tpu.dma_semaphore, #tpu.memory_space<semaphore_mem>>) src(%dma_wait3A_1061 : memref<128xf32, #tpu.memory_space<vmem>>) dst(%dma_wait3A_1066 : memref<100096xf32, #tpu.memory_space<vmem_shared>>)
      %dma_wait3A_1067 = arith.constant 15 : i32
      %dma_wait3A_1068 = arith.constant 15 : i32
      %dma_wait3A_1069 = arith.constant 0 : i32
      %dma_wait3A_1070 = tpu.memref_slice %arg12[%dma_wait3A_1067, %dma_wait3A_1069] : memref<16x128xf32, #tpu.memory_space<vmem>> -> memref<1x128xf32, #tpu.memory_space<vmem>>
      %dma_wait3A_1071 = tpu.memref_squeeze %dma_wait3A_1070 : memref<1x128xf32, #tpu.memory_space<vmem>> -> memref<128xf32, #tpu.memory_space<vmem>>
      %dma_wait3A_1072 = arith.constant 0 : i32
      %dma_wait3A_1073 = tpu.memref_slice %arg11[%dma_wait3A_1068, %dma_wait3A_1072] : memref<16x128xi32, #tpu.memory_space<vmem>> -> memref<1x128xi32, #tpu.memory_space<vmem>>
      %dma_wait3A_1074 = tpu.memref_squeeze %dma_wait3A_1073 : memref<1x128xi32, #tpu.memory_space<vmem>> -> memref<128xi32, #tpu.memory_space<vmem>>
      %dma_wait3A_1075 = arith.constant 0 : i32
      %dma_wait3A_1076 = tpu.memref_slice %arg7[%dma_wait3A_1075] : memref<100096xf32, #tpu.memory_space<vmem_shared>> -> memref<100096xf32, #tpu.memory_space<vmem_shared>>
      tpu.wait_indirect_dma semaphore(%arg13 : memref<!tpu.dma_semaphore, #tpu.memory_space<semaphore_mem>>) src(%dma_wait3A_1071 : memref<128xf32, #tpu.memory_space<vmem>>) dst(%dma_wait3A_1076 : memref<100096xf32, #tpu.memory_space<vmem_shared>>)
    }
    %scan3A_18 = arith.constant 24 : i32
    %mul3A_19 = arith.constant 392 : i32
    %mul3A_20 = arith.muli %add3A, %mul3A_19 : i32
    %add3A_21 = arith.constant 384 : i32
    %add3A_22 = arith.addi %mul3A_20, %add3A_21 : i32
    %dma_start3A = arith.constant 0 : i32
    %dma_start3A_23 = arith.constant 0 : i32
    %dma_start3A_24 = tpu.memref_slice %arg10[%dma_start3A, %dma_start3A_23] : memref<16x128xi32, #tpu.memory_space<vmem>> -> memref<8x128xi32, #tpu.memory_space<vmem>>
    %dma_start3A_25 = arith.constant 0 : i32
    %dma_start3A_26 = tpu.memref_slice %arg3[%add3A_22, %dma_start3A_25] : memref<12544x128xi32, #tpu.memory_space<hbm>> -> memref<8x128xi32, #tpu.memory_space<hbm>>
    %dma_start3A_27 = arith.constant 0 : i32
    %dma_start3A_28 = arith.constant 0 : i32
    %dma_start3A_29 = tpu.memref_slice %arg10[%dma_start3A_27, %dma_start3A_28] : memref<16x128xi32, #tpu.memory_space<vmem>> -> memref<8x128xi32, #tpu.memory_space<vmem>>
    %dma_start3A_30 = arith.constant 0 : i32
    %dma_start3A_31 = tpu.memref_slice %arg3[%add3A_22, %dma_start3A_30] : memref<12544x128xi32, #tpu.memory_space<hbm>> -> memref<8x128xi32, #tpu.memory_space<hbm>>
    tpu.enqueue_dma source(%dma_start3A_31 : memref<8x128xi32, #tpu.memory_space<hbm>>) target(%dma_start3A_29 : memref<8x128xi32, #tpu.memory_space<vmem>>) target_semaphore(%arg13 : memref<!tpu.dma_semaphore, #tpu.memory_space<semaphore_mem>>)
    %dma_start3A_32 = arith.constant 0 : i32
    %dma_start3A_33 = arith.constant 0 : i32
    %dma_start3A_34 = tpu.memref_slice %arg11[%dma_start3A_32, %dma_start3A_33] : memref<16x128xi32, #tpu.memory_space<vmem>> -> memref<8x128xi32, #tpu.memory_space<vmem>>
    %dma_start3A_35 = arith.constant 0 : i32
    %dma_start3A_36 = tpu.memref_slice %arg4[%add3A_22, %dma_start3A_35] : memref<12544x128xi32, #tpu.memory_space<hbm>> -> memref<8x128xi32, #tpu.memory_space<hbm>>
    %dma_start3A_37 = arith.constant 0 : i32
    %dma_start3A_38 = arith.constant 0 : i32
    %dma_start3A_39 = tpu.memref_slice %arg11[%dma_start3A_37, %dma_start3A_38] : memref<16x128xi32, #tpu.memory_space<vmem>> -> memref<8x128xi32, #tpu.memory_space<vmem>>
    %dma_start3A_40 = arith.constant 0 : i32
    %dma_start3A_41 = tpu.memref_slice %arg4[%add3A_22, %dma_start3A_40] : memref<12544x128xi32, #tpu.memory_space<hbm>> -> memref<8x128xi32, #tpu.memory_space<hbm>>
    tpu.enqueue_dma source(%dma_start3A_41 : memref<8x128xi32, #tpu.memory_space<hbm>>) target(%dma_start3A_39 : memref<8x128xi32, #tpu.memory_space<vmem>>) target_semaphore(%arg13 : memref<!tpu.dma_semaphore, #tpu.memory_space<semaphore_mem>>)
    %dma_wait3A = arith.constant 0 : i32
    %dma_wait3A_42 = arith.constant 0 : i32
    %dma_wait3A_43 = tpu.memref_slice %arg10[%dma_wait3A, %dma_wait3A_42] : memref<16x128xi32, #tpu.memory_space<vmem>> -> memref<8x128xi32, #tpu.memory_space<vmem>>
    %dma_wait3A_44 = arith.constant 0 : i32
    %dma_wait3A_45 = tpu.memref_slice %arg3[%add3A_22, %dma_wait3A_44] : memref<12544x128xi32, #tpu.memory_space<hbm>> -> memref<8x128xi32, #tpu.memory_space<hbm>>
    %dma_wait3A_46 = arith.constant 0 : i32
    %dma_wait3A_47 = arith.constant 0 : i32
    %dma_wait3A_48 = tpu.memref_slice %arg10[%dma_wait3A_46, %dma_wait3A_47] : memref<16x128xi32, #tpu.memory_space<vmem>> -> memref<8x128xi32, #tpu.memory_space<vmem>>
    %dma_wait3A_49 = arith.constant 0 : i32
    %dma_wait3A_50 = tpu.memref_slice %arg3[%add3A_22, %dma_wait3A_49] : memref<12544x128xi32, #tpu.memory_space<hbm>> -> memref<8x128xi32, #tpu.memory_space<hbm>>
    tpu.wait_dma2 semaphore(%arg13 : memref<!tpu.dma_semaphore, #tpu.memory_space<semaphore_mem>>) src(%dma_wait3A_50 : memref<8x128xi32, #tpu.memory_space<hbm>>) dst(%dma_wait3A_48 : memref<8x128xi32, #tpu.memory_space<vmem>>)
    %dma_wait3A_51 = arith.constant 0 : i32
    %dma_wait3A_52 = arith.constant 0 : i32
    %dma_wait3A_53 = tpu.memref_slice %arg11[%dma_wait3A_51, %dma_wait3A_52] : memref<16x128xi32, #tpu.memory_space<vmem>> -> memref<8x128xi32, #tpu.memory_space<vmem>>
    %dma_wait3A_54 = arith.constant 0 : i32
    %dma_wait3A_55 = tpu.memref_slice %arg4[%add3A_22, %dma_wait3A_54] : memref<12544x128xi32, #tpu.memory_space<hbm>> -> memref<8x128xi32, #tpu.memory_space<hbm>>
    %dma_wait3A_56 = arith.constant 0 : i32
    %dma_wait3A_57 = arith.constant 0 : i32
    %dma_wait3A_58 = tpu.memref_slice %arg11[%dma_wait3A_56, %dma_wait3A_57] : memref<16x128xi32, #tpu.memory_space<vmem>> -> memref<8x128xi32, #tpu.memory_space<vmem>>
    %dma_wait3A_59 = arith.constant 0 : i32
    %dma_wait3A_60 = tpu.memref_slice %arg4[%add3A_22, %dma_wait3A_59] : memref<12544x128xi32, #tpu.memory_space<hbm>> -> memref<8x128xi32, #tpu.memory_space<hbm>>
    tpu.wait_dma2 semaphore(%arg13 : memref<!tpu.dma_semaphore, #tpu.memory_space<semaphore_mem>>) src(%dma_wait3A_60 : memref<8x128xi32, #tpu.memory_space<hbm>>) dst(%dma_wait3A_58 : memref<8x128xi32, #tpu.memory_space<vmem>>)
    %dma_start3A_61 = arith.constant 0 : i32
    %dma_start3A_62 = arith.constant 0 : i32
    %dma_start3A_63 = arith.constant 0 : i32
    %dma_start3A_64 = tpu.memref_slice %arg12[%dma_start3A_62, %dma_start3A_63] : memref<16x128xf32, #tpu.memory_space<vmem>> -> memref<1x128xf32, #tpu.memory_space<vmem>>
    %dma_start3A_65 = tpu.memref_squeeze %dma_start3A_64 : memref<1x128xf32, #tpu.memory_space<vmem>> -> memref<128xf32, #tpu.memory_space<vmem>>
    %dma_start3A_66 = arith.constant 0 : i32
    %dma_start3A_67 = tpu.memref_slice %arg10[%dma_start3A_61, %dma_start3A_66] : memref<16x128xi32, #tpu.memory_space<vmem>> -> memref<1x128xi32, #tpu.memory_space<vmem>>
    %dma_start3A_68 = tpu.memref_squeeze %dma_start3A_67 : memref<1x128xi32, #tpu.memory_space<vmem>> -> memref<128xi32, #tpu.memory_space<vmem>>
    %dma_start3A_69 = arith.constant 0 : i32
    %dma_start3A_70 = tpu.memref_slice %arg8[%dma_start3A_69] : memref<100096xf32, #tpu.memory_space<vmem_shared>> -> memref<100096xf32, #tpu.memory_space<vmem_shared>>
    tpu.enqueue_indirect_dma source(%dma_start3A_70 : memref<100096xf32, #tpu.memory_space<vmem_shared>>) target(%dma_start3A_65 : memref<128xf32, #tpu.memory_space<vmem>>) offsets(%dma_start3A_68 : memref<128xi32, #tpu.memory_space<vmem>>) semaphore(%arg13 : memref<!tpu.dma_semaphore, #tpu.memory_space<semaphore_mem>>)
    %dma_start3A_71 = arith.constant 1 : i32
    %dma_start3A_72 = arith.constant 1 : i32
    %dma_start3A_73 = arith.constant 0 : i32
    %dma_start3A_74 = tpu.memref_slice %arg12[%dma_start3A_72, %dma_start3A_73] : memref<16x128xf32, #tpu.memory_space<vmem>> -> memref<1x128xf32, #tpu.memory_space<vmem>>
    %dma_start3A_75 = tpu.memref_squeeze %dma_start3A_74 : memref<1x128xf32, #tpu.memory_space<vmem>> -> memref<128xf32, #tpu.memory_space<vmem>>
    %dma_start3A_76 = arith.constant 0 : i32
    %dma_start3A_77 = tpu.memref_slice %arg10[%dma_start3A_71, %dma_start3A_76] : memref<16x128xi32, #tpu.memory_space<vmem>> -> memref<1x128xi32, #tpu.memory_space<vmem>>
    %dma_start3A_78 = tpu.memref_squeeze %dma_start3A_77 : memref<1x128xi32, #tpu.memory_space<vmem>> -> memref<128xi32, #tpu.memory_space<vmem>>
    %dma_start3A_79 = arith.constant 0 : i32
    %dma_start3A_80 = tpu.memref_slice %arg8[%dma_start3A_79] : memref<100096xf32, #tpu.memory_space<vmem_shared>> -> memref<100096xf32, #tpu.memory_space<vmem_shared>>
    tpu.enqueue_indirect_dma source(%dma_start3A_80 : memref<100096xf32, #tpu.memory_space<vmem_shared>>) target(%dma_start3A_75 : memref<128xf32, #tpu.memory_space<vmem>>) offsets(%dma_start3A_78 : memref<128xi32, #tpu.memory_space<vmem>>) semaphore(%arg13 : memref<!tpu.dma_semaphore, #tpu.memory_space<semaphore_mem>>)
    %dma_start3A_81 = arith.constant 2 : i32
    %dma_start3A_82 = arith.constant 2 : i32
    %dma_start3A_83 = arith.constant 0 : i32
    %dma_start3A_84 = tpu.memref_slice %arg12[%dma_start3A_82, %dma_start3A_83] : memref<16x128xf32, #tpu.memory_space<vmem>> -> memref<1x128xf32, #tpu.memory_space<vmem>>
    %dma_start3A_85 = tpu.memref_squeeze %dma_start3A_84 : memref<1x128xf32, #tpu.memory_space<vmem>> -> memref<128xf32, #tpu.memory_space<vmem>>
    %dma_start3A_86 = arith.constant 0 : i32
    %dma_start3A_87 = tpu.memref_slice %arg10[%dma_start3A_81, %dma_start3A_86] : memref<16x128xi32, #tpu.memory_space<vmem>> -> memref<1x128xi32, #tpu.memory_space<vmem>>
    %dma_start3A_88 = tpu.memref_squeeze %dma_start3A_87 : memref<1x128xi32, #tpu.memory_space<vmem>> -> memref<128xi32, #tpu.memory_space<vmem>>
    %dma_start3A_89 = arith.constant 0 : i32
    %dma_start3A_90 = tpu.memref_slice %arg8[%dma_start3A_89] : memref<100096xf32, #tpu.memory_space<vmem_shared>> -> memref<100096xf32, #tpu.memory_space<vmem_shared>>
    tpu.enqueue_indirect_dma source(%dma_start3A_90 : memref<100096xf32, #tpu.memory_space<vmem_shared>>) target(%dma_start3A_85 : memref<128xf32, #tpu.memory_space<vmem>>) offsets(%dma_start3A_88 : memref<128xi32, #tpu.memory_space<vmem>>) semaphore(%arg13 : memref<!tpu.dma_semaphore, #tpu.memory_space<semaphore_mem>>)
    %dma_start3A_91 = arith.constant 3 : i32
    %dma_start3A_92 = arith.constant 3 : i32
    %dma_start3A_93 = arith.constant 0 : i32
    %dma_start3A_94 = tpu.memref_slice %arg12[%dma_start3A_92, %dma_start3A_93] : memref<16x128xf32, #tpu.memory_space<vmem>> -> memref<1x128xf32, #tpu.memory_space<vmem>>
    %dma_start3A_95 = tpu.memref_squeeze %dma_start3A_94 : memref<1x128xf32, #tpu.memory_space<vmem>> -> memref<128xf32, #tpu.memory_space<vmem>>
    %dma_start3A_96 = arith.constant 0 : i32
    %dma_start3A_97 = tpu.memref_slice %arg10[%dma_start3A_91, %dma_start3A_96] : memref<16x128xi32, #tpu.memory_space<vmem>> -> memref<1x128xi32, #tpu.memory_space<vmem>>
    %dma_start3A_98 = tpu.memref_squeeze %dma_start3A_97 : memref<1x128xi32, #tpu.memory_space<vmem>> -> memref<128xi32, #tpu.memory_space<vmem>>
    %dma_start3A_99 = arith.constant 0 : i32
    %dma_start3A_100 = tpu.memref_slice %arg8[%dma_start3A_99] : memref<100096xf32, #tpu.memory_space<vmem_shared>> -> memref<100096xf32, #tpu.memory_space<vmem_shared>>
    tpu.enqueue_indirect_dma source(%dma_start3A_100 : memref<100096xf32, #tpu.memory_space<vmem_shared>>) target(%dma_start3A_95 : memref<128xf32, #tpu.memory_space<vmem>>) offsets(%dma_start3A_98 : memref<128xi32, #tpu.memory_space<vmem>>) semaphore(%arg13 : memref<!tpu.dma_semaphore, #tpu.memory_space<semaphore_mem>>)
    %dma_start3A_101 = arith.constant 4 : i32
    %dma_start3A_102 = arith.constant 4 : i32
    %dma_start3A_103 = arith.constant 0 : i32
    %dma_start3A_104 = tpu.memref_slice %arg12[%dma_start3A_102, %dma_start3A_103] : memref<16x128xf32, #tpu.memory_space<vmem>> -> memref<1x128xf32, #tpu.memory_space<vmem>>
    %dma_start3A_105 = tpu.memref_squeeze %dma_start3A_104 : memref<1x128xf32, #tpu.memory_space<vmem>> -> memref<128xf32, #tpu.memory_space<vmem>>
    %dma_start3A_106 = arith.constant 0 : i32
    %dma_start3A_107 = tpu.memref_slice %arg10[%dma_start3A_101, %dma_start3A_106] : memref<16x128xi32, #tpu.memory_space<vmem>> -> memref<1x128xi32, #tpu.memory_space<vmem>>
    %dma_start3A_108 = tpu.memref_squeeze %dma_start3A_107 : memref<1x128xi32, #tpu.memory_space<vmem>> -> memref<128xi32, #tpu.memory_space<vmem>>
    %dma_start3A_109 = arith.constant 0 : i32
    %dma_start3A_110 = tpu.memref_slice %arg8[%dma_start3A_109] : memref<100096xf32, #tpu.memory_space<vmem_shared>> -> memref<100096xf32, #tpu.memory_space<vmem_shared>>
    tpu.enqueue_indirect_dma source(%dma_start3A_110 : memref<100096xf32, #tpu.memory_space<vmem_shared>>) target(%dma_start3A_105 : memref<128xf32, #tpu.memory_space<vmem>>) offsets(%dma_start3A_108 : memref<128xi32, #tpu.memory_space<vmem>>) semaphore(%arg13 : memref<!tpu.dma_semaphore, #tpu.memory_space<semaphore_mem>>)
    %dma_start3A_111 = arith.constant 5 : i32
    %dma_start3A_112 = arith.constant 5 : i32
    %dma_start3A_113 = arith.constant 0 : i32
    %dma_start3A_114 = tpu.memref_slice %arg12[%dma_start3A_112, %dma_start3A_113] : memref<16x128xf32, #tpu.memory_space<vmem>> -> memref<1x128xf32, #tpu.memory_space<vmem>>
    %dma_start3A_115 = tpu.memref_squeeze %dma_start3A_114 : memref<1x128xf32, #tpu.memory_space<vmem>> -> memref<128xf32, #tpu.memory_space<vmem>>
    %dma_start3A_116 = arith.constant 0 : i32
    %dma_start3A_117 = tpu.memref_slice %arg10[%dma_start3A_111, %dma_start3A_116] : memref<16x128xi32, #tpu.memory_space<vmem>> -> memref<1x128xi32, #tpu.memory_space<vmem>>
    %dma_start3A_118 = tpu.memref_squeeze %dma_start3A_117 : memref<1x128xi32, #tpu.memory_space<vmem>> -> memref<128xi32, #tpu.memory_space<vmem>>
    %dma_start3A_119 = arith.constant 0 : i32
    %dma_start3A_120 = tpu.memref_slice %arg8[%dma_start3A_119] : memref<100096xf32, #tpu.memory_space<vmem_shared>> -> memref<100096xf32, #tpu.memory_space<vmem_shared>>
    tpu.enqueue_indirect_dma source(%dma_start3A_120 : memref<100096xf32, #tpu.memory_space<vmem_shared>>) target(%dma_start3A_115 : memref<128xf32, #tpu.memory_space<vmem>>) offsets(%dma_start3A_118 : memref<128xi32, #tpu.memory_space<vmem>>) semaphore(%arg13 : memref<!tpu.dma_semaphore, #tpu.memory_space<semaphore_mem>>)
    %dma_start3A_121 = arith.constant 6 : i32
    %dma_start3A_122 = arith.constant 6 : i32
    %dma_start3A_123 = arith.constant 0 : i32
    %dma_start3A_124 = tpu.memref_slice %arg12[%dma_start3A_122, %dma_start3A_123] : memref<16x128xf32, #tpu.memory_space<vmem>> -> memref<1x128xf32, #tpu.memory_space<vmem>>
    %dma_start3A_125 = tpu.memref_squeeze %dma_start3A_124 : memref<1x128xf32, #tpu.memory_space<vmem>> -> memref<128xf32, #tpu.memory_space<vmem>>
    %dma_start3A_126 = arith.constant 0 : i32
    %dma_start3A_127 = tpu.memref_slice %arg10[%dma_start3A_121, %dma_start3A_126] : memref<16x128xi32, #tpu.memory_space<vmem>> -> memref<1x128xi32, #tpu.memory_space<vmem>>
    %dma_start3A_128 = tpu.memref_squeeze %dma_start3A_127 : memref<1x128xi32, #tpu.memory_space<vmem>> -> memref<128xi32, #tpu.memory_space<vmem>>
    %dma_start3A_129 = arith.constant 0 : i32
    %dma_start3A_130 = tpu.memref_slice %arg8[%dma_start3A_129] : memref<100096xf32, #tpu.memory_space<vmem_shared>> -> memref<100096xf32, #tpu.memory_space<vmem_shared>>
    tpu.enqueue_indirect_dma source(%dma_start3A_130 : memref<100096xf32, #tpu.memory_space<vmem_shared>>) target(%dma_start3A_125 : memref<128xf32, #tpu.memory_space<vmem>>) offsets(%dma_start3A_128 : memref<128xi32, #tpu.memory_space<vmem>>) semaphore(%arg13 : memref<!tpu.dma_semaphore, #tpu.memory_space<semaphore_mem>>)
    %dma_start3A_131 = arith.constant 7 : i32
    %dma_start3A_132 = arith.constant 7 : i32
    %dma_start3A_133 = arith.constant 0 : i32
    %dma_start3A_134 = tpu.memref_slice %arg12[%dma_start3A_132, %dma_start3A_133] : memref<16x128xf32, #tpu.memory_space<vmem>> -> memref<1x128xf32, #tpu.memory_space<vmem>>
    %dma_start3A_135 = tpu.memref_squeeze %dma_start3A_134 : memref<1x128xf32, #tpu.memory_space<vmem>> -> memref<128xf32, #tpu.memory_space<vmem>>
    %dma_start3A_136 = arith.constant 0 : i32
    %dma_start3A_137 = tpu.memref_slice %arg10[%dma_start3A_131, %dma_start3A_136] : memref<16x128xi32, #tpu.memory_space<vmem>> -> memref<1x128xi32, #tpu.memory_space<vmem>>
    %dma_start3A_138 = tpu.memref_squeeze %dma_start3A_137 : memref<1x128xi32, #tpu.memory_space<vmem>> -> memref<128xi32, #tpu.memory_space<vmem>>
    %dma_start3A_139 = arith.constant 0 : i32
    %dma_start3A_140 = tpu.memref_slice %arg8[%dma_start3A_139] : memref<100096xf32, #tpu.memory_space<vmem_shared>> -> memref<100096xf32, #tpu.memory_space<vmem_shared>>
    tpu.enqueue_indirect_dma source(%dma_start3A_140 : memref<100096xf32, #tpu.memory_space<vmem_shared>>) target(%dma_start3A_135 : memref<128xf32, #tpu.memory_space<vmem>>) offsets(%dma_start3A_138 : memref<128xi32, #tpu.memory_space<vmem>>) semaphore(%arg13 : memref<!tpu.dma_semaphore, #tpu.memory_space<semaphore_mem>>)
    %dma_wait3A_141 = arith.constant 0 : i32
    %dma_wait3A_142 = arith.constant 0 : i32
    %dma_wait3A_143 = arith.constant 0 : i32
    %dma_wait3A_144 = tpu.memref_slice %arg12[%dma_wait3A_142, %dma_wait3A_143] : memref<16x128xf32, #tpu.memory_space<vmem>> -> memref<1x128xf32, #tpu.memory_space<vmem>>
    %dma_wait3A_145 = tpu.memref_squeeze %dma_wait3A_144 : memref<1x128xf32, #tpu.memory_space<vmem>> -> memref<128xf32, #tpu.memory_space<vmem>>
    %dma_wait3A_146 = arith.constant 0 : i32
    %dma_wait3A_147 = tpu.memref_slice %arg10[%dma_wait3A_141, %dma_wait3A_146] : memref<16x128xi32, #tpu.memory_space<vmem>> -> memref<1x128xi32, #tpu.memory_space<vmem>>
    %dma_wait3A_148 = tpu.memref_squeeze %dma_wait3A_147 : memref<1x128xi32, #tpu.memory_space<vmem>> -> memref<128xi32, #tpu.memory_space<vmem>>
    %dma_wait3A_149 = arith.constant 0 : i32
    %dma_wait3A_150 = tpu.memref_slice %arg8[%dma_wait3A_149] : memref<100096xf32, #tpu.memory_space<vmem_shared>> -> memref<100096xf32, #tpu.memory_space<vmem_shared>>
    tpu.wait_indirect_dma semaphore(%arg13 : memref<!tpu.dma_semaphore, #tpu.memory_space<semaphore_mem>>) src(%dma_wait3A_150 : memref<100096xf32, #tpu.memory_space<vmem_shared>>) dst(%dma_wait3A_145 : memref<128xf32, #tpu.memory_space<vmem>>)
    %dma_wait3A_151 = arith.constant 1 : i32
    %dma_wait3A_152 = arith.constant 1 : i32
    %dma_wait3A_153 = arith.constant 0 : i32
    %dma_wait3A_154 = tpu.memref_slice %arg12[%dma_wait3A_152, %dma_wait3A_153] : memref<16x128xf32, #tpu.memory_space<vmem>> -> memref<1x128xf32, #tpu.memory_space<vmem>>
    %dma_wait3A_155 = tpu.memref_squeeze %dma_wait3A_154 : memref<1x128xf32, #tpu.memory_space<vmem>> -> memref<128xf32, #tpu.memory_space<vmem>>
    %dma_wait3A_156 = arith.constant 0 : i32
    %dma_wait3A_157 = tpu.memref_slice %arg10[%dma_wait3A_151, %dma_wait3A_156] : memref<16x128xi32, #tpu.memory_space<vmem>> -> memref<1x128xi32, #tpu.memory_space<vmem>>
    %dma_wait3A_158 = tpu.memref_squeeze %dma_wait3A_157 : memref<1x128xi32, #tpu.memory_space<vmem>> -> memref<128xi32, #tpu.memory_space<vmem>>
    %dma_wait3A_159 = arith.constant 0 : i32
    %dma_wait3A_160 = tpu.memref_slice %arg8[%dma_wait3A_159] : memref<100096xf32, #tpu.memory_space<vmem_shared>> -> memref<100096xf32, #tpu.memory_space<vmem_shared>>
    tpu.wait_indirect_dma semaphore(%arg13 : memref<!tpu.dma_semaphore, #tpu.memory_space<semaphore_mem>>) src(%dma_wait3A_160 : memref<100096xf32, #tpu.memory_space<vmem_shared>>) dst(%dma_wait3A_155 : memref<128xf32, #tpu.memory_space<vmem>>)
    %dma_wait3A_161 = arith.constant 2 : i32
    %dma_wait3A_162 = arith.constant 2 : i32
    %dma_wait3A_163 = arith.constant 0 : i32
    %dma_wait3A_164 = tpu.memref_slice %arg12[%dma_wait3A_162, %dma_wait3A_163] : memref<16x128xf32, #tpu.memory_space<vmem>> -> memref<1x128xf32, #tpu.memory_space<vmem>>
    %dma_wait3A_165 = tpu.memref_squeeze %dma_wait3A_164 : memref<1x128xf32, #tpu.memory_space<vmem>> -> memref<128xf32, #tpu.memory_space<vmem>>
    %dma_wait3A_166 = arith.constant 0 : i32
    %dma_wait3A_167 = tpu.memref_slice %arg10[%dma_wait3A_161, %dma_wait3A_166] : memref<16x128xi32, #tpu.memory_space<vmem>> -> memref<1x128xi32, #tpu.memory_space<vmem>>
    %dma_wait3A_168 = tpu.memref_squeeze %dma_wait3A_167 : memref<1x128xi32, #tpu.memory_space<vmem>> -> memref<128xi32, #tpu.memory_space<vmem>>
    %dma_wait3A_169 = arith.constant 0 : i32
    %dma_wait3A_170 = tpu.memref_slice %arg8[%dma_wait3A_169] : memref<100096xf32, #tpu.memory_space<vmem_shared>> -> memref<100096xf32, #tpu.memory_space<vmem_shared>>
    tpu.wait_indirect_dma semaphore(%arg13 : memref<!tpu.dma_semaphore, #tpu.memory_space<semaphore_mem>>) src(%dma_wait3A_170 : memref<100096xf32, #tpu.memory_space<vmem_shared>>) dst(%dma_wait3A_165 : memref<128xf32, #tpu.memory_space<vmem>>)
    %dma_wait3A_171 = arith.constant 3 : i32
    %dma_wait3A_172 = arith.constant 3 : i32
    %dma_wait3A_173 = arith.constant 0 : i32
    %dma_wait3A_174 = tpu.memref_slice %arg12[%dma_wait3A_172, %dma_wait3A_173] : memref<16x128xf32, #tpu.memory_space<vmem>> -> memref<1x128xf32, #tpu.memory_space<vmem>>
    %dma_wait3A_175 = tpu.memref_squeeze %dma_wait3A_174 : memref<1x128xf32, #tpu.memory_space<vmem>> -> memref<128xf32, #tpu.memory_space<vmem>>
    %dma_wait3A_176 = arith.constant 0 : i32
    %dma_wait3A_177 = tpu.memref_slice %arg10[%dma_wait3A_171, %dma_wait3A_176] : memref<16x128xi32, #tpu.memory_space<vmem>> -> memref<1x128xi32, #tpu.memory_space<vmem>>
    %dma_wait3A_178 = tpu.memref_squeeze %dma_wait3A_177 : memref<1x128xi32, #tpu.memory_space<vmem>> -> memref<128xi32, #tpu.memory_space<vmem>>
    %dma_wait3A_179 = arith.constant 0 : i32
    %dma_wait3A_180 = tpu.memref_slice %arg8[%dma_wait3A_179] : memref<100096xf32, #tpu.memory_space<vmem_shared>> -> memref<100096xf32, #tpu.memory_space<vmem_shared>>
    tpu.wait_indirect_dma semaphore(%arg13 : memref<!tpu.dma_semaphore, #tpu.memory_space<semaphore_mem>>) src(%dma_wait3A_180 : memref<100096xf32, #tpu.memory_space<vmem_shared>>) dst(%dma_wait3A_175 : memref<128xf32, #tpu.memory_space<vmem>>)
    %dma_wait3A_181 = arith.constant 4 : i32
    %dma_wait3A_182 = arith.constant 4 : i32
    %dma_wait3A_183 = arith.constant 0 : i32
    %dma_wait3A_184 = tpu.memref_slice %arg12[%dma_wait3A_182, %dma_wait3A_183] : memref<16x128xf32, #tpu.memory_space<vmem>> -> memref<1x128xf32, #tpu.memory_space<vmem>>
    %dma_wait3A_185 = tpu.memref_squeeze %dma_wait3A_184 : memref<1x128xf32, #tpu.memory_space<vmem>> -> memref<128xf32, #tpu.memory_space<vmem>>
    %dma_wait3A_186 = arith.constant 0 : i32
    %dma_wait3A_187 = tpu.memref_slice %arg10[%dma_wait3A_181, %dma_wait3A_186] : memref<16x128xi32, #tpu.memory_space<vmem>> -> memref<1x128xi32, #tpu.memory_space<vmem>>
    %dma_wait3A_188 = tpu.memref_squeeze %dma_wait3A_187 : memref<1x128xi32, #tpu.memory_space<vmem>> -> memref<128xi32, #tpu.memory_space<vmem>>
    %dma_wait3A_189 = arith.constant 0 : i32
    %dma_wait3A_190 = tpu.memref_slice %arg8[%dma_wait3A_189] : memref<100096xf32, #tpu.memory_space<vmem_shared>> -> memref<100096xf32, #tpu.memory_space<vmem_shared>>
    tpu.wait_indirect_dma semaphore(%arg13 : memref<!tpu.dma_semaphore, #tpu.memory_space<semaphore_mem>>) src(%dma_wait3A_190 : memref<100096xf32, #tpu.memory_space<vmem_shared>>) dst(%dma_wait3A_185 : memref<128xf32, #tpu.memory_space<vmem>>)
    %dma_wait3A_191 = arith.constant 5 : i32
    %dma_wait3A_192 = arith.constant 5 : i32
    %dma_wait3A_193 = arith.constant 0 : i32
    %dma_wait3A_194 = tpu.memref_slice %arg12[%dma_wait3A_192, %dma_wait3A_193] : memref<16x128xf32, #tpu.memory_space<vmem>> -> memref<1x128xf32, #tpu.memory_space<vmem>>
    %dma_wait3A_195 = tpu.memref_squeeze %dma_wait3A_194 : memref<1x128xf32, #tpu.memory_space<vmem>> -> memref<128xf32, #tpu.memory_space<vmem>>
    %dma_wait3A_196 = arith.constant 0 : i32
    %dma_wait3A_197 = tpu.memref_slice %arg10[%dma_wait3A_191, %dma_wait3A_196] : memref<16x128xi32, #tpu.memory_space<vmem>> -> memref<1x128xi32, #tpu.memory_space<vmem>>
    %dma_wait3A_198 = tpu.memref_squeeze %dma_wait3A_197 : memref<1x128xi32, #tpu.memory_space<vmem>> -> memref<128xi32, #tpu.memory_space<vmem>>
    %dma_wait3A_199 = arith.constant 0 : i32
    %dma_wait3A_200 = tpu.memref_slice %arg8[%dma_wait3A_199] : memref<100096xf32, #tpu.memory_space<vmem_shared>> -> memref<100096xf32, #tpu.memory_space<vmem_shared>>
    tpu.wait_indirect_dma semaphore(%arg13 : memref<!tpu.dma_semaphore, #tpu.memory_space<semaphore_mem>>) src(%dma_wait3A_200 : memref<100096xf32, #tpu.memory_space<vmem_shared>>) dst(%dma_wait3A_195 : memref<128xf32, #tpu.memory_space<vmem>>)
    %dma_wait3A_201 = arith.constant 6 : i32
    %dma_wait3A_202 = arith.constant 6 : i32
    %dma_wait3A_203 = arith.constant 0 : i32
    %dma_wait3A_204 = tpu.memref_slice %arg12[%dma_wait3A_202, %dma_wait3A_203] : memref<16x128xf32, #tpu.memory_space<vmem>> -> memref<1x128xf32, #tpu.memory_space<vmem>>
    %dma_wait3A_205 = tpu.memref_squeeze %dma_wait3A_204 : memref<1x128xf32, #tpu.memory_space<vmem>> -> memref<128xf32, #tpu.memory_space<vmem>>
    %dma_wait3A_206 = arith.constant 0 : i32
    %dma_wait3A_207 = tpu.memref_slice %arg10[%dma_wait3A_201, %dma_wait3A_206] : memref<16x128xi32, #tpu.memory_space<vmem>> -> memref<1x128xi32, #tpu.memory_space<vmem>>
    %dma_wait3A_208 = tpu.memref_squeeze %dma_wait3A_207 : memref<1x128xi32, #tpu.memory_space<vmem>> -> memref<128xi32, #tpu.memory_space<vmem>>
    %dma_wait3A_209 = arith.constant 0 : i32
    %dma_wait3A_210 = tpu.memref_slice %arg8[%dma_wait3A_209] : memref<100096xf32, #tpu.memory_space<vmem_shared>> -> memref<100096xf32, #tpu.memory_space<vmem_shared>>
    tpu.wait_indirect_dma semaphore(%arg13 : memref<!tpu.dma_semaphore, #tpu.memory_space<semaphore_mem>>) src(%dma_wait3A_210 : memref<100096xf32, #tpu.memory_space<vmem_shared>>) dst(%dma_wait3A_205 : memref<128xf32, #tpu.memory_space<vmem>>)
    %dma_wait3A_211 = arith.constant 7 : i32
    %dma_wait3A_212 = arith.constant 7 : i32
    %dma_wait3A_213 = arith.constant 0 : i32
    %dma_wait3A_214 = tpu.memref_slice %arg12[%dma_wait3A_212, %dma_wait3A_213] : memref<16x128xf32, #tpu.memory_space<vmem>> -> memref<1x128xf32, #tpu.memory_space<vmem>>
    %dma_wait3A_215 = tpu.memref_squeeze %dma_wait3A_214 : memref<1x128xf32, #tpu.memory_space<vmem>> -> memref<128xf32, #tpu.memory_space<vmem>>
    %dma_wait3A_216 = arith.constant 0 : i32
    %dma_wait3A_217 = tpu.memref_slice %arg10[%dma_wait3A_211, %dma_wait3A_216] : memref<16x128xi32, #tpu.memory_space<vmem>> -> memref<1x128xi32, #tpu.memory_space<vmem>>
    %dma_wait3A_218 = tpu.memref_squeeze %dma_wait3A_217 : memref<1x128xi32, #tpu.memory_space<vmem>> -> memref<128xi32, #tpu.memory_space<vmem>>
    %dma_wait3A_219 = arith.constant 0 : i32
    %dma_wait3A_220 = tpu.memref_slice %arg8[%dma_wait3A_219] : memref<100096xf32, #tpu.memory_space<vmem_shared>> -> memref<100096xf32, #tpu.memory_space<vmem_shared>>
    tpu.wait_indirect_dma semaphore(%arg13 : memref<!tpu.dma_semaphore, #tpu.memory_space<semaphore_mem>>) src(%dma_wait3A_220 : memref<100096xf32, #tpu.memory_space<vmem_shared>>) dst(%dma_wait3A_215 : memref<128xf32, #tpu.memory_space<vmem>>)
    %dma_start3A_221 = arith.constant 0 : i32
    %dma_start3A_222 = arith.constant 0 : i32
    %dma_start3A_223 = arith.constant 0 : i32
    %dma_start3A_224 = tpu.memref_slice %arg12[%dma_start3A_221, %dma_start3A_223] : memref<16x128xf32, #tpu.memory_space<vmem>> -> memref<1x128xf32, #tpu.memory_space<vmem>>
    %dma_start3A_225 = tpu.memref_squeeze %dma_start3A_224 : memref<1x128xf32, #tpu.memory_space<vmem>> -> memref<128xf32, #tpu.memory_space<vmem>>
    %dma_start3A_226 = arith.constant 0 : i32
    %dma_start3A_227 = tpu.memref_slice %arg11[%dma_start3A_222, %dma_start3A_226] : memref<16x128xi32, #tpu.memory_space<vmem>> -> memref<1x128xi32, #tpu.memory_space<vmem>>
    %dma_start3A_228 = tpu.memref_squeeze %dma_start3A_227 : memref<1x128xi32, #tpu.memory_space<vmem>> -> memref<128xi32, #tpu.memory_space<vmem>>
    %dma_start3A_229 = arith.constant 0 : i32
    %dma_start3A_230 = tpu.memref_slice %arg7[%dma_start3A_229] : memref<100096xf32, #tpu.memory_space<vmem_shared>> -> memref<100096xf32, #tpu.memory_space<vmem_shared>>
    tpu.enqueue_indirect_dma source(%dma_start3A_225 : memref<128xf32, #tpu.memory_space<vmem>>) target(%dma_start3A_230 : memref<100096xf32, #tpu.memory_space<vmem_shared>>) offsets(%dma_start3A_228 : memref<128xi32, #tpu.memory_space<vmem>>) semaphore(%arg13 : memref<!tpu.dma_semaphore, #tpu.memory_space<semaphore_mem>>) {add = true}
    %dma_start3A_231 = arith.constant 1 : i32
    %dma_start3A_232 = arith.constant 1 : i32
    %dma_start3A_233 = arith.constant 0 : i32
    %dma_start3A_234 = tpu.memref_slice %arg12[%dma_start3A_231, %dma_start3A_233] : memref<16x128xf32, #tpu.memory_space<vmem>> -> memref<1x128xf32, #tpu.memory_space<vmem>>
    %dma_start3A_235 = tpu.memref_squeeze %dma_start3A_234 : memref<1x128xf32, #tpu.memory_space<vmem>> -> memref<128xf32, #tpu.memory_space<vmem>>
    %dma_start3A_236 = arith.constant 0 : i32
    %dma_start3A_237 = tpu.memref_slice %arg11[%dma_start3A_232, %dma_start3A_236] : memref<16x128xi32, #tpu.memory_space<vmem>> -> memref<1x128xi32, #tpu.memory_space<vmem>>
    %dma_start3A_238 = tpu.memref_squeeze %dma_start3A_237 : memref<1x128xi32, #tpu.memory_space<vmem>> -> memref<128xi32, #tpu.memory_space<vmem>>
    %dma_start3A_239 = arith.constant 0 : i32
    %dma_start3A_240 = tpu.memref_slice %arg7[%dma_start3A_239] : memref<100096xf32, #tpu.memory_space<vmem_shared>> -> memref<100096xf32, #tpu.memory_space<vmem_shared>>
    tpu.enqueue_indirect_dma source(%dma_start3A_235 : memref<128xf32, #tpu.memory_space<vmem>>) target(%dma_start3A_240 : memref<100096xf32, #tpu.memory_space<vmem_shared>>) offsets(%dma_start3A_238 : memref<128xi32, #tpu.memory_space<vmem>>) semaphore(%arg13 : memref<!tpu.dma_semaphore, #tpu.memory_space<semaphore_mem>>) {add = true}
    %dma_start3A_241 = arith.constant 2 : i32
    %dma_start3A_242 = arith.constant 2 : i32
    %dma_start3A_243 = arith.constant 0 : i32
    %dma_start3A_244 = tpu.memref_slice %arg12[%dma_start3A_241, %dma_start3A_243] : memref<16x128xf32, #tpu.memory_space<vmem>> -> memref<1x128xf32, #tpu.memory_space<vmem>>
    %dma_start3A_245 = tpu.memref_squeeze %dma_start3A_244 : memref<1x128xf32, #tpu.memory_space<vmem>> -> memref<128xf32, #tpu.memory_space<vmem>>
    %dma_start3A_246 = arith.constant 0 : i32
    %dma_start3A_247 = tpu.memref_slice %arg11[%dma_start3A_242, %dma_start3A_246] : memref<16x128xi32, #tpu.memory_space<vmem>> -> memref<1x128xi32, #tpu.memory_space<vmem>>
    %dma_start3A_248 = tpu.memref_squeeze %dma_start3A_247 : memref<1x128xi32, #tpu.memory_space<vmem>> -> memref<128xi32, #tpu.memory_space<vmem>>
    %dma_start3A_249 = arith.constant 0 : i32
    %dma_start3A_250 = tpu.memref_slice %arg7[%dma_start3A_249] : memref<100096xf32, #tpu.memory_space<vmem_shared>> -> memref<100096xf32, #tpu.memory_space<vmem_shared>>
    tpu.enqueue_indirect_dma source(%dma_start3A_245 : memref<128xf32, #tpu.memory_space<vmem>>) target(%dma_start3A_250 : memref<100096xf32, #tpu.memory_space<vmem_shared>>) offsets(%dma_start3A_248 : memref<128xi32, #tpu.memory_space<vmem>>) semaphore(%arg13 : memref<!tpu.dma_semaphore, #tpu.memory_space<semaphore_mem>>) {add = true}
    %dma_start3A_251 = arith.constant 3 : i32
    %dma_start3A_252 = arith.constant 3 : i32
    %dma_start3A_253 = arith.constant 0 : i32
    %dma_start3A_254 = tpu.memref_slice %arg12[%dma_start3A_251, %dma_start3A_253] : memref<16x128xf32, #tpu.memory_space<vmem>> -> memref<1x128xf32, #tpu.memory_space<vmem>>
    %dma_start3A_255 = tpu.memref_squeeze %dma_start3A_254 : memref<1x128xf32, #tpu.memory_space<vmem>> -> memref<128xf32, #tpu.memory_space<vmem>>
    %dma_start3A_256 = arith.constant 0 : i32
    %dma_start3A_257 = tpu.memref_slice %arg11[%dma_start3A_252, %dma_start3A_256] : memref<16x128xi32, #tpu.memory_space<vmem>> -> memref<1x128xi32, #tpu.memory_space<vmem>>
    %dma_start3A_258 = tpu.memref_squeeze %dma_start3A_257 : memref<1x128xi32, #tpu.memory_space<vmem>> -> memref<128xi32, #tpu.memory_space<vmem>>
    %dma_start3A_259 = arith.constant 0 : i32
    %dma_start3A_260 = tpu.memref_slice %arg7[%dma_start3A_259] : memref<100096xf32, #tpu.memory_space<vmem_shared>> -> memref<100096xf32, #tpu.memory_space<vmem_shared>>
    tpu.enqueue_indirect_dma source(%dma_start3A_255 : memref<128xf32, #tpu.memory_space<vmem>>) target(%dma_start3A_260 : memref<100096xf32, #tpu.memory_space<vmem_shared>>) offsets(%dma_start3A_258 : memref<128xi32, #tpu.memory_space<vmem>>) semaphore(%arg13 : memref<!tpu.dma_semaphore, #tpu.memory_space<semaphore_mem>>) {add = true}
    %dma_start3A_261 = arith.constant 4 : i32
    %dma_start3A_262 = arith.constant 4 : i32
    %dma_start3A_263 = arith.constant 0 : i32
    %dma_start3A_264 = tpu.memref_slice %arg12[%dma_start3A_261, %dma_start3A_263] : memref<16x128xf32, #tpu.memory_space<vmem>> -> memref<1x128xf32, #tpu.memory_space<vmem>>
    %dma_start3A_265 = tpu.memref_squeeze %dma_start3A_264 : memref<1x128xf32, #tpu.memory_space<vmem>> -> memref<128xf32, #tpu.memory_space<vmem>>
    %dma_start3A_266 = arith.constant 0 : i32
    %dma_start3A_267 = tpu.memref_slice %arg11[%dma_start3A_262, %dma_start3A_266] : memref<16x128xi32, #tpu.memory_space<vmem>> -> memref<1x128xi32, #tpu.memory_space<vmem>>
    %dma_start3A_268 = tpu.memref_squeeze %dma_start3A_267 : memref<1x128xi32, #tpu.memory_space<vmem>> -> memref<128xi32, #tpu.memory_space<vmem>>
    %dma_start3A_269 = arith.constant 0 : i32
    %dma_start3A_270 = tpu.memref_slice %arg7[%dma_start3A_269] : memref<100096xf32, #tpu.memory_space<vmem_shared>> -> memref<100096xf32, #tpu.memory_space<vmem_shared>>
    tpu.enqueue_indirect_dma source(%dma_start3A_265 : memref<128xf32, #tpu.memory_space<vmem>>) target(%dma_start3A_270 : memref<100096xf32, #tpu.memory_space<vmem_shared>>) offsets(%dma_start3A_268 : memref<128xi32, #tpu.memory_space<vmem>>) semaphore(%arg13 : memref<!tpu.dma_semaphore, #tpu.memory_space<semaphore_mem>>) {add = true}
    %dma_start3A_271 = arith.constant 5 : i32
    %dma_start3A_272 = arith.constant 5 : i32
    %dma_start3A_273 = arith.constant 0 : i32
    %dma_start3A_274 = tpu.memref_slice %arg12[%dma_start3A_271, %dma_start3A_273] : memref<16x128xf32, #tpu.memory_space<vmem>> -> memref<1x128xf32, #tpu.memory_space<vmem>>
    %dma_start3A_275 = tpu.memref_squeeze %dma_start3A_274 : memref<1x128xf32, #tpu.memory_space<vmem>> -> memref<128xf32, #tpu.memory_space<vmem>>
    %dma_start3A_276 = arith.constant 0 : i32
    %dma_start3A_277 = tpu.memref_slice %arg11[%dma_start3A_272, %dma_start3A_276] : memref<16x128xi32, #tpu.memory_space<vmem>> -> memref<1x128xi32, #tpu.memory_space<vmem>>
    %dma_start3A_278 = tpu.memref_squeeze %dma_start3A_277 : memref<1x128xi32, #tpu.memory_space<vmem>> -> memref<128xi32, #tpu.memory_space<vmem>>
    %dma_start3A_279 = arith.constant 0 : i32
    %dma_start3A_280 = tpu.memref_slice %arg7[%dma_start3A_279] : memref<100096xf32, #tpu.memory_space<vmem_shared>> -> memref<100096xf32, #tpu.memory_space<vmem_shared>>
    tpu.enqueue_indirect_dma source(%dma_start3A_275 : memref<128xf32, #tpu.memory_space<vmem>>) target(%dma_start3A_280 : memref<100096xf32, #tpu.memory_space<vmem_shared>>) offsets(%dma_start3A_278 : memref<128xi32, #tpu.memory_space<vmem>>) semaphore(%arg13 : memref<!tpu.dma_semaphore, #tpu.memory_space<semaphore_mem>>) {add = true}
    %dma_start3A_281 = arith.constant 6 : i32
    %dma_start3A_282 = arith.constant 6 : i32
    %dma_start3A_283 = arith.constant 0 : i32
    %dma_start3A_284 = tpu.memref_slice %arg12[%dma_start3A_281, %dma_start3A_283] : memref<16x128xf32, #tpu.memory_space<vmem>> -> memref<1x128xf32, #tpu.memory_space<vmem>>
    %dma_start3A_285 = tpu.memref_squeeze %dma_start3A_284 : memref<1x128xf32, #tpu.memory_space<vmem>> -> memref<128xf32, #tpu.memory_space<vmem>>
    %dma_start3A_286 = arith.constant 0 : i32
    %dma_start3A_287 = tpu.memref_slice %arg11[%dma_start3A_282, %dma_start3A_286] : memref<16x128xi32, #tpu.memory_space<vmem>> -> memref<1x128xi32, #tpu.memory_space<vmem>>
    %dma_start3A_288 = tpu.memref_squeeze %dma_start3A_287 : memref<1x128xi32, #tpu.memory_space<vmem>> -> memref<128xi32, #tpu.memory_space<vmem>>
    %dma_start3A_289 = arith.constant 0 : i32
    %dma_start3A_290 = tpu.memref_slice %arg7[%dma_start3A_289] : memref<100096xf32, #tpu.memory_space<vmem_shared>> -> memref<100096xf32, #tpu.memory_space<vmem_shared>>
    tpu.enqueue_indirect_dma source(%dma_start3A_285 : memref<128xf32, #tpu.memory_space<vmem>>) target(%dma_start3A_290 : memref<100096xf32, #tpu.memory_space<vmem_shared>>) offsets(%dma_start3A_288 : memref<128xi32, #tpu.memory_space<vmem>>) semaphore(%arg13 : memref<!tpu.dma_semaphore, #tpu.memory_space<semaphore_mem>>) {add = true}
    %dma_start3A_291 = arith.constant 7 : i32
    %dma_start3A_292 = arith.constant 7 : i32
    %dma_start3A_293 = arith.constant 0 : i32
    %dma_start3A_294 = tpu.memref_slice %arg12[%dma_start3A_291, %dma_start3A_293] : memref<16x128xf32, #tpu.memory_space<vmem>> -> memref<1x128xf32, #tpu.memory_space<vmem>>
    %dma_start3A_295 = tpu.memref_squeeze %dma_start3A_294 : memref<1x128xf32, #tpu.memory_space<vmem>> -> memref<128xf32, #tpu.memory_space<vmem>>
    %dma_start3A_296 = arith.constant 0 : i32
    %dma_start3A_297 = tpu.memref_slice %arg11[%dma_start3A_292, %dma_start3A_296] : memref<16x128xi32, #tpu.memory_space<vmem>> -> memref<1x128xi32, #tpu.memory_space<vmem>>
    %dma_start3A_298 = tpu.memref_squeeze %dma_start3A_297 : memref<1x128xi32, #tpu.memory_space<vmem>> -> memref<128xi32, #tpu.memory_space<vmem>>
    %dma_start3A_299 = arith.constant 0 : i32
    %dma_start3A_300 = tpu.memref_slice %arg7[%dma_start3A_299] : memref<100096xf32, #tpu.memory_space<vmem_shared>> -> memref<100096xf32, #tpu.memory_space<vmem_shared>>
    tpu.enqueue_indirect_dma source(%dma_start3A_295 : memref<128xf32, #tpu.memory_space<vmem>>) target(%dma_start3A_300 : memref<100096xf32, #tpu.memory_space<vmem_shared>>) offsets(%dma_start3A_298 : memref<128xi32, #tpu.memory_space<vmem>>) semaphore(%arg13 : memref<!tpu.dma_semaphore, #tpu.memory_space<semaphore_mem>>) {add = true}
    %dma_wait3A_301 = arith.constant 0 : i32
    %dma_wait3A_302 = arith.constant 0 : i32
    %dma_wait3A_303 = arith.constant 0 : i32
    %dma_wait3A_304 = tpu.memref_slice %arg12[%dma_wait3A_301, %dma_wait3A_303] : memref<16x128xf32, #tpu.memory_space<vmem>> -> memref<1x128xf32, #tpu.memory_space<vmem>>
    %dma_wait3A_305 = tpu.memref_squeeze %dma_wait3A_304 : memref<1x128xf32, #tpu.memory_space<vmem>> -> memref<128xf32, #tpu.memory_space<vmem>>
    %dma_wait3A_306 = arith.constant 0 : i32
    %dma_wait3A_307 = tpu.memref_slice %arg11[%dma_wait3A_302, %dma_wait3A_306] : memref<16x128xi32, #tpu.memory_space<vmem>> -> memref<1x128xi32, #tpu.memory_space<vmem>>
    %dma_wait3A_308 = tpu.memref_squeeze %dma_wait3A_307 : memref<1x128xi32, #tpu.memory_space<vmem>> -> memref<128xi32, #tpu.memory_space<vmem>>
    %dma_wait3A_309 = arith.constant 0 : i32
    %dma_wait3A_310 = tpu.memref_slice %arg7[%dma_wait3A_309] : memref<100096xf32, #tpu.memory_space<vmem_shared>> -> memref<100096xf32, #tpu.memory_space<vmem_shared>>
    tpu.wait_indirect_dma semaphore(%arg13 : memref<!tpu.dma_semaphore, #tpu.memory_space<semaphore_mem>>) src(%dma_wait3A_305 : memref<128xf32, #tpu.memory_space<vmem>>) dst(%dma_wait3A_310 : memref<100096xf32, #tpu.memory_space<vmem_shared>>)
    %dma_wait3A_311 = arith.constant 1 : i32
    %dma_wait3A_312 = arith.constant 1 : i32
    %dma_wait3A_313 = arith.constant 0 : i32
    %dma_wait3A_314 = tpu.memref_slice %arg12[%dma_wait3A_311, %dma_wait3A_313] : memref<16x128xf32, #tpu.memory_space<vmem>> -> memref<1x128xf32, #tpu.memory_space<vmem>>
    %dma_wait3A_315 = tpu.memref_squeeze %dma_wait3A_314 : memref<1x128xf32, #tpu.memory_space<vmem>> -> memref<128xf32, #tpu.memory_space<vmem>>
    %dma_wait3A_316 = arith.constant 0 : i32
    %dma_wait3A_317 = tpu.memref_slice %arg11[%dma_wait3A_312, %dma_wait3A_316] : memref<16x128xi32, #tpu.memory_space<vmem>> -> memref<1x128xi32, #tpu.memory_space<vmem>>
    %dma_wait3A_318 = tpu.memref_squeeze %dma_wait3A_317 : memref<1x128xi32, #tpu.memory_space<vmem>> -> memref<128xi32, #tpu.memory_space<vmem>>
    %dma_wait3A_319 = arith.constant 0 : i32
    %dma_wait3A_320 = tpu.memref_slice %arg7[%dma_wait3A_319] : memref<100096xf32, #tpu.memory_space<vmem_shared>> -> memref<100096xf32, #tpu.memory_space<vmem_shared>>
    tpu.wait_indirect_dma semaphore(%arg13 : memref<!tpu.dma_semaphore, #tpu.memory_space<semaphore_mem>>) src(%dma_wait3A_315 : memref<128xf32, #tpu.memory_space<vmem>>) dst(%dma_wait3A_320 : memref<100096xf32, #tpu.memory_space<vmem_shared>>)
    %dma_wait3A_321 = arith.constant 2 : i32
    %dma_wait3A_322 = arith.constant 2 : i32
    %dma_wait3A_323 = arith.constant 0 : i32
    %dma_wait3A_324 = tpu.memref_slice %arg12[%dma_wait3A_321, %dma_wait3A_323] : memref<16x128xf32, #tpu.memory_space<vmem>> -> memref<1x128xf32, #tpu.memory_space<vmem>>
    %dma_wait3A_325 = tpu.memref_squeeze %dma_wait3A_324 : memref<1x128xf32, #tpu.memory_space<vmem>> -> memref<128xf32, #tpu.memory_space<vmem>>
    %dma_wait3A_326 = arith.constant 0 : i32
    %dma_wait3A_327 = tpu.memref_slice %arg11[%dma_wait3A_322, %dma_wait3A_326] : memref<16x128xi32, #tpu.memory_space<vmem>> -> memref<1x128xi32, #tpu.memory_space<vmem>>
    %dma_wait3A_328 = tpu.memref_squeeze %dma_wait3A_327 : memref<1x128xi32, #tpu.memory_space<vmem>> -> memref<128xi32, #tpu.memory_space<vmem>>
    %dma_wait3A_329 = arith.constant 0 : i32
    %dma_wait3A_330 = tpu.memref_slice %arg7[%dma_wait3A_329] : memref<100096xf32, #tpu.memory_space<vmem_shared>> -> memref<100096xf32, #tpu.memory_space<vmem_shared>>
    tpu.wait_indirect_dma semaphore(%arg13 : memref<!tpu.dma_semaphore, #tpu.memory_space<semaphore_mem>>) src(%dma_wait3A_325 : memref<128xf32, #tpu.memory_space<vmem>>) dst(%dma_wait3A_330 : memref<100096xf32, #tpu.memory_space<vmem_shared>>)
    %dma_wait3A_331 = arith.constant 3 : i32
    %dma_wait3A_332 = arith.constant 3 : i32
    %dma_wait3A_333 = arith.constant 0 : i32
    %dma_wait3A_334 = tpu.memref_slice %arg12[%dma_wait3A_331, %dma_wait3A_333] : memref<16x128xf32, #tpu.memory_space<vmem>> -> memref<1x128xf32, #tpu.memory_space<vmem>>
    %dma_wait3A_335 = tpu.memref_squeeze %dma_wait3A_334 : memref<1x128xf32, #tpu.memory_space<vmem>> -> memref<128xf32, #tpu.memory_space<vmem>>
    %dma_wait3A_336 = arith.constant 0 : i32
    %dma_wait3A_337 = tpu.memref_slice %arg11[%dma_wait3A_332, %dma_wait3A_336] : memref<16x128xi32, #tpu.memory_space<vmem>> -> memref<1x128xi32, #tpu.memory_space<vmem>>
    %dma_wait3A_338 = tpu.memref_squeeze %dma_wait3A_337 : memref<1x128xi32, #tpu.memory_space<vmem>> -> memref<128xi32, #tpu.memory_space<vmem>>
    %dma_wait3A_339 = arith.constant 0 : i32
    %dma_wait3A_340 = tpu.memref_slice %arg7[%dma_wait3A_339] : memref<100096xf32, #tpu.memory_space<vmem_shared>> -> memref<100096xf32, #tpu.memory_space<vmem_shared>>
    tpu.wait_indirect_dma semaphore(%arg13 : memref<!tpu.dma_semaphore, #tpu.memory_space<semaphore_mem>>) src(%dma_wait3A_335 : memref<128xf32, #tpu.memory_space<vmem>>) dst(%dma_wait3A_340 : memref<100096xf32, #tpu.memory_space<vmem_shared>>)
    %dma_wait3A_341 = arith.constant 4 : i32
    %dma_wait3A_342 = arith.constant 4 : i32
    %dma_wait3A_343 = arith.constant 0 : i32
    %dma_wait3A_344 = tpu.memref_slice %arg12[%dma_wait3A_341, %dma_wait3A_343] : memref<16x128xf32, #tpu.memory_space<vmem>> -> memref<1x128xf32, #tpu.memory_space<vmem>>
    %dma_wait3A_345 = tpu.memref_squeeze %dma_wait3A_344 : memref<1x128xf32, #tpu.memory_space<vmem>> -> memref<128xf32, #tpu.memory_space<vmem>>
    %dma_wait3A_346 = arith.constant 0 : i32
    %dma_wait3A_347 = tpu.memref_slice %arg11[%dma_wait3A_342, %dma_wait3A_346] : memref<16x128xi32, #tpu.memory_space<vmem>> -> memref<1x128xi32, #tpu.memory_space<vmem>>
    %dma_wait3A_348 = tpu.memref_squeeze %dma_wait3A_347 : memref<1x128xi32, #tpu.memory_space<vmem>> -> memref<128xi32, #tpu.memory_space<vmem>>
    %dma_wait3A_349 = arith.constant 0 : i32
    %dma_wait3A_350 = tpu.memref_slice %arg7[%dma_wait3A_349] : memref<100096xf32, #tpu.memory_space<vmem_shared>> -> memref<100096xf32, #tpu.memory_space<vmem_shared>>
    tpu.wait_indirect_dma semaphore(%arg13 : memref<!tpu.dma_semaphore, #tpu.memory_space<semaphore_mem>>) src(%dma_wait3A_345 : memref<128xf32, #tpu.memory_space<vmem>>) dst(%dma_wait3A_350 : memref<100096xf32, #tpu.memory_space<vmem_shared>>)
    %dma_wait3A_351 = arith.constant 5 : i32
    %dma_wait3A_352 = arith.constant 5 : i32
    %dma_wait3A_353 = arith.constant 0 : i32
    %dma_wait3A_354 = tpu.memref_slice %arg12[%dma_wait3A_351, %dma_wait3A_353] : memref<16x128xf32, #tpu.memory_space<vmem>> -> memref<1x128xf32, #tpu.memory_space<vmem>>
    %dma_wait3A_355 = tpu.memref_squeeze %dma_wait3A_354 : memref<1x128xf32, #tpu.memory_space<vmem>> -> memref<128xf32, #tpu.memory_space<vmem>>
    %dma_wait3A_356 = arith.constant 0 : i32
    %dma_wait3A_357 = tpu.memref_slice %arg11[%dma_wait3A_352, %dma_wait3A_356] : memref<16x128xi32, #tpu.memory_space<vmem>> -> memref<1x128xi32, #tpu.memory_space<vmem>>
    %dma_wait3A_358 = tpu.memref_squeeze %dma_wait3A_357 : memref<1x128xi32, #tpu.memory_space<vmem>> -> memref<128xi32, #tpu.memory_space<vmem>>
    %dma_wait3A_359 = arith.constant 0 : i32
    %dma_wait3A_360 = tpu.memref_slice %arg7[%dma_wait3A_359] : memref<100096xf32, #tpu.memory_space<vmem_shared>> -> memref<100096xf32, #tpu.memory_space<vmem_shared>>
    tpu.wait_indirect_dma semaphore(%arg13 : memref<!tpu.dma_semaphore, #tpu.memory_space<semaphore_mem>>) src(%dma_wait3A_355 : memref<128xf32, #tpu.memory_space<vmem>>) dst(%dma_wait3A_360 : memref<100096xf32, #tpu.memory_space<vmem_shared>>)
    %dma_wait3A_361 = arith.constant 6 : i32
    %dma_wait3A_362 = arith.constant 6 : i32
    %dma_wait3A_363 = arith.constant 0 : i32
    %dma_wait3A_364 = tpu.memref_slice %arg12[%dma_wait3A_361, %dma_wait3A_363] : memref<16x128xf32, #tpu.memory_space<vmem>> -> memref<1x128xf32, #tpu.memory_space<vmem>>
    %dma_wait3A_365 = tpu.memref_squeeze %dma_wait3A_364 : memref<1x128xf32, #tpu.memory_space<vmem>> -> memref<128xf32, #tpu.memory_space<vmem>>
    %dma_wait3A_366 = arith.constant 0 : i32
    %dma_wait3A_367 = tpu.memref_slice %arg11[%dma_wait3A_362, %dma_wait3A_366] : memref<16x128xi32, #tpu.memory_space<vmem>> -> memref<1x128xi32, #tpu.memory_space<vmem>>
    %dma_wait3A_368 = tpu.memref_squeeze %dma_wait3A_367 : memref<1x128xi32, #tpu.memory_space<vmem>> -> memref<128xi32, #tpu.memory_space<vmem>>
    %dma_wait3A_369 = arith.constant 0 : i32
    %dma_wait3A_370 = tpu.memref_slice %arg7[%dma_wait3A_369] : memref<100096xf32, #tpu.memory_space<vmem_shared>> -> memref<100096xf32, #tpu.memory_space<vmem_shared>>
    tpu.wait_indirect_dma semaphore(%arg13 : memref<!tpu.dma_semaphore, #tpu.memory_space<semaphore_mem>>) src(%dma_wait3A_365 : memref<128xf32, #tpu.memory_space<vmem>>) dst(%dma_wait3A_370 : memref<100096xf32, #tpu.memory_space<vmem_shared>>)
    %dma_wait3A_371 = arith.constant 7 : i32
    %dma_wait3A_372 = arith.constant 7 : i32
    %dma_wait3A_373 = arith.constant 0 : i32
    %dma_wait3A_374 = tpu.memref_slice %arg12[%dma_wait3A_371, %dma_wait3A_373] : memref<16x128xf32, #tpu.memory_space<vmem>> -> memref<1x128xf32, #tpu.memory_space<vmem>>
    %dma_wait3A_375 = tpu.memref_squeeze %dma_wait3A_374 : memref<1x128xf32, #tpu.memory_space<vmem>> -> memref<128xf32, #tpu.memory_space<vmem>>
    %dma_wait3A_376 = arith.constant 0 : i32
    %dma_wait3A_377 = tpu.memref_slice %arg11[%dma_wait3A_372, %dma_wait3A_376] : memref<16x128xi32, #tpu.memory_space<vmem>> -> memref<1x128xi32, #tpu.memory_space<vmem>>
    %dma_wait3A_378 = tpu.memref_squeeze %dma_wait3A_377 : memref<1x128xi32, #tpu.memory_space<vmem>> -> memref<128xi32, #tpu.memory_space<vmem>>
    %dma_wait3A_379 = arith.constant 0 : i32
    %dma_wait3A_380 = tpu.memref_slice %arg7[%dma_wait3A_379] : memref<100096xf32, #tpu.memory_space<vmem_shared>> -> memref<100096xf32, #tpu.memory_space<vmem_shared>>
    tpu.wait_indirect_dma semaphore(%arg13 : memref<!tpu.dma_semaphore, #tpu.memory_space<semaphore_mem>>) src(%dma_wait3A_375 : memref<128xf32, #tpu.memory_space<vmem>>) dst(%dma_wait3A_380 : memref<100096xf32, #tpu.memory_space<vmem_shared>>)
    %barrier3A_381 = arith.constant 0 : index
    tpu.barrier barrier_id(%barrier3A_381)
    %mul3A_382 = arith.constant 6256 : i32
    %mul3A_383 = arith.muli %arg1, %mul3A_382 : i32
    "tpu.region"() ({
      %run_scoped3A = tpu.sem_alloc : memref<!tpu.dma_semaphore, #tpu.memory_space<semaphore_mem>>
      %dma_start3A_391 = arith.constant 0 : i32
      %dma_start3A_392 = tpu.memref_slice %arg9[%dma_start3A_391] : memref<6256xf32, #tpu.memory_space<vmem>> -> memref<6256xf32, #tpu.memory_space<vmem>>
      %dma_start3A_393 = tpu.memref_slice %arg7[%mul3A_383] : memref<100096xf32, #tpu.memory_space<vmem_shared>> -> memref<6256xf32, #tpu.memory_space<vmem_shared>>
      %dma_start3A_394 = arith.constant 0 : i32
      %dma_start3A_395 = tpu.memref_slice %arg9[%dma_start3A_394] : memref<6256xf32, #tpu.memory_space<vmem>> -> memref<6256xf32, #tpu.memory_space<vmem>>
      %dma_start3A_396 = tpu.memref_slice %arg7[%mul3A_383] : memref<100096xf32, #tpu.memory_space<vmem_shared>> -> memref<6256xf32, #tpu.memory_space<vmem_shared>>
      tpu.enqueue_dma source(%dma_start3A_396 : memref<6256xf32, #tpu.memory_space<vmem_shared>>) target(%dma_start3A_395 : memref<6256xf32, #tpu.memory_space<vmem>>) target_semaphore(%run_scoped3A : memref<!tpu.dma_semaphore, #tpu.memory_space<semaphore_mem>>)
      %dma_wait3A_397 = arith.constant 0 : i32
      %dma_wait3A_398 = tpu.memref_slice %arg9[%dma_wait3A_397] : memref<6256xf32, #tpu.memory_space<vmem>> -> memref<6256xf32, #tpu.memory_space<vmem>>
      %dma_wait3A_399 = tpu.memref_slice %arg7[%mul3A_383] : memref<100096xf32, #tpu.memory_space<vmem_shared>> -> memref<6256xf32, #tpu.memory_space<vmem_shared>>
      %dma_wait3A_400 = arith.constant 0 : i32
      %dma_wait3A_401 = tpu.memref_slice %arg9[%dma_wait3A_400] : memref<6256xf32, #tpu.memory_space<vmem>> -> memref<6256xf32, #tpu.memory_space<vmem>>
      %dma_wait3A_402 = tpu.memref_slice %arg7[%mul3A_383] : memref<100096xf32, #tpu.memory_space<vmem_shared>> -> memref<6256xf32, #tpu.memory_space<vmem_shared>>
      tpu.wait_dma2 semaphore(%run_scoped3A : memref<!tpu.dma_semaphore, #tpu.memory_space<semaphore_mem>>) src(%dma_wait3A_402 : memref<6256xf32, #tpu.memory_space<vmem_shared>>) dst(%dma_wait3A_401 : memref<6256xf32, #tpu.memory_space<vmem>>)
      tpu.yield
    }) : () -> ()
    %eq3A = arith.constant 0 : i32
    %eq3A_384 = arith.cmpi eq, %arg0, %eq3A : i32
    %convert_element_type3A = arith.extui %eq3A_384 : i1 to i32
    %cond3A = arith.constant 0 : i32
    %cond3A_385 = arith.cmpi ne, %convert_element_type3A, %cond3A : i32
    scf.if %cond3A_385 {
      %mul3A_391 = arith.constant 6256 : i32
      %mul3A_392 = arith.muli %arg1, %mul3A_391 : i32
      "tpu.region"() ({
        %run_scoped3A = tpu.sem_alloc : memref<!tpu.dma_semaphore, #tpu.memory_space<semaphore_mem>>
        %dma_start3A_393 = arith.constant 0 : i32
        %dma_start3A_394 = tpu.memref_slice %arg9[%dma_start3A_393] : memref<6256xf32, #tpu.memory_space<vmem>> -> memref<6256xf32, #tpu.memory_space<vmem>>
        %dma_start3A_395 = tpu.memref_slice %arg5[%mul3A_392] : memref<100096xf32, #tpu.memory_space<hbm>> -> memref<6256xf32, #tpu.memory_space<hbm>>
        %dma_start3A_396 = tpu.memref_slice %arg5[%mul3A_392] : memref<100096xf32, #tpu.memory_space<hbm>> -> memref<6256xf32, #tpu.memory_space<hbm>>
        %dma_start3A_397 = arith.constant 0 : i32
        %dma_start3A_398 = tpu.memref_slice %arg9[%dma_start3A_397] : memref<6256xf32, #tpu.memory_space<vmem>> -> memref<6256xf32, #tpu.memory_space<vmem>>
        tpu.enqueue_dma source(%dma_start3A_398 : memref<6256xf32, #tpu.memory_space<vmem>>) target(%dma_start3A_396 : memref<6256xf32, #tpu.memory_space<hbm>>) target_semaphore(%run_scoped3A : memref<!tpu.dma_semaphore, #tpu.memory_space<semaphore_mem>>)
        %dma_wait3A_399 = arith.constant 0 : i32
        %dma_wait3A_400 = tpu.memref_slice %arg9[%dma_wait3A_399] : memref<6256xf32, #tpu.memory_space<vmem>> -> memref<6256xf32, #tpu.memory_space<vmem>>
        %dma_wait3A_401 = tpu.memref_slice %arg5[%mul3A_392] : memref<100096xf32, #tpu.memory_space<hbm>> -> memref<6256xf32, #tpu.memory_space<hbm>>
        %dma_wait3A_402 = tpu.memref_slice %arg5[%mul3A_392] : memref<100096xf32, #tpu.memory_space<hbm>> -> memref<6256xf32, #tpu.memory_space<hbm>>
        %dma_wait3A_403 = arith.constant 0 : i32
        %dma_wait3A_404 = tpu.memref_slice %arg9[%dma_wait3A_403] : memref<6256xf32, #tpu.memory_space<vmem>> -> memref<6256xf32, #tpu.memory_space<vmem>>
        tpu.wait_dma2 semaphore(%run_scoped3A : memref<!tpu.dma_semaphore, #tpu.memory_space<semaphore_mem>>) src(%dma_wait3A_404 : memref<6256xf32, #tpu.memory_space<vmem>>) dst(%dma_wait3A_402 : memref<6256xf32, #tpu.memory_space<hbm>>)
        tpu.yield
      }) : () -> ()
    } else {
    }
    %eq3A_386 = arith.constant 1 : i32
    %eq3A_387 = arith.cmpi eq, %arg0, %eq3A_386 : i32
    %convert_element_type3A_388 = arith.extui %eq3A_387 : i1 to i32
    %cond3A_389 = arith.constant 0 : i32
    %cond3A_390 = arith.cmpi ne, %convert_element_type3A_388, %cond3A_389 : i32
    scf.if %cond3A_390 {
      %mul3A_391 = arith.constant 6256 : i32
      %mul3A_392 = arith.muli %arg1, %mul3A_391 : i32
      "tpu.region"() ({
        %run_scoped3A = tpu.sem_alloc : memref<!tpu.dma_semaphore, #tpu.memory_space<semaphore_mem>>
        %dma_start3A_393 = arith.constant 0 : i32
        %dma_start3A_394 = tpu.memref_slice %arg9[%dma_start3A_393] : memref<6256xf32, #tpu.memory_space<vmem>> -> memref<6256xf32, #tpu.memory_space<vmem>>
        %dma_start3A_395 = tpu.memref_slice %arg6[%mul3A_392] : memref<100096xf32, #tpu.memory_space<hbm>> -> memref<6256xf32, #tpu.memory_space<hbm>>
        %dma_start3A_396 = tpu.memref_slice %arg6[%mul3A_392] : memref<100096xf32, #tpu.memory_space<hbm>> -> memref<6256xf32, #tpu.memory_space<hbm>>
        %dma_start3A_397 = arith.constant 0 : i32
        %dma_start3A_398 = tpu.memref_slice %arg9[%dma_start3A_397] : memref<6256xf32, #tpu.memory_space<vmem>> -> memref<6256xf32, #tpu.memory_space<vmem>>
        tpu.enqueue_dma source(%dma_start3A_398 : memref<6256xf32, #tpu.memory_space<vmem>>) target(%dma_start3A_396 : memref<6256xf32, #tpu.memory_space<hbm>>) target_semaphore(%run_scoped3A : memref<!tpu.dma_semaphore, #tpu.memory_space<semaphore_mem>>)
        %dma_wait3A_399 = arith.constant 0 : i32
        %dma_wait3A_400 = tpu.memref_slice %arg9[%dma_wait3A_399] : memref<6256xf32, #tpu.memory_space<vmem>> -> memref<6256xf32, #tpu.memory_space<vmem>>
        %dma_wait3A_401 = tpu.memref_slice %arg6[%mul3A_392] : memref<100096xf32, #tpu.memory_space<hbm>> -> memref<6256xf32, #tpu.memory_space<hbm>>
        %dma_wait3A_402 = tpu.memref_slice %arg6[%mul3A_392] : memref<100096xf32, #tpu.memory_space<hbm>> -> memref<6256xf32, #tpu.memory_space<hbm>>
        %dma_wait3A_403 = arith.constant 0 : i32
        %dma_wait3A_404 = tpu.memref_slice %arg9[%dma_wait3A_403] : memref<6256xf32, #tpu.memory_space<vmem>> -> memref<6256xf32, #tpu.memory_space<vmem>>
        tpu.wait_dma2 semaphore(%run_scoped3A : memref<!tpu.dma_semaphore, #tpu.memory_space<semaphore_mem>>) src(%dma_wait3A_404 : memref<6256xf32, #tpu.memory_space<vmem>>) dst(%dma_wait3A_402 : memref<6256xf32, #tpu.memory_space<hbm>>)
        tpu.yield
      }) : () -> ()
    } else {
    }
    return
  }
}

#map = affine_map<(d0, d1) -> (0)>
#map1 = affine_map<(d0, d1) -> (0, 0)>
module attributes {stable_mosaic.version = 14 : i64} {
  func.func @_sc_prop(%arg0: i32, %arg1: i32, %arg2: memref<100096xf32, #tpu.memory_space<hbm>>, %arg3: memref<12544x128xi32, #tpu.memory_space<hbm>>, %arg4: memref<12544x128xi32, #tpu.memory_space<hbm>>, %arg5: memref<100096xf32, #tpu.memory_space<hbm>>, %arg6: memref<100096xf32, #tpu.memory_space<hbm>>, %arg7: memref<100096xf32, #tpu.memory_space<vmem_shared>>, %arg8: memref<100096xf32, #tpu.memory_space<vmem_shared>>, %arg9: memref<6256xf32, #tpu.memory_space<vmem>>, %arg10: memref<16x128xi32, #tpu.memory_space<vmem>>, %arg11: memref<16x128xi32, #tpu.memory_space<vmem>>, %arg12: memref<16x128xf32, #tpu.memory_space<vmem>>, %arg13: memref<!tpu.dma_semaphore, #tpu.memory_space<semaphore_mem>>) attributes {dimension_semantics = [#tpu.dimension_semantics<core_parallel>, #tpu.dimension_semantics<subcore_parallel>], iteration_bounds = array<i64: 2, 16>, scalar_prefetch = 0 : i64, scratch_operands = 7 : i64, tpu.core_type = #tpu.core_type<sc_vector_subcore>, window_params = [{transform_indices = #map}, {transform_indices = #map1}, {transform_indices = #map1}, {transform_indices = #map}, {transform_indices = #map}]} {
    %mul3A = arith.constant 6256 : i32
    %mul3A_0 = arith.muli %arg1, %mul3A : i32
    "tpu.region"() ({
      %run_scoped3A = tpu.sem_alloc : memref<!tpu.dma_semaphore, #tpu.memory_space<semaphore_mem>>
      %dma_start3A_391 = arith.constant 0 : i32
      %dma_start3A_392 = tpu.memref_slice %arg9[%dma_start3A_391] : memref<6256xf32, #tpu.memory_space<vmem>> -> memref<6256xf32, #tpu.memory_space<vmem>>
      %dma_start3A_393 = tpu.memref_slice %arg2[%mul3A_0] : memref<100096xf32, #tpu.memory_space<hbm>> -> memref<6256xf32, #tpu.memory_space<hbm>>
      %dma_start3A_394 = arith.constant 0 : i32
      %dma_start3A_395 = tpu.memref_slice %arg9[%dma_start3A_394] : memref<6256xf32, #tpu.memory_space<vmem>> -> memref<6256xf32, #tpu.memory_space<vmem>>
      %dma_start3A_396 = tpu.memref_slice %arg2[%mul3A_0] : memref<100096xf32, #tpu.memory_space<hbm>> -> memref<6256xf32, #tpu.memory_space<hbm>>
      tpu.enqueue_dma source(%dma_start3A_396 : memref<6256xf32, #tpu.memory_space<hbm>>) target(%dma_start3A_395 : memref<6256xf32, #tpu.memory_space<vmem>>) target_semaphore(%run_scoped3A : memref<!tpu.dma_semaphore, #tpu.memory_space<semaphore_mem>>)
      %dma_wait3A_397 = arith.constant 0 : i32
      %dma_wait3A_398 = tpu.memref_slice %arg9[%dma_wait3A_397] : memref<6256xf32, #tpu.memory_space<vmem>> -> memref<6256xf32, #tpu.memory_space<vmem>>
      %dma_wait3A_399 = tpu.memref_slice %arg2[%mul3A_0] : memref<100096xf32, #tpu.memory_space<hbm>> -> memref<6256xf32, #tpu.memory_space<hbm>>
      %dma_wait3A_400 = arith.constant 0 : i32
      %dma_wait3A_401 = tpu.memref_slice %arg9[%dma_wait3A_400] : memref<6256xf32, #tpu.memory_space<vmem>> -> memref<6256xf32, #tpu.memory_space<vmem>>
      %dma_wait3A_402 = tpu.memref_slice %arg2[%mul3A_0] : memref<100096xf32, #tpu.memory_space<hbm>> -> memref<6256xf32, #tpu.memory_space<hbm>>
      tpu.wait_dma2 semaphore(%run_scoped3A : memref<!tpu.dma_semaphore, #tpu.memory_space<semaphore_mem>>) src(%dma_wait3A_402 : memref<6256xf32, #tpu.memory_space<hbm>>) dst(%dma_wait3A_401 : memref<6256xf32, #tpu.memory_space<vmem>>)
      tpu.yield
    }) : () -> ()
    %mul3A_1 = arith.constant 6256 : i32
    %mul3A_2 = arith.muli %arg1, %mul3A_1 : i32
    "tpu.region"() ({
      %run_scoped3A = tpu.sem_alloc : memref<!tpu.dma_semaphore, #tpu.memory_space<semaphore_mem>>
      %dma_start3A_391 = arith.constant 0 : i32
      %dma_start3A_392 = tpu.memref_slice %arg9[%dma_start3A_391] : memref<6256xf32, #tpu.memory_space<vmem>> -> memref<6256xf32, #tpu.memory_space<vmem>>
      %dma_start3A_393 = tpu.memref_slice %arg8[%mul3A_2] : memref<100096xf32, #tpu.memory_space<vmem_shared>> -> memref<6256xf32, #tpu.memory_space<vmem_shared>>
      %dma_start3A_394 = tpu.memref_slice %arg8[%mul3A_2] : memref<100096xf32, #tpu.memory_space<vmem_shared>> -> memref<6256xf32, #tpu.memory_space<vmem_shared>>
      %dma_start3A_395 = arith.constant 0 : i32
      %dma_start3A_396 = tpu.memref_slice %arg9[%dma_start3A_395] : memref<6256xf32, #tpu.memory_space<vmem>> -> memref<6256xf32, #tpu.memory_space<vmem>>
      tpu.enqueue_dma source(%dma_start3A_396 : memref<6256xf32, #tpu.memory_space<vmem>>) target(%dma_start3A_394 : memref<6256xf32, #tpu.memory_space<vmem_shared>>) target_semaphore(%run_scoped3A : memref<!tpu.dma_semaphore, #tpu.memory_space<semaphore_mem>>)
      %dma_wait3A_397 = arith.constant 0 : i32
      %dma_wait3A_398 = tpu.memref_slice %arg9[%dma_wait3A_397] : memref<6256xf32, #tpu.memory_space<vmem>> -> memref<6256xf32, #tpu.memory_space<vmem>>
      %dma_wait3A_399 = tpu.memref_slice %arg8[%mul3A_2] : memref<100096xf32, #tpu.memory_space<vmem_shared>> -> memref<6256xf32, #tpu.memory_space<vmem_shared>>
      %dma_wait3A_400 = tpu.memref_slice %arg8[%mul3A_2] : memref<100096xf32, #tpu.memory_space<vmem_shared>> -> memref<6256xf32, #tpu.memory_space<vmem_shared>>
      %dma_wait3A_401 = arith.constant 0 : i32
      %dma_wait3A_402 = tpu.memref_slice %arg9[%dma_wait3A_401] : memref<6256xf32, #tpu.memory_space<vmem>> -> memref<6256xf32, #tpu.memory_space<vmem>>
      tpu.wait_dma2 semaphore(%run_scoped3A : memref<!tpu.dma_semaphore, #tpu.memory_space<semaphore_mem>>) src(%dma_wait3A_402 : memref<6256xf32, #tpu.memory_space<vmem>>) dst(%dma_wait3A_400 : memref<6256xf32, #tpu.memory_space<vmem_shared>>)
      tpu.yield
    }) : () -> ()
    %broadcast_in_dim3A = arith.constant 0.000000e+00 : f32
    %broadcast_in_dim3A_3 = vector.broadcast %broadcast_in_dim3A : f32 to vector<16xf32>
    %scan3A = arith.constant 0 : i32
    %scan3A_4 = arith.constant 0 : i32
    %scan3A_5 = arith.constant 391 : i32
    %scan3A_6 = arith.addi %scan3A_4, %scan3A_5 : i32
    %scan3A_7 = arith.constant 1 : i32
    scf.for %scan3A_391 = %scan3A_4 to %scan3A_6 step %scan3A_7  : i32 {
      %mul3A_392 = arith.constant 16 : i32
      %mul3A_393 = arith.muli %scan3A_391, %mul3A_392 : i32
      %swap3A = arith.index_cast %mul3A_393 : i32 to index
      %swap3A_394 = tpu.vector_load %arg9[%swap3A] {strides = array<i32>} : memref<6256xf32, #tpu.memory_space<vmem>>, vector<16xf32>,
      %swap3A_395 = vector.shape_cast %swap3A_394 : vector<16xf32> to vector<16xf32>
      %swap3A_396 = vector.shape_cast %broadcast_in_dim3A_3 : vector<16xf32> to vector<16xf32>
      tpu.vector_store %arg9[%swap3A], %swap3A_396 {strides = array<i32>} : memref<6256xf32, #tpu.memory_space<vmem>>, vector<16xf32>,
    }
    %scan3A_8 = arith.constant 391 : i32
    %mul3A_9 = arith.constant 6256 : i32
    %mul3A_10 = arith.muli %arg1, %mul3A_9 : i32
    "tpu.region"() ({
      %run_scoped3A = tpu.sem_alloc : memref<!tpu.dma_semaphore, #tpu.memory_space<semaphore_mem>>
      %dma_start3A_391 = arith.constant 0 : i32
      %dma_start3A_392 = tpu.memref_slice %arg9[%dma_start3A_391] : memref<6256xf32, #tpu.memory_space<vmem>> -> memref<6256xf32, #tpu.memory_space<vmem>>
      %dma_start3A_393 = tpu.memref_slice %arg7[%mul3A_10] : memref<100096xf32, #tpu.memory_space<vmem_shared>> -> memref<6256xf32, #tpu.memory_space<vmem_shared>>
      %dma_start3A_394 = tpu.memref_slice %arg7[%mul3A_10] : memref<100096xf32, #tpu.memory_space<vmem_shared>> -> memref<6256xf32, #tpu.memory_space<vmem_shared>>
      %dma_start3A_395 = arith.constant 0 : i32
      %dma_start3A_396 = tpu.memref_slice %arg9[%dma_start3A_395] : memref<6256xf32, #tpu.memory_space<vmem>> -> memref<6256xf32, #tpu.memory_space<vmem>>
      tpu.enqueue_dma source(%dma_start3A_396 : memref<6256xf32, #tpu.memory_space<vmem>>) target(%dma_start3A_394 : memref<6256xf32, #tpu.memory_space<vmem_shared>>) target_semaphore(%run_scoped3A : memref<!tpu.dma_semaphore, #tpu.memory_space<semaphore_mem>>)
      %dma_wait3A_397 = arith.constant 0 : i32
      %dma_wait3A_398 = tpu.memref_slice %arg9[%dma_wait3A_397] : memref<6256xf32, #tpu.memory_space<vmem>> -> memref<6256xf32, #tpu.memory_space<vmem>>
      %dma_wait3A_399 = tpu.memref_slice %arg7[%mul3A_10] : memref<100096xf32, #tpu.memory_space<vmem_shared>> -> memref<6256xf32, #tpu.memory_space<vmem_shared>>
      %dma_wait3A_400 = tpu.memref_slice %arg7[%mul3A_10] : memref<100096xf32, #tpu.memory_space<vmem_shared>> -> memref<6256xf32, #tpu.memory_space<vmem_shared>>
      %dma_wait3A_401 = arith.constant 0 : i32
      %dma_wait3A_402 = tpu.memref_slice %arg9[%dma_wait3A_401] : memref<6256xf32, #tpu.memory_space<vmem>> -> memref<6256xf32, #tpu.memory_space<vmem>>
      tpu.wait_dma2 semaphore(%run_scoped3A : memref<!tpu.dma_semaphore, #tpu.memory_space<semaphore_mem>>) src(%dma_wait3A_402 : memref<6256xf32, #tpu.memory_space<vmem>>) dst(%dma_wait3A_400 : memref<6256xf32, #tpu.memory_space<vmem_shared>>)
      tpu.yield
    }) : () -> ()
    %barrier3A = arith.constant 0 : index
    tpu.barrier barrier_id(%barrier3A)
    %mul3A_11 = arith.constant 16 : i32
    %mul3A_12 = arith.muli %arg0, %mul3A_11 : i32
    %add3A = arith.addi %mul3A_12, %arg1 : i32
    %scan3A_13 = arith.constant 0 : i32
    %scan3A_14 = arith.constant 0 : i32
    %scan3A_15 = arith.constant 24 : i32
    %scan3A_16 = arith.addi %scan3A_14, %scan3A_15 : i32
    %scan3A_17 = arith.constant 1 : i32
    scf.for %scan3A_391 = %scan3A_14 to %scan3A_16 step %scan3A_17  : i32 {
      %mul3A_392 = arith.constant 392 : i32
      %mul3A_393 = arith.muli %add3A, %mul3A_392 : i32
      %mul3A_394 = arith.constant 16 : i32
      %mul3A_395 = arith.muli %scan3A_391, %mul3A_394 : i32
      %add3A_396 = arith.addi %mul3A_393, %mul3A_395 : i32
      %dma_start3A_397 = arith.constant 0 : i32
      %dma_start3A_398 = arith.constant 0 : i32
      %dma_start3A_399 = tpu.memref_slice %arg10[%dma_start3A_397, %dma_start3A_398] : memref<16x128xi32, #tpu.memory_space<vmem>> -> memref<16x128xi32, #tpu.memory_space<vmem>>
      %dma_start3A_400 = arith.constant 0 : i32
      %dma_start3A_401 = tpu.memref_slice %arg3[%add3A_396, %dma_start3A_400] : memref<12544x128xi32, #tpu.memory_space<hbm>> -> memref<16x128xi32, #tpu.memory_space<hbm>>
      %dma_start3A_402 = arith.constant 0 : i32
      %dma_start3A_403 = arith.constant 0 : i32
      %dma_start3A_404 = tpu.memref_slice %arg10[%dma_start3A_402, %dma_start3A_403] : memref<16x128xi32, #tpu.memory_space<vmem>> -> memref<16x128xi32, #tpu.memory_space<vmem>>
      %dma_start3A_405 = arith.constant 0 : i32
      %dma_start3A_406 = tpu.memref_slice %arg3[%add3A_396, %dma_start3A_405] : memref<12544x128xi32, #tpu.memory_space<hbm>> -> memref<16x128xi32, #tpu.memory_space<hbm>>
      tpu.enqueue_dma source(%dma_start3A_406 : memref<16x128xi32, #tpu.memory_space<hbm>>) target(%dma_start3A_404 : memref<16x128xi32, #tpu.memory_space<vmem>>) target_semaphore(%arg13 : memref<!tpu.dma_semaphore, #tpu.memory_space<semaphore_mem>>)
      %dma_start3A_407 = arith.constant 0 : i32
      %dma_start3A_408 = arith.constant 0 : i32
      %dma_start3A_409 = tpu.memref_slice %arg11[%dma_start3A_407, %dma_start3A_408] : memref<16x128xi32, #tpu.memory_space<vmem>> -> memref<16x128xi32, #tpu.memory_space<vmem>>
      %dma_start3A_410 = arith.constant 0 : i32
      %dma_start3A_411 = tpu.memref_slice %arg4[%add3A_396, %dma_start3A_410] : memref<12544x128xi32, #tpu.memory_space<hbm>> -> memref<16x128xi32, #tpu.memory_space<hbm>>
      %dma_start3A_412 = arith.constant 0 : i32
      %dma_start3A_413 = arith.constant 0 : i32
      %dma_start3A_414 = tpu.memref_slice %arg11[%dma_start3A_412, %dma_start3A_413] : memref<16x128xi32, #tpu.memory_space<vmem>> -> memref<16x128xi32, #tpu.memory_space<vmem>>
      %dma_start3A_415 = arith.constant 0 : i32
      %dma_start3A_416 = tpu.memref_slice %arg4[%add3A_396, %dma_start3A_415] : memref<12544x128xi32, #tpu.memory_space<hbm>> -> memref<16x128xi32, #tpu.memory_space<hbm>>
      tpu.enqueue_dma source(%dma_start3A_416 : memref<16x128xi32, #tpu.memory_space<hbm>>) target(%dma_start3A_414 : memref<16x128xi32, #tpu.memory_space<vmem>>) target_semaphore(%arg13 : memref<!tpu.dma_semaphore, #tpu.memory_space<semaphore_mem>>)
      %dma_wait3A_417 = arith.constant 0 : i32
      %dma_wait3A_418 = arith.constant 0 : i32
      %dma_wait3A_419 = tpu.memref_slice %arg10[%dma_wait3A_417, %dma_wait3A_418] : memref<16x128xi32, #tpu.memory_space<vmem>> -> memref<16x128xi32, #tpu.memory_space<vmem>>
      %dma_wait3A_420 = arith.constant 0 : i32
      %dma_wait3A_421 = tpu.memref_slice %arg3[%add3A_396, %dma_wait3A_420] : memref<12544x128xi32, #tpu.memory_space<hbm>> -> memref<16x128xi32, #tpu.memory_space<hbm>>
      %dma_wait3A_422 = arith.constant 0 : i32
      %dma_wait3A_423 = arith.constant 0 : i32
      %dma_wait3A_424 = tpu.memref_slice %arg10[%dma_wait3A_422, %dma_wait3A_423] : memref<16x128xi32, #tpu.memory_space<vmem>> -> memref<16x128xi32, #tpu.memory_space<vmem>>
      %dma_wait3A_425 = arith.constant 0 : i32
      %dma_wait3A_426 = tpu.memref_slice %arg3[%add3A_396, %dma_wait3A_425] : memref<12544x128xi32, #tpu.memory_space<hbm>> -> memref<16x128xi32, #tpu.memory_space<hbm>>
      tpu.wait_dma2 semaphore(%arg13 : memref<!tpu.dma_semaphore, #tpu.memory_space<semaphore_mem>>) src(%dma_wait3A_426 : memref<16x128xi32, #tpu.memory_space<hbm>>) dst(%dma_wait3A_424 : memref<16x128xi32, #tpu.memory_space<vmem>>)
      %dma_wait3A_427 = arith.constant 0 : i32
      %dma_wait3A_428 = arith.constant 0 : i32
      %dma_wait3A_429 = tpu.memref_slice %arg11[%dma_wait3A_427, %dma_wait3A_428] : memref<16x128xi32, #tpu.memory_space<vmem>> -> memref<16x128xi32, #tpu.memory_space<vmem>>
      %dma_wait3A_430 = arith.constant 0 : i32
      %dma_wait3A_431 = tpu.memref_slice %arg4[%add3A_396, %dma_wait3A_430] : memref<12544x128xi32, #tpu.memory_space<hbm>> -> memref<16x128xi32, #tpu.memory_space<hbm>>
      %dma_wait3A_432 = arith.constant 0 : i32
      %dma_wait3A_433 = arith.constant 0 : i32
      %dma_wait3A_434 = tpu.memref_slice %arg11[%dma_wait3A_432, %dma_wait3A_433] : memref<16x128xi32, #tpu.memory_space<vmem>> -> memref<16x128xi32, #tpu.memory_space<vmem>>
      %dma_wait3A_435 = arith.constant 0 : i32
      %dma_wait3A_436 = tpu.memref_slice %arg4[%add3A_396, %dma_wait3A_435] : memref<12544x128xi32, #tpu.memory_space<hbm>> -> memref<16x128xi32, #tpu.memory_space<hbm>>
      tpu.wait_dma2 semaphore(%arg13 : memref<!tpu.dma_semaphore, #tpu.memory_space<semaphore_mem>>) src(%dma_wait3A_436 : memref<16x128xi32, #tpu.memory_space<hbm>>) dst(%dma_wait3A_434 : memref<16x128xi32, #tpu.memory_space<vmem>>)
      %dma_start3A_437 = arith.constant 0 : i32
      %dma_start3A_438 = arith.constant 0 : i32
      %dma_start3A_439 = arith.constant 0 : i32
      %dma_start3A_440 = tpu.memref_slice %arg12[%dma_start3A_438, %dma_start3A_439] : memref<16x128xf32, #tpu.memory_space<vmem>> -> memref<1x128xf32, #tpu.memory_space<vmem>>
      %dma_start3A_441 = tpu.memref_squeeze %dma_start3A_440 : memref<1x128xf32, #tpu.memory_space<vmem>> -> memref<128xf32, #tpu.memory_space<vmem>>
      %dma_start3A_442 = arith.constant 0 : i32
      %dma_start3A_443 = tpu.memref_slice %arg10[%dma_start3A_437, %dma_start3A_442] : memref<16x128xi32, #tpu.memory_space<vmem>> -> memref<1x128xi32, #tpu.memory_space<vmem>>
      %dma_start3A_444 = tpu.memref_squeeze %dma_start3A_443 : memref<1x128xi32, #tpu.memory_space<vmem>> -> memref<128xi32, #tpu.memory_space<vmem>>
      %dma_start3A_445 = arith.constant 0 : i32
      %dma_start3A_446 = tpu.memref_slice %arg8[%dma_start3A_445] : memref<100096xf32, #tpu.memory_space<vmem_shared>> -> memref<100096xf32, #tpu.memory_space<vmem_shared>>
      tpu.enqueue_indirect_dma source(%dma_start3A_446 : memref<100096xf32, #tpu.memory_space<vmem_shared>>) target(%dma_start3A_441 : memref<128xf32, #tpu.memory_space<vmem>>) offsets(%dma_start3A_444 : memref<128xi32, #tpu.memory_space<vmem>>) semaphore(%arg13 : memref<!tpu.dma_semaphore, #tpu.memory_space<semaphore_mem>>)
      %dma_start3A_447 = arith.constant 1 : i32
      %dma_start3A_448 = arith.constant 1 : i32
      %dma_start3A_449 = arith.constant 0 : i32
      %dma_start3A_450 = tpu.memref_slice %arg12[%dma_start3A_448, %dma_start3A_449] : memref<16x128xf32, #tpu.memory_space<vmem>> -> memref<1x128xf32, #tpu.memory_space<vmem>>
      %dma_start3A_451 = tpu.memref_squeeze %dma_start3A_450 : memref<1x128xf32, #tpu.memory_space<vmem>> -> memref<128xf32, #tpu.memory_space<vmem>>
      %dma_start3A_452 = arith.constant 0 : i32
      %dma_start3A_453 = tpu.memref_slice %arg10[%dma_start3A_447, %dma_start3A_452] : memref<16x128xi32, #tpu.memory_space<vmem>> -> memref<1x128xi32, #tpu.memory_space<vmem>>
      %dma_start3A_454 = tpu.memref_squeeze %dma_start3A_453 : memref<1x128xi32, #tpu.memory_space<vmem>> -> memref<128xi32, #tpu.memory_space<vmem>>
      %dma_start3A_455 = arith.constant 0 : i32
      %dma_start3A_456 = tpu.memref_slice %arg8[%dma_start3A_455] : memref<100096xf32, #tpu.memory_space<vmem_shared>> -> memref<100096xf32, #tpu.memory_space<vmem_shared>>
      tpu.enqueue_indirect_dma source(%dma_start3A_456 : memref<100096xf32, #tpu.memory_space<vmem_shared>>) target(%dma_start3A_451 : memref<128xf32, #tpu.memory_space<vmem>>) offsets(%dma_start3A_454 : memref<128xi32, #tpu.memory_space<vmem>>) semaphore(%arg13 : memref<!tpu.dma_semaphore, #tpu.memory_space<semaphore_mem>>)
      %dma_start3A_457 = arith.constant 2 : i32
      %dma_start3A_458 = arith.constant 2 : i32
      %dma_start3A_459 = arith.constant 0 : i32
      %dma_start3A_460 = tpu.memref_slice %arg12[%dma_start3A_458, %dma_start3A_459] : memref<16x128xf32, #tpu.memory_space<vmem>> -> memref<1x128xf32, #tpu.memory_space<vmem>>
      %dma_start3A_461 = tpu.memref_squeeze %dma_start3A_460 : memref<1x128xf32, #tpu.memory_space<vmem>> -> memref<128xf32, #tpu.memory_space<vmem>>
      %dma_start3A_462 = arith.constant 0 : i32
      %dma_start3A_463 = tpu.memref_slice %arg10[%dma_start3A_457, %dma_start3A_462] : memref<16x128xi32, #tpu.memory_space<vmem>> -> memref<1x128xi32, #tpu.memory_space<vmem>>
      %dma_start3A_464 = tpu.memref_squeeze %dma_start3A_463 : memref<1x128xi32, #tpu.memory_space<vmem>> -> memref<128xi32, #tpu.memory_space<vmem>>
      %dma_start3A_465 = arith.constant 0 : i32
      %dma_start3A_466 = tpu.memref_slice %arg8[%dma_start3A_465] : memref<100096xf32, #tpu.memory_space<vmem_shared>> -> memref<100096xf32, #tpu.memory_space<vmem_shared>>
      tpu.enqueue_indirect_dma source(%dma_start3A_466 : memref<100096xf32, #tpu.memory_space<vmem_shared>>) target(%dma_start3A_461 : memref<128xf32, #tpu.memory_space<vmem>>) offsets(%dma_start3A_464 : memref<128xi32, #tpu.memory_space<vmem>>) semaphore(%arg13 : memref<!tpu.dma_semaphore, #tpu.memory_space<semaphore_mem>>)
      %dma_start3A_467 = arith.constant 3 : i32
      %dma_start3A_468 = arith.constant 3 : i32
      %dma_start3A_469 = arith.constant 0 : i32
      %dma_start3A_470 = tpu.memref_slice %arg12[%dma_start3A_468, %dma_start3A_469] : memref<16x128xf32, #tpu.memory_space<vmem>> -> memref<1x128xf32, #tpu.memory_space<vmem>>
      %dma_start3A_471 = tpu.memref_squeeze %dma_start3A_470 : memref<1x128xf32, #tpu.memory_space<vmem>> -> memref<128xf32, #tpu.memory_space<vmem>>
      %dma_start3A_472 = arith.constant 0 : i32
      %dma_start3A_473 = tpu.memref_slice %arg10[%dma_start3A_467, %dma_start3A_472] : memref<16x128xi32, #tpu.memory_space<vmem>> -> memref<1x128xi32, #tpu.memory_space<vmem>>
      %dma_start3A_474 = tpu.memref_squeeze %dma_start3A_473 : memref<1x128xi32, #tpu.memory_space<vmem>> -> memref<128xi32, #tpu.memory_space<vmem>>
      %dma_start3A_475 = arith.constant 0 : i32
      %dma_start3A_476 = tpu.memref_slice %arg8[%dma_start3A_475] : memref<100096xf32, #tpu.memory_space<vmem_shared>> -> memref<100096xf32, #tpu.memory_space<vmem_shared>>
      tpu.enqueue_indirect_dma source(%dma_start3A_476 : memref<100096xf32, #tpu.memory_space<vmem_shared>>) target(%dma_start3A_471 : memref<128xf32, #tpu.memory_space<vmem>>) offsets(%dma_start3A_474 : memref<128xi32, #tpu.memory_space<vmem>>) semaphore(%arg13 : memref<!tpu.dma_semaphore, #tpu.memory_space<semaphore_mem>>)
      %dma_start3A_477 = arith.constant 4 : i32
      %dma_start3A_478 = arith.constant 4 : i32
      %dma_start3A_479 = arith.constant 0 : i32
      %dma_start3A_480 = tpu.memref_slice %arg12[%dma_start3A_478, %dma_start3A_479] : memref<16x128xf32, #tpu.memory_space<vmem>> -> memref<1x128xf32, #tpu.memory_space<vmem>>
      %dma_start3A_481 = tpu.memref_squeeze %dma_start3A_480 : memref<1x128xf32, #tpu.memory_space<vmem>> -> memref<128xf32, #tpu.memory_space<vmem>>
      %dma_start3A_482 = arith.constant 0 : i32
      %dma_start3A_483 = tpu.memref_slice %arg10[%dma_start3A_477, %dma_start3A_482] : memref<16x128xi32, #tpu.memory_space<vmem>> -> memref<1x128xi32, #tpu.memory_space<vmem>>
      %dma_start3A_484 = tpu.memref_squeeze %dma_start3A_483 : memref<1x128xi32, #tpu.memory_space<vmem>> -> memref<128xi32, #tpu.memory_space<vmem>>
      %dma_start3A_485 = arith.constant 0 : i32
      %dma_start3A_486 = tpu.memref_slice %arg8[%dma_start3A_485] : memref<100096xf32, #tpu.memory_space<vmem_shared>> -> memref<100096xf32, #tpu.memory_space<vmem_shared>>
      tpu.enqueue_indirect_dma source(%dma_start3A_486 : memref<100096xf32, #tpu.memory_space<vmem_shared>>) target(%dma_start3A_481 : memref<128xf32, #tpu.memory_space<vmem>>) offsets(%dma_start3A_484 : memref<128xi32, #tpu.memory_space<vmem>>) semaphore(%arg13 : memref<!tpu.dma_semaphore, #tpu.memory_space<semaphore_mem>>)
      %dma_start3A_487 = arith.constant 5 : i32
      %dma_start3A_488 = arith.constant 5 : i32
      %dma_start3A_489 = arith.constant 0 : i32
      %dma_start3A_490 = tpu.memref_slice %arg12[%dma_start3A_488, %dma_start3A_489] : memref<16x128xf32, #tpu.memory_space<vmem>> -> memref<1x128xf32, #tpu.memory_space<vmem>>
      %dma_start3A_491 = tpu.memref_squeeze %dma_start3A_490 : memref<1x128xf32, #tpu.memory_space<vmem>> -> memref<128xf32, #tpu.memory_space<vmem>>
      %dma_start3A_492 = arith.constant 0 : i32
      %dma_start3A_493 = tpu.memref_slice %arg10[%dma_start3A_487, %dma_start3A_492] : memref<16x128xi32, #tpu.memory_space<vmem>> -> memref<1x128xi32, #tpu.memory_space<vmem>>
      %dma_start3A_494 = tpu.memref_squeeze %dma_start3A_493 : memref<1x128xi32, #tpu.memory_space<vmem>> -> memref<128xi32, #tpu.memory_space<vmem>>
      %dma_start3A_495 = arith.constant 0 : i32
      %dma_start3A_496 = tpu.memref_slice %arg8[%dma_start3A_495] : memref<100096xf32, #tpu.memory_space<vmem_shared>> -> memref<100096xf32, #tpu.memory_space<vmem_shared>>
      tpu.enqueue_indirect_dma source(%dma_start3A_496 : memref<100096xf32, #tpu.memory_space<vmem_shared>>) target(%dma_start3A_491 : memref<128xf32, #tpu.memory_space<vmem>>) offsets(%dma_start3A_494 : memref<128xi32, #tpu.memory_space<vmem>>) semaphore(%arg13 : memref<!tpu.dma_semaphore, #tpu.memory_space<semaphore_mem>>)
      %dma_start3A_497 = arith.constant 6 : i32
      %dma_start3A_498 = arith.constant 6 : i32
      %dma_start3A_499 = arith.constant 0 : i32
      %dma_start3A_500 = tpu.memref_slice %arg12[%dma_start3A_498, %dma_start3A_499] : memref<16x128xf32, #tpu.memory_space<vmem>> -> memref<1x128xf32, #tpu.memory_space<vmem>>
      %dma_start3A_501 = tpu.memref_squeeze %dma_start3A_500 : memref<1x128xf32, #tpu.memory_space<vmem>> -> memref<128xf32, #tpu.memory_space<vmem>>
      %dma_start3A_502 = arith.constant 0 : i32
      %dma_start3A_503 = tpu.memref_slice %arg10[%dma_start3A_497, %dma_start3A_502] : memref<16x128xi32, #tpu.memory_space<vmem>> -> memref<1x128xi32, #tpu.memory_space<vmem>>
      %dma_start3A_504 = tpu.memref_squeeze %dma_start3A_503 : memref<1x128xi32, #tpu.memory_space<vmem>> -> memref<128xi32, #tpu.memory_space<vmem>>
      %dma_start3A_505 = arith.constant 0 : i32
      %dma_start3A_506 = tpu.memref_slice %arg8[%dma_start3A_505] : memref<100096xf32, #tpu.memory_space<vmem_shared>> -> memref<100096xf32, #tpu.memory_space<vmem_shared>>
      tpu.enqueue_indirect_dma source(%dma_start3A_506 : memref<100096xf32, #tpu.memory_space<vmem_shared>>) target(%dma_start3A_501 : memref<128xf32, #tpu.memory_space<vmem>>) offsets(%dma_start3A_504 : memref<128xi32, #tpu.memory_space<vmem>>) semaphore(%arg13 : memref<!tpu.dma_semaphore, #tpu.memory_space<semaphore_mem>>)
      %dma_start3A_507 = arith.constant 7 : i32
      %dma_start3A_508 = arith.constant 7 : i32
      %dma_start3A_509 = arith.constant 0 : i32
      %dma_start3A_510 = tpu.memref_slice %arg12[%dma_start3A_508, %dma_start3A_509] : memref<16x128xf32, #tpu.memory_space<vmem>> -> memref<1x128xf32, #tpu.memory_space<vmem>>
      %dma_start3A_511 = tpu.memref_squeeze %dma_start3A_510 : memref<1x128xf32, #tpu.memory_space<vmem>> -> memref<128xf32, #tpu.memory_space<vmem>>
      %dma_start3A_512 = arith.constant 0 : i32
      %dma_start3A_513 = tpu.memref_slice %arg10[%dma_start3A_507, %dma_start3A_512] : memref<16x128xi32, #tpu.memory_space<vmem>> -> memref<1x128xi32, #tpu.memory_space<vmem>>
      %dma_start3A_514 = tpu.memref_squeeze %dma_start3A_513 : memref<1x128xi32, #tpu.memory_space<vmem>> -> memref<128xi32, #tpu.memory_space<vmem>>
      %dma_start3A_515 = arith.constant 0 : i32
      %dma_start3A_516 = tpu.memref_slice %arg8[%dma_start3A_515] : memref<100096xf32, #tpu.memory_space<vmem_shared>> -> memref<100096xf32, #tpu.memory_space<vmem_shared>>
      tpu.enqueue_indirect_dma source(%dma_start3A_516 : memref<100096xf32, #tpu.memory_space<vmem_shared>>) target(%dma_start3A_511 : memref<128xf32, #tpu.memory_space<vmem>>) offsets(%dma_start3A_514 : memref<128xi32, #tpu.memory_space<vmem>>) semaphore(%arg13 : memref<!tpu.dma_semaphore, #tpu.memory_space<semaphore_mem>>)
      %dma_start3A_517 = arith.constant 8 : i32
      %dma_start3A_518 = arith.constant 8 : i32
      %dma_start3A_519 = arith.constant 0 : i32
      %dma_start3A_520 = tpu.memref_slice %arg12[%dma_start3A_518, %dma_start3A_519] : memref<16x128xf32, #tpu.memory_space<vmem>> -> memref<1x128xf32, #tpu.memory_space<vmem>>
      %dma_start3A_521 = tpu.memref_squeeze %dma_start3A_520 : memref<1x128xf32, #tpu.memory_space<vmem>> -> memref<128xf32, #tpu.memory_space<vmem>>
      %dma_start3A_522 = arith.constant 0 : i32
      %dma_start3A_523 = tpu.memref_slice %arg10[%dma_start3A_517, %dma_start3A_522] : memref<16x128xi32, #tpu.memory_space<vmem>> -> memref<1x128xi32, #tpu.memory_space<vmem>>
      %dma_start3A_524 = tpu.memref_squeeze %dma_start3A_523 : memref<1x128xi32, #tpu.memory_space<vmem>> -> memref<128xi32, #tpu.memory_space<vmem>>
      %dma_start3A_525 = arith.constant 0 : i32
      %dma_start3A_526 = tpu.memref_slice %arg8[%dma_start3A_525] : memref<100096xf32, #tpu.memory_space<vmem_shared>> -> memref<100096xf32, #tpu.memory_space<vmem_shared>>
      tpu.enqueue_indirect_dma source(%dma_start3A_526 : memref<100096xf32, #tpu.memory_space<vmem_shared>>) target(%dma_start3A_521 : memref<128xf32, #tpu.memory_space<vmem>>) offsets(%dma_start3A_524 : memref<128xi32, #tpu.memory_space<vmem>>) semaphore(%arg13 : memref<!tpu.dma_semaphore, #tpu.memory_space<semaphore_mem>>)
      %dma_start3A_527 = arith.constant 9 : i32
      %dma_start3A_528 = arith.constant 9 : i32
      %dma_start3A_529 = arith.constant 0 : i32
      %dma_start3A_530 = tpu.memref_slice %arg12[%dma_start3A_528, %dma_start3A_529] : memref<16x128xf32, #tpu.memory_space<vmem>> -> memref<1x128xf32, #tpu.memory_space<vmem>>
      %dma_start3A_531 = tpu.memref_squeeze %dma_start3A_530 : memref<1x128xf32, #tpu.memory_space<vmem>> -> memref<128xf32, #tpu.memory_space<vmem>>
      %dma_start3A_532 = arith.constant 0 : i32
      %dma_start3A_533 = tpu.memref_slice %arg10[%dma_start3A_527, %dma_start3A_532] : memref<16x128xi32, #tpu.memory_space<vmem>> -> memref<1x128xi32, #tpu.memory_space<vmem>>
      %dma_start3A_534 = tpu.memref_squeeze %dma_start3A_533 : memref<1x128xi32, #tpu.memory_space<vmem>> -> memref<128xi32, #tpu.memory_space<vmem>>
      %dma_start3A_535 = arith.constant 0 : i32
      %dma_start3A_536 = tpu.memref_slice %arg8[%dma_start3A_535] : memref<100096xf32, #tpu.memory_space<vmem_shared>> -> memref<100096xf32, #tpu.memory_space<vmem_shared>>
      tpu.enqueue_indirect_dma source(%dma_start3A_536 : memref<100096xf32, #tpu.memory_space<vmem_shared>>) target(%dma_start3A_531 : memref<128xf32, #tpu.memory_space<vmem>>) offsets(%dma_start3A_534 : memref<128xi32, #tpu.memory_space<vmem>>) semaphore(%arg13 : memref<!tpu.dma_semaphore, #tpu.memory_space<semaphore_mem>>)
      %dma_start3A_537 = arith.constant 10 : i32
      %dma_start3A_538 = arith.constant 10 : i32
      %dma_start3A_539 = arith.constant 0 : i32
      %dma_start3A_540 = tpu.memref_slice %arg12[%dma_start3A_538, %dma_start3A_539] : memref<16x128xf32, #tpu.memory_space<vmem>> -> memref<1x128xf32, #tpu.memory_space<vmem>>
      %dma_start3A_541 = tpu.memref_squeeze %dma_start3A_540 : memref<1x128xf32, #tpu.memory_space<vmem>> -> memref<128xf32, #tpu.memory_space<vmem>>
      %dma_start3A_542 = arith.constant 0 : i32
      %dma_start3A_543 = tpu.memref_slice %arg10[%dma_start3A_537, %dma_start3A_542] : memref<16x128xi32, #tpu.memory_space<vmem>> -> memref<1x128xi32, #tpu.memory_space<vmem>>
      %dma_start3A_544 = tpu.memref_squeeze %dma_start3A_543 : memref<1x128xi32, #tpu.memory_space<vmem>> -> memref<128xi32, #tpu.memory_space<vmem>>
      %dma_start3A_545 = arith.constant 0 : i32
      %dma_start3A_546 = tpu.memref_slice %arg8[%dma_start3A_545] : memref<100096xf32, #tpu.memory_space<vmem_shared>> -> memref<100096xf32, #tpu.memory_space<vmem_shared>>
      tpu.enqueue_indirect_dma source(%dma_start3A_546 : memref<100096xf32, #tpu.memory_space<vmem_shared>>) target(%dma_start3A_541 : memref<128xf32, #tpu.memory_space<vmem>>) offsets(%dma_start3A_544 : memref<128xi32, #tpu.memory_space<vmem>>) semaphore(%arg13 : memref<!tpu.dma_semaphore, #tpu.memory_space<semaphore_mem>>)
      %dma_start3A_547 = arith.constant 11 : i32
      %dma_start3A_548 = arith.constant 11 : i32
      %dma_start3A_549 = arith.constant 0 : i32
      %dma_start3A_550 = tpu.memref_slice %arg12[%dma_start3A_548, %dma_start3A_549] : memref<16x128xf32, #tpu.memory_space<vmem>> -> memref<1x128xf32, #tpu.memory_space<vmem>>
      %dma_start3A_551 = tpu.memref_squeeze %dma_start3A_550 : memref<1x128xf32, #tpu.memory_space<vmem>> -> memref<128xf32, #tpu.memory_space<vmem>>
      %dma_start3A_552 = arith.constant 0 : i32
      %dma_start3A_553 = tpu.memref_slice %arg10[%dma_start3A_547, %dma_start3A_552] : memref<16x128xi32, #tpu.memory_space<vmem>> -> memref<1x128xi32, #tpu.memory_space<vmem>>
      %dma_start3A_554 = tpu.memref_squeeze %dma_start3A_553 : memref<1x128xi32, #tpu.memory_space<vmem>> -> memref<128xi32, #tpu.memory_space<vmem>>
      %dma_start3A_555 = arith.constant 0 : i32
      %dma_start3A_556 = tpu.memref_slice %arg8[%dma_start3A_555] : memref<100096xf32, #tpu.memory_space<vmem_shared>> -> memref<100096xf32, #tpu.memory_space<vmem_shared>>
      tpu.enqueue_indirect_dma source(%dma_start3A_556 : memref<100096xf32, #tpu.memory_space<vmem_shared>>) target(%dma_start3A_551 : memref<128xf32, #tpu.memory_space<vmem>>) offsets(%dma_start3A_554 : memref<128xi32, #tpu.memory_space<vmem>>) semaphore(%arg13 : memref<!tpu.dma_semaphore, #tpu.memory_space<semaphore_mem>>)
      %dma_start3A_557 = arith.constant 12 : i32
      %dma_start3A_558 = arith.constant 12 : i32
      %dma_start3A_559 = arith.constant 0 : i32
      %dma_start3A_560 = tpu.memref_slice %arg12[%dma_start3A_558, %dma_start3A_559] : memref<16x128xf32, #tpu.memory_space<vmem>> -> memref<1x128xf32, #tpu.memory_space<vmem>>
      %dma_start3A_561 = tpu.memref_squeeze %dma_start3A_560 : memref<1x128xf32, #tpu.memory_space<vmem>> -> memref<128xf32, #tpu.memory_space<vmem>>
      %dma_start3A_562 = arith.constant 0 : i32
      %dma_start3A_563 = tpu.memref_slice %arg10[%dma_start3A_557, %dma_start3A_562] : memref<16x128xi32, #tpu.memory_space<vmem>> -> memref<1x128xi32, #tpu.memory_space<vmem>>
      %dma_start3A_564 = tpu.memref_squeeze %dma_start3A_563 : memref<1x128xi32, #tpu.memory_space<vmem>> -> memref<128xi32, #tpu.memory_space<vmem>>
      %dma_start3A_565 = arith.constant 0 : i32
      %dma_start3A_566 = tpu.memref_slice %arg8[%dma_start3A_565] : memref<100096xf32, #tpu.memory_space<vmem_shared>> -> memref<100096xf32, #tpu.memory_space<vmem_shared>>
      tpu.enqueue_indirect_dma source(%dma_start3A_566 : memref<100096xf32, #tpu.memory_space<vmem_shared>>) target(%dma_start3A_561 : memref<128xf32, #tpu.memory_space<vmem>>) offsets(%dma_start3A_564 : memref<128xi32, #tpu.memory_space<vmem>>) semaphore(%arg13 : memref<!tpu.dma_semaphore, #tpu.memory_space<semaphore_mem>>)
      %dma_start3A_567 = arith.constant 13 : i32
      %dma_start3A_568 = arith.constant 13 : i32
      %dma_start3A_569 = arith.constant 0 : i32
      %dma_start3A_570 = tpu.memref_slice %arg12[%dma_start3A_568, %dma_start3A_569] : memref<16x128xf32, #tpu.memory_space<vmem>> -> memref<1x128xf32, #tpu.memory_space<vmem>>
      %dma_start3A_571 = tpu.memref_squeeze %dma_start3A_570 : memref<1x128xf32, #tpu.memory_space<vmem>> -> memref<128xf32, #tpu.memory_space<vmem>>
      %dma_start3A_572 = arith.constant 0 : i32
      %dma_start3A_573 = tpu.memref_slice %arg10[%dma_start3A_567, %dma_start3A_572] : memref<16x128xi32, #tpu.memory_space<vmem>> -> memref<1x128xi32, #tpu.memory_space<vmem>>
      %dma_start3A_574 = tpu.memref_squeeze %dma_start3A_573 : memref<1x128xi32, #tpu.memory_space<vmem>> -> memref<128xi32, #tpu.memory_space<vmem>>
      %dma_start3A_575 = arith.constant 0 : i32
      %dma_start3A_576 = tpu.memref_slice %arg8[%dma_start3A_575] : memref<100096xf32, #tpu.memory_space<vmem_shared>> -> memref<100096xf32, #tpu.memory_space<vmem_shared>>
      tpu.enqueue_indirect_dma source(%dma_start3A_576 : memref<100096xf32, #tpu.memory_space<vmem_shared>>) target(%dma_start3A_571 : memref<128xf32, #tpu.memory_space<vmem>>) offsets(%dma_start3A_574 : memref<128xi32, #tpu.memory_space<vmem>>) semaphore(%arg13 : memref<!tpu.dma_semaphore, #tpu.memory_space<semaphore_mem>>)
      %dma_start3A_577 = arith.constant 14 : i32
      %dma_start3A_578 = arith.constant 14 : i32
      %dma_start3A_579 = arith.constant 0 : i32
      %dma_start3A_580 = tpu.memref_slice %arg12[%dma_start3A_578, %dma_start3A_579] : memref<16x128xf32, #tpu.memory_space<vmem>> -> memref<1x128xf32, #tpu.memory_space<vmem>>
      %dma_start3A_581 = tpu.memref_squeeze %dma_start3A_580 : memref<1x128xf32, #tpu.memory_space<vmem>> -> memref<128xf32, #tpu.memory_space<vmem>>
      %dma_start3A_582 = arith.constant 0 : i32
      %dma_start3A_583 = tpu.memref_slice %arg10[%dma_start3A_577, %dma_start3A_582] : memref<16x128xi32, #tpu.memory_space<vmem>> -> memref<1x128xi32, #tpu.memory_space<vmem>>
      %dma_start3A_584 = tpu.memref_squeeze %dma_start3A_583 : memref<1x128xi32, #tpu.memory_space<vmem>> -> memref<128xi32, #tpu.memory_space<vmem>>
      %dma_start3A_585 = arith.constant 0 : i32
      %dma_start3A_586 = tpu.memref_slice %arg8[%dma_start3A_585] : memref<100096xf32, #tpu.memory_space<vmem_shared>> -> memref<100096xf32, #tpu.memory_space<vmem_shared>>
      tpu.enqueue_indirect_dma source(%dma_start3A_586 : memref<100096xf32, #tpu.memory_space<vmem_shared>>) target(%dma_start3A_581 : memref<128xf32, #tpu.memory_space<vmem>>) offsets(%dma_start3A_584 : memref<128xi32, #tpu.memory_space<vmem>>) semaphore(%arg13 : memref<!tpu.dma_semaphore, #tpu.memory_space<semaphore_mem>>)
      %dma_start3A_587 = arith.constant 15 : i32
      %dma_start3A_588 = arith.constant 15 : i32
      %dma_start3A_589 = arith.constant 0 : i32
      %dma_start3A_590 = tpu.memref_slice %arg12[%dma_start3A_588, %dma_start3A_589] : memref<16x128xf32, #tpu.memory_space<vmem>> -> memref<1x128xf32, #tpu.memory_space<vmem>>
      %dma_start3A_591 = tpu.memref_squeeze %dma_start3A_590 : memref<1x128xf32, #tpu.memory_space<vmem>> -> memref<128xf32, #tpu.memory_space<vmem>>
      %dma_start3A_592 = arith.constant 0 : i32
      %dma_start3A_593 = tpu.memref_slice %arg10[%dma_start3A_587, %dma_start3A_592] : memref<16x128xi32, #tpu.memory_space<vmem>> -> memref<1x128xi32, #tpu.memory_space<vmem>>
      %dma_start3A_594 = tpu.memref_squeeze %dma_start3A_593 : memref<1x128xi32, #tpu.memory_space<vmem>> -> memref<128xi32, #tpu.memory_space<vmem>>
      %dma_start3A_595 = arith.constant 0 : i32
      %dma_start3A_596 = tpu.memref_slice %arg8[%dma_start3A_595] : memref<100096xf32, #tpu.memory_space<vmem_shared>> -> memref<100096xf32, #tpu.memory_space<vmem_shared>>
      tpu.enqueue_indirect_dma source(%dma_start3A_596 : memref<100096xf32, #tpu.memory_space<vmem_shared>>) target(%dma_start3A_591 : memref<128xf32, #tpu.memory_space<vmem>>) offsets(%dma_start3A_594 : memref<128xi32, #tpu.memory_space<vmem>>) semaphore(%arg13 : memref<!tpu.dma_semaphore, #tpu.memory_space<semaphore_mem>>)
      %dma_wait3A_597 = arith.constant 0 : i32
      %dma_wait3A_598 = arith.constant 0 : i32
      %dma_wait3A_599 = arith.constant 0 : i32
      %dma_wait3A_600 = tpu.memref_slice %arg12[%dma_wait3A_598, %dma_wait3A_599] : memref<16x128xf32, #tpu.memory_space<vmem>> -> memref<1x128xf32, #tpu.memory_space<vmem>>
      %dma_wait3A_601 = tpu.memref_squeeze %dma_wait3A_600 : memref<1x128xf32, #tpu.memory_space<vmem>> -> memref<128xf32, #tpu.memory_space<vmem>>
      %dma_wait3A_602 = arith.constant 0 : i32
      %dma_wait3A_603 = tpu.memref_slice %arg10[%dma_wait3A_597, %dma_wait3A_602] : memref<16x128xi32, #tpu.memory_space<vmem>> -> memref<1x128xi32, #tpu.memory_space<vmem>>
      %dma_wait3A_604 = tpu.memref_squeeze %dma_wait3A_603 : memref<1x128xi32, #tpu.memory_space<vmem>> -> memref<128xi32, #tpu.memory_space<vmem>>
      %dma_wait3A_605 = arith.constant 0 : i32
      %dma_wait3A_606 = tpu.memref_slice %arg8[%dma_wait3A_605] : memref<100096xf32, #tpu.memory_space<vmem_shared>> -> memref<100096xf32, #tpu.memory_space<vmem_shared>>
      tpu.wait_indirect_dma semaphore(%arg13 : memref<!tpu.dma_semaphore, #tpu.memory_space<semaphore_mem>>) src(%dma_wait3A_606 : memref<100096xf32, #tpu.memory_space<vmem_shared>>) dst(%dma_wait3A_601 : memref<128xf32, #tpu.memory_space<vmem>>)
      %dma_wait3A_607 = arith.constant 1 : i32
      %dma_wait3A_608 = arith.constant 1 : i32
      %dma_wait3A_609 = arith.constant 0 : i32
      %dma_wait3A_610 = tpu.memref_slice %arg12[%dma_wait3A_608, %dma_wait3A_609] : memref<16x128xf32, #tpu.memory_space<vmem>> -> memref<1x128xf32, #tpu.memory_space<vmem>>
      %dma_wait3A_611 = tpu.memref_squeeze %dma_wait3A_610 : memref<1x128xf32, #tpu.memory_space<vmem>> -> memref<128xf32, #tpu.memory_space<vmem>>
      %dma_wait3A_612 = arith.constant 0 : i32
      %dma_wait3A_613 = tpu.memref_slice %arg10[%dma_wait3A_607, %dma_wait3A_612] : memref<16x128xi32, #tpu.memory_space<vmem>> -> memref<1x128xi32, #tpu.memory_space<vmem>>
      %dma_wait3A_614 = tpu.memref_squeeze %dma_wait3A_613 : memref<1x128xi32, #tpu.memory_space<vmem>> -> memref<128xi32, #tpu.memory_space<vmem>>
      %dma_wait3A_615 = arith.constant 0 : i32
      %dma_wait3A_616 = tpu.memref_slice %arg8[%dma_wait3A_615] : memref<100096xf32, #tpu.memory_space<vmem_shared>> -> memref<100096xf32, #tpu.memory_space<vmem_shared>>
      tpu.wait_indirect_dma semaphore(%arg13 : memref<!tpu.dma_semaphore, #tpu.memory_space<semaphore_mem>>) src(%dma_wait3A_616 : memref<100096xf32, #tpu.memory_space<vmem_shared>>) dst(%dma_wait3A_611 : memref<128xf32, #tpu.memory_space<vmem>>)
      %dma_wait3A_617 = arith.constant 2 : i32
      %dma_wait3A_618 = arith.constant 2 : i32
      %dma_wait3A_619 = arith.constant 0 : i32
      %dma_wait3A_620 = tpu.memref_slice %arg12[%dma_wait3A_618, %dma_wait3A_619] : memref<16x128xf32, #tpu.memory_space<vmem>> -> memref<1x128xf32, #tpu.memory_space<vmem>>
      %dma_wait3A_621 = tpu.memref_squeeze %dma_wait3A_620 : memref<1x128xf32, #tpu.memory_space<vmem>> -> memref<128xf32, #tpu.memory_space<vmem>>
      %dma_wait3A_622 = arith.constant 0 : i32
      %dma_wait3A_623 = tpu.memref_slice %arg10[%dma_wait3A_617, %dma_wait3A_622] : memref<16x128xi32, #tpu.memory_space<vmem>> -> memref<1x128xi32, #tpu.memory_space<vmem>>
      %dma_wait3A_624 = tpu.memref_squeeze %dma_wait3A_623 : memref<1x128xi32, #tpu.memory_space<vmem>> -> memref<128xi32, #tpu.memory_space<vmem>>
      %dma_wait3A_625 = arith.constant 0 : i32
      %dma_wait3A_626 = tpu.memref_slice %arg8[%dma_wait3A_625] : memref<100096xf32, #tpu.memory_space<vmem_shared>> -> memref<100096xf32, #tpu.memory_space<vmem_shared>>
      tpu.wait_indirect_dma semaphore(%arg13 : memref<!tpu.dma_semaphore, #tpu.memory_space<semaphore_mem>>) src(%dma_wait3A_626 : memref<100096xf32, #tpu.memory_space<vmem_shared>>) dst(%dma_wait3A_621 : memref<128xf32, #tpu.memory_space<vmem>>)
      %dma_wait3A_627 = arith.constant 3 : i32
      %dma_wait3A_628 = arith.constant 3 : i32
      %dma_wait3A_629 = arith.constant 0 : i32
      %dma_wait3A_630 = tpu.memref_slice %arg12[%dma_wait3A_628, %dma_wait3A_629] : memref<16x128xf32, #tpu.memory_space<vmem>> -> memref<1x128xf32, #tpu.memory_space<vmem>>
      %dma_wait3A_631 = tpu.memref_squeeze %dma_wait3A_630 : memref<1x128xf32, #tpu.memory_space<vmem>> -> memref<128xf32, #tpu.memory_space<vmem>>
      %dma_wait3A_632 = arith.constant 0 : i32
      %dma_wait3A_633 = tpu.memref_slice %arg10[%dma_wait3A_627, %dma_wait3A_632] : memref<16x128xi32, #tpu.memory_space<vmem>> -> memref<1x128xi32, #tpu.memory_space<vmem>>
      %dma_wait3A_634 = tpu.memref_squeeze %dma_wait3A_633 : memref<1x128xi32, #tpu.memory_space<vmem>> -> memref<128xi32, #tpu.memory_space<vmem>>
      %dma_wait3A_635 = arith.constant 0 : i32
      %dma_wait3A_636 = tpu.memref_slice %arg8[%dma_wait3A_635] : memref<100096xf32, #tpu.memory_space<vmem_shared>> -> memref<100096xf32, #tpu.memory_space<vmem_shared>>
      tpu.wait_indirect_dma semaphore(%arg13 : memref<!tpu.dma_semaphore, #tpu.memory_space<semaphore_mem>>) src(%dma_wait3A_636 : memref<100096xf32, #tpu.memory_space<vmem_shared>>) dst(%dma_wait3A_631 : memref<128xf32, #tpu.memory_space<vmem>>)
      %dma_wait3A_637 = arith.constant 4 : i32
      %dma_wait3A_638 = arith.constant 4 : i32
      %dma_wait3A_639 = arith.constant 0 : i32
      %dma_wait3A_640 = tpu.memref_slice %arg12[%dma_wait3A_638, %dma_wait3A_639] : memref<16x128xf32, #tpu.memory_space<vmem>> -> memref<1x128xf32, #tpu.memory_space<vmem>>
      %dma_wait3A_641 = tpu.memref_squeeze %dma_wait3A_640 : memref<1x128xf32, #tpu.memory_space<vmem>> -> memref<128xf32, #tpu.memory_space<vmem>>
      %dma_wait3A_642 = arith.constant 0 : i32
      %dma_wait3A_643 = tpu.memref_slice %arg10[%dma_wait3A_637, %dma_wait3A_642] : memref<16x128xi32, #tpu.memory_space<vmem>> -> memref<1x128xi32, #tpu.memory_space<vmem>>
      %dma_wait3A_644 = tpu.memref_squeeze %dma_wait3A_643 : memref<1x128xi32, #tpu.memory_space<vmem>> -> memref<128xi32, #tpu.memory_space<vmem>>
      %dma_wait3A_645 = arith.constant 0 : i32
      %dma_wait3A_646 = tpu.memref_slice %arg8[%dma_wait3A_645] : memref<100096xf32, #tpu.memory_space<vmem_shared>> -> memref<100096xf32, #tpu.memory_space<vmem_shared>>
      tpu.wait_indirect_dma semaphore(%arg13 : memref<!tpu.dma_semaphore, #tpu.memory_space<semaphore_mem>>) src(%dma_wait3A_646 : memref<100096xf32, #tpu.memory_space<vmem_shared>>) dst(%dma_wait3A_641 : memref<128xf32, #tpu.memory_space<vmem>>)
      %dma_wait3A_647 = arith.constant 5 : i32
      %dma_wait3A_648 = arith.constant 5 : i32
      %dma_wait3A_649 = arith.constant 0 : i32
      %dma_wait3A_650 = tpu.memref_slice %arg12[%dma_wait3A_648, %dma_wait3A_649] : memref<16x128xf32, #tpu.memory_space<vmem>> -> memref<1x128xf32, #tpu.memory_space<vmem>>
      %dma_wait3A_651 = tpu.memref_squeeze %dma_wait3A_650 : memref<1x128xf32, #tpu.memory_space<vmem>> -> memref<128xf32, #tpu.memory_space<vmem>>
      %dma_wait3A_652 = arith.constant 0 : i32
      %dma_wait3A_653 = tpu.memref_slice %arg10[%dma_wait3A_647, %dma_wait3A_652] : memref<16x128xi32, #tpu.memory_space<vmem>> -> memref<1x128xi32, #tpu.memory_space<vmem>>
      %dma_wait3A_654 = tpu.memref_squeeze %dma_wait3A_653 : memref<1x128xi32, #tpu.memory_space<vmem>> -> memref<128xi32, #tpu.memory_space<vmem>>
      %dma_wait3A_655 = arith.constant 0 : i32
      %dma_wait3A_656 = tpu.memref_slice %arg8[%dma_wait3A_655] : memref<100096xf32, #tpu.memory_space<vmem_shared>> -> memref<100096xf32, #tpu.memory_space<vmem_shared>>
      tpu.wait_indirect_dma semaphore(%arg13 : memref<!tpu.dma_semaphore, #tpu.memory_space<semaphore_mem>>) src(%dma_wait3A_656 : memref<100096xf32, #tpu.memory_space<vmem_shared>>) dst(%dma_wait3A_651 : memref<128xf32, #tpu.memory_space<vmem>>)
      %dma_wait3A_657 = arith.constant 6 : i32
      %dma_wait3A_658 = arith.constant 6 : i32
      %dma_wait3A_659 = arith.constant 0 : i32
      %dma_wait3A_660 = tpu.memref_slice %arg12[%dma_wait3A_658, %dma_wait3A_659] : memref<16x128xf32, #tpu.memory_space<vmem>> -> memref<1x128xf32, #tpu.memory_space<vmem>>
      %dma_wait3A_661 = tpu.memref_squeeze %dma_wait3A_660 : memref<1x128xf32, #tpu.memory_space<vmem>> -> memref<128xf32, #tpu.memory_space<vmem>>
      %dma_wait3A_662 = arith.constant 0 : i32
      %dma_wait3A_663 = tpu.memref_slice %arg10[%dma_wait3A_657, %dma_wait3A_662] : memref<16x128xi32, #tpu.memory_space<vmem>> -> memref<1x128xi32, #tpu.memory_space<vmem>>
      %dma_wait3A_664 = tpu.memref_squeeze %dma_wait3A_663 : memref<1x128xi32, #tpu.memory_space<vmem>> -> memref<128xi32, #tpu.memory_space<vmem>>
      %dma_wait3A_665 = arith.constant 0 : i32
      %dma_wait3A_666 = tpu.memref_slice %arg8[%dma_wait3A_665] : memref<100096xf32, #tpu.memory_space<vmem_shared>> -> memref<100096xf32, #tpu.memory_space<vmem_shared>>
      tpu.wait_indirect_dma semaphore(%arg13 : memref<!tpu.dma_semaphore, #tpu.memory_space<semaphore_mem>>) src(%dma_wait3A_666 : memref<100096xf32, #tpu.memory_space<vmem_shared>>) dst(%dma_wait3A_661 : memref<128xf32, #tpu.memory_space<vmem>>)
      %dma_wait3A_667 = arith.constant 7 : i32
      %dma_wait3A_668 = arith.constant 7 : i32
      %dma_wait3A_669 = arith.constant 0 : i32
      %dma_wait3A_670 = tpu.memref_slice %arg12[%dma_wait3A_668, %dma_wait3A_669] : memref<16x128xf32, #tpu.memory_space<vmem>> -> memref<1x128xf32, #tpu.memory_space<vmem>>
      %dma_wait3A_671 = tpu.memref_squeeze %dma_wait3A_670 : memref<1x128xf32, #tpu.memory_space<vmem>> -> memref<128xf32, #tpu.memory_space<vmem>>
      %dma_wait3A_672 = arith.constant 0 : i32
      %dma_wait3A_673 = tpu.memref_slice %arg10[%dma_wait3A_667, %dma_wait3A_672] : memref<16x128xi32, #tpu.memory_space<vmem>> -> memref<1x128xi32, #tpu.memory_space<vmem>>
      %dma_wait3A_674 = tpu.memref_squeeze %dma_wait3A_673 : memref<1x128xi32, #tpu.memory_space<vmem>> -> memref<128xi32, #tpu.memory_space<vmem>>
      %dma_wait3A_675 = arith.constant 0 : i32
      %dma_wait3A_676 = tpu.memref_slice %arg8[%dma_wait3A_675] : memref<100096xf32, #tpu.memory_space<vmem_shared>> -> memref<100096xf32, #tpu.memory_space<vmem_shared>>
      tpu.wait_indirect_dma semaphore(%arg13 : memref<!tpu.dma_semaphore, #tpu.memory_space<semaphore_mem>>) src(%dma_wait3A_676 : memref<100096xf32, #tpu.memory_space<vmem_shared>>) dst(%dma_wait3A_671 : memref<128xf32, #tpu.memory_space<vmem>>)
      %dma_wait3A_677 = arith.constant 8 : i32
      %dma_wait3A_678 = arith.constant 8 : i32
      %dma_wait3A_679 = arith.constant 0 : i32
      %dma_wait3A_680 = tpu.memref_slice %arg12[%dma_wait3A_678, %dma_wait3A_679] : memref<16x128xf32, #tpu.memory_space<vmem>> -> memref<1x128xf32, #tpu.memory_space<vmem>>
      %dma_wait3A_681 = tpu.memref_squeeze %dma_wait3A_680 : memref<1x128xf32, #tpu.memory_space<vmem>> -> memref<128xf32, #tpu.memory_space<vmem>>
      %dma_wait3A_682 = arith.constant 0 : i32
      %dma_wait3A_683 = tpu.memref_slice %arg10[%dma_wait3A_677, %dma_wait3A_682] : memref<16x128xi32, #tpu.memory_space<vmem>> -> memref<1x128xi32, #tpu.memory_space<vmem>>
      %dma_wait3A_684 = tpu.memref_squeeze %dma_wait3A_683 : memref<1x128xi32, #tpu.memory_space<vmem>> -> memref<128xi32, #tpu.memory_space<vmem>>
      %dma_wait3A_685 = arith.constant 0 : i32
      %dma_wait3A_686 = tpu.memref_slice %arg8[%dma_wait3A_685] : memref<100096xf32, #tpu.memory_space<vmem_shared>> -> memref<100096xf32, #tpu.memory_space<vmem_shared>>
      tpu.wait_indirect_dma semaphore(%arg13 : memref<!tpu.dma_semaphore, #tpu.memory_space<semaphore_mem>>) src(%dma_wait3A_686 : memref<100096xf32, #tpu.memory_space<vmem_shared>>) dst(%dma_wait3A_681 : memref<128xf32, #tpu.memory_space<vmem>>)
      %dma_wait3A_687 = arith.constant 9 : i32
      %dma_wait3A_688 = arith.constant 9 : i32
      %dma_wait3A_689 = arith.constant 0 : i32
      %dma_wait3A_690 = tpu.memref_slice %arg12[%dma_wait3A_688, %dma_wait3A_689] : memref<16x128xf32, #tpu.memory_space<vmem>> -> memref<1x128xf32, #tpu.memory_space<vmem>>
      %dma_wait3A_691 = tpu.memref_squeeze %dma_wait3A_690 : memref<1x128xf32, #tpu.memory_space<vmem>> -> memref<128xf32, #tpu.memory_space<vmem>>
      %dma_wait3A_692 = arith.constant 0 : i32
      %dma_wait3A_693 = tpu.memref_slice %arg10[%dma_wait3A_687, %dma_wait3A_692] : memref<16x128xi32, #tpu.memory_space<vmem>> -> memref<1x128xi32, #tpu.memory_space<vmem>>
      %dma_wait3A_694 = tpu.memref_squeeze %dma_wait3A_693 : memref<1x128xi32, #tpu.memory_space<vmem>> -> memref<128xi32, #tpu.memory_space<vmem>>
      %dma_wait3A_695 = arith.constant 0 : i32
      %dma_wait3A_696 = tpu.memref_slice %arg8[%dma_wait3A_695] : memref<100096xf32, #tpu.memory_space<vmem_shared>> -> memref<100096xf32, #tpu.memory_space<vmem_shared>>
      tpu.wait_indirect_dma semaphore(%arg13 : memref<!tpu.dma_semaphore, #tpu.memory_space<semaphore_mem>>) src(%dma_wait3A_696 : memref<100096xf32, #tpu.memory_space<vmem_shared>>) dst(%dma_wait3A_691 : memref<128xf32, #tpu.memory_space<vmem>>)
      %dma_wait3A_697 = arith.constant 10 : i32
      %dma_wait3A_698 = arith.constant 10 : i32
      %dma_wait3A_699 = arith.constant 0 : i32
      %dma_wait3A_700 = tpu.memref_slice %arg12[%dma_wait3A_698, %dma_wait3A_699] : memref<16x128xf32, #tpu.memory_space<vmem>> -> memref<1x128xf32, #tpu.memory_space<vmem>>
      %dma_wait3A_701 = tpu.memref_squeeze %dma_wait3A_700 : memref<1x128xf32, #tpu.memory_space<vmem>> -> memref<128xf32, #tpu.memory_space<vmem>>
      %dma_wait3A_702 = arith.constant 0 : i32
      %dma_wait3A_703 = tpu.memref_slice %arg10[%dma_wait3A_697, %dma_wait3A_702] : memref<16x128xi32, #tpu.memory_space<vmem>> -> memref<1x128xi32, #tpu.memory_space<vmem>>
      %dma_wait3A_704 = tpu.memref_squeeze %dma_wait3A_703 : memref<1x128xi32, #tpu.memory_space<vmem>> -> memref<128xi32, #tpu.memory_space<vmem>>
      %dma_wait3A_705 = arith.constant 0 : i32
      %dma_wait3A_706 = tpu.memref_slice %arg8[%dma_wait3A_705] : memref<100096xf32, #tpu.memory_space<vmem_shared>> -> memref<100096xf32, #tpu.memory_space<vmem_shared>>
      tpu.wait_indirect_dma semaphore(%arg13 : memref<!tpu.dma_semaphore, #tpu.memory_space<semaphore_mem>>) src(%dma_wait3A_706 : memref<100096xf32, #tpu.memory_space<vmem_shared>>) dst(%dma_wait3A_701 : memref<128xf32, #tpu.memory_space<vmem>>)
      %dma_wait3A_707 = arith.constant 11 : i32
      %dma_wait3A_708 = arith.constant 11 : i32
      %dma_wait3A_709 = arith.constant 0 : i32
      %dma_wait3A_710 = tpu.memref_slice %arg12[%dma_wait3A_708, %dma_wait3A_709] : memref<16x128xf32, #tpu.memory_space<vmem>> -> memref<1x128xf32, #tpu.memory_space<vmem>>
      %dma_wait3A_711 = tpu.memref_squeeze %dma_wait3A_710 : memref<1x128xf32, #tpu.memory_space<vmem>> -> memref<128xf32, #tpu.memory_space<vmem>>
      %dma_wait3A_712 = arith.constant 0 : i32
      %dma_wait3A_713 = tpu.memref_slice %arg10[%dma_wait3A_707, %dma_wait3A_712] : memref<16x128xi32, #tpu.memory_space<vmem>> -> memref<1x128xi32, #tpu.memory_space<vmem>>
      %dma_wait3A_714 = tpu.memref_squeeze %dma_wait3A_713 : memref<1x128xi32, #tpu.memory_space<vmem>> -> memref<128xi32, #tpu.memory_space<vmem>>
      %dma_wait3A_715 = arith.constant 0 : i32
      %dma_wait3A_716 = tpu.memref_slice %arg8[%dma_wait3A_715] : memref<100096xf32, #tpu.memory_space<vmem_shared>> -> memref<100096xf32, #tpu.memory_space<vmem_shared>>
      tpu.wait_indirect_dma semaphore(%arg13 : memref<!tpu.dma_semaphore, #tpu.memory_space<semaphore_mem>>) src(%dma_wait3A_716 : memref<100096xf32, #tpu.memory_space<vmem_shared>>) dst(%dma_wait3A_711 : memref<128xf32, #tpu.memory_space<vmem>>)
      %dma_wait3A_717 = arith.constant 12 : i32
      %dma_wait3A_718 = arith.constant 12 : i32
      %dma_wait3A_719 = arith.constant 0 : i32
      %dma_wait3A_720 = tpu.memref_slice %arg12[%dma_wait3A_718, %dma_wait3A_719] : memref<16x128xf32, #tpu.memory_space<vmem>> -> memref<1x128xf32, #tpu.memory_space<vmem>>
      %dma_wait3A_721 = tpu.memref_squeeze %dma_wait3A_720 : memref<1x128xf32, #tpu.memory_space<vmem>> -> memref<128xf32, #tpu.memory_space<vmem>>
      %dma_wait3A_722 = arith.constant 0 : i32
      %dma_wait3A_723 = tpu.memref_slice %arg10[%dma_wait3A_717, %dma_wait3A_722] : memref<16x128xi32, #tpu.memory_space<vmem>> -> memref<1x128xi32, #tpu.memory_space<vmem>>
      %dma_wait3A_724 = tpu.memref_squeeze %dma_wait3A_723 : memref<1x128xi32, #tpu.memory_space<vmem>> -> memref<128xi32, #tpu.memory_space<vmem>>
      %dma_wait3A_725 = arith.constant 0 : i32
      %dma_wait3A_726 = tpu.memref_slice %arg8[%dma_wait3A_725] : memref<100096xf32, #tpu.memory_space<vmem_shared>> -> memref<100096xf32, #tpu.memory_space<vmem_shared>>
      tpu.wait_indirect_dma semaphore(%arg13 : memref<!tpu.dma_semaphore, #tpu.memory_space<semaphore_mem>>) src(%dma_wait3A_726 : memref<100096xf32, #tpu.memory_space<vmem_shared>>) dst(%dma_wait3A_721 : memref<128xf32, #tpu.memory_space<vmem>>)
      %dma_wait3A_727 = arith.constant 13 : i32
      %dma_wait3A_728 = arith.constant 13 : i32
      %dma_wait3A_729 = arith.constant 0 : i32
      %dma_wait3A_730 = tpu.memref_slice %arg12[%dma_wait3A_728, %dma_wait3A_729] : memref<16x128xf32, #tpu.memory_space<vmem>> -> memref<1x128xf32, #tpu.memory_space<vmem>>
      %dma_wait3A_731 = tpu.memref_squeeze %dma_wait3A_730 : memref<1x128xf32, #tpu.memory_space<vmem>> -> memref<128xf32, #tpu.memory_space<vmem>>
      %dma_wait3A_732 = arith.constant 0 : i32
      %dma_wait3A_733 = tpu.memref_slice %arg10[%dma_wait3A_727, %dma_wait3A_732] : memref<16x128xi32, #tpu.memory_space<vmem>> -> memref<1x128xi32, #tpu.memory_space<vmem>>
      %dma_wait3A_734 = tpu.memref_squeeze %dma_wait3A_733 : memref<1x128xi32, #tpu.memory_space<vmem>> -> memref<128xi32, #tpu.memory_space<vmem>>
      %dma_wait3A_735 = arith.constant 0 : i32
      %dma_wait3A_736 = tpu.memref_slice %arg8[%dma_wait3A_735] : memref<100096xf32, #tpu.memory_space<vmem_shared>> -> memref<100096xf32, #tpu.memory_space<vmem_shared>>
      tpu.wait_indirect_dma semaphore(%arg13 : memref<!tpu.dma_semaphore, #tpu.memory_space<semaphore_mem>>) src(%dma_wait3A_736 : memref<100096xf32, #tpu.memory_space<vmem_shared>>) dst(%dma_wait3A_731 : memref<128xf32, #tpu.memory_space<vmem>>)
      %dma_wait3A_737 = arith.constant 14 : i32
      %dma_wait3A_738 = arith.constant 14 : i32
      %dma_wait3A_739 = arith.constant 0 : i32
      %dma_wait3A_740 = tpu.memref_slice %arg12[%dma_wait3A_738, %dma_wait3A_739] : memref<16x128xf32, #tpu.memory_space<vmem>> -> memref<1x128xf32, #tpu.memory_space<vmem>>
      %dma_wait3A_741 = tpu.memref_squeeze %dma_wait3A_740 : memref<1x128xf32, #tpu.memory_space<vmem>> -> memref<128xf32, #tpu.memory_space<vmem>>
      %dma_wait3A_742 = arith.constant 0 : i32
      %dma_wait3A_743 = tpu.memref_slice %arg10[%dma_wait3A_737, %dma_wait3A_742] : memref<16x128xi32, #tpu.memory_space<vmem>> -> memref<1x128xi32, #tpu.memory_space<vmem>>
      %dma_wait3A_744 = tpu.memref_squeeze %dma_wait3A_743 : memref<1x128xi32, #tpu.memory_space<vmem>> -> memref<128xi32, #tpu.memory_space<vmem>>
      %dma_wait3A_745 = arith.constant 0 : i32
      %dma_wait3A_746 = tpu.memref_slice %arg8[%dma_wait3A_745] : memref<100096xf32, #tpu.memory_space<vmem_shared>> -> memref<100096xf32, #tpu.memory_space<vmem_shared>>
      tpu.wait_indirect_dma semaphore(%arg13 : memref<!tpu.dma_semaphore, #tpu.memory_space<semaphore_mem>>) src(%dma_wait3A_746 : memref<100096xf32, #tpu.memory_space<vmem_shared>>) dst(%dma_wait3A_741 : memref<128xf32, #tpu.memory_space<vmem>>)
      %dma_wait3A_747 = arith.constant 15 : i32
      %dma_wait3A_748 = arith.constant 15 : i32
      %dma_wait3A_749 = arith.constant 0 : i32
      %dma_wait3A_750 = tpu.memref_slice %arg12[%dma_wait3A_748, %dma_wait3A_749] : memref<16x128xf32, #tpu.memory_space<vmem>> -> memref<1x128xf32, #tpu.memory_space<vmem>>
      %dma_wait3A_751 = tpu.memref_squeeze %dma_wait3A_750 : memref<1x128xf32, #tpu.memory_space<vmem>> -> memref<128xf32, #tpu.memory_space<vmem>>
      %dma_wait3A_752 = arith.constant 0 : i32
      %dma_wait3A_753 = tpu.memref_slice %arg10[%dma_wait3A_747, %dma_wait3A_752] : memref<16x128xi32, #tpu.memory_space<vmem>> -> memref<1x128xi32, #tpu.memory_space<vmem>>
      %dma_wait3A_754 = tpu.memref_squeeze %dma_wait3A_753 : memref<1x128xi32, #tpu.memory_space<vmem>> -> memref<128xi32, #tpu.memory_space<vmem>>
      %dma_wait3A_755 = arith.constant 0 : i32
      %dma_wait3A_756 = tpu.memref_slice %arg8[%dma_wait3A_755] : memref<100096xf32, #tpu.memory_space<vmem_shared>> -> memref<100096xf32, #tpu.memory_space<vmem_shared>>
      tpu.wait_indirect_dma semaphore(%arg13 : memref<!tpu.dma_semaphore, #tpu.memory_space<semaphore_mem>>) src(%dma_wait3A_756 : memref<100096xf32, #tpu.memory_space<vmem_shared>>) dst(%dma_wait3A_751 : memref<128xf32, #tpu.memory_space<vmem>>)
      %dma_start3A_757 = arith.constant 0 : i32
      %dma_start3A_758 = arith.constant 0 : i32
      %dma_start3A_759 = arith.constant 0 : i32
      %dma_start3A_760 = tpu.memref_slice %arg12[%dma_start3A_757, %dma_start3A_759] : memref<16x128xf32, #tpu.memory_space<vmem>> -> memref<1x128xf32, #tpu.memory_space<vmem>>
      %dma_start3A_761 = tpu.memref_squeeze %dma_start3A_760 : memref<1x128xf32, #tpu.memory_space<vmem>> -> memref<128xf32, #tpu.memory_space<vmem>>
      %dma_start3A_762 = arith.constant 0 : i32
      %dma_start3A_763 = tpu.memref_slice %arg11[%dma_start3A_758, %dma_start3A_762] : memref<16x128xi32, #tpu.memory_space<vmem>> -> memref<1x128xi32, #tpu.memory_space<vmem>>
      %dma_start3A_764 = tpu.memref_squeeze %dma_start3A_763 : memref<1x128xi32, #tpu.memory_space<vmem>> -> memref<128xi32, #tpu.memory_space<vmem>>
      %dma_start3A_765 = arith.constant 0 : i32
      %dma_start3A_766 = tpu.memref_slice %arg7[%dma_start3A_765] : memref<100096xf32, #tpu.memory_space<vmem_shared>> -> memref<100096xf32, #tpu.memory_space<vmem_shared>>
      tpu.enqueue_indirect_dma source(%dma_start3A_761 : memref<128xf32, #tpu.memory_space<vmem>>) target(%dma_start3A_766 : memref<100096xf32, #tpu.memory_space<vmem_shared>>) offsets(%dma_start3A_764 : memref<128xi32, #tpu.memory_space<vmem>>) semaphore(%arg13 : memref<!tpu.dma_semaphore, #tpu.memory_space<semaphore_mem>>) {add = true}
      %dma_start3A_767 = arith.constant 1 : i32
      %dma_start3A_768 = arith.constant 1 : i32
      %dma_start3A_769 = arith.constant 0 : i32
      %dma_start3A_770 = tpu.memref_slice %arg12[%dma_start3A_767, %dma_start3A_769] : memref<16x128xf32, #tpu.memory_space<vmem>> -> memref<1x128xf32, #tpu.memory_space<vmem>>
      %dma_start3A_771 = tpu.memref_squeeze %dma_start3A_770 : memref<1x128xf32, #tpu.memory_space<vmem>> -> memref<128xf32, #tpu.memory_space<vmem>>
      %dma_start3A_772 = arith.constant 0 : i32
      %dma_start3A_773 = tpu.memref_slice %arg11[%dma_start3A_768, %dma_start3A_772] : memref<16x128xi32, #tpu.memory_space<vmem>> -> memref<1x128xi32, #tpu.memory_space<vmem>>
      %dma_start3A_774 = tpu.memref_squeeze %dma_start3A_773 : memref<1x128xi32, #tpu.memory_space<vmem>> -> memref<128xi32, #tpu.memory_space<vmem>>
      %dma_start3A_775 = arith.constant 0 : i32
      %dma_start3A_776 = tpu.memref_slice %arg7[%dma_start3A_775] : memref<100096xf32, #tpu.memory_space<vmem_shared>> -> memref<100096xf32, #tpu.memory_space<vmem_shared>>
      tpu.enqueue_indirect_dma source(%dma_start3A_771 : memref<128xf32, #tpu.memory_space<vmem>>) target(%dma_start3A_776 : memref<100096xf32, #tpu.memory_space<vmem_shared>>) offsets(%dma_start3A_774 : memref<128xi32, #tpu.memory_space<vmem>>) semaphore(%arg13 : memref<!tpu.dma_semaphore, #tpu.memory_space<semaphore_mem>>) {add = true}
      %dma_start3A_777 = arith.constant 2 : i32
      %dma_start3A_778 = arith.constant 2 : i32
      %dma_start3A_779 = arith.constant 0 : i32
      %dma_start3A_780 = tpu.memref_slice %arg12[%dma_start3A_777, %dma_start3A_779] : memref<16x128xf32, #tpu.memory_space<vmem>> -> memref<1x128xf32, #tpu.memory_space<vmem>>
      %dma_start3A_781 = tpu.memref_squeeze %dma_start3A_780 : memref<1x128xf32, #tpu.memory_space<vmem>> -> memref<128xf32, #tpu.memory_space<vmem>>
      %dma_start3A_782 = arith.constant 0 : i32
      %dma_start3A_783 = tpu.memref_slice %arg11[%dma_start3A_778, %dma_start3A_782] : memref<16x128xi32, #tpu.memory_space<vmem>> -> memref<1x128xi32, #tpu.memory_space<vmem>>
      %dma_start3A_784 = tpu.memref_squeeze %dma_start3A_783 : memref<1x128xi32, #tpu.memory_space<vmem>> -> memref<128xi32, #tpu.memory_space<vmem>>
      %dma_start3A_785 = arith.constant 0 : i32
      %dma_start3A_786 = tpu.memref_slice %arg7[%dma_start3A_785] : memref<100096xf32, #tpu.memory_space<vmem_shared>> -> memref<100096xf32, #tpu.memory_space<vmem_shared>>
      tpu.enqueue_indirect_dma source(%dma_start3A_781 : memref<128xf32, #tpu.memory_space<vmem>>) target(%dma_start3A_786 : memref<100096xf32, #tpu.memory_space<vmem_shared>>) offsets(%dma_start3A_784 : memref<128xi32, #tpu.memory_space<vmem>>) semaphore(%arg13 : memref<!tpu.dma_semaphore, #tpu.memory_space<semaphore_mem>>) {add = true}
      %dma_start3A_787 = arith.constant 3 : i32
      %dma_start3A_788 = arith.constant 3 : i32
      %dma_start3A_789 = arith.constant 0 : i32
      %dma_start3A_790 = tpu.memref_slice %arg12[%dma_start3A_787, %dma_start3A_789] : memref<16x128xf32, #tpu.memory_space<vmem>> -> memref<1x128xf32, #tpu.memory_space<vmem>>
      %dma_start3A_791 = tpu.memref_squeeze %dma_start3A_790 : memref<1x128xf32, #tpu.memory_space<vmem>> -> memref<128xf32, #tpu.memory_space<vmem>>
      %dma_start3A_792 = arith.constant 0 : i32
      %dma_start3A_793 = tpu.memref_slice %arg11[%dma_start3A_788, %dma_start3A_792] : memref<16x128xi32, #tpu.memory_space<vmem>> -> memref<1x128xi32, #tpu.memory_space<vmem>>
      %dma_start3A_794 = tpu.memref_squeeze %dma_start3A_793 : memref<1x128xi32, #tpu.memory_space<vmem>> -> memref<128xi32, #tpu.memory_space<vmem>>
      %dma_start3A_795 = arith.constant 0 : i32
      %dma_start3A_796 = tpu.memref_slice %arg7[%dma_start3A_795] : memref<100096xf32, #tpu.memory_space<vmem_shared>> -> memref<100096xf32, #tpu.memory_space<vmem_shared>>
      tpu.enqueue_indirect_dma source(%dma_start3A_791 : memref<128xf32, #tpu.memory_space<vmem>>) target(%dma_start3A_796 : memref<100096xf32, #tpu.memory_space<vmem_shared>>) offsets(%dma_start3A_794 : memref<128xi32, #tpu.memory_space<vmem>>) semaphore(%arg13 : memref<!tpu.dma_semaphore, #tpu.memory_space<semaphore_mem>>) {add = true}
      %dma_start3A_797 = arith.constant 4 : i32
      %dma_start3A_798 = arith.constant 4 : i32
      %dma_start3A_799 = arith.constant 0 : i32
      %dma_start3A_800 = tpu.memref_slice %arg12[%dma_start3A_797, %dma_start3A_799] : memref<16x128xf32, #tpu.memory_space<vmem>> -> memref<1x128xf32, #tpu.memory_space<vmem>>
      %dma_start3A_801 = tpu.memref_squeeze %dma_start3A_800 : memref<1x128xf32, #tpu.memory_space<vmem>> -> memref<128xf32, #tpu.memory_space<vmem>>
      %dma_start3A_802 = arith.constant 0 : i32
      %dma_start3A_803 = tpu.memref_slice %arg11[%dma_start3A_798, %dma_start3A_802] : memref<16x128xi32, #tpu.memory_space<vmem>> -> memref<1x128xi32, #tpu.memory_space<vmem>>
      %dma_start3A_804 = tpu.memref_squeeze %dma_start3A_803 : memref<1x128xi32, #tpu.memory_space<vmem>> -> memref<128xi32, #tpu.memory_space<vmem>>
      %dma_start3A_805 = arith.constant 0 : i32
      %dma_start3A_806 = tpu.memref_slice %arg7[%dma_start3A_805] : memref<100096xf32, #tpu.memory_space<vmem_shared>> -> memref<100096xf32, #tpu.memory_space<vmem_shared>>
      tpu.enqueue_indirect_dma source(%dma_start3A_801 : memref<128xf32, #tpu.memory_space<vmem>>) target(%dma_start3A_806 : memref<100096xf32, #tpu.memory_space<vmem_shared>>) offsets(%dma_start3A_804 : memref<128xi32, #tpu.memory_space<vmem>>) semaphore(%arg13 : memref<!tpu.dma_semaphore, #tpu.memory_space<semaphore_mem>>) {add = true}
      %dma_start3A_807 = arith.constant 5 : i32
      %dma_start3A_808 = arith.constant 5 : i32
      %dma_start3A_809 = arith.constant 0 : i32
      %dma_start3A_810 = tpu.memref_slice %arg12[%dma_start3A_807, %dma_start3A_809] : memref<16x128xf32, #tpu.memory_space<vmem>> -> memref<1x128xf32, #tpu.memory_space<vmem>>
      %dma_start3A_811 = tpu.memref_squeeze %dma_start3A_810 : memref<1x128xf32, #tpu.memory_space<vmem>> -> memref<128xf32, #tpu.memory_space<vmem>>
      %dma_start3A_812 = arith.constant 0 : i32
      %dma_start3A_813 = tpu.memref_slice %arg11[%dma_start3A_808, %dma_start3A_812] : memref<16x128xi32, #tpu.memory_space<vmem>> -> memref<1x128xi32, #tpu.memory_space<vmem>>
      %dma_start3A_814 = tpu.memref_squeeze %dma_start3A_813 : memref<1x128xi32, #tpu.memory_space<vmem>> -> memref<128xi32, #tpu.memory_space<vmem>>
      %dma_start3A_815 = arith.constant 0 : i32
      %dma_start3A_816 = tpu.memref_slice %arg7[%dma_start3A_815] : memref<100096xf32, #tpu.memory_space<vmem_shared>> -> memref<100096xf32, #tpu.memory_space<vmem_shared>>
      tpu.enqueue_indirect_dma source(%dma_start3A_811 : memref<128xf32, #tpu.memory_space<vmem>>) target(%dma_start3A_816 : memref<100096xf32, #tpu.memory_space<vmem_shared>>) offsets(%dma_start3A_814 : memref<128xi32, #tpu.memory_space<vmem>>) semaphore(%arg13 : memref<!tpu.dma_semaphore, #tpu.memory_space<semaphore_mem>>) {add = true}
      %dma_start3A_817 = arith.constant 6 : i32
      %dma_start3A_818 = arith.constant 6 : i32
      %dma_start3A_819 = arith.constant 0 : i32
      %dma_start3A_820 = tpu.memref_slice %arg12[%dma_start3A_817, %dma_start3A_819] : memref<16x128xf32, #tpu.memory_space<vmem>> -> memref<1x128xf32, #tpu.memory_space<vmem>>
      %dma_start3A_821 = tpu.memref_squeeze %dma_start3A_820 : memref<1x128xf32, #tpu.memory_space<vmem>> -> memref<128xf32, #tpu.memory_space<vmem>>
      %dma_start3A_822 = arith.constant 0 : i32
      %dma_start3A_823 = tpu.memref_slice %arg11[%dma_start3A_818, %dma_start3A_822] : memref<16x128xi32, #tpu.memory_space<vmem>> -> memref<1x128xi32, #tpu.memory_space<vmem>>
      %dma_start3A_824 = tpu.memref_squeeze %dma_start3A_823 : memref<1x128xi32, #tpu.memory_space<vmem>> -> memref<128xi32, #tpu.memory_space<vmem>>
      %dma_start3A_825 = arith.constant 0 : i32
      %dma_start3A_826 = tpu.memref_slice %arg7[%dma_start3A_825] : memref<100096xf32, #tpu.memory_space<vmem_shared>> -> memref<100096xf32, #tpu.memory_space<vmem_shared>>
      tpu.enqueue_indirect_dma source(%dma_start3A_821 : memref<128xf32, #tpu.memory_space<vmem>>) target(%dma_start3A_826 : memref<100096xf32, #tpu.memory_space<vmem_shared>>) offsets(%dma_start3A_824 : memref<128xi32, #tpu.memory_space<vmem>>) semaphore(%arg13 : memref<!tpu.dma_semaphore, #tpu.memory_space<semaphore_mem>>) {add = true}
      %dma_start3A_827 = arith.constant 7 : i32
      %dma_start3A_828 = arith.constant 7 : i32
      %dma_start3A_829 = arith.constant 0 : i32
      %dma_start3A_830 = tpu.memref_slice %arg12[%dma_start3A_827, %dma_start3A_829] : memref<16x128xf32, #tpu.memory_space<vmem>> -> memref<1x128xf32, #tpu.memory_space<vmem>>
      %dma_start3A_831 = tpu.memref_squeeze %dma_start3A_830 : memref<1x128xf32, #tpu.memory_space<vmem>> -> memref<128xf32, #tpu.memory_space<vmem>>
      %dma_start3A_832 = arith.constant 0 : i32
      %dma_start3A_833 = tpu.memref_slice %arg11[%dma_start3A_828, %dma_start3A_832] : memref<16x128xi32, #tpu.memory_space<vmem>> -> memref<1x128xi32, #tpu.memory_space<vmem>>
      %dma_start3A_834 = tpu.memref_squeeze %dma_start3A_833 : memref<1x128xi32, #tpu.memory_space<vmem>> -> memref<128xi32, #tpu.memory_space<vmem>>
      %dma_start3A_835 = arith.constant 0 : i32
      %dma_start3A_836 = tpu.memref_slice %arg7[%dma_start3A_835] : memref<100096xf32, #tpu.memory_space<vmem_shared>> -> memref<100096xf32, #tpu.memory_space<vmem_shared>>
      tpu.enqueue_indirect_dma source(%dma_start3A_831 : memref<128xf32, #tpu.memory_space<vmem>>) target(%dma_start3A_836 : memref<100096xf32, #tpu.memory_space<vmem_shared>>) offsets(%dma_start3A_834 : memref<128xi32, #tpu.memory_space<vmem>>) semaphore(%arg13 : memref<!tpu.dma_semaphore, #tpu.memory_space<semaphore_mem>>) {add = true}
      %dma_start3A_837 = arith.constant 8 : i32
      %dma_start3A_838 = arith.constant 8 : i32
      %dma_start3A_839 = arith.constant 0 : i32
      %dma_start3A_840 = tpu.memref_slice %arg12[%dma_start3A_837, %dma_start3A_839] : memref<16x128xf32, #tpu.memory_space<vmem>> -> memref<1x128xf32, #tpu.memory_space<vmem>>
      %dma_start3A_841 = tpu.memref_squeeze %dma_start3A_840 : memref<1x128xf32, #tpu.memory_space<vmem>> -> memref<128xf32, #tpu.memory_space<vmem>>
      %dma_start3A_842 = arith.constant 0 : i32
      %dma_start3A_843 = tpu.memref_slice %arg11[%dma_start3A_838, %dma_start3A_842] : memref<16x128xi32, #tpu.memory_space<vmem>> -> memref<1x128xi32, #tpu.memory_space<vmem>>
      %dma_start3A_844 = tpu.memref_squeeze %dma_start3A_843 : memref<1x128xi32, #tpu.memory_space<vmem>> -> memref<128xi32, #tpu.memory_space<vmem>>
      %dma_start3A_845 = arith.constant 0 : i32
      %dma_start3A_846 = tpu.memref_slice %arg7[%dma_start3A_845] : memref<100096xf32, #tpu.memory_space<vmem_shared>> -> memref<100096xf32, #tpu.memory_space<vmem_shared>>
      tpu.enqueue_indirect_dma source(%dma_start3A_841 : memref<128xf32, #tpu.memory_space<vmem>>) target(%dma_start3A_846 : memref<100096xf32, #tpu.memory_space<vmem_shared>>) offsets(%dma_start3A_844 : memref<128xi32, #tpu.memory_space<vmem>>) semaphore(%arg13 : memref<!tpu.dma_semaphore, #tpu.memory_space<semaphore_mem>>) {add = true}
      %dma_start3A_847 = arith.constant 9 : i32
      %dma_start3A_848 = arith.constant 9 : i32
      %dma_start3A_849 = arith.constant 0 : i32
      %dma_start3A_850 = tpu.memref_slice %arg12[%dma_start3A_847, %dma_start3A_849] : memref<16x128xf32, #tpu.memory_space<vmem>> -> memref<1x128xf32, #tpu.memory_space<vmem>>
      %dma_start3A_851 = tpu.memref_squeeze %dma_start3A_850 : memref<1x128xf32, #tpu.memory_space<vmem>> -> memref<128xf32, #tpu.memory_space<vmem>>
      %dma_start3A_852 = arith.constant 0 : i32
      %dma_start3A_853 = tpu.memref_slice %arg11[%dma_start3A_848, %dma_start3A_852] : memref<16x128xi32, #tpu.memory_space<vmem>> -> memref<1x128xi32, #tpu.memory_space<vmem>>
      %dma_start3A_854 = tpu.memref_squeeze %dma_start3A_853 : memref<1x128xi32, #tpu.memory_space<vmem>> -> memref<128xi32, #tpu.memory_space<vmem>>
      %dma_start3A_855 = arith.constant 0 : i32
      %dma_start3A_856 = tpu.memref_slice %arg7[%dma_start3A_855] : memref<100096xf32, #tpu.memory_space<vmem_shared>> -> memref<100096xf32, #tpu.memory_space<vmem_shared>>
      tpu.enqueue_indirect_dma source(%dma_start3A_851 : memref<128xf32, #tpu.memory_space<vmem>>) target(%dma_start3A_856 : memref<100096xf32, #tpu.memory_space<vmem_shared>>) offsets(%dma_start3A_854 : memref<128xi32, #tpu.memory_space<vmem>>) semaphore(%arg13 : memref<!tpu.dma_semaphore, #tpu.memory_space<semaphore_mem>>) {add = true}
      %dma_start3A_857 = arith.constant 10 : i32
      %dma_start3A_858 = arith.constant 10 : i32
      %dma_start3A_859 = arith.constant 0 : i32
      %dma_start3A_860 = tpu.memref_slice %arg12[%dma_start3A_857, %dma_start3A_859] : memref<16x128xf32, #tpu.memory_space<vmem>> -> memref<1x128xf32, #tpu.memory_space<vmem>>
      %dma_start3A_861 = tpu.memref_squeeze %dma_start3A_860 : memref<1x128xf32, #tpu.memory_space<vmem>> -> memref<128xf32, #tpu.memory_space<vmem>>
      %dma_start3A_862 = arith.constant 0 : i32
      %dma_start3A_863 = tpu.memref_slice %arg11[%dma_start3A_858, %dma_start3A_862] : memref<16x128xi32, #tpu.memory_space<vmem>> -> memref<1x128xi32, #tpu.memory_space<vmem>>
      %dma_start3A_864 = tpu.memref_squeeze %dma_start3A_863 : memref<1x128xi32, #tpu.memory_space<vmem>> -> memref<128xi32, #tpu.memory_space<vmem>>
      %dma_start3A_865 = arith.constant 0 : i32
      %dma_start3A_866 = tpu.memref_slice %arg7[%dma_start3A_865] : memref<100096xf32, #tpu.memory_space<vmem_shared>> -> memref<100096xf32, #tpu.memory_space<vmem_shared>>
      tpu.enqueue_indirect_dma source(%dma_start3A_861 : memref<128xf32, #tpu.memory_space<vmem>>) target(%dma_start3A_866 : memref<100096xf32, #tpu.memory_space<vmem_shared>>) offsets(%dma_start3A_864 : memref<128xi32, #tpu.memory_space<vmem>>) semaphore(%arg13 : memref<!tpu.dma_semaphore, #tpu.memory_space<semaphore_mem>>) {add = true}
      %dma_start3A_867 = arith.constant 11 : i32
      %dma_start3A_868 = arith.constant 11 : i32
      %dma_start3A_869 = arith.constant 0 : i32
      %dma_start3A_870 = tpu.memref_slice %arg12[%dma_start3A_867, %dma_start3A_869] : memref<16x128xf32, #tpu.memory_space<vmem>> -> memref<1x128xf32, #tpu.memory_space<vmem>>
      %dma_start3A_871 = tpu.memref_squeeze %dma_start3A_870 : memref<1x128xf32, #tpu.memory_space<vmem>> -> memref<128xf32, #tpu.memory_space<vmem>>
      %dma_start3A_872 = arith.constant 0 : i32
      %dma_start3A_873 = tpu.memref_slice %arg11[%dma_start3A_868, %dma_start3A_872] : memref<16x128xi32, #tpu.memory_space<vmem>> -> memref<1x128xi32, #tpu.memory_space<vmem>>
      %dma_start3A_874 = tpu.memref_squeeze %dma_start3A_873 : memref<1x128xi32, #tpu.memory_space<vmem>> -> memref<128xi32, #tpu.memory_space<vmem>>
      %dma_start3A_875 = arith.constant 0 : i32
      %dma_start3A_876 = tpu.memref_slice %arg7[%dma_start3A_875] : memref<100096xf32, #tpu.memory_space<vmem_shared>> -> memref<100096xf32, #tpu.memory_space<vmem_shared>>
      tpu.enqueue_indirect_dma source(%dma_start3A_871 : memref<128xf32, #tpu.memory_space<vmem>>) target(%dma_start3A_876 : memref<100096xf32, #tpu.memory_space<vmem_shared>>) offsets(%dma_start3A_874 : memref<128xi32, #tpu.memory_space<vmem>>) semaphore(%arg13 : memref<!tpu.dma_semaphore, #tpu.memory_space<semaphore_mem>>) {add = true}
      %dma_start3A_877 = arith.constant 12 : i32
      %dma_start3A_878 = arith.constant 12 : i32
      %dma_start3A_879 = arith.constant 0 : i32
      %dma_start3A_880 = tpu.memref_slice %arg12[%dma_start3A_877, %dma_start3A_879] : memref<16x128xf32, #tpu.memory_space<vmem>> -> memref<1x128xf32, #tpu.memory_space<vmem>>
      %dma_start3A_881 = tpu.memref_squeeze %dma_start3A_880 : memref<1x128xf32, #tpu.memory_space<vmem>> -> memref<128xf32, #tpu.memory_space<vmem>>
      %dma_start3A_882 = arith.constant 0 : i32
      %dma_start3A_883 = tpu.memref_slice %arg11[%dma_start3A_878, %dma_start3A_882] : memref<16x128xi32, #tpu.memory_space<vmem>> -> memref<1x128xi32, #tpu.memory_space<vmem>>
      %dma_start3A_884 = tpu.memref_squeeze %dma_start3A_883 : memref<1x128xi32, #tpu.memory_space<vmem>> -> memref<128xi32, #tpu.memory_space<vmem>>
      %dma_start3A_885 = arith.constant 0 : i32
      %dma_start3A_886 = tpu.memref_slice %arg7[%dma_start3A_885] : memref<100096xf32, #tpu.memory_space<vmem_shared>> -> memref<100096xf32, #tpu.memory_space<vmem_shared>>
      tpu.enqueue_indirect_dma source(%dma_start3A_881 : memref<128xf32, #tpu.memory_space<vmem>>) target(%dma_start3A_886 : memref<100096xf32, #tpu.memory_space<vmem_shared>>) offsets(%dma_start3A_884 : memref<128xi32, #tpu.memory_space<vmem>>) semaphore(%arg13 : memref<!tpu.dma_semaphore, #tpu.memory_space<semaphore_mem>>) {add = true}
      %dma_start3A_887 = arith.constant 13 : i32
      %dma_start3A_888 = arith.constant 13 : i32
      %dma_start3A_889 = arith.constant 0 : i32
      %dma_start3A_890 = tpu.memref_slice %arg12[%dma_start3A_887, %dma_start3A_889] : memref<16x128xf32, #tpu.memory_space<vmem>> -> memref<1x128xf32, #tpu.memory_space<vmem>>
      %dma_start3A_891 = tpu.memref_squeeze %dma_start3A_890 : memref<1x128xf32, #tpu.memory_space<vmem>> -> memref<128xf32, #tpu.memory_space<vmem>>
      %dma_start3A_892 = arith.constant 0 : i32
      %dma_start3A_893 = tpu.memref_slice %arg11[%dma_start3A_888, %dma_start3A_892] : memref<16x128xi32, #tpu.memory_space<vmem>> -> memref<1x128xi32, #tpu.memory_space<vmem>>
      %dma_start3A_894 = tpu.memref_squeeze %dma_start3A_893 : memref<1x128xi32, #tpu.memory_space<vmem>> -> memref<128xi32, #tpu.memory_space<vmem>>
      %dma_start3A_895 = arith.constant 0 : i32
      %dma_start3A_896 = tpu.memref_slice %arg7[%dma_start3A_895] : memref<100096xf32, #tpu.memory_space<vmem_shared>> -> memref<100096xf32, #tpu.memory_space<vmem_shared>>
      tpu.enqueue_indirect_dma source(%dma_start3A_891 : memref<128xf32, #tpu.memory_space<vmem>>) target(%dma_start3A_896 : memref<100096xf32, #tpu.memory_space<vmem_shared>>) offsets(%dma_start3A_894 : memref<128xi32, #tpu.memory_space<vmem>>) semaphore(%arg13 : memref<!tpu.dma_semaphore, #tpu.memory_space<semaphore_mem>>) {add = true}
      %dma_start3A_897 = arith.constant 14 : i32
      %dma_start3A_898 = arith.constant 14 : i32
      %dma_start3A_899 = arith.constant 0 : i32
      %dma_start3A_900 = tpu.memref_slice %arg12[%dma_start3A_897, %dma_start3A_899] : memref<16x128xf32, #tpu.memory_space<vmem>> -> memref<1x128xf32, #tpu.memory_space<vmem>>
      %dma_start3A_901 = tpu.memref_squeeze %dma_start3A_900 : memref<1x128xf32, #tpu.memory_space<vmem>> -> memref<128xf32, #tpu.memory_space<vmem>>
      %dma_start3A_902 = arith.constant 0 : i32
      %dma_start3A_903 = tpu.memref_slice %arg11[%dma_start3A_898, %dma_start3A_902] : memref<16x128xi32, #tpu.memory_space<vmem>> -> memref<1x128xi32, #tpu.memory_space<vmem>>
      %dma_start3A_904 = tpu.memref_squeeze %dma_start3A_903 : memref<1x128xi32, #tpu.memory_space<vmem>> -> memref<128xi32, #tpu.memory_space<vmem>>
      %dma_start3A_905 = arith.constant 0 : i32
      %dma_start3A_906 = tpu.memref_slice %arg7[%dma_start3A_905] : memref<100096xf32, #tpu.memory_space<vmem_shared>> -> memref<100096xf32, #tpu.memory_space<vmem_shared>>
      tpu.enqueue_indirect_dma source(%dma_start3A_901 : memref<128xf32, #tpu.memory_space<vmem>>) target(%dma_start3A_906 : memref<100096xf32, #tpu.memory_space<vmem_shared>>) offsets(%dma_start3A_904 : memref<128xi32, #tpu.memory_space<vmem>>) semaphore(%arg13 : memref<!tpu.dma_semaphore, #tpu.memory_space<semaphore_mem>>) {add = true}
      %dma_start3A_907 = arith.constant 15 : i32
      %dma_start3A_908 = arith.constant 15 : i32
      %dma_start3A_909 = arith.constant 0 : i32
      %dma_start3A_910 = tpu.memref_slice %arg12[%dma_start3A_907, %dma_start3A_909] : memref<16x128xf32, #tpu.memory_space<vmem>> -> memref<1x128xf32, #tpu.memory_space<vmem>>
      %dma_start3A_911 = tpu.memref_squeeze %dma_start3A_910 : memref<1x128xf32, #tpu.memory_space<vmem>> -> memref<128xf32, #tpu.memory_space<vmem>>
      %dma_start3A_912 = arith.constant 0 : i32
      %dma_start3A_913 = tpu.memref_slice %arg11[%dma_start3A_908, %dma_start3A_912] : memref<16x128xi32, #tpu.memory_space<vmem>> -> memref<1x128xi32, #tpu.memory_space<vmem>>
      %dma_start3A_914 = tpu.memref_squeeze %dma_start3A_913 : memref<1x128xi32, #tpu.memory_space<vmem>> -> memref<128xi32, #tpu.memory_space<vmem>>
      %dma_start3A_915 = arith.constant 0 : i32
      %dma_start3A_916 = tpu.memref_slice %arg7[%dma_start3A_915] : memref<100096xf32, #tpu.memory_space<vmem_shared>> -> memref<100096xf32, #tpu.memory_space<vmem_shared>>
      tpu.enqueue_indirect_dma source(%dma_start3A_911 : memref<128xf32, #tpu.memory_space<vmem>>) target(%dma_start3A_916 : memref<100096xf32, #tpu.memory_space<vmem_shared>>) offsets(%dma_start3A_914 : memref<128xi32, #tpu.memory_space<vmem>>) semaphore(%arg13 : memref<!tpu.dma_semaphore, #tpu.memory_space<semaphore_mem>>) {add = true}
      %dma_wait3A_917 = arith.constant 0 : i32
      %dma_wait3A_918 = arith.constant 0 : i32
      %dma_wait3A_919 = arith.constant 0 : i32
      %dma_wait3A_920 = tpu.memref_slice %arg12[%dma_wait3A_917, %dma_wait3A_919] : memref<16x128xf32, #tpu.memory_space<vmem>> -> memref<1x128xf32, #tpu.memory_space<vmem>>
      %dma_wait3A_921 = tpu.memref_squeeze %dma_wait3A_920 : memref<1x128xf32, #tpu.memory_space<vmem>> -> memref<128xf32, #tpu.memory_space<vmem>>
      %dma_wait3A_922 = arith.constant 0 : i32
      %dma_wait3A_923 = tpu.memref_slice %arg11[%dma_wait3A_918, %dma_wait3A_922] : memref<16x128xi32, #tpu.memory_space<vmem>> -> memref<1x128xi32, #tpu.memory_space<vmem>>
      %dma_wait3A_924 = tpu.memref_squeeze %dma_wait3A_923 : memref<1x128xi32, #tpu.memory_space<vmem>> -> memref<128xi32, #tpu.memory_space<vmem>>
      %dma_wait3A_925 = arith.constant 0 : i32
      %dma_wait3A_926 = tpu.memref_slice %arg7[%dma_wait3A_925] : memref<100096xf32, #tpu.memory_space<vmem_shared>> -> memref<100096xf32, #tpu.memory_space<vmem_shared>>
      tpu.wait_indirect_dma semaphore(%arg13 : memref<!tpu.dma_semaphore, #tpu.memory_space<semaphore_mem>>) src(%dma_wait3A_921 : memref<128xf32, #tpu.memory_space<vmem>>) dst(%dma_wait3A_926 : memref<100096xf32, #tpu.memory_space<vmem_shared>>)
      %dma_wait3A_927 = arith.constant 1 : i32
      %dma_wait3A_928 = arith.constant 1 : i32
      %dma_wait3A_929 = arith.constant 0 : i32
      %dma_wait3A_930 = tpu.memref_slice %arg12[%dma_wait3A_927, %dma_wait3A_929] : memref<16x128xf32, #tpu.memory_space<vmem>> -> memref<1x128xf32, #tpu.memory_space<vmem>>
      %dma_wait3A_931 = tpu.memref_squeeze %dma_wait3A_930 : memref<1x128xf32, #tpu.memory_space<vmem>> -> memref<128xf32, #tpu.memory_space<vmem>>
      %dma_wait3A_932 = arith.constant 0 : i32
      %dma_wait3A_933 = tpu.memref_slice %arg11[%dma_wait3A_928, %dma_wait3A_932] : memref<16x128xi32, #tpu.memory_space<vmem>> -> memref<1x128xi32, #tpu.memory_space<vmem>>
      %dma_wait3A_934 = tpu.memref_squeeze %dma_wait3A_933 : memref<1x128xi32, #tpu.memory_space<vmem>> -> memref<128xi32, #tpu.memory_space<vmem>>
      %dma_wait3A_935 = arith.constant 0 : i32
      %dma_wait3A_936 = tpu.memref_slice %arg7[%dma_wait3A_935] : memref<100096xf32, #tpu.memory_space<vmem_shared>> -> memref<100096xf32, #tpu.memory_space<vmem_shared>>
      tpu.wait_indirect_dma semaphore(%arg13 : memref<!tpu.dma_semaphore, #tpu.memory_space<semaphore_mem>>) src(%dma_wait3A_931 : memref<128xf32, #tpu.memory_space<vmem>>) dst(%dma_wait3A_936 : memref<100096xf32, #tpu.memory_space<vmem_shared>>)
      %dma_wait3A_937 = arith.constant 2 : i32
      %dma_wait3A_938 = arith.constant 2 : i32
      %dma_wait3A_939 = arith.constant 0 : i32
      %dma_wait3A_940 = tpu.memref_slice %arg12[%dma_wait3A_937, %dma_wait3A_939] : memref<16x128xf32, #tpu.memory_space<vmem>> -> memref<1x128xf32, #tpu.memory_space<vmem>>
      %dma_wait3A_941 = tpu.memref_squeeze %dma_wait3A_940 : memref<1x128xf32, #tpu.memory_space<vmem>> -> memref<128xf32, #tpu.memory_space<vmem>>
      %dma_wait3A_942 = arith.constant 0 : i32
      %dma_wait3A_943 = tpu.memref_slice %arg11[%dma_wait3A_938, %dma_wait3A_942] : memref<16x128xi32, #tpu.memory_space<vmem>> -> memref<1x128xi32, #tpu.memory_space<vmem>>
      %dma_wait3A_944 = tpu.memref_squeeze %dma_wait3A_943 : memref<1x128xi32, #tpu.memory_space<vmem>> -> memref<128xi32, #tpu.memory_space<vmem>>
      %dma_wait3A_945 = arith.constant 0 : i32
      %dma_wait3A_946 = tpu.memref_slice %arg7[%dma_wait3A_945] : memref<100096xf32, #tpu.memory_space<vmem_shared>> -> memref<100096xf32, #tpu.memory_space<vmem_shared>>
      tpu.wait_indirect_dma semaphore(%arg13 : memref<!tpu.dma_semaphore, #tpu.memory_space<semaphore_mem>>) src(%dma_wait3A_941 : memref<128xf32, #tpu.memory_space<vmem>>) dst(%dma_wait3A_946 : memref<100096xf32, #tpu.memory_space<vmem_shared>>)
      %dma_wait3A_947 = arith.constant 3 : i32
      %dma_wait3A_948 = arith.constant 3 : i32
      %dma_wait3A_949 = arith.constant 0 : i32
      %dma_wait3A_950 = tpu.memref_slice %arg12[%dma_wait3A_947, %dma_wait3A_949] : memref<16x128xf32, #tpu.memory_space<vmem>> -> memref<1x128xf32, #tpu.memory_space<vmem>>
      %dma_wait3A_951 = tpu.memref_squeeze %dma_wait3A_950 : memref<1x128xf32, #tpu.memory_space<vmem>> -> memref<128xf32, #tpu.memory_space<vmem>>
      %dma_wait3A_952 = arith.constant 0 : i32
      %dma_wait3A_953 = tpu.memref_slice %arg11[%dma_wait3A_948, %dma_wait3A_952] : memref<16x128xi32, #tpu.memory_space<vmem>> -> memref<1x128xi32, #tpu.memory_space<vmem>>
      %dma_wait3A_954 = tpu.memref_squeeze %dma_wait3A_953 : memref<1x128xi32, #tpu.memory_space<vmem>> -> memref<128xi32, #tpu.memory_space<vmem>>
      %dma_wait3A_955 = arith.constant 0 : i32
      %dma_wait3A_956 = tpu.memref_slice %arg7[%dma_wait3A_955] : memref<100096xf32, #tpu.memory_space<vmem_shared>> -> memref<100096xf32, #tpu.memory_space<vmem_shared>>
      tpu.wait_indirect_dma semaphore(%arg13 : memref<!tpu.dma_semaphore, #tpu.memory_space<semaphore_mem>>) src(%dma_wait3A_951 : memref<128xf32, #tpu.memory_space<vmem>>) dst(%dma_wait3A_956 : memref<100096xf32, #tpu.memory_space<vmem_shared>>)
      %dma_wait3A_957 = arith.constant 4 : i32
      %dma_wait3A_958 = arith.constant 4 : i32
      %dma_wait3A_959 = arith.constant 0 : i32
      %dma_wait3A_960 = tpu.memref_slice %arg12[%dma_wait3A_957, %dma_wait3A_959] : memref<16x128xf32, #tpu.memory_space<vmem>> -> memref<1x128xf32, #tpu.memory_space<vmem>>
      %dma_wait3A_961 = tpu.memref_squeeze %dma_wait3A_960 : memref<1x128xf32, #tpu.memory_space<vmem>> -> memref<128xf32, #tpu.memory_space<vmem>>
      %dma_wait3A_962 = arith.constant 0 : i32
      %dma_wait3A_963 = tpu.memref_slice %arg11[%dma_wait3A_958, %dma_wait3A_962] : memref<16x128xi32, #tpu.memory_space<vmem>> -> memref<1x128xi32, #tpu.memory_space<vmem>>
      %dma_wait3A_964 = tpu.memref_squeeze %dma_wait3A_963 : memref<1x128xi32, #tpu.memory_space<vmem>> -> memref<128xi32, #tpu.memory_space<vmem>>
      %dma_wait3A_965 = arith.constant 0 : i32
      %dma_wait3A_966 = tpu.memref_slice %arg7[%dma_wait3A_965] : memref<100096xf32, #tpu.memory_space<vmem_shared>> -> memref<100096xf32, #tpu.memory_space<vmem_shared>>
      tpu.wait_indirect_dma semaphore(%arg13 : memref<!tpu.dma_semaphore, #tpu.memory_space<semaphore_mem>>) src(%dma_wait3A_961 : memref<128xf32, #tpu.memory_space<vmem>>) dst(%dma_wait3A_966 : memref<100096xf32, #tpu.memory_space<vmem_shared>>)
      %dma_wait3A_967 = arith.constant 5 : i32
      %dma_wait3A_968 = arith.constant 5 : i32
      %dma_wait3A_969 = arith.constant 0 : i32
      %dma_wait3A_970 = tpu.memref_slice %arg12[%dma_wait3A_967, %dma_wait3A_969] : memref<16x128xf32, #tpu.memory_space<vmem>> -> memref<1x128xf32, #tpu.memory_space<vmem>>
      %dma_wait3A_971 = tpu.memref_squeeze %dma_wait3A_970 : memref<1x128xf32, #tpu.memory_space<vmem>> -> memref<128xf32, #tpu.memory_space<vmem>>
      %dma_wait3A_972 = arith.constant 0 : i32
      %dma_wait3A_973 = tpu.memref_slice %arg11[%dma_wait3A_968, %dma_wait3A_972] : memref<16x128xi32, #tpu.memory_space<vmem>> -> memref<1x128xi32, #tpu.memory_space<vmem>>
      %dma_wait3A_974 = tpu.memref_squeeze %dma_wait3A_973 : memref<1x128xi32, #tpu.memory_space<vmem>> -> memref<128xi32, #tpu.memory_space<vmem>>
      %dma_wait3A_975 = arith.constant 0 : i32
      %dma_wait3A_976 = tpu.memref_slice %arg7[%dma_wait3A_975] : memref<100096xf32, #tpu.memory_space<vmem_shared>> -> memref<100096xf32, #tpu.memory_space<vmem_shared>>
      tpu.wait_indirect_dma semaphore(%arg13 : memref<!tpu.dma_semaphore, #tpu.memory_space<semaphore_mem>>) src(%dma_wait3A_971 : memref<128xf32, #tpu.memory_space<vmem>>) dst(%dma_wait3A_976 : memref<100096xf32, #tpu.memory_space<vmem_shared>>)
      %dma_wait3A_977 = arith.constant 6 : i32
      %dma_wait3A_978 = arith.constant 6 : i32
      %dma_wait3A_979 = arith.constant 0 : i32
      %dma_wait3A_980 = tpu.memref_slice %arg12[%dma_wait3A_977, %dma_wait3A_979] : memref<16x128xf32, #tpu.memory_space<vmem>> -> memref<1x128xf32, #tpu.memory_space<vmem>>
      %dma_wait3A_981 = tpu.memref_squeeze %dma_wait3A_980 : memref<1x128xf32, #tpu.memory_space<vmem>> -> memref<128xf32, #tpu.memory_space<vmem>>
      %dma_wait3A_982 = arith.constant 0 : i32
      %dma_wait3A_983 = tpu.memref_slice %arg11[%dma_wait3A_978, %dma_wait3A_982] : memref<16x128xi32, #tpu.memory_space<vmem>> -> memref<1x128xi32, #tpu.memory_space<vmem>>
      %dma_wait3A_984 = tpu.memref_squeeze %dma_wait3A_983 : memref<1x128xi32, #tpu.memory_space<vmem>> -> memref<128xi32, #tpu.memory_space<vmem>>
      %dma_wait3A_985 = arith.constant 0 : i32
      %dma_wait3A_986 = tpu.memref_slice %arg7[%dma_wait3A_985] : memref<100096xf32, #tpu.memory_space<vmem_shared>> -> memref<100096xf32, #tpu.memory_space<vmem_shared>>
      tpu.wait_indirect_dma semaphore(%arg13 : memref<!tpu.dma_semaphore, #tpu.memory_space<semaphore_mem>>) src(%dma_wait3A_981 : memref<128xf32, #tpu.memory_space<vmem>>) dst(%dma_wait3A_986 : memref<100096xf32, #tpu.memory_space<vmem_shared>>)
      %dma_wait3A_987 = arith.constant 7 : i32
      %dma_wait3A_988 = arith.constant 7 : i32
      %dma_wait3A_989 = arith.constant 0 : i32
      %dma_wait3A_990 = tpu.memref_slice %arg12[%dma_wait3A_987, %dma_wait3A_989] : memref<16x128xf32, #tpu.memory_space<vmem>> -> memref<1x128xf32, #tpu.memory_space<vmem>>
      %dma_wait3A_991 = tpu.memref_squeeze %dma_wait3A_990 : memref<1x128xf32, #tpu.memory_space<vmem>> -> memref<128xf32, #tpu.memory_space<vmem>>
      %dma_wait3A_992 = arith.constant 0 : i32
      %dma_wait3A_993 = tpu.memref_slice %arg11[%dma_wait3A_988, %dma_wait3A_992] : memref<16x128xi32, #tpu.memory_space<vmem>> -> memref<1x128xi32, #tpu.memory_space<vmem>>
      %dma_wait3A_994 = tpu.memref_squeeze %dma_wait3A_993 : memref<1x128xi32, #tpu.memory_space<vmem>> -> memref<128xi32, #tpu.memory_space<vmem>>
      %dma_wait3A_995 = arith.constant 0 : i32
      %dma_wait3A_996 = tpu.memref_slice %arg7[%dma_wait3A_995] : memref<100096xf32, #tpu.memory_space<vmem_shared>> -> memref<100096xf32, #tpu.memory_space<vmem_shared>>
      tpu.wait_indirect_dma semaphore(%arg13 : memref<!tpu.dma_semaphore, #tpu.memory_space<semaphore_mem>>) src(%dma_wait3A_991 : memref<128xf32, #tpu.memory_space<vmem>>) dst(%dma_wait3A_996 : memref<100096xf32, #tpu.memory_space<vmem_shared>>)
      %dma_wait3A_997 = arith.constant 8 : i32
      %dma_wait3A_998 = arith.constant 8 : i32
      %dma_wait3A_999 = arith.constant 0 : i32
      %dma_wait3A_1000 = tpu.memref_slice %arg12[%dma_wait3A_997, %dma_wait3A_999] : memref<16x128xf32, #tpu.memory_space<vmem>> -> memref<1x128xf32, #tpu.memory_space<vmem>>
      %dma_wait3A_1001 = tpu.memref_squeeze %dma_wait3A_1000 : memref<1x128xf32, #tpu.memory_space<vmem>> -> memref<128xf32, #tpu.memory_space<vmem>>
      %dma_wait3A_1002 = arith.constant 0 : i32
      %dma_wait3A_1003 = tpu.memref_slice %arg11[%dma_wait3A_998, %dma_wait3A_1002] : memref<16x128xi32, #tpu.memory_space<vmem>> -> memref<1x128xi32, #tpu.memory_space<vmem>>
      %dma_wait3A_1004 = tpu.memref_squeeze %dma_wait3A_1003 : memref<1x128xi32, #tpu.memory_space<vmem>> -> memref<128xi32, #tpu.memory_space<vmem>>
      %dma_wait3A_1005 = arith.constant 0 : i32
      %dma_wait3A_1006 = tpu.memref_slice %arg7[%dma_wait3A_1005] : memref<100096xf32, #tpu.memory_space<vmem_shared>> -> memref<100096xf32, #tpu.memory_space<vmem_shared>>
      tpu.wait_indirect_dma semaphore(%arg13 : memref<!tpu.dma_semaphore, #tpu.memory_space<semaphore_mem>>) src(%dma_wait3A_1001 : memref<128xf32, #tpu.memory_space<vmem>>) dst(%dma_wait3A_1006 : memref<100096xf32, #tpu.memory_space<vmem_shared>>)
      %dma_wait3A_1007 = arith.constant 9 : i32
      %dma_wait3A_1008 = arith.constant 9 : i32
      %dma_wait3A_1009 = arith.constant 0 : i32
      %dma_wait3A_1010 = tpu.memref_slice %arg12[%dma_wait3A_1007, %dma_wait3A_1009] : memref<16x128xf32, #tpu.memory_space<vmem>> -> memref<1x128xf32, #tpu.memory_space<vmem>>
      %dma_wait3A_1011 = tpu.memref_squeeze %dma_wait3A_1010 : memref<1x128xf32, #tpu.memory_space<vmem>> -> memref<128xf32, #tpu.memory_space<vmem>>
      %dma_wait3A_1012 = arith.constant 0 : i32
      %dma_wait3A_1013 = tpu.memref_slice %arg11[%dma_wait3A_1008, %dma_wait3A_1012] : memref<16x128xi32, #tpu.memory_space<vmem>> -> memref<1x128xi32, #tpu.memory_space<vmem>>
      %dma_wait3A_1014 = tpu.memref_squeeze %dma_wait3A_1013 : memref<1x128xi32, #tpu.memory_space<vmem>> -> memref<128xi32, #tpu.memory_space<vmem>>
      %dma_wait3A_1015 = arith.constant 0 : i32
      %dma_wait3A_1016 = tpu.memref_slice %arg7[%dma_wait3A_1015] : memref<100096xf32, #tpu.memory_space<vmem_shared>> -> memref<100096xf32, #tpu.memory_space<vmem_shared>>
      tpu.wait_indirect_dma semaphore(%arg13 : memref<!tpu.dma_semaphore, #tpu.memory_space<semaphore_mem>>) src(%dma_wait3A_1011 : memref<128xf32, #tpu.memory_space<vmem>>) dst(%dma_wait3A_1016 : memref<100096xf32, #tpu.memory_space<vmem_shared>>)
      %dma_wait3A_1017 = arith.constant 10 : i32
      %dma_wait3A_1018 = arith.constant 10 : i32
      %dma_wait3A_1019 = arith.constant 0 : i32
      %dma_wait3A_1020 = tpu.memref_slice %arg12[%dma_wait3A_1017, %dma_wait3A_1019] : memref<16x128xf32, #tpu.memory_space<vmem>> -> memref<1x128xf32, #tpu.memory_space<vmem>>
      %dma_wait3A_1021 = tpu.memref_squeeze %dma_wait3A_1020 : memref<1x128xf32, #tpu.memory_space<vmem>> -> memref<128xf32, #tpu.memory_space<vmem>>
      %dma_wait3A_1022 = arith.constant 0 : i32
      %dma_wait3A_1023 = tpu.memref_slice %arg11[%dma_wait3A_1018, %dma_wait3A_1022] : memref<16x128xi32, #tpu.memory_space<vmem>> -> memref<1x128xi32, #tpu.memory_space<vmem>>
      %dma_wait3A_1024 = tpu.memref_squeeze %dma_wait3A_1023 : memref<1x128xi32, #tpu.memory_space<vmem>> -> memref<128xi32, #tpu.memory_space<vmem>>
      %dma_wait3A_1025 = arith.constant 0 : i32
      %dma_wait3A_1026 = tpu.memref_slice %arg7[%dma_wait3A_1025] : memref<100096xf32, #tpu.memory_space<vmem_shared>> -> memref<100096xf32, #tpu.memory_space<vmem_shared>>
      tpu.wait_indirect_dma semaphore(%arg13 : memref<!tpu.dma_semaphore, #tpu.memory_space<semaphore_mem>>) src(%dma_wait3A_1021 : memref<128xf32, #tpu.memory_space<vmem>>) dst(%dma_wait3A_1026 : memref<100096xf32, #tpu.memory_space<vmem_shared>>)
      %dma_wait3A_1027 = arith.constant 11 : i32
      %dma_wait3A_1028 = arith.constant 11 : i32
      %dma_wait3A_1029 = arith.constant 0 : i32
      %dma_wait3A_1030 = tpu.memref_slice %arg12[%dma_wait3A_1027, %dma_wait3A_1029] : memref<16x128xf32, #tpu.memory_space<vmem>> -> memref<1x128xf32, #tpu.memory_space<vmem>>
      %dma_wait3A_1031 = tpu.memref_squeeze %dma_wait3A_1030 : memref<1x128xf32, #tpu.memory_space<vmem>> -> memref<128xf32, #tpu.memory_space<vmem>>
      %dma_wait3A_1032 = arith.constant 0 : i32
      %dma_wait3A_1033 = tpu.memref_slice %arg11[%dma_wait3A_1028, %dma_wait3A_1032] : memref<16x128xi32, #tpu.memory_space<vmem>> -> memref<1x128xi32, #tpu.memory_space<vmem>>
      %dma_wait3A_1034 = tpu.memref_squeeze %dma_wait3A_1033 : memref<1x128xi32, #tpu.memory_space<vmem>> -> memref<128xi32, #tpu.memory_space<vmem>>
      %dma_wait3A_1035 = arith.constant 0 : i32
      %dma_wait3A_1036 = tpu.memref_slice %arg7[%dma_wait3A_1035] : memref<100096xf32, #tpu.memory_space<vmem_shared>> -> memref<100096xf32, #tpu.memory_space<vmem_shared>>
      tpu.wait_indirect_dma semaphore(%arg13 : memref<!tpu.dma_semaphore, #tpu.memory_space<semaphore_mem>>) src(%dma_wait3A_1031 : memref<128xf32, #tpu.memory_space<vmem>>) dst(%dma_wait3A_1036 : memref<100096xf32, #tpu.memory_space<vmem_shared>>)
      %dma_wait3A_1037 = arith.constant 12 : i32
      %dma_wait3A_1038 = arith.constant 12 : i32
      %dma_wait3A_1039 = arith.constant 0 : i32
      %dma_wait3A_1040 = tpu.memref_slice %arg12[%dma_wait3A_1037, %dma_wait3A_1039] : memref<16x128xf32, #tpu.memory_space<vmem>> -> memref<1x128xf32, #tpu.memory_space<vmem>>
      %dma_wait3A_1041 = tpu.memref_squeeze %dma_wait3A_1040 : memref<1x128xf32, #tpu.memory_space<vmem>> -> memref<128xf32, #tpu.memory_space<vmem>>
      %dma_wait3A_1042 = arith.constant 0 : i32
      %dma_wait3A_1043 = tpu.memref_slice %arg11[%dma_wait3A_1038, %dma_wait3A_1042] : memref<16x128xi32, #tpu.memory_space<vmem>> -> memref<1x128xi32, #tpu.memory_space<vmem>>
      %dma_wait3A_1044 = tpu.memref_squeeze %dma_wait3A_1043 : memref<1x128xi32, #tpu.memory_space<vmem>> -> memref<128xi32, #tpu.memory_space<vmem>>
      %dma_wait3A_1045 = arith.constant 0 : i32
      %dma_wait3A_1046 = tpu.memref_slice %arg7[%dma_wait3A_1045] : memref<100096xf32, #tpu.memory_space<vmem_shared>> -> memref<100096xf32, #tpu.memory_space<vmem_shared>>
      tpu.wait_indirect_dma semaphore(%arg13 : memref<!tpu.dma_semaphore, #tpu.memory_space<semaphore_mem>>) src(%dma_wait3A_1041 : memref<128xf32, #tpu.memory_space<vmem>>) dst(%dma_wait3A_1046 : memref<100096xf32, #tpu.memory_space<vmem_shared>>)
      %dma_wait3A_1047 = arith.constant 13 : i32
      %dma_wait3A_1048 = arith.constant 13 : i32
      %dma_wait3A_1049 = arith.constant 0 : i32
      %dma_wait3A_1050 = tpu.memref_slice %arg12[%dma_wait3A_1047, %dma_wait3A_1049] : memref<16x128xf32, #tpu.memory_space<vmem>> -> memref<1x128xf32, #tpu.memory_space<vmem>>
      %dma_wait3A_1051 = tpu.memref_squeeze %dma_wait3A_1050 : memref<1x128xf32, #tpu.memory_space<vmem>> -> memref<128xf32, #tpu.memory_space<vmem>>
      %dma_wait3A_1052 = arith.constant 0 : i32
      %dma_wait3A_1053 = tpu.memref_slice %arg11[%dma_wait3A_1048, %dma_wait3A_1052] : memref<16x128xi32, #tpu.memory_space<vmem>> -> memref<1x128xi32, #tpu.memory_space<vmem>>
      %dma_wait3A_1054 = tpu.memref_squeeze %dma_wait3A_1053 : memref<1x128xi32, #tpu.memory_space<vmem>> -> memref<128xi32, #tpu.memory_space<vmem>>
      %dma_wait3A_1055 = arith.constant 0 : i32
      %dma_wait3A_1056 = tpu.memref_slice %arg7[%dma_wait3A_1055] : memref<100096xf32, #tpu.memory_space<vmem_shared>> -> memref<100096xf32, #tpu.memory_space<vmem_shared>>
      tpu.wait_indirect_dma semaphore(%arg13 : memref<!tpu.dma_semaphore, #tpu.memory_space<semaphore_mem>>) src(%dma_wait3A_1051 : memref<128xf32, #tpu.memory_space<vmem>>) dst(%dma_wait3A_1056 : memref<100096xf32, #tpu.memory_space<vmem_shared>>)
      %dma_wait3A_1057 = arith.constant 14 : i32
      %dma_wait3A_1058 = arith.constant 14 : i32
      %dma_wait3A_1059 = arith.constant 0 : i32
      %dma_wait3A_1060 = tpu.memref_slice %arg12[%dma_wait3A_1057, %dma_wait3A_1059] : memref<16x128xf32, #tpu.memory_space<vmem>> -> memref<1x128xf32, #tpu.memory_space<vmem>>
      %dma_wait3A_1061 = tpu.memref_squeeze %dma_wait3A_1060 : memref<1x128xf32, #tpu.memory_space<vmem>> -> memref<128xf32, #tpu.memory_space<vmem>>
      %dma_wait3A_1062 = arith.constant 0 : i32
      %dma_wait3A_1063 = tpu.memref_slice %arg11[%dma_wait3A_1058, %dma_wait3A_1062] : memref<16x128xi32, #tpu.memory_space<vmem>> -> memref<1x128xi32, #tpu.memory_space<vmem>>
      %dma_wait3A_1064 = tpu.memref_squeeze %dma_wait3A_1063 : memref<1x128xi32, #tpu.memory_space<vmem>> -> memref<128xi32, #tpu.memory_space<vmem>>
      %dma_wait3A_1065 = arith.constant 0 : i32
      %dma_wait3A_1066 = tpu.memref_slice %arg7[%dma_wait3A_1065] : memref<100096xf32, #tpu.memory_space<vmem_shared>> -> memref<100096xf32, #tpu.memory_space<vmem_shared>>
      tpu.wait_indirect_dma semaphore(%arg13 : memref<!tpu.dma_semaphore, #tpu.memory_space<semaphore_mem>>) src(%dma_wait3A_1061 : memref<128xf32, #tpu.memory_space<vmem>>) dst(%dma_wait3A_1066 : memref<100096xf32, #tpu.memory_space<vmem_shared>>)
      %dma_wait3A_1067 = arith.constant 15 : i32
      %dma_wait3A_1068 = arith.constant 15 : i32
      %dma_wait3A_1069 = arith.constant 0 : i32
      %dma_wait3A_1070 = tpu.memref_slice %arg12[%dma_wait3A_1067, %dma_wait3A_1069] : memref<16x128xf32, #tpu.memory_space<vmem>> -> memref<1x128xf32, #tpu.memory_space<vmem>>
      %dma_wait3A_1071 = tpu.memref_squeeze %dma_wait3A_1070 : memref<1x128xf32, #tpu.memory_space<vmem>> -> memref<128xf32, #tpu.memory_space<vmem>>
      %dma_wait3A_1072 = arith.constant 0 : i32
      %dma_wait3A_1073 = tpu.memref_slice %arg11[%dma_wait3A_1068, %dma_wait3A_1072] : memref<16x128xi32, #tpu.memory_space<vmem>> -> memref<1x128xi32, #tpu.memory_space<vmem>>
      %dma_wait3A_1074 = tpu.memref_squeeze %dma_wait3A_1073 : memref<1x128xi32, #tpu.memory_space<vmem>> -> memref<128xi32, #tpu.memory_space<vmem>>
      %dma_wait3A_1075 = arith.constant 0 : i32
      %dma_wait3A_1076 = tpu.memref_slice %arg7[%dma_wait3A_1075] : memref<100096xf32, #tpu.memory_space<vmem_shared>> -> memref<100096xf32, #tpu.memory_space<vmem_shared>>
      tpu.wait_indirect_dma semaphore(%arg13 : memref<!tpu.dma_semaphore, #tpu.memory_space<semaphore_mem>>) src(%dma_wait3A_1071 : memref<128xf32, #tpu.memory_space<vmem>>) dst(%dma_wait3A_1076 : memref<100096xf32, #tpu.memory_space<vmem_shared>>)
    }
    %scan3A_18 = arith.constant 24 : i32
    %mul3A_19 = arith.constant 392 : i32
    %mul3A_20 = arith.muli %add3A, %mul3A_19 : i32
    %add3A_21 = arith.constant 384 : i32
    %add3A_22 = arith.addi %mul3A_20, %add3A_21 : i32
    %dma_start3A = arith.constant 0 : i32
    %dma_start3A_23 = arith.constant 0 : i32
    %dma_start3A_24 = tpu.memref_slice %arg10[%dma_start3A, %dma_start3A_23] : memref<16x128xi32, #tpu.memory_space<vmem>> -> memref<8x128xi32, #tpu.memory_space<vmem>>
    %dma_start3A_25 = arith.constant 0 : i32
    %dma_start3A_26 = tpu.memref_slice %arg3[%add3A_22, %dma_start3A_25] : memref<12544x128xi32, #tpu.memory_space<hbm>> -> memref<8x128xi32, #tpu.memory_space<hbm>>
    %dma_start3A_27 = arith.constant 0 : i32
    %dma_start3A_28 = arith.constant 0 : i32
    %dma_start3A_29 = tpu.memref_slice %arg10[%dma_start3A_27, %dma_start3A_28] : memref<16x128xi32, #tpu.memory_space<vmem>> -> memref<8x128xi32, #tpu.memory_space<vmem>>
    %dma_start3A_30 = arith.constant 0 : i32
    %dma_start3A_31 = tpu.memref_slice %arg3[%add3A_22, %dma_start3A_30] : memref<12544x128xi32, #tpu.memory_space<hbm>> -> memref<8x128xi32, #tpu.memory_space<hbm>>
    tpu.enqueue_dma source(%dma_start3A_31 : memref<8x128xi32, #tpu.memory_space<hbm>>) target(%dma_start3A_29 : memref<8x128xi32, #tpu.memory_space<vmem>>) target_semaphore(%arg13 : memref<!tpu.dma_semaphore, #tpu.memory_space<semaphore_mem>>)
    %dma_start3A_32 = arith.constant 0 : i32
    %dma_start3A_33 = arith.constant 0 : i32
    %dma_start3A_34 = tpu.memref_slice %arg11[%dma_start3A_32, %dma_start3A_33] : memref<16x128xi32, #tpu.memory_space<vmem>> -> memref<8x128xi32, #tpu.memory_space<vmem>>
    %dma_start3A_35 = arith.constant 0 : i32
    %dma_start3A_36 = tpu.memref_slice %arg4[%add3A_22, %dma_start3A_35] : memref<12544x128xi32, #tpu.memory_space<hbm>> -> memref<8x128xi32, #tpu.memory_space<hbm>>
    %dma_start3A_37 = arith.constant 0 : i32
    %dma_start3A_38 = arith.constant 0 : i32
    %dma_start3A_39 = tpu.memref_slice %arg11[%dma_start3A_37, %dma_start3A_38] : memref<16x128xi32, #tpu.memory_space<vmem>> -> memref<8x128xi32, #tpu.memory_space<vmem>>
    %dma_start3A_40 = arith.constant 0 : i32
    %dma_start3A_41 = tpu.memref_slice %arg4[%add3A_22, %dma_start3A_40] : memref<12544x128xi32, #tpu.memory_space<hbm>> -> memref<8x128xi32, #tpu.memory_space<hbm>>
    tpu.enqueue_dma source(%dma_start3A_41 : memref<8x128xi32, #tpu.memory_space<hbm>>) target(%dma_start3A_39 : memref<8x128xi32, #tpu.memory_space<vmem>>) target_semaphore(%arg13 : memref<!tpu.dma_semaphore, #tpu.memory_space<semaphore_mem>>)
    %dma_wait3A = arith.constant 0 : i32
    %dma_wait3A_42 = arith.constant 0 : i32
    %dma_wait3A_43 = tpu.memref_slice %arg10[%dma_wait3A, %dma_wait3A_42] : memref<16x128xi32, #tpu.memory_space<vmem>> -> memref<8x128xi32, #tpu.memory_space<vmem>>
    %dma_wait3A_44 = arith.constant 0 : i32
    %dma_wait3A_45 = tpu.memref_slice %arg3[%add3A_22, %dma_wait3A_44] : memref<12544x128xi32, #tpu.memory_space<hbm>> -> memref<8x128xi32, #tpu.memory_space<hbm>>
    %dma_wait3A_46 = arith.constant 0 : i32
    %dma_wait3A_47 = arith.constant 0 : i32
    %dma_wait3A_48 = tpu.memref_slice %arg10[%dma_wait3A_46, %dma_wait3A_47] : memref<16x128xi32, #tpu.memory_space<vmem>> -> memref<8x128xi32, #tpu.memory_space<vmem>>
    %dma_wait3A_49 = arith.constant 0 : i32
    %dma_wait3A_50 = tpu.memref_slice %arg3[%add3A_22, %dma_wait3A_49] : memref<12544x128xi32, #tpu.memory_space<hbm>> -> memref<8x128xi32, #tpu.memory_space<hbm>>
    tpu.wait_dma2 semaphore(%arg13 : memref<!tpu.dma_semaphore, #tpu.memory_space<semaphore_mem>>) src(%dma_wait3A_50 : memref<8x128xi32, #tpu.memory_space<hbm>>) dst(%dma_wait3A_48 : memref<8x128xi32, #tpu.memory_space<vmem>>)
    %dma_wait3A_51 = arith.constant 0 : i32
    %dma_wait3A_52 = arith.constant 0 : i32
    %dma_wait3A_53 = tpu.memref_slice %arg11[%dma_wait3A_51, %dma_wait3A_52] : memref<16x128xi32, #tpu.memory_space<vmem>> -> memref<8x128xi32, #tpu.memory_space<vmem>>
    %dma_wait3A_54 = arith.constant 0 : i32
    %dma_wait3A_55 = tpu.memref_slice %arg4[%add3A_22, %dma_wait3A_54] : memref<12544x128xi32, #tpu.memory_space<hbm>> -> memref<8x128xi32, #tpu.memory_space<hbm>>
    %dma_wait3A_56 = arith.constant 0 : i32
    %dma_wait3A_57 = arith.constant 0 : i32
    %dma_wait3A_58 = tpu.memref_slice %arg11[%dma_wait3A_56, %dma_wait3A_57] : memref<16x128xi32, #tpu.memory_space<vmem>> -> memref<8x128xi32, #tpu.memory_space<vmem>>
    %dma_wait3A_59 = arith.constant 0 : i32
    %dma_wait3A_60 = tpu.memref_slice %arg4[%add3A_22, %dma_wait3A_59] : memref<12544x128xi32, #tpu.memory_space<hbm>> -> memref<8x128xi32, #tpu.memory_space<hbm>>
    tpu.wait_dma2 semaphore(%arg13 : memref<!tpu.dma_semaphore, #tpu.memory_space<semaphore_mem>>) src(%dma_wait3A_60 : memref<8x128xi32, #tpu.memory_space<hbm>>) dst(%dma_wait3A_58 : memref<8x128xi32, #tpu.memory_space<vmem>>)
    %dma_start3A_61 = arith.constant 0 : i32
    %dma_start3A_62 = arith.constant 0 : i32
    %dma_start3A_63 = arith.constant 0 : i32
    %dma_start3A_64 = tpu.memref_slice %arg12[%dma_start3A_62, %dma_start3A_63] : memref<16x128xf32, #tpu.memory_space<vmem>> -> memref<1x128xf32, #tpu.memory_space<vmem>>
    %dma_start3A_65 = tpu.memref_squeeze %dma_start3A_64 : memref<1x128xf32, #tpu.memory_space<vmem>> -> memref<128xf32, #tpu.memory_space<vmem>>
    %dma_start3A_66 = arith.constant 0 : i32
    %dma_start3A_67 = tpu.memref_slice %arg10[%dma_start3A_61, %dma_start3A_66] : memref<16x128xi32, #tpu.memory_space<vmem>> -> memref<1x128xi32, #tpu.memory_space<vmem>>
    %dma_start3A_68 = tpu.memref_squeeze %dma_start3A_67 : memref<1x128xi32, #tpu.memory_space<vmem>> -> memref<128xi32, #tpu.memory_space<vmem>>
    %dma_start3A_69 = arith.constant 0 : i32
    %dma_start3A_70 = tpu.memref_slice %arg8[%dma_start3A_69] : memref<100096xf32, #tpu.memory_space<vmem_shared>> -> memref<100096xf32, #tpu.memory_space<vmem_shared>>
    tpu.enqueue_indirect_dma source(%dma_start3A_70 : memref<100096xf32, #tpu.memory_space<vmem_shared>>) target(%dma_start3A_65 : memref<128xf32, #tpu.memory_space<vmem>>) offsets(%dma_start3A_68 : memref<128xi32, #tpu.memory_space<vmem>>) semaphore(%arg13 : memref<!tpu.dma_semaphore, #tpu.memory_space<semaphore_mem>>)
    %dma_start3A_71 = arith.constant 1 : i32
    %dma_start3A_72 = arith.constant 1 : i32
    %dma_start3A_73 = arith.constant 0 : i32
    %dma_start3A_74 = tpu.memref_slice %arg12[%dma_start3A_72, %dma_start3A_73] : memref<16x128xf32, #tpu.memory_space<vmem>> -> memref<1x128xf32, #tpu.memory_space<vmem>>
    %dma_start3A_75 = tpu.memref_squeeze %dma_start3A_74 : memref<1x128xf32, #tpu.memory_space<vmem>> -> memref<128xf32, #tpu.memory_space<vmem>>
    %dma_start3A_76 = arith.constant 0 : i32
    %dma_start3A_77 = tpu.memref_slice %arg10[%dma_start3A_71, %dma_start3A_76] : memref<16x128xi32, #tpu.memory_space<vmem>> -> memref<1x128xi32, #tpu.memory_space<vmem>>
    %dma_start3A_78 = tpu.memref_squeeze %dma_start3A_77 : memref<1x128xi32, #tpu.memory_space<vmem>> -> memref<128xi32, #tpu.memory_space<vmem>>
    %dma_start3A_79 = arith.constant 0 : i32
    %dma_start3A_80 = tpu.memref_slice %arg8[%dma_start3A_79] : memref<100096xf32, #tpu.memory_space<vmem_shared>> -> memref<100096xf32, #tpu.memory_space<vmem_shared>>
    tpu.enqueue_indirect_dma source(%dma_start3A_80 : memref<100096xf32, #tpu.memory_space<vmem_shared>>) target(%dma_start3A_75 : memref<128xf32, #tpu.memory_space<vmem>>) offsets(%dma_start3A_78 : memref<128xi32, #tpu.memory_space<vmem>>) semaphore(%arg13 : memref<!tpu.dma_semaphore, #tpu.memory_space<semaphore_mem>>)
    %dma_start3A_81 = arith.constant 2 : i32
    %dma_start3A_82 = arith.constant 2 : i32
    %dma_start3A_83 = arith.constant 0 : i32
    %dma_start3A_84 = tpu.memref_slice %arg12[%dma_start3A_82, %dma_start3A_83] : memref<16x128xf32, #tpu.memory_space<vmem>> -> memref<1x128xf32, #tpu.memory_space<vmem>>
    %dma_start3A_85 = tpu.memref_squeeze %dma_start3A_84 : memref<1x128xf32, #tpu.memory_space<vmem>> -> memref<128xf32, #tpu.memory_space<vmem>>
    %dma_start3A_86 = arith.constant 0 : i32
    %dma_start3A_87 = tpu.memref_slice %arg10[%dma_start3A_81, %dma_start3A_86] : memref<16x128xi32, #tpu.memory_space<vmem>> -> memref<1x128xi32, #tpu.memory_space<vmem>>
    %dma_start3A_88 = tpu.memref_squeeze %dma_start3A_87 : memref<1x128xi32, #tpu.memory_space<vmem>> -> memref<128xi32, #tpu.memory_space<vmem>>
    %dma_start3A_89 = arith.constant 0 : i32
    %dma_start3A_90 = tpu.memref_slice %arg8[%dma_start3A_89] : memref<100096xf32, #tpu.memory_space<vmem_shared>> -> memref<100096xf32, #tpu.memory_space<vmem_shared>>
    tpu.enqueue_indirect_dma source(%dma_start3A_90 : memref<100096xf32, #tpu.memory_space<vmem_shared>>) target(%dma_start3A_85 : memref<128xf32, #tpu.memory_space<vmem>>) offsets(%dma_start3A_88 : memref<128xi32, #tpu.memory_space<vmem>>) semaphore(%arg13 : memref<!tpu.dma_semaphore, #tpu.memory_space<semaphore_mem>>)
    %dma_start3A_91 = arith.constant 3 : i32
    %dma_start3A_92 = arith.constant 3 : i32
    %dma_start3A_93 = arith.constant 0 : i32
    %dma_start3A_94 = tpu.memref_slice %arg12[%dma_start3A_92, %dma_start3A_93] : memref<16x128xf32, #tpu.memory_space<vmem>> -> memref<1x128xf32, #tpu.memory_space<vmem>>
    %dma_start3A_95 = tpu.memref_squeeze %dma_start3A_94 : memref<1x128xf32, #tpu.memory_space<vmem>> -> memref<128xf32, #tpu.memory_space<vmem>>
    %dma_start3A_96 = arith.constant 0 : i32
    %dma_start3A_97 = tpu.memref_slice %arg10[%dma_start3A_91, %dma_start3A_96] : memref<16x128xi32, #tpu.memory_space<vmem>> -> memref<1x128xi32, #tpu.memory_space<vmem>>
    %dma_start3A_98 = tpu.memref_squeeze %dma_start3A_97 : memref<1x128xi32, #tpu.memory_space<vmem>> -> memref<128xi32, #tpu.memory_space<vmem>>
    %dma_start3A_99 = arith.constant 0 : i32
    %dma_start3A_100 = tpu.memref_slice %arg8[%dma_start3A_99] : memref<100096xf32, #tpu.memory_space<vmem_shared>> -> memref<100096xf32, #tpu.memory_space<vmem_shared>>
    tpu.enqueue_indirect_dma source(%dma_start3A_100 : memref<100096xf32, #tpu.memory_space<vmem_shared>>) target(%dma_start3A_95 : memref<128xf32, #tpu.memory_space<vmem>>) offsets(%dma_start3A_98 : memref<128xi32, #tpu.memory_space<vmem>>) semaphore(%arg13 : memref<!tpu.dma_semaphore, #tpu.memory_space<semaphore_mem>>)
    %dma_start3A_101 = arith.constant 4 : i32
    %dma_start3A_102 = arith.constant 4 : i32
    %dma_start3A_103 = arith.constant 0 : i32
    %dma_start3A_104 = tpu.memref_slice %arg12[%dma_start3A_102, %dma_start3A_103] : memref<16x128xf32, #tpu.memory_space<vmem>> -> memref<1x128xf32, #tpu.memory_space<vmem>>
    %dma_start3A_105 = tpu.memref_squeeze %dma_start3A_104 : memref<1x128xf32, #tpu.memory_space<vmem>> -> memref<128xf32, #tpu.memory_space<vmem>>
    %dma_start3A_106 = arith.constant 0 : i32
    %dma_start3A_107 = tpu.memref_slice %arg10[%dma_start3A_101, %dma_start3A_106] : memref<16x128xi32, #tpu.memory_space<vmem>> -> memref<1x128xi32, #tpu.memory_space<vmem>>
    %dma_start3A_108 = tpu.memref_squeeze %dma_start3A_107 : memref<1x128xi32, #tpu.memory_space<vmem>> -> memref<128xi32, #tpu.memory_space<vmem>>
    %dma_start3A_109 = arith.constant 0 : i32
    %dma_start3A_110 = tpu.memref_slice %arg8[%dma_start3A_109] : memref<100096xf32, #tpu.memory_space<vmem_shared>> -> memref<100096xf32, #tpu.memory_space<vmem_shared>>
    tpu.enqueue_indirect_dma source(%dma_start3A_110 : memref<100096xf32, #tpu.memory_space<vmem_shared>>) target(%dma_start3A_105 : memref<128xf32, #tpu.memory_space<vmem>>) offsets(%dma_start3A_108 : memref<128xi32, #tpu.memory_space<vmem>>) semaphore(%arg13 : memref<!tpu.dma_semaphore, #tpu.memory_space<semaphore_mem>>)
    %dma_start3A_111 = arith.constant 5 : i32
    %dma_start3A_112 = arith.constant 5 : i32
    %dma_start3A_113 = arith.constant 0 : i32
    %dma_start3A_114 = tpu.memref_slice %arg12[%dma_start3A_112, %dma_start3A_113] : memref<16x128xf32, #tpu.memory_space<vmem>> -> memref<1x128xf32, #tpu.memory_space<vmem>>
    %dma_start3A_115 = tpu.memref_squeeze %dma_start3A_114 : memref<1x128xf32, #tpu.memory_space<vmem>> -> memref<128xf32, #tpu.memory_space<vmem>>
    %dma_start3A_116 = arith.constant 0 : i32
    %dma_start3A_117 = tpu.memref_slice %arg10[%dma_start3A_111, %dma_start3A_116] : memref<16x128xi32, #tpu.memory_space<vmem>> -> memref<1x128xi32, #tpu.memory_space<vmem>>
    %dma_start3A_118 = tpu.memref_squeeze %dma_start3A_117 : memref<1x128xi32, #tpu.memory_space<vmem>> -> memref<128xi32, #tpu.memory_space<vmem>>
    %dma_start3A_119 = arith.constant 0 : i32
    %dma_start3A_120 = tpu.memref_slice %arg8[%dma_start3A_119] : memref<100096xf32, #tpu.memory_space<vmem_shared>> -> memref<100096xf32, #tpu.memory_space<vmem_shared>>
    tpu.enqueue_indirect_dma source(%dma_start3A_120 : memref<100096xf32, #tpu.memory_space<vmem_shared>>) target(%dma_start3A_115 : memref<128xf32, #tpu.memory_space<vmem>>) offsets(%dma_start3A_118 : memref<128xi32, #tpu.memory_space<vmem>>) semaphore(%arg13 : memref<!tpu.dma_semaphore, #tpu.memory_space<semaphore_mem>>)
    %dma_start3A_121 = arith.constant 6 : i32
    %dma_start3A_122 = arith.constant 6 : i32
    %dma_start3A_123 = arith.constant 0 : i32
    %dma_start3A_124 = tpu.memref_slice %arg12[%dma_start3A_122, %dma_start3A_123] : memref<16x128xf32, #tpu.memory_space<vmem>> -> memref<1x128xf32, #tpu.memory_space<vmem>>
    %dma_start3A_125 = tpu.memref_squeeze %dma_start3A_124 : memref<1x128xf32, #tpu.memory_space<vmem>> -> memref<128xf32, #tpu.memory_space<vmem>>
    %dma_start3A_126 = arith.constant 0 : i32
    %dma_start3A_127 = tpu.memref_slice %arg10[%dma_start3A_121, %dma_start3A_126] : memref<16x128xi32, #tpu.memory_space<vmem>> -> memref<1x128xi32, #tpu.memory_space<vmem>>
    %dma_start3A_128 = tpu.memref_squeeze %dma_start3A_127 : memref<1x128xi32, #tpu.memory_space<vmem>> -> memref<128xi32, #tpu.memory_space<vmem>>
    %dma_start3A_129 = arith.constant 0 : i32
    %dma_start3A_130 = tpu.memref_slice %arg8[%dma_start3A_129] : memref<100096xf32, #tpu.memory_space<vmem_shared>> -> memref<100096xf32, #tpu.memory_space<vmem_shared>>
    tpu.enqueue_indirect_dma source(%dma_start3A_130 : memref<100096xf32, #tpu.memory_space<vmem_shared>>) target(%dma_start3A_125 : memref<128xf32, #tpu.memory_space<vmem>>) offsets(%dma_start3A_128 : memref<128xi32, #tpu.memory_space<vmem>>) semaphore(%arg13 : memref<!tpu.dma_semaphore, #tpu.memory_space<semaphore_mem>>)
    %dma_start3A_131 = arith.constant 7 : i32
    %dma_start3A_132 = arith.constant 7 : i32
    %dma_start3A_133 = arith.constant 0 : i32
    %dma_start3A_134 = tpu.memref_slice %arg12[%dma_start3A_132, %dma_start3A_133] : memref<16x128xf32, #tpu.memory_space<vmem>> -> memref<1x128xf32, #tpu.memory_space<vmem>>
    %dma_start3A_135 = tpu.memref_squeeze %dma_start3A_134 : memref<1x128xf32, #tpu.memory_space<vmem>> -> memref<128xf32, #tpu.memory_space<vmem>>
    %dma_start3A_136 = arith.constant 0 : i32
    %dma_start3A_137 = tpu.memref_slice %arg10[%dma_start3A_131, %dma_start3A_136] : memref<16x128xi32, #tpu.memory_space<vmem>> -> memref<1x128xi32, #tpu.memory_space<vmem>>
    %dma_start3A_138 = tpu.memref_squeeze %dma_start3A_137 : memref<1x128xi32, #tpu.memory_space<vmem>> -> memref<128xi32, #tpu.memory_space<vmem>>
    %dma_start3A_139 = arith.constant 0 : i32
    %dma_start3A_140 = tpu.memref_slice %arg8[%dma_start3A_139] : memref<100096xf32, #tpu.memory_space<vmem_shared>> -> memref<100096xf32, #tpu.memory_space<vmem_shared>>
    tpu.enqueue_indirect_dma source(%dma_start3A_140 : memref<100096xf32, #tpu.memory_space<vmem_shared>>) target(%dma_start3A_135 : memref<128xf32, #tpu.memory_space<vmem>>) offsets(%dma_start3A_138 : memref<128xi32, #tpu.memory_space<vmem>>) semaphore(%arg13 : memref<!tpu.dma_semaphore, #tpu.memory_space<semaphore_mem>>)
    %dma_wait3A_141 = arith.constant 0 : i32
    %dma_wait3A_142 = arith.constant 0 : i32
    %dma_wait3A_143 = arith.constant 0 : i32
    %dma_wait3A_144 = tpu.memref_slice %arg12[%dma_wait3A_142, %dma_wait3A_143] : memref<16x128xf32, #tpu.memory_space<vmem>> -> memref<1x128xf32, #tpu.memory_space<vmem>>
    %dma_wait3A_145 = tpu.memref_squeeze %dma_wait3A_144 : memref<1x128xf32, #tpu.memory_space<vmem>> -> memref<128xf32, #tpu.memory_space<vmem>>
    %dma_wait3A_146 = arith.constant 0 : i32
    %dma_wait3A_147 = tpu.memref_slice %arg10[%dma_wait3A_141, %dma_wait3A_146] : memref<16x128xi32, #tpu.memory_space<vmem>> -> memref<1x128xi32, #tpu.memory_space<vmem>>
    %dma_wait3A_148 = tpu.memref_squeeze %dma_wait3A_147 : memref<1x128xi32, #tpu.memory_space<vmem>> -> memref<128xi32, #tpu.memory_space<vmem>>
    %dma_wait3A_149 = arith.constant 0 : i32
    %dma_wait3A_150 = tpu.memref_slice %arg8[%dma_wait3A_149] : memref<100096xf32, #tpu.memory_space<vmem_shared>> -> memref<100096xf32, #tpu.memory_space<vmem_shared>>
    tpu.wait_indirect_dma semaphore(%arg13 : memref<!tpu.dma_semaphore, #tpu.memory_space<semaphore_mem>>) src(%dma_wait3A_150 : memref<100096xf32, #tpu.memory_space<vmem_shared>>) dst(%dma_wait3A_145 : memref<128xf32, #tpu.memory_space<vmem>>)
    %dma_wait3A_151 = arith.constant 1 : i32
    %dma_wait3A_152 = arith.constant 1 : i32
    %dma_wait3A_153 = arith.constant 0 : i32
    %dma_wait3A_154 = tpu.memref_slice %arg12[%dma_wait3A_152, %dma_wait3A_153] : memref<16x128xf32, #tpu.memory_space<vmem>> -> memref<1x128xf32, #tpu.memory_space<vmem>>
    %dma_wait3A_155 = tpu.memref_squeeze %dma_wait3A_154 : memref<1x128xf32, #tpu.memory_space<vmem>> -> memref<128xf32, #tpu.memory_space<vmem>>
    %dma_wait3A_156 = arith.constant 0 : i32
    %dma_wait3A_157 = tpu.memref_slice %arg10[%dma_wait3A_151, %dma_wait3A_156] : memref<16x128xi32, #tpu.memory_space<vmem>> -> memref<1x128xi32, #tpu.memory_space<vmem>>
    %dma_wait3A_158 = tpu.memref_squeeze %dma_wait3A_157 : memref<1x128xi32, #tpu.memory_space<vmem>> -> memref<128xi32, #tpu.memory_space<vmem>>
    %dma_wait3A_159 = arith.constant 0 : i32
    %dma_wait3A_160 = tpu.memref_slice %arg8[%dma_wait3A_159] : memref<100096xf32, #tpu.memory_space<vmem_shared>> -> memref<100096xf32, #tpu.memory_space<vmem_shared>>
    tpu.wait_indirect_dma semaphore(%arg13 : memref<!tpu.dma_semaphore, #tpu.memory_space<semaphore_mem>>) src(%dma_wait3A_160 : memref<100096xf32, #tpu.memory_space<vmem_shared>>) dst(%dma_wait3A_155 : memref<128xf32, #tpu.memory_space<vmem>>)
    %dma_wait3A_161 = arith.constant 2 : i32
    %dma_wait3A_162 = arith.constant 2 : i32
    %dma_wait3A_163 = arith.constant 0 : i32
    %dma_wait3A_164 = tpu.memref_slice %arg12[%dma_wait3A_162, %dma_wait3A_163] : memref<16x128xf32, #tpu.memory_space<vmem>> -> memref<1x128xf32, #tpu.memory_space<vmem>>
    %dma_wait3A_165 = tpu.memref_squeeze %dma_wait3A_164 : memref<1x128xf32, #tpu.memory_space<vmem>> -> memref<128xf32, #tpu.memory_space<vmem>>
    %dma_wait3A_166 = arith.constant 0 : i32
    %dma_wait3A_167 = tpu.memref_slice %arg10[%dma_wait3A_161, %dma_wait3A_166] : memref<16x128xi32, #tpu.memory_space<vmem>> -> memref<1x128xi32, #tpu.memory_space<vmem>>
    %dma_wait3A_168 = tpu.memref_squeeze %dma_wait3A_167 : memref<1x128xi32, #tpu.memory_space<vmem>> -> memref<128xi32, #tpu.memory_space<vmem>>
    %dma_wait3A_169 = arith.constant 0 : i32
    %dma_wait3A_170 = tpu.memref_slice %arg8[%dma_wait3A_169] : memref<100096xf32, #tpu.memory_space<vmem_shared>> -> memref<100096xf32, #tpu.memory_space<vmem_shared>>
    tpu.wait_indirect_dma semaphore(%arg13 : memref<!tpu.dma_semaphore, #tpu.memory_space<semaphore_mem>>) src(%dma_wait3A_170 : memref<100096xf32, #tpu.memory_space<vmem_shared>>) dst(%dma_wait3A_165 : memref<128xf32, #tpu.memory_space<vmem>>)
    %dma_wait3A_171 = arith.constant 3 : i32
    %dma_wait3A_172 = arith.constant 3 : i32
    %dma_wait3A_173 = arith.constant 0 : i32
    %dma_wait3A_174 = tpu.memref_slice %arg12[%dma_wait3A_172, %dma_wait3A_173] : memref<16x128xf32, #tpu.memory_space<vmem>> -> memref<1x128xf32, #tpu.memory_space<vmem>>
    %dma_wait3A_175 = tpu.memref_squeeze %dma_wait3A_174 : memref<1x128xf32, #tpu.memory_space<vmem>> -> memref<128xf32, #tpu.memory_space<vmem>>
    %dma_wait3A_176 = arith.constant 0 : i32
    %dma_wait3A_177 = tpu.memref_slice %arg10[%dma_wait3A_171, %dma_wait3A_176] : memref<16x128xi32, #tpu.memory_space<vmem>> -> memref<1x128xi32, #tpu.memory_space<vmem>>
    %dma_wait3A_178 = tpu.memref_squeeze %dma_wait3A_177 : memref<1x128xi32, #tpu.memory_space<vmem>> -> memref<128xi32, #tpu.memory_space<vmem>>
    %dma_wait3A_179 = arith.constant 0 : i32
    %dma_wait3A_180 = tpu.memref_slice %arg8[%dma_wait3A_179] : memref<100096xf32, #tpu.memory_space<vmem_shared>> -> memref<100096xf32, #tpu.memory_space<vmem_shared>>
    tpu.wait_indirect_dma semaphore(%arg13 : memref<!tpu.dma_semaphore, #tpu.memory_space<semaphore_mem>>) src(%dma_wait3A_180 : memref<100096xf32, #tpu.memory_space<vmem_shared>>) dst(%dma_wait3A_175 : memref<128xf32, #tpu.memory_space<vmem>>)
    %dma_wait3A_181 = arith.constant 4 : i32
    %dma_wait3A_182 = arith.constant 4 : i32
    %dma_wait3A_183 = arith.constant 0 : i32
    %dma_wait3A_184 = tpu.memref_slice %arg12[%dma_wait3A_182, %dma_wait3A_183] : memref<16x128xf32, #tpu.memory_space<vmem>> -> memref<1x128xf32, #tpu.memory_space<vmem>>
    %dma_wait3A_185 = tpu.memref_squeeze %dma_wait3A_184 : memref<1x128xf32, #tpu.memory_space<vmem>> -> memref<128xf32, #tpu.memory_space<vmem>>
    %dma_wait3A_186 = arith.constant 0 : i32
    %dma_wait3A_187 = tpu.memref_slice %arg10[%dma_wait3A_181, %dma_wait3A_186] : memref<16x128xi32, #tpu.memory_space<vmem>> -> memref<1x128xi32, #tpu.memory_space<vmem>>
    %dma_wait3A_188 = tpu.memref_squeeze %dma_wait3A_187 : memref<1x128xi32, #tpu.memory_space<vmem>> -> memref<128xi32, #tpu.memory_space<vmem>>
    %dma_wait3A_189 = arith.constant 0 : i32
    %dma_wait3A_190 = tpu.memref_slice %arg8[%dma_wait3A_189] : memref<100096xf32, #tpu.memory_space<vmem_shared>> -> memref<100096xf32, #tpu.memory_space<vmem_shared>>
    tpu.wait_indirect_dma semaphore(%arg13 : memref<!tpu.dma_semaphore, #tpu.memory_space<semaphore_mem>>) src(%dma_wait3A_190 : memref<100096xf32, #tpu.memory_space<vmem_shared>>) dst(%dma_wait3A_185 : memref<128xf32, #tpu.memory_space<vmem>>)
    %dma_wait3A_191 = arith.constant 5 : i32
    %dma_wait3A_192 = arith.constant 5 : i32
    %dma_wait3A_193 = arith.constant 0 : i32
    %dma_wait3A_194 = tpu.memref_slice %arg12[%dma_wait3A_192, %dma_wait3A_193] : memref<16x128xf32, #tpu.memory_space<vmem>> -> memref<1x128xf32, #tpu.memory_space<vmem>>
    %dma_wait3A_195 = tpu.memref_squeeze %dma_wait3A_194 : memref<1x128xf32, #tpu.memory_space<vmem>> -> memref<128xf32, #tpu.memory_space<vmem>>
    %dma_wait3A_196 = arith.constant 0 : i32
    %dma_wait3A_197 = tpu.memref_slice %arg10[%dma_wait3A_191, %dma_wait3A_196] : memref<16x128xi32, #tpu.memory_space<vmem>> -> memref<1x128xi32, #tpu.memory_space<vmem>>
    %dma_wait3A_198 = tpu.memref_squeeze %dma_wait3A_197 : memref<1x128xi32, #tpu.memory_space<vmem>> -> memref<128xi32, #tpu.memory_space<vmem>>
    %dma_wait3A_199 = arith.constant 0 : i32
    %dma_wait3A_200 = tpu.memref_slice %arg8[%dma_wait3A_199] : memref<100096xf32, #tpu.memory_space<vmem_shared>> -> memref<100096xf32, #tpu.memory_space<vmem_shared>>
    tpu.wait_indirect_dma semaphore(%arg13 : memref<!tpu.dma_semaphore, #tpu.memory_space<semaphore_mem>>) src(%dma_wait3A_200 : memref<100096xf32, #tpu.memory_space<vmem_shared>>) dst(%dma_wait3A_195 : memref<128xf32, #tpu.memory_space<vmem>>)
    %dma_wait3A_201 = arith.constant 6 : i32
    %dma_wait3A_202 = arith.constant 6 : i32
    %dma_wait3A_203 = arith.constant 0 : i32
    %dma_wait3A_204 = tpu.memref_slice %arg12[%dma_wait3A_202, %dma_wait3A_203] : memref<16x128xf32, #tpu.memory_space<vmem>> -> memref<1x128xf32, #tpu.memory_space<vmem>>
    %dma_wait3A_205 = tpu.memref_squeeze %dma_wait3A_204 : memref<1x128xf32, #tpu.memory_space<vmem>> -> memref<128xf32, #tpu.memory_space<vmem>>
    %dma_wait3A_206 = arith.constant 0 : i32
    %dma_wait3A_207 = tpu.memref_slice %arg10[%dma_wait3A_201, %dma_wait3A_206] : memref<16x128xi32, #tpu.memory_space<vmem>> -> memref<1x128xi32, #tpu.memory_space<vmem>>
    %dma_wait3A_208 = tpu.memref_squeeze %dma_wait3A_207 : memref<1x128xi32, #tpu.memory_space<vmem>> -> memref<128xi32, #tpu.memory_space<vmem>>
    %dma_wait3A_209 = arith.constant 0 : i32
    %dma_wait3A_210 = tpu.memref_slice %arg8[%dma_wait3A_209] : memref<100096xf32, #tpu.memory_space<vmem_shared>> -> memref<100096xf32, #tpu.memory_space<vmem_shared>>
    tpu.wait_indirect_dma semaphore(%arg13 : memref<!tpu.dma_semaphore, #tpu.memory_space<semaphore_mem>>) src(%dma_wait3A_210 : memref<100096xf32, #tpu.memory_space<vmem_shared>>) dst(%dma_wait3A_205 : memref<128xf32, #tpu.memory_space<vmem>>)
    %dma_wait3A_211 = arith.constant 7 : i32
    %dma_wait3A_212 = arith.constant 7 : i32
    %dma_wait3A_213 = arith.constant 0 : i32
    %dma_wait3A_214 = tpu.memref_slice %arg12[%dma_wait3A_212, %dma_wait3A_213] : memref<16x128xf32, #tpu.memory_space<vmem>> -> memref<1x128xf32, #tpu.memory_space<vmem>>
    %dma_wait3A_215 = tpu.memref_squeeze %dma_wait3A_214 : memref<1x128xf32, #tpu.memory_space<vmem>> -> memref<128xf32, #tpu.memory_space<vmem>>
    %dma_wait3A_216 = arith.constant 0 : i32
    %dma_wait3A_217 = tpu.memref_slice %arg10[%dma_wait3A_211, %dma_wait3A_216] : memref<16x128xi32, #tpu.memory_space<vmem>> -> memref<1x128xi32, #tpu.memory_space<vmem>>
    %dma_wait3A_218 = tpu.memref_squeeze %dma_wait3A_217 : memref<1x128xi32, #tpu.memory_space<vmem>> -> memref<128xi32, #tpu.memory_space<vmem>>
    %dma_wait3A_219 = arith.constant 0 : i32
    %dma_wait3A_220 = tpu.memref_slice %arg8[%dma_wait3A_219] : memref<100096xf32, #tpu.memory_space<vmem_shared>> -> memref<100096xf32, #tpu.memory_space<vmem_shared>>
    tpu.wait_indirect_dma semaphore(%arg13 : memref<!tpu.dma_semaphore, #tpu.memory_space<semaphore_mem>>) src(%dma_wait3A_220 : memref<100096xf32, #tpu.memory_space<vmem_shared>>) dst(%dma_wait3A_215 : memref<128xf32, #tpu.memory_space<vmem>>)
    %dma_start3A_221 = arith.constant 0 : i32
    %dma_start3A_222 = arith.constant 0 : i32
    %dma_start3A_223 = arith.constant 0 : i32
    %dma_start3A_224 = tpu.memref_slice %arg12[%dma_start3A_221, %dma_start3A_223] : memref<16x128xf32, #tpu.memory_space<vmem>> -> memref<1x128xf32, #tpu.memory_space<vmem>>
    %dma_start3A_225 = tpu.memref_squeeze %dma_start3A_224 : memref<1x128xf32, #tpu.memory_space<vmem>> -> memref<128xf32, #tpu.memory_space<vmem>>
    %dma_start3A_226 = arith.constant 0 : i32
    %dma_start3A_227 = tpu.memref_slice %arg11[%dma_start3A_222, %dma_start3A_226] : memref<16x128xi32, #tpu.memory_space<vmem>> -> memref<1x128xi32, #tpu.memory_space<vmem>>
    %dma_start3A_228 = tpu.memref_squeeze %dma_start3A_227 : memref<1x128xi32, #tpu.memory_space<vmem>> -> memref<128xi32, #tpu.memory_space<vmem>>
    %dma_start3A_229 = arith.constant 0 : i32
    %dma_start3A_230 = tpu.memref_slice %arg7[%dma_start3A_229] : memref<100096xf32, #tpu.memory_space<vmem_shared>> -> memref<100096xf32, #tpu.memory_space<vmem_shared>>
    tpu.enqueue_indirect_dma source(%dma_start3A_225 : memref<128xf32, #tpu.memory_space<vmem>>) target(%dma_start3A_230 : memref<100096xf32, #tpu.memory_space<vmem_shared>>) offsets(%dma_start3A_228 : memref<128xi32, #tpu.memory_space<vmem>>) semaphore(%arg13 : memref<!tpu.dma_semaphore, #tpu.memory_space<semaphore_mem>>) {add = true}
    %dma_start3A_231 = arith.constant 1 : i32
    %dma_start3A_232 = arith.constant 1 : i32
    %dma_start3A_233 = arith.constant 0 : i32
    %dma_start3A_234 = tpu.memref_slice %arg12[%dma_start3A_231, %dma_start3A_233] : memref<16x128xf32, #tpu.memory_space<vmem>> -> memref<1x128xf32, #tpu.memory_space<vmem>>
    %dma_start3A_235 = tpu.memref_squeeze %dma_start3A_234 : memref<1x128xf32, #tpu.memory_space<vmem>> -> memref<128xf32, #tpu.memory_space<vmem>>
    %dma_start3A_236 = arith.constant 0 : i32
    %dma_start3A_237 = tpu.memref_slice %arg11[%dma_start3A_232, %dma_start3A_236] : memref<16x128xi32, #tpu.memory_space<vmem>> -> memref<1x128xi32, #tpu.memory_space<vmem>>
    %dma_start3A_238 = tpu.memref_squeeze %dma_start3A_237 : memref<1x128xi32, #tpu.memory_space<vmem>> -> memref<128xi32, #tpu.memory_space<vmem>>
    %dma_start3A_239 = arith.constant 0 : i32
    %dma_start3A_240 = tpu.memref_slice %arg7[%dma_start3A_239] : memref<100096xf32, #tpu.memory_space<vmem_shared>> -> memref<100096xf32, #tpu.memory_space<vmem_shared>>
    tpu.enqueue_indirect_dma source(%dma_start3A_235 : memref<128xf32, #tpu.memory_space<vmem>>) target(%dma_start3A_240 : memref<100096xf32, #tpu.memory_space<vmem_shared>>) offsets(%dma_start3A_238 : memref<128xi32, #tpu.memory_space<vmem>>) semaphore(%arg13 : memref<!tpu.dma_semaphore, #tpu.memory_space<semaphore_mem>>) {add = true}
    %dma_start3A_241 = arith.constant 2 : i32
    %dma_start3A_242 = arith.constant 2 : i32
    %dma_start3A_243 = arith.constant 0 : i32
    %dma_start3A_244 = tpu.memref_slice %arg12[%dma_start3A_241, %dma_start3A_243] : memref<16x128xf32, #tpu.memory_space<vmem>> -> memref<1x128xf32, #tpu.memory_space<vmem>>
    %dma_start3A_245 = tpu.memref_squeeze %dma_start3A_244 : memref<1x128xf32, #tpu.memory_space<vmem>> -> memref<128xf32, #tpu.memory_space<vmem>>
    %dma_start3A_246 = arith.constant 0 : i32
    %dma_start3A_247 = tpu.memref_slice %arg11[%dma_start3A_242, %dma_start3A_246] : memref<16x128xi32, #tpu.memory_space<vmem>> -> memref<1x128xi32, #tpu.memory_space<vmem>>
    %dma_start3A_248 = tpu.memref_squeeze %dma_start3A_247 : memref<1x128xi32, #tpu.memory_space<vmem>> -> memref<128xi32, #tpu.memory_space<vmem>>
    %dma_start3A_249 = arith.constant 0 : i32
    %dma_start3A_250 = tpu.memref_slice %arg7[%dma_start3A_249] : memref<100096xf32, #tpu.memory_space<vmem_shared>> -> memref<100096xf32, #tpu.memory_space<vmem_shared>>
    tpu.enqueue_indirect_dma source(%dma_start3A_245 : memref<128xf32, #tpu.memory_space<vmem>>) target(%dma_start3A_250 : memref<100096xf32, #tpu.memory_space<vmem_shared>>) offsets(%dma_start3A_248 : memref<128xi32, #tpu.memory_space<vmem>>) semaphore(%arg13 : memref<!tpu.dma_semaphore, #tpu.memory_space<semaphore_mem>>) {add = true}
    %dma_start3A_251 = arith.constant 3 : i32
    %dma_start3A_252 = arith.constant 3 : i32
    %dma_start3A_253 = arith.constant 0 : i32
    %dma_start3A_254 = tpu.memref_slice %arg12[%dma_start3A_251, %dma_start3A_253] : memref<16x128xf32, #tpu.memory_space<vmem>> -> memref<1x128xf32, #tpu.memory_space<vmem>>
    %dma_start3A_255 = tpu.memref_squeeze %dma_start3A_254 : memref<1x128xf32, #tpu.memory_space<vmem>> -> memref<128xf32, #tpu.memory_space<vmem>>
    %dma_start3A_256 = arith.constant 0 : i32
    %dma_start3A_257 = tpu.memref_slice %arg11[%dma_start3A_252, %dma_start3A_256] : memref<16x128xi32, #tpu.memory_space<vmem>> -> memref<1x128xi32, #tpu.memory_space<vmem>>
    %dma_start3A_258 = tpu.memref_squeeze %dma_start3A_257 : memref<1x128xi32, #tpu.memory_space<vmem>> -> memref<128xi32, #tpu.memory_space<vmem>>
    %dma_start3A_259 = arith.constant 0 : i32
    %dma_start3A_260 = tpu.memref_slice %arg7[%dma_start3A_259] : memref<100096xf32, #tpu.memory_space<vmem_shared>> -> memref<100096xf32, #tpu.memory_space<vmem_shared>>
    tpu.enqueue_indirect_dma source(%dma_start3A_255 : memref<128xf32, #tpu.memory_space<vmem>>) target(%dma_start3A_260 : memref<100096xf32, #tpu.memory_space<vmem_shared>>) offsets(%dma_start3A_258 : memref<128xi32, #tpu.memory_space<vmem>>) semaphore(%arg13 : memref<!tpu.dma_semaphore, #tpu.memory_space<semaphore_mem>>) {add = true}
    %dma_start3A_261 = arith.constant 4 : i32
    %dma_start3A_262 = arith.constant 4 : i32
    %dma_start3A_263 = arith.constant 0 : i32
    %dma_start3A_264 = tpu.memref_slice %arg12[%dma_start3A_261, %dma_start3A_263] : memref<16x128xf32, #tpu.memory_space<vmem>> -> memref<1x128xf32, #tpu.memory_space<vmem>>
    %dma_start3A_265 = tpu.memref_squeeze %dma_start3A_264 : memref<1x128xf32, #tpu.memory_space<vmem>> -> memref<128xf32, #tpu.memory_space<vmem>>
    %dma_start3A_266 = arith.constant 0 : i32
    %dma_start3A_267 = tpu.memref_slice %arg11[%dma_start3A_262, %dma_start3A_266] : memref<16x128xi32, #tpu.memory_space<vmem>> -> memref<1x128xi32, #tpu.memory_space<vmem>>
    %dma_start3A_268 = tpu.memref_squeeze %dma_start3A_267 : memref<1x128xi32, #tpu.memory_space<vmem>> -> memref<128xi32, #tpu.memory_space<vmem>>
    %dma_start3A_269 = arith.constant 0 : i32
    %dma_start3A_270 = tpu.memref_slice %arg7[%dma_start3A_269] : memref<100096xf32, #tpu.memory_space<vmem_shared>> -> memref<100096xf32, #tpu.memory_space<vmem_shared>>
    tpu.enqueue_indirect_dma source(%dma_start3A_265 : memref<128xf32, #tpu.memory_space<vmem>>) target(%dma_start3A_270 : memref<100096xf32, #tpu.memory_space<vmem_shared>>) offsets(%dma_start3A_268 : memref<128xi32, #tpu.memory_space<vmem>>) semaphore(%arg13 : memref<!tpu.dma_semaphore, #tpu.memory_space<semaphore_mem>>) {add = true}
    %dma_start3A_271 = arith.constant 5 : i32
    %dma_start3A_272 = arith.constant 5 : i32
    %dma_start3A_273 = arith.constant 0 : i32
    %dma_start3A_274 = tpu.memref_slice %arg12[%dma_start3A_271, %dma_start3A_273] : memref<16x128xf32, #tpu.memory_space<vmem>> -> memref<1x128xf32, #tpu.memory_space<vmem>>
    %dma_start3A_275 = tpu.memref_squeeze %dma_start3A_274 : memref<1x128xf32, #tpu.memory_space<vmem>> -> memref<128xf32, #tpu.memory_space<vmem>>
    %dma_start3A_276 = arith.constant 0 : i32
    %dma_start3A_277 = tpu.memref_slice %arg11[%dma_start3A_272, %dma_start3A_276] : memref<16x128xi32, #tpu.memory_space<vmem>> -> memref<1x128xi32, #tpu.memory_space<vmem>>
    %dma_start3A_278 = tpu.memref_squeeze %dma_start3A_277 : memref<1x128xi32, #tpu.memory_space<vmem>> -> memref<128xi32, #tpu.memory_space<vmem>>
    %dma_start3A_279 = arith.constant 0 : i32
    %dma_start3A_280 = tpu.memref_slice %arg7[%dma_start3A_279] : memref<100096xf32, #tpu.memory_space<vmem_shared>> -> memref<100096xf32, #tpu.memory_space<vmem_shared>>
    tpu.enqueue_indirect_dma source(%dma_start3A_275 : memref<128xf32, #tpu.memory_space<vmem>>) target(%dma_start3A_280 : memref<100096xf32, #tpu.memory_space<vmem_shared>>) offsets(%dma_start3A_278 : memref<128xi32, #tpu.memory_space<vmem>>) semaphore(%arg13 : memref<!tpu.dma_semaphore, #tpu.memory_space<semaphore_mem>>) {add = true}
    %dma_start3A_281 = arith.constant 6 : i32
    %dma_start3A_282 = arith.constant 6 : i32
    %dma_start3A_283 = arith.constant 0 : i32
    %dma_start3A_284 = tpu.memref_slice %arg12[%dma_start3A_281, %dma_start3A_283] : memref<16x128xf32, #tpu.memory_space<vmem>> -> memref<1x128xf32, #tpu.memory_space<vmem>>
    %dma_start3A_285 = tpu.memref_squeeze %dma_start3A_284 : memref<1x128xf32, #tpu.memory_space<vmem>> -> memref<128xf32, #tpu.memory_space<vmem>>
    %dma_start3A_286 = arith.constant 0 : i32
    %dma_start3A_287 = tpu.memref_slice %arg11[%dma_start3A_282, %dma_start3A_286] : memref<16x128xi32, #tpu.memory_space<vmem>> -> memref<1x128xi32, #tpu.memory_space<vmem>>
    %dma_start3A_288 = tpu.memref_squeeze %dma_start3A_287 : memref<1x128xi32, #tpu.memory_space<vmem>> -> memref<128xi32, #tpu.memory_space<vmem>>
    %dma_start3A_289 = arith.constant 0 : i32
    %dma_start3A_290 = tpu.memref_slice %arg7[%dma_start3A_289] : memref<100096xf32, #tpu.memory_space<vmem_shared>> -> memref<100096xf32, #tpu.memory_space<vmem_shared>>
    tpu.enqueue_indirect_dma source(%dma_start3A_285 : memref<128xf32, #tpu.memory_space<vmem>>) target(%dma_start3A_290 : memref<100096xf32, #tpu.memory_space<vmem_shared>>) offsets(%dma_start3A_288 : memref<128xi32, #tpu.memory_space<vmem>>) semaphore(%arg13 : memref<!tpu.dma_semaphore, #tpu.memory_space<semaphore_mem>>) {add = true}
    %dma_start3A_291 = arith.constant 7 : i32
    %dma_start3A_292 = arith.constant 7 : i32
    %dma_start3A_293 = arith.constant 0 : i32
    %dma_start3A_294 = tpu.memref_slice %arg12[%dma_start3A_291, %dma_start3A_293] : memref<16x128xf32, #tpu.memory_space<vmem>> -> memref<1x128xf32, #tpu.memory_space<vmem>>
    %dma_start3A_295 = tpu.memref_squeeze %dma_start3A_294 : memref<1x128xf32, #tpu.memory_space<vmem>> -> memref<128xf32, #tpu.memory_space<vmem>>
    %dma_start3A_296 = arith.constant 0 : i32
    %dma_start3A_297 = tpu.memref_slice %arg11[%dma_start3A_292, %dma_start3A_296] : memref<16x128xi32, #tpu.memory_space<vmem>> -> memref<1x128xi32, #tpu.memory_space<vmem>>
    %dma_start3A_298 = tpu.memref_squeeze %dma_start3A_297 : memref<1x128xi32, #tpu.memory_space<vmem>> -> memref<128xi32, #tpu.memory_space<vmem>>
    %dma_start3A_299 = arith.constant 0 : i32
    %dma_start3A_300 = tpu.memref_slice %arg7[%dma_start3A_299] : memref<100096xf32, #tpu.memory_space<vmem_shared>> -> memref<100096xf32, #tpu.memory_space<vmem_shared>>
    tpu.enqueue_indirect_dma source(%dma_start3A_295 : memref<128xf32, #tpu.memory_space<vmem>>) target(%dma_start3A_300 : memref<100096xf32, #tpu.memory_space<vmem_shared>>) offsets(%dma_start3A_298 : memref<128xi32, #tpu.memory_space<vmem>>) semaphore(%arg13 : memref<!tpu.dma_semaphore, #tpu.memory_space<semaphore_mem>>) {add = true}
    %dma_wait3A_301 = arith.constant 0 : i32
    %dma_wait3A_302 = arith.constant 0 : i32
    %dma_wait3A_303 = arith.constant 0 : i32
    %dma_wait3A_304 = tpu.memref_slice %arg12[%dma_wait3A_301, %dma_wait3A_303] : memref<16x128xf32, #tpu.memory_space<vmem>> -> memref<1x128xf32, #tpu.memory_space<vmem>>
    %dma_wait3A_305 = tpu.memref_squeeze %dma_wait3A_304 : memref<1x128xf32, #tpu.memory_space<vmem>> -> memref<128xf32, #tpu.memory_space<vmem>>
    %dma_wait3A_306 = arith.constant 0 : i32
    %dma_wait3A_307 = tpu.memref_slice %arg11[%dma_wait3A_302, %dma_wait3A_306] : memref<16x128xi32, #tpu.memory_space<vmem>> -> memref<1x128xi32, #tpu.memory_space<vmem>>
    %dma_wait3A_308 = tpu.memref_squeeze %dma_wait3A_307 : memref<1x128xi32, #tpu.memory_space<vmem>> -> memref<128xi32, #tpu.memory_space<vmem>>
    %dma_wait3A_309 = arith.constant 0 : i32
    %dma_wait3A_310 = tpu.memref_slice %arg7[%dma_wait3A_309] : memref<100096xf32, #tpu.memory_space<vmem_shared>> -> memref<100096xf32, #tpu.memory_space<vmem_shared>>
    tpu.wait_indirect_dma semaphore(%arg13 : memref<!tpu.dma_semaphore, #tpu.memory_space<semaphore_mem>>) src(%dma_wait3A_305 : memref<128xf32, #tpu.memory_space<vmem>>) dst(%dma_wait3A_310 : memref<100096xf32, #tpu.memory_space<vmem_shared>>)
    %dma_wait3A_311 = arith.constant 1 : i32
    %dma_wait3A_312 = arith.constant 1 : i32
    %dma_wait3A_313 = arith.constant 0 : i32
    %dma_wait3A_314 = tpu.memref_slice %arg12[%dma_wait3A_311, %dma_wait3A_313] : memref<16x128xf32, #tpu.memory_space<vmem>> -> memref<1x128xf32, #tpu.memory_space<vmem>>
    %dma_wait3A_315 = tpu.memref_squeeze %dma_wait3A_314 : memref<1x128xf32, #tpu.memory_space<vmem>> -> memref<128xf32, #tpu.memory_space<vmem>>
    %dma_wait3A_316 = arith.constant 0 : i32
    %dma_wait3A_317 = tpu.memref_slice %arg11[%dma_wait3A_312, %dma_wait3A_316] : memref<16x128xi32, #tpu.memory_space<vmem>> -> memref<1x128xi32, #tpu.memory_space<vmem>>
    %dma_wait3A_318 = tpu.memref_squeeze %dma_wait3A_317 : memref<1x128xi32, #tpu.memory_space<vmem>> -> memref<128xi32, #tpu.memory_space<vmem>>
    %dma_wait3A_319 = arith.constant 0 : i32
    %dma_wait3A_320 = tpu.memref_slice %arg7[%dma_wait3A_319] : memref<100096xf32, #tpu.memory_space<vmem_shared>> -> memref<100096xf32, #tpu.memory_space<vmem_shared>>
    tpu.wait_indirect_dma semaphore(%arg13 : memref<!tpu.dma_semaphore, #tpu.memory_space<semaphore_mem>>) src(%dma_wait3A_315 : memref<128xf32, #tpu.memory_space<vmem>>) dst(%dma_wait3A_320 : memref<100096xf32, #tpu.memory_space<vmem_shared>>)
    %dma_wait3A_321 = arith.constant 2 : i32
    %dma_wait3A_322 = arith.constant 2 : i32
    %dma_wait3A_323 = arith.constant 0 : i32
    %dma_wait3A_324 = tpu.memref_slice %arg12[%dma_wait3A_321, %dma_wait3A_323] : memref<16x128xf32, #tpu.memory_space<vmem>> -> memref<1x128xf32, #tpu.memory_space<vmem>>
    %dma_wait3A_325 = tpu.memref_squeeze %dma_wait3A_324 : memref<1x128xf32, #tpu.memory_space<vmem>> -> memref<128xf32, #tpu.memory_space<vmem>>
    %dma_wait3A_326 = arith.constant 0 : i32
    %dma_wait3A_327 = tpu.memref_slice %arg11[%dma_wait3A_322, %dma_wait3A_326] : memref<16x128xi32, #tpu.memory_space<vmem>> -> memref<1x128xi32, #tpu.memory_space<vmem>>
    %dma_wait3A_328 = tpu.memref_squeeze %dma_wait3A_327 : memref<1x128xi32, #tpu.memory_space<vmem>> -> memref<128xi32, #tpu.memory_space<vmem>>
    %dma_wait3A_329 = arith.constant 0 : i32
    %dma_wait3A_330 = tpu.memref_slice %arg7[%dma_wait3A_329] : memref<100096xf32, #tpu.memory_space<vmem_shared>> -> memref<100096xf32, #tpu.memory_space<vmem_shared>>
    tpu.wait_indirect_dma semaphore(%arg13 : memref<!tpu.dma_semaphore, #tpu.memory_space<semaphore_mem>>) src(%dma_wait3A_325 : memref<128xf32, #tpu.memory_space<vmem>>) dst(%dma_wait3A_330 : memref<100096xf32, #tpu.memory_space<vmem_shared>>)
    %dma_wait3A_331 = arith.constant 3 : i32
    %dma_wait3A_332 = arith.constant 3 : i32
    %dma_wait3A_333 = arith.constant 0 : i32
    %dma_wait3A_334 = tpu.memref_slice %arg12[%dma_wait3A_331, %dma_wait3A_333] : memref<16x128xf32, #tpu.memory_space<vmem>> -> memref<1x128xf32, #tpu.memory_space<vmem>>
    %dma_wait3A_335 = tpu.memref_squeeze %dma_wait3A_334 : memref<1x128xf32, #tpu.memory_space<vmem>> -> memref<128xf32, #tpu.memory_space<vmem>>
    %dma_wait3A_336 = arith.constant 0 : i32
    %dma_wait3A_337 = tpu.memref_slice %arg11[%dma_wait3A_332, %dma_wait3A_336] : memref<16x128xi32, #tpu.memory_space<vmem>> -> memref<1x128xi32, #tpu.memory_space<vmem>>
    %dma_wait3A_338 = tpu.memref_squeeze %dma_wait3A_337 : memref<1x128xi32, #tpu.memory_space<vmem>> -> memref<128xi32, #tpu.memory_space<vmem>>
    %dma_wait3A_339 = arith.constant 0 : i32
    %dma_wait3A_340 = tpu.memref_slice %arg7[%dma_wait3A_339] : memref<100096xf32, #tpu.memory_space<vmem_shared>> -> memref<100096xf32, #tpu.memory_space<vmem_shared>>
    tpu.wait_indirect_dma semaphore(%arg13 : memref<!tpu.dma_semaphore, #tpu.memory_space<semaphore_mem>>) src(%dma_wait3A_335 : memref<128xf32, #tpu.memory_space<vmem>>) dst(%dma_wait3A_340 : memref<100096xf32, #tpu.memory_space<vmem_shared>>)
    %dma_wait3A_341 = arith.constant 4 : i32
    %dma_wait3A_342 = arith.constant 4 : i32
    %dma_wait3A_343 = arith.constant 0 : i32
    %dma_wait3A_344 = tpu.memref_slice %arg12[%dma_wait3A_341, %dma_wait3A_343] : memref<16x128xf32, #tpu.memory_space<vmem>> -> memref<1x128xf32, #tpu.memory_space<vmem>>
    %dma_wait3A_345 = tpu.memref_squeeze %dma_wait3A_344 : memref<1x128xf32, #tpu.memory_space<vmem>> -> memref<128xf32, #tpu.memory_space<vmem>>
    %dma_wait3A_346 = arith.constant 0 : i32
    %dma_wait3A_347 = tpu.memref_slice %arg11[%dma_wait3A_342, %dma_wait3A_346] : memref<16x128xi32, #tpu.memory_space<vmem>> -> memref<1x128xi32, #tpu.memory_space<vmem>>
    %dma_wait3A_348 = tpu.memref_squeeze %dma_wait3A_347 : memref<1x128xi32, #tpu.memory_space<vmem>> -> memref<128xi32, #tpu.memory_space<vmem>>
    %dma_wait3A_349 = arith.constant 0 : i32
    %dma_wait3A_350 = tpu.memref_slice %arg7[%dma_wait3A_349] : memref<100096xf32, #tpu.memory_space<vmem_shared>> -> memref<100096xf32, #tpu.memory_space<vmem_shared>>
    tpu.wait_indirect_dma semaphore(%arg13 : memref<!tpu.dma_semaphore, #tpu.memory_space<semaphore_mem>>) src(%dma_wait3A_345 : memref<128xf32, #tpu.memory_space<vmem>>) dst(%dma_wait3A_350 : memref<100096xf32, #tpu.memory_space<vmem_shared>>)
    %dma_wait3A_351 = arith.constant 5 : i32
    %dma_wait3A_352 = arith.constant 5 : i32
    %dma_wait3A_353 = arith.constant 0 : i32
    %dma_wait3A_354 = tpu.memref_slice %arg12[%dma_wait3A_351, %dma_wait3A_353] : memref<16x128xf32, #tpu.memory_space<vmem>> -> memref<1x128xf32, #tpu.memory_space<vmem>>
    %dma_wait3A_355 = tpu.memref_squeeze %dma_wait3A_354 : memref<1x128xf32, #tpu.memory_space<vmem>> -> memref<128xf32, #tpu.memory_space<vmem>>
    %dma_wait3A_356 = arith.constant 0 : i32
    %dma_wait3A_357 = tpu.memref_slice %arg11[%dma_wait3A_352, %dma_wait3A_356] : memref<16x128xi32, #tpu.memory_space<vmem>> -> memref<1x128xi32, #tpu.memory_space<vmem>>
    %dma_wait3A_358 = tpu.memref_squeeze %dma_wait3A_357 : memref<1x128xi32, #tpu.memory_space<vmem>> -> memref<128xi32, #tpu.memory_space<vmem>>
    %dma_wait3A_359 = arith.constant 0 : i32
    %dma_wait3A_360 = tpu.memref_slice %arg7[%dma_wait3A_359] : memref<100096xf32, #tpu.memory_space<vmem_shared>> -> memref<100096xf32, #tpu.memory_space<vmem_shared>>
    tpu.wait_indirect_dma semaphore(%arg13 : memref<!tpu.dma_semaphore, #tpu.memory_space<semaphore_mem>>) src(%dma_wait3A_355 : memref<128xf32, #tpu.memory_space<vmem>>) dst(%dma_wait3A_360 : memref<100096xf32, #tpu.memory_space<vmem_shared>>)
    %dma_wait3A_361 = arith.constant 6 : i32
    %dma_wait3A_362 = arith.constant 6 : i32
    %dma_wait3A_363 = arith.constant 0 : i32
    %dma_wait3A_364 = tpu.memref_slice %arg12[%dma_wait3A_361, %dma_wait3A_363] : memref<16x128xf32, #tpu.memory_space<vmem>> -> memref<1x128xf32, #tpu.memory_space<vmem>>
    %dma_wait3A_365 = tpu.memref_squeeze %dma_wait3A_364 : memref<1x128xf32, #tpu.memory_space<vmem>> -> memref<128xf32, #tpu.memory_space<vmem>>
    %dma_wait3A_366 = arith.constant 0 : i32
    %dma_wait3A_367 = tpu.memref_slice %arg11[%dma_wait3A_362, %dma_wait3A_366] : memref<16x128xi32, #tpu.memory_space<vmem>> -> memref<1x128xi32, #tpu.memory_space<vmem>>
    %dma_wait3A_368 = tpu.memref_squeeze %dma_wait3A_367 : memref<1x128xi32, #tpu.memory_space<vmem>> -> memref<128xi32, #tpu.memory_space<vmem>>
    %dma_wait3A_369 = arith.constant 0 : i32
    %dma_wait3A_370 = tpu.memref_slice %arg7[%dma_wait3A_369] : memref<100096xf32, #tpu.memory_space<vmem_shared>> -> memref<100096xf32, #tpu.memory_space<vmem_shared>>
    tpu.wait_indirect_dma semaphore(%arg13 : memref<!tpu.dma_semaphore, #tpu.memory_space<semaphore_mem>>) src(%dma_wait3A_365 : memref<128xf32, #tpu.memory_space<vmem>>) dst(%dma_wait3A_370 : memref<100096xf32, #tpu.memory_space<vmem_shared>>)
    %dma_wait3A_371 = arith.constant 7 : i32
    %dma_wait3A_372 = arith.constant 7 : i32
    %dma_wait3A_373 = arith.constant 0 : i32
    %dma_wait3A_374 = tpu.memref_slice %arg12[%dma_wait3A_371, %dma_wait3A_373] : memref<16x128xf32, #tpu.memory_space<vmem>> -> memref<1x128xf32, #tpu.memory_space<vmem>>
    %dma_wait3A_375 = tpu.memref_squeeze %dma_wait3A_374 : memref<1x128xf32, #tpu.memory_space<vmem>> -> memref<128xf32, #tpu.memory_space<vmem>>
    %dma_wait3A_376 = arith.constant 0 : i32
    %dma_wait3A_377 = tpu.memref_slice %arg11[%dma_wait3A_372, %dma_wait3A_376] : memref<16x128xi32, #tpu.memory_space<vmem>> -> memref<1x128xi32, #tpu.memory_space<vmem>>
    %dma_wait3A_378 = tpu.memref_squeeze %dma_wait3A_377 : memref<1x128xi32, #tpu.memory_space<vmem>> -> memref<128xi32, #tpu.memory_space<vmem>>
    %dma_wait3A_379 = arith.constant 0 : i32
    %dma_wait3A_380 = tpu.memref_slice %arg7[%dma_wait3A_379] : memref<100096xf32, #tpu.memory_space<vmem_shared>> -> memref<100096xf32, #tpu.memory_space<vmem_shared>>
    tpu.wait_indirect_dma semaphore(%arg13 : memref<!tpu.dma_semaphore, #tpu.memory_space<semaphore_mem>>) src(%dma_wait3A_375 : memref<128xf32, #tpu.memory_space<vmem>>) dst(%dma_wait3A_380 : memref<100096xf32, #tpu.memory_space<vmem_shared>>)
    %barrier3A_381 = arith.constant 0 : index
    tpu.barrier barrier_id(%barrier3A_381)
    %mul3A_382 = arith.constant 6256 : i32
    %mul3A_383 = arith.muli %arg1, %mul3A_382 : i32
    "tpu.region"() ({
      %run_scoped3A = tpu.sem_alloc : memref<!tpu.dma_semaphore, #tpu.memory_space<semaphore_mem>>
      %dma_start3A_391 = arith.constant 0 : i32
      %dma_start3A_392 = tpu.memref_slice %arg9[%dma_start3A_391] : memref<6256xf32, #tpu.memory_space<vmem>> -> memref<6256xf32, #tpu.memory_space<vmem>>
      %dma_start3A_393 = tpu.memref_slice %arg7[%mul3A_383] : memref<100096xf32, #tpu.memory_space<vmem_shared>> -> memref<6256xf32, #tpu.memory_space<vmem_shared>>
      %dma_start3A_394 = arith.constant 0 : i32
      %dma_start3A_395 = tpu.memref_slice %arg9[%dma_start3A_394] : memref<6256xf32, #tpu.memory_space<vmem>> -> memref<6256xf32, #tpu.memory_space<vmem>>
      %dma_start3A_396 = tpu.memref_slice %arg7[%mul3A_383] : memref<100096xf32, #tpu.memory_space<vmem_shared>> -> memref<6256xf32, #tpu.memory_space<vmem_shared>>
      tpu.enqueue_dma source(%dma_start3A_396 : memref<6256xf32, #tpu.memory_space<vmem_shared>>) target(%dma_start3A_395 : memref<6256xf32, #tpu.memory_space<vmem>>) target_semaphore(%run_scoped3A : memref<!tpu.dma_semaphore, #tpu.memory_space<semaphore_mem>>)
      %dma_wait3A_397 = arith.constant 0 : i32
      %dma_wait3A_398 = tpu.memref_slice %arg9[%dma_wait3A_397] : memref<6256xf32, #tpu.memory_space<vmem>> -> memref<6256xf32, #tpu.memory_space<vmem>>
      %dma_wait3A_399 = tpu.memref_slice %arg7[%mul3A_383] : memref<100096xf32, #tpu.memory_space<vmem_shared>> -> memref<6256xf32, #tpu.memory_space<vmem_shared>>
      %dma_wait3A_400 = arith.constant 0 : i32
      %dma_wait3A_401 = tpu.memref_slice %arg9[%dma_wait3A_400] : memref<6256xf32, #tpu.memory_space<vmem>> -> memref<6256xf32, #tpu.memory_space<vmem>>
      %dma_wait3A_402 = tpu.memref_slice %arg7[%mul3A_383] : memref<100096xf32, #tpu.memory_space<vmem_shared>> -> memref<6256xf32, #tpu.memory_space<vmem_shared>>
      tpu.wait_dma2 semaphore(%run_scoped3A : memref<!tpu.dma_semaphore, #tpu.memory_space<semaphore_mem>>) src(%dma_wait3A_402 : memref<6256xf32, #tpu.memory_space<vmem_shared>>) dst(%dma_wait3A_401 : memref<6256xf32, #tpu.memory_space<vmem>>)
      tpu.yield
    }) : () -> ()
    %eq3A = arith.constant 0 : i32
    %eq3A_384 = arith.cmpi eq, %arg0, %eq3A : i32
    %convert_element_type3A = arith.extui %eq3A_384 : i1 to i32
    %cond3A = arith.constant 0 : i32
    %cond3A_385 = arith.cmpi ne, %convert_element_type3A, %cond3A : i32
    scf.if %cond3A_385 {
      %mul3A_391 = arith.constant 6256 : i32
      %mul3A_392 = arith.muli %arg1, %mul3A_391 : i32
      "tpu.region"() ({
        %run_scoped3A = tpu.sem_alloc : memref<!tpu.dma_semaphore, #tpu.memory_space<semaphore_mem>>
        %dma_start3A_393 = arith.constant 0 : i32
        %dma_start3A_394 = tpu.memref_slice %arg9[%dma_start3A_393] : memref<6256xf32, #tpu.memory_space<vmem>> -> memref<6256xf32, #tpu.memory_space<vmem>>
        %dma_start3A_395 = tpu.memref_slice %arg5[%mul3A_392] : memref<100096xf32, #tpu.memory_space<hbm>> -> memref<6256xf32, #tpu.memory_space<hbm>>
        %dma_start3A_396 = tpu.memref_slice %arg5[%mul3A_392] : memref<100096xf32, #tpu.memory_space<hbm>> -> memref<6256xf32, #tpu.memory_space<hbm>>
        %dma_start3A_397 = arith.constant 0 : i32
        %dma_start3A_398 = tpu.memref_slice %arg9[%dma_start3A_397] : memref<6256xf32, #tpu.memory_space<vmem>> -> memref<6256xf32, #tpu.memory_space<vmem>>
        tpu.enqueue_dma source(%dma_start3A_398 : memref<6256xf32, #tpu.memory_space<vmem>>) target(%dma_start3A_396 : memref<6256xf32, #tpu.memory_space<hbm>>) target_semaphore(%run_scoped3A : memref<!tpu.dma_semaphore, #tpu.memory_space<semaphore_mem>>)
        %dma_wait3A_399 = arith.constant 0 : i32
        %dma_wait3A_400 = tpu.memref_slice %arg9[%dma_wait3A_399] : memref<6256xf32, #tpu.memory_space<vmem>> -> memref<6256xf32, #tpu.memory_space<vmem>>
        %dma_wait3A_401 = tpu.memref_slice %arg5[%mul3A_392] : memref<100096xf32, #tpu.memory_space<hbm>> -> memref<6256xf32, #tpu.memory_space<hbm>>
        %dma_wait3A_402 = tpu.memref_slice %arg5[%mul3A_392] : memref<100096xf32, #tpu.memory_space<hbm>> -> memref<6256xf32, #tpu.memory_space<hbm>>
        %dma_wait3A_403 = arith.constant 0 : i32
        %dma_wait3A_404 = tpu.memref_slice %arg9[%dma_wait3A_403] : memref<6256xf32, #tpu.memory_space<vmem>> -> memref<6256xf32, #tpu.memory_space<vmem>>
        tpu.wait_dma2 semaphore(%run_scoped3A : memref<!tpu.dma_semaphore, #tpu.memory_space<semaphore_mem>>) src(%dma_wait3A_404 : memref<6256xf32, #tpu.memory_space<vmem>>) dst(%dma_wait3A_402 : memref<6256xf32, #tpu.memory_space<hbm>>)
        tpu.yield
      }) : () -> ()
    } else {
    }
    %eq3A_386 = arith.constant 1 : i32
    %eq3A_387 = arith.cmpi eq, %arg0, %eq3A_386 : i32
    %convert_element_type3A_388 = arith.extui %eq3A_387 : i1 to i32
    %cond3A_389 = arith.constant 0 : i32
    %cond3A_390 = arith.cmpi ne, %convert_element_type3A_388, %cond3A_389 : i32
    scf.if %cond3A_390 {
      %mul3A_391 = arith.constant 6256 : i32
      %mul3A_392 = arith.muli %arg1, %mul3A_391 : i32
      "tpu.region"() ({
        %run_scoped3A = tpu.sem_alloc : memref<!tpu.dma_semaphore, #tpu.memory_space<semaphore_mem>>
        %dma_start3A_393 = arith.constant 0 : i32
        %dma_start3A_394 = tpu.memref_slice %arg9[%dma_start3A_393] : memref<6256xf32, #tpu.memory_space<vmem>> -> memref<6256xf32, #tpu.memory_space<vmem>>
        %dma_start3A_395 = tpu.memref_slice %arg6[%mul3A_392] : memref<100096xf32, #tpu.memory_space<hbm>> -> memref<6256xf32, #tpu.memory_space<hbm>>
        %dma_start3A_396 = tpu.memref_slice %arg6[%mul3A_392] : memref<100096xf32, #tpu.memory_space<hbm>> -> memref<6256xf32, #tpu.memory_space<hbm>>
        %dma_start3A_397 = arith.constant 0 : i32
        %dma_start3A_398 = tpu.memref_slice %arg9[%dma_start3A_397] : memref<6256xf32, #tpu.memory_space<vmem>> -> memref<6256xf32, #tpu.memory_space<vmem>>
        tpu.enqueue_dma source(%dma_start3A_398 : memref<6256xf32, #tpu.memory_space<vmem>>) target(%dma_start3A_396 : memref<6256xf32, #tpu.memory_space<hbm>>) target_semaphore(%run_scoped3A : memref<!tpu.dma_semaphore, #tpu.memory_space<semaphore_mem>>)
        %dma_wait3A_399 = arith.constant 0 : i32
        %dma_wait3A_400 = tpu.memref_slice %arg9[%dma_wait3A_399] : memref<6256xf32, #tpu.memory_space<vmem>> -> memref<6256xf32, #tpu.memory_space<vmem>>
        %dma_wait3A_401 = tpu.memref_slice %arg6[%mul3A_392] : memref<100096xf32, #tpu.memory_space<hbm>> -> memref<6256xf32, #tpu.memory_space<hbm>>
        %dma_wait3A_402 = tpu.memref_slice %arg6[%mul3A_392] : memref<100096xf32, #tpu.memory_space<hbm>> -> memref<6256xf32, #tpu.memory_space<hbm>>
        %dma_wait3A_403 = arith.constant 0 : i32
        %dma_wait3A_404 = tpu.memref_slice %arg9[%dma_wait3A_403] : memref<6256xf32, #tpu.memory_space<vmem>> -> memref<6256xf32, #tpu.memory_space<vmem>>
        tpu.wait_dma2 semaphore(%run_scoped3A : memref<!tpu.dma_semaphore, #tpu.memory_space<semaphore_mem>>) src(%dma_wait3A_404 : memref<6256xf32, #tpu.memory_space<vmem>>) dst(%dma_wait3A_402 : memref<6256xf32, #tpu.memory_space<hbm>>)
        tpu.yield
      }) : () -> ()
    } else {
    }
    return
  }
}

module attributes {stable_mosaic.version = 14 : i64} {
  func.func @_mlp_body(%arg0: i32, %arg1: memref<1024x32xf32, #tpu.memory_space<vmem>>, %arg2: memref<32x32xf32, #tpu.memory_space<vmem>>, %arg3: memref<32xf32, #tpu.memory_space<vmem>>, %arg4: memref<32x32xf32, #tpu.memory_space<vmem>>, %arg5: memref<32xf32, #tpu.memory_space<vmem>>, %arg6: memref<1x32xf32, #tpu.memory_space<vmem>>, %arg7: memref<1024xf32, #tpu.memory_space<vmem>>, %arg8: memref<1024xf32, #tpu.memory_space<vmem>>, %arg9: memref<1024xf32, #tpu.memory_space<vmem>>, %arg10: memref<1024xf32, #tpu.memory_space<vmem>>, %arg11: memref<1024xf32, #tpu.memory_space<vmem>>) attributes {dimension_semantics = [#tpu.dimension_semantics<arbitrary>], iteration_bounds = array<i64: 98>, scalar_prefetch = 0 : i64, scratch_operands = 0 : i64, tpu.core_type = #tpu.core_type<tc>, window_params = [{transform_indices = @transform_0, window_bounds = array<i64: 1024, 32>}, {pipeline_mode = #tpu.pipeline_mode<synchronous>, transform_indices = @transform_1, window_bounds = array<i64: 32, 32>}, {pipeline_mode = #tpu.pipeline_mode<synchronous>, transform_indices = @transform_2, window_bounds = array<i64: 32>}, {pipeline_mode = #tpu.pipeline_mode<synchronous>, transform_indices = @transform_3, window_bounds = array<i64: 32, 32>}, {pipeline_mode = #tpu.pipeline_mode<synchronous>, transform_indices = @transform_4, window_bounds = array<i64: 32>}, {pipeline_mode = #tpu.pipeline_mode<synchronous>, transform_indices = @transform_5, window_bounds = array<i64: 1, 32>}, {transform_indices = @transform_6, window_bounds = array<i64: 1024>}, {transform_indices = @transform_7, window_bounds = array<i64: 1024>}, {transform_indices = @transform_8, window_bounds = array<i64: 1024>}, {transform_indices = @transform_9, window_bounds = array<i64: 1024>}, {transform_indices = @transform_10, window_bounds = array<i64: 1024>}]} {
    %get3A = arith.constant 0 : index
    %get3A_0 = arith.constant 0 : index
    %get3A_1 = vector.load %arg1[%get3A, %get3A_0] : memref<1024x32xf32, #tpu.memory_space<vmem>>, vector<1024x32xf32>
    %get3A_2 = arith.constant 0 : index
    %get3A_3 = arith.constant 0 : index
    %get3A_4 = vector.load %arg2[%get3A_2, %get3A_3] : memref<32x32xf32, #tpu.memory_space<vmem>>, vector<32x32xf32>
    %dot_general3A = arith.constant dense<0.000000e+00> : vector<1024x32xf32>
    %dot_general3A_5 = tpu.matmul %get3A_1, %get3A_4, %dot_general3A {dimension_numbers = #tpu.dot_dimension_numbers<[1], [0], [0], [1], [0, 0, 1, 1], [], []>, transpose_lhs_hint = false} : vector<1024x32xf32>, vector<32x32xf32>, vector<1024x32xf32> -> vector<1024x32xf32>
    %get3A_6 = arith.constant 0 : index
    %get3A_7 = vector.load %arg3[%get3A_6] : memref<32xf32, #tpu.memory_space<vmem>>, vector<32xf32>
    %broadcast_in_dim3A = vector.shape_cast %get3A_7 : vector<32xf32> to vector<1x32xf32>
    %add3A = vector.broadcast %broadcast_in_dim3A : vector<1x32xf32> to vector<1024x32xf32>
    %add3A_8 = arith.addf %dot_general3A_5, %add3A : vector<1024x32xf32>
    %ge3A = arith.constant 0.000000e+00 : f32
    %ge3A_9 = vector.broadcast %ge3A : f32 to vector<1024x32xf32>
    %ge3A_10 = arith.cmpf oge, %add3A_8, %ge3A_9 : vector<1024x32xf32>
    %mul3A = arith.constant 0.00999999977 : f32
    %mul3A_11 = vector.broadcast %mul3A : f32 to vector<1024x32xf32>
    %mul3A_12 = arith.mulf %mul3A_11, %add3A_8 : vector<1024x32xf32>
    %select_n3A = arith.select %ge3A_10, %add3A_8, %mul3A_12 : vector<1024x32xi1>, vector<1024x32xf32>
    %get3A_13 = arith.constant 0 : index
    %get3A_14 = arith.constant 0 : index
    %get3A_15 = vector.load %arg4[%get3A_13, %get3A_14] : memref<32x32xf32, #tpu.memory_space<vmem>>, vector<32x32xf32>
    %dot_general3A_16 = arith.constant dense<0.000000e+00> : vector<1024x32xf32>
    %dot_general3A_17 = tpu.matmul %select_n3A, %get3A_15, %dot_general3A_16 {dimension_numbers = #tpu.dot_dimension_numbers<[1], [0], [0], [1], [0, 0, 1, 1], [], []>, transpose_lhs_hint = false} : vector<1024x32xf32>, vector<32x32xf32>, vector<1024x32xf32> -> vector<1024x32xf32>
    %get3A_18 = arith.constant 0 : index
    %get3A_19 = vector.load %arg5[%get3A_18] : memref<32xf32, #tpu.memory_space<vmem>>, vector<32xf32>
    %broadcast_in_dim3A_20 = vector.shape_cast %get3A_19 : vector<32xf32> to vector<1x32xf32>
    %add3A_21 = vector.broadcast %broadcast_in_dim3A_20 : vector<1x32xf32> to vector<1024x32xf32>
    %add3A_22 = arith.addf %dot_general3A_17, %add3A_21 : vector<1024x32xf32>
    %ge3A_23 = arith.constant 0.000000e+00 : f32
    %ge3A_24 = vector.broadcast %ge3A_23 : f32 to vector<1024x32xf32>
    %ge3A_25 = arith.cmpf oge, %add3A_22, %ge3A_24 : vector<1024x32xf32>
    %mul3A_26 = arith.constant 0.00999999977 : f32
    %mul3A_27 = vector.broadcast %mul3A_26 : f32 to vector<1024x32xf32>
    %mul3A_28 = arith.mulf %mul3A_27, %add3A_22 : vector<1024x32xf32>
    %select_n3A_29 = arith.select %ge3A_25, %add3A_22, %mul3A_28 : vector<1024x32xi1>, vector<1024x32xf32>
    %get3A_30 = arith.constant 0 : index
    %get3A_31 = arith.constant 0 : index
    %get3A_32 = vector.load %arg6[%get3A_30, %get3A_31] : memref<1x32xf32, #tpu.memory_space<vmem>>, vector<1x32xf32>
    %mul3A_33 = vector.broadcast %get3A_32 : vector<1x32xf32> to vector<1024x32xf32>
    %mul3A_34 = arith.mulf %select_n3A_29, %mul3A_33 : vector<1024x32xf32>
    %reduce_sum3A = arith.constant dense<0.000000e+00> : vector<1024xf32>
    %reduce_sum3A_35 = vector.multi_reduction <add>, %mul3A_34, %reduce_sum3A [1] : vector<1024x32xf32> to vector<1024xf32>
    %get3A_36 = arith.constant 0 : index
    %get3A_37 = vector.load %arg7[%get3A_36] : memref<1024xf32, #tpu.memory_space<vmem>>, vector<1024xf32>
    %add3A_38 = arith.constant 1.000000e+00 : f32
    %add3A_39 = vector.broadcast %add3A_38 : f32 to vector<1024xf32>
    %add3A_40 = arith.addf %get3A_37, %add3A_39 : vector<1024xf32>
    %rsqrt3A = math.rsqrt %add3A_40 : vector<1024xf32>
    %get3A_41 = arith.constant 0 : index
    %get3A_42 = vector.load %arg8[%get3A_41] : memref<1024xf32, #tpu.memory_space<vmem>>, vector<1024xf32>
    %add3A_43 = arith.constant 1.000000e+00 : f32
    %add3A_44 = vector.broadcast %add3A_43 : f32 to vector<1024xf32>
    %add3A_45 = arith.addf %get3A_42, %add3A_44 : vector<1024xf32>
    %rsqrt3A_46 = math.rsqrt %add3A_45 : vector<1024xf32>
    %mul3A_47 = arith.mulf %reduce_sum3A_35, %rsqrt3A : vector<1024xf32>
    %swap3A = arith.constant 0 : index
    %swap3A_48 = vector.load %arg9[%swap3A] : memref<1024xf32, #tpu.memory_space<vmem>>, vector<1024xf32>
    tpu.vector_store %arg9[%swap3A], %mul3A_47 {strides = array<i32>} : memref<1024xf32, #tpu.memory_space<vmem>>, vector<1024xf32>,
    %swap3A_49 = arith.constant 0 : index
    %swap3A_50 = vector.load %arg10[%swap3A_49] : memref<1024xf32, #tpu.memory_space<vmem>>, vector<1024xf32>
    tpu.vector_store %arg10[%swap3A_49], %rsqrt3A {strides = array<i32>} : memref<1024xf32, #tpu.memory_space<vmem>>, vector<1024xf32>,
    %swap3A_51 = arith.constant 0 : index
    %swap3A_52 = vector.load %arg11[%swap3A_51] : memref<1024xf32, #tpu.memory_space<vmem>>, vector<1024xf32>
    tpu.vector_store %arg11[%swap3A_51], %rsqrt3A_46 {strides = array<i32>} : memref<1024xf32, #tpu.memory_space<vmem>>, vector<1024xf32>,
    return
  }
  func.func @transform_0(%arg0: i32) -> (i32, i32) {
    %c0_i32 = arith.constant 0 : i32
    %c0_i32_0 = arith.constant 0 : i32
    return %arg0, %c0_i32 : i32, i32
  }
  func.func @transform_1(%arg0: i32) -> (i32, i32) {
    %c0_i32 = arith.constant 0 : i32
    %c0_i32_0 = arith.constant 0 : i32
    %c0_i32_1 = arith.constant 0 : i32
    return %c0_i32, %c0_i32_0 : i32, i32
  }
  func.func @transform_2(%arg0: i32) -> i32 {
    %c0_i32 = arith.constant 0 : i32
    %c0_i32_0 = arith.constant 0 : i32
    return %c0_i32 : i32
  }
  func.func @transform_3(%arg0: i32) -> (i32, i32) {
    %c0_i32 = arith.constant 0 : i32
    %c0_i32_0 = arith.constant 0 : i32
    %c0_i32_1 = arith.constant 0 : i32
    return %c0_i32, %c0_i32_0 : i32, i32
  }
  func.func @transform_4(%arg0: i32) -> i32 {
    %c0_i32 = arith.constant 0 : i32
    %c0_i32_0 = arith.constant 0 : i32
    return %c0_i32 : i32
  }
  func.func @transform_5(%arg0: i32) -> (i32, i32) {
    %c0_i32 = arith.constant 0 : i32
    %c0_i32_0 = arith.constant 0 : i32
    %c0_i32_1 = arith.constant 0 : i32
    return %c0_i32, %c0_i32_0 : i32, i32
  }
  func.func @transform_6(%arg0: i32) -> i32 {
    %c0_i32 = arith.constant 0 : i32
    return %arg0 : i32
  }
  func.func @transform_7(%arg0: i32) -> i32 {
    %c0_i32 = arith.constant 0 : i32
    return %arg0 : i32
  }
  func.func @transform_8(%arg0: i32) -> i32 {
    %c0_i32 = arith.constant 0 : i32
    return %arg0 : i32
  }
  func.func @transform_9(%arg0: i32) -> i32 {
    %c0_i32 = arith.constant 0 : i32
    return %arg0 : i32
  }
  func.func @transform_10(%arg0: i32) -> i32 {
    %c0_i32 = arith.constant 0 : i32
    return %arg0 : i32
  }
}

module attributes {stable_mosaic.version = 14 : i64} {
  func.func @_comb_body(%arg0: i32, %arg1: memref<1024xf32, #tpu.memory_space<vmem>>, %arg2: memref<1024xf32, #tpu.memory_space<vmem>>, %arg3: memref<1024xf32, #tpu.memory_space<vmem>>, %arg4: memref<1024xf32, #tpu.memory_space<vmem>>, %arg5: memref<1024xf32, #tpu.memory_space<vmem>>, %arg6: memref<1xf32, #tpu.memory_space<vmem>>, %arg7: memref<1024xf32, #tpu.memory_space<vmem>>) attributes {dimension_semantics = [#tpu.dimension_semantics<arbitrary>], iteration_bounds = array<i64: 98>, scalar_prefetch = 0 : i64, scratch_operands = 0 : i64, tpu.core_type = #tpu.core_type<tc>, window_params = [{transform_indices = @transform_0, window_bounds = array<i64: 1024>}, {transform_indices = @transform_1, window_bounds = array<i64: 1024>}, {transform_indices = @transform_2, window_bounds = array<i64: 1024>}, {transform_indices = @transform_3, window_bounds = array<i64: 1024>}, {transform_indices = @transform_4, window_bounds = array<i64: 1024>}, {pipeline_mode = #tpu.pipeline_mode<synchronous>, transform_indices = @transform_5, window_bounds = array<i64: 1>}, {transform_indices = @transform_6, window_bounds = array<i64: 1024>}]} {
    %get3A = arith.constant 0 : index
    %get3A_0 = vector.load %arg4[%get3A] : memref<1024xf32, #tpu.memory_space<vmem>>, vector<1024xf32>
    %get3A_1 = arith.constant 0 : index
    %get3A_2 = vector.load %arg1[%get3A_1] : memref<1024xf32, #tpu.memory_space<vmem>>, vector<1024xf32>
    %get3A_3 = arith.constant 0 : index
    %get3A_4 = vector.load %arg2[%get3A_3] : memref<1024xf32, #tpu.memory_space<vmem>>, vector<1024xf32>
    %add3A = arith.addf %get3A_2, %get3A_4 : vector<1024xf32>
    %get3A_5 = arith.constant 0 : index
    %get3A_6 = vector.load %arg3[%get3A_5] : memref<1024xf32, #tpu.memory_space<vmem>>, vector<1024xf32>
    %add3A_7 = arith.addf %add3A, %get3A_6 : vector<1024xf32>
    %mul3A = arith.mulf %get3A_0, %add3A_7 : vector<1024xf32>
    %get3A_8 = arith.constant 0 : index
    %get3A_9 = vector.load %arg6[%get3A_8] : memref<1xf32, #tpu.memory_space<vmem>>, vector<1xf32>
    %add3A_10 = vector.broadcast %get3A_9 : vector<1xf32> to vector<1024xf32>
    %add3A_11 = arith.addf %mul3A, %add3A_10 : vector<1024xf32>
    %get3A_12 = arith.constant 0 : index
    %get3A_13 = vector.load %arg5[%get3A_12] : memref<1024xf32, #tpu.memory_space<vmem>>, vector<1024xf32>
    %mul3A_14 = arith.mulf %add3A_11, %get3A_13 : vector<1024xf32>
    %swap3A = arith.constant 0 : index
    %swap3A_15 = vector.load %arg7[%swap3A] : memref<1024xf32, #tpu.memory_space<vmem>>, vector<1024xf32>
    tpu.vector_store %arg7[%swap3A], %mul3A_14 {strides = array<i32>} : memref<1024xf32, #tpu.memory_space<vmem>>, vector<1024xf32>,
    return
  }
  func.func @transform_0(%arg0: i32) -> i32 {
    %c0_i32 = arith.constant 0 : i32
    return %arg0 : i32
  }
  func.func @transform_1(%arg0: i32) -> i32 {
    %c0_i32 = arith.constant 0 : i32
    return %arg0 : i32
  }
  func.func @transform_2(%arg0: i32) -> i32 {
    %c0_i32 = arith.constant 0 : i32
    return %arg0 : i32
  }
  func.func @transform_3(%arg0: i32) -> i32 {
    %c0_i32 = arith.constant 0 : i32
    return %arg0 : i32
  }
  func.func @transform_4(%arg0: i32) -> i32 {
    %c0_i32 = arith.constant 0 : i32
    return %arg0 : i32
  }
  func.func @transform_5(%arg0: i32) -> i32 {
    %c0_i32 = arith.constant 0 : i32
    %c0_i32_0 = arith.constant 0 : i32
    return %c0_i32 : i32
  }
  func.func @transform_6(%arg0: i32) -> i32 {
    %c0_i32 = arith.constant 0 : i32
    return %arg0 : i32
  }
}

module attributes {stable_mosaic.version = 14 : i64} {
  func.func @_fin_body(%arg0: i32, %arg1: memref<1024xf32, #tpu.memory_space<vmem>>, %arg2: memref<1024xf32, #tpu.memory_space<vmem>>, %arg3: memref<1024xf32, #tpu.memory_space<vmem>>, %arg4: memref<1024xf32, #tpu.memory_space<vmem>>, %arg5: memref<1024xf32, #tpu.memory_space<vmem>>) attributes {dimension_semantics = [#tpu.dimension_semantics<arbitrary>], iteration_bounds = array<i64: 98>, scalar_prefetch = 0 : i64, scratch_operands = 0 : i64, tpu.core_type = #tpu.core_type<tc>, window_params = [{transform_indices = @transform_0, window_bounds = array<i64: 1024>}, {transform_indices = @transform_1, window_bounds = array<i64: 1024>}, {transform_indices = @transform_2, window_bounds = array<i64: 1024>}, {transform_indices = @transform_3, window_bounds = array<i64: 1024>}, {transform_indices = @transform_4, window_bounds = array<i64: 1024>}]} {
    %get3A = arith.constant 0 : index
    %get3A_0 = vector.load %arg4[%get3A] : memref<1024xf32, #tpu.memory_space<vmem>>, vector<1024xf32>
    %get3A_1 = arith.constant 0 : index
    %get3A_2 = vector.load %arg1[%get3A_1] : memref<1024xf32, #tpu.memory_space<vmem>>, vector<1024xf32>
    %get3A_3 = arith.constant 0 : index
    %get3A_4 = vector.load %arg2[%get3A_3] : memref<1024xf32, #tpu.memory_space<vmem>>, vector<1024xf32>
    %add3A = arith.addf %get3A_2, %get3A_4 : vector<1024xf32>
    %get3A_5 = arith.constant 0 : index
    %get3A_6 = vector.load %arg3[%get3A_5] : memref<1024xf32, #tpu.memory_space<vmem>>, vector<1024xf32>
    %add3A_7 = arith.addf %add3A, %get3A_6 : vector<1024xf32>
    %mul3A = arith.mulf %get3A_0, %add3A_7 : vector<1024xf32>
    %neg3A = arith.constant 0.000000e+00 : f32
    %neg3A_8 = vector.broadcast %neg3A : f32 to vector<1024xf32>
    %neg3A_9 = arith.subf %neg3A_8, %mul3A : vector<1024xf32>
    %exp3A = math.exp %neg3A_9 : vector<1024xf32>
    %add3A_10 = arith.constant 1.000000e+00 : f32
    %add3A_11 = vector.broadcast %add3A_10 : f32 to vector<1024xf32>
    %add3A_12 = arith.addf %add3A_11, %exp3A : vector<1024xf32>
    %div3A = arith.constant 1.000000e+00 : f32
    %div3A_13 = vector.broadcast %div3A : f32 to vector<1024xf32>
    %div3A_14 = arith.divf %div3A_13, %add3A_12 : vector<1024xf32>
    %iota3A = tpu.iota {dimensions = array<i32: 1>} : vector<1x1024xi32>
    %iota3A_15 = vector.shape_cast %iota3A : vector<1x1024xi32> to vector<1024xi32>
    %eq3A = arith.constant 0 : i32
    %eq3A_16 = vector.broadcast %eq3A : i32 to vector<1024xi32>
    %eq3A_17 = arith.cmpi eq, %iota3A_15, %eq3A_16 : vector<1024xi32>
    %eq3A_18 = arith.constant 0 : i32
    %eq3A_19 = arith.cmpi eq, %arg0, %eq3A_18 : i32
    %and3A = vector.broadcast %eq3A_19 : i1 to vector<1024xi1>
    %and3A_20 = arith.andi %eq3A_17, %and3A : vector<1024xi1>
    %jit3A = arith.constant 1.000000e+00 : f32
    %jit3A_21 = arith.constant 0.000000e+00 : f32
    %broadcast_in_dim3A = vector.broadcast %jit3A : f32 to vector<1024xf32>
    %broadcast_in_dim3A_22 = vector.broadcast %jit3A_21 : f32 to vector<1024xf32>
    %select_n3A = arith.select %and3A_20, %broadcast_in_dim3A, %broadcast_in_dim3A_22 : vector<1024xi1>, vector<1024xf32>
    %mul3A_23 = arith.constant 0.000000e+00 : f32
    %mul3A_24 = vector.broadcast %mul3A_23 : f32 to vector<1024xf32>
    %mul3A_25 = arith.mulf %mul3A_24, %div3A_14 : vector<1024xf32>
    %add3A_26 = arith.addf %select_n3A, %mul3A_25 : vector<1024xf32>
    %swap3A = arith.constant 0 : index
    %swap3A_27 = vector.load %arg5[%swap3A] : memref<1024xf32, #tpu.memory_space<vmem>>, vector<1024xf32>
    tpu.vector_store %arg5[%swap3A], %add3A_26 {strides = array<i32>} : memref<1024xf32, #tpu.memory_space<vmem>>, vector<1024xf32>,
    return
  }
  func.func @transform_0(%arg0: i32) -> i32 {
    %c0_i32 = arith.constant 0 : i32
    return %arg0 : i32
  }
  func.func @transform_1(%arg0: i32) -> i32 {
    %c0_i32 = arith.constant 0 : i32
    return %arg0 : i32
  }
  func.func @transform_2(%arg0: i32) -> i32 {
    %c0_i32 = arith.constant 0 : i32
    return %arg0 : i32
  }
  func.func @transform_3(%arg0: i32) -> i32 {
    %c0_i32 = arith.constant 0 : i32
    return %arg0 : i32
  }
  func.func @transform_4(%arg0: i32) -> i32 {
    %c0_i32 = arith.constant 0 : i32
    return %arg0 : i32
  }
}

</mosaic_0001>

<sc_bundles>
// kernel: kernel.11.cloned.1.call-start
scs
__scs_entry_jumppad:
0x0: {  	(pc) =	sbr.rel $0x88, $3  }
0x1: {  	(tag) =	ssettag $0x0;
	lr =	simm.s32 $0x1  }
0x2: {  	[smem:$0x3F98] =	sst lr;
	_ =	strace $0xD0000000  }
0x3: {  	_ = 	snop  }
0x4: {  	_ = 	snop  }
0x5: {  	_ = 	snop  }
0x6: {  	_ = 	snop  }
0x7: {  	_ = 	snop  }
__scs_overlays_trampoline_lowered:
0x8: {  	[smem:$0x3FA7] =	sst s0  }
0x9: {  	[smem:$0x3FA8] =	sst s1  }
0xa: {  	[smem:$0x3FA9] =	sst s2  }
0xb: {  	[smem:$0x3FAA] =	sst s3  }
0xc: {  	[smem:$0x3FAB] =	sst s4  }
0xd: {  	[smem:$0x3FAC] =	sst s5  }
0xe: {  	[smem:$0x3FAD] =	sst s6  }
0xf: {  	[smem:$0x3FAE] =	sst s7  }
0x10: {  	[smem:$0x3FAF] =	sst s8  }
0x11: {  	[smem:$0x3FB0] =	sst s9;
	s0 =	simm.s32 @!p0 $0x0  }
0x12: {  	s1 =	sld [smem:$0x3F96];
	s0 =	simm.s32 @p0 $0x1  }
0x13: {  	[smem:$0x3FB1] =	sst s0;
	s0 =	simm.s32 @!p1 $0x0  }
0x14: {  	s2 =	sld [smem:$0x3F95];
	s0 =	simm.s32 @p1 $0x1  }
0x15: {  	[smem:$0x3FB2] =	sst s0;
	s0 =	simm.s32 @!p2 $0x0  }
0x16: {  	s3 =	sld [smem:$0x3FDB];
	s0 =	simm.s32 @p2 $0x1  }
0x17: {  	s4 =	simm.s32 $0x1BF5;
	[smem:$0x3FB4] =	sst s0  }
0x18: {  	s0 =	sld [smem:$0x3F97];
	_ =	swait.ge [sflag:s4], $0x0  }
0x19: {  	s7 =	sld [smem:$0x3F98]  }
0x1a: {  	s8 =	sadd.s32 $0xFFFFE003, lr  }
0x1b: {  	s9 =	sadd.s32 $0xFFFFFEF7, lr;
	s5 =	simm.s32 $0xFFFFFFFF;
	p2 =	slt.u32 s8, $0xFFFFF086  }
0x1c: {  	p1 =	slt.u32 s9, $0xF7A;
	s5 =	simm.s32 @!p2 $0x0  }
0x1d: {  	s5 =	simm.s32 @p1 $0x1;
	p0 =	seq.s32 s7, s2  }
0x1e: {  	s7 =	smul.u32 @!p0 $0xF7A, s2;
	p2 =	seq.s32 @!p0 s5, $0x0  }
0x1f: {  	s9 =	smul.u32 $0xF7A, s1;
	s8 =	simm.s32 @!p0 $0x1BF5;
	p2 =	por !p2, p0  }
0x20: {  	[sflag:s8] =	ssyncset.s32 @!p0 $0xFFFFF086;
	s6 =	sadd.s32 @!p0 s3, s7;
	s7 =	simm.s32 @!p0 $0x108  }
0x21: {  	s3 =	sadd.s32 s3, s9;
	s6 =	sadd.s32 @!p0 $0x88, s6;
	s7 =	simm.s32 @p2 $0x1082  }
0x22: {  	[simem:s7], [sflag:s8] =	dma.local @!p0 [hbm:s6], $0xF7A  }
0x23: {  	s9 =	sor.u32 $0xD0000000, s2;
	s6 =	simm.s32 $0x108;
	_ =	swait.ge @!p0 [sflag:s8], $0x0  }
0x24: {  	s3 =	sadd.s32 $0x88, s3;
	s6 =	simm.s32 @!p1 $0x1082;
	[sflag:s4] =	ssyncset.s32 $0xFFFFF086  }
0x25: {  	[simem:s6], [sflag:s4] =	dma.local [hbm:s3], $0xF7A  }
0x26: {  	[smem:$0x3F98] =	sst s1;
	(tag) =	ssettag s2;
	_ =	strace s9  }
0x27: {  	s1 =	sld [smem:$0x3FA8]  }
0x28: {  	s2 =	sld [smem:$0x3FA9]  }
0x29: {  	s4 =	sld [smem:$0x3FAB]  }
0x2a: {  	p0 =	seq.s32 s5, $0x0;
	s5 =	sld [smem:$0x3FAC]  }
0x2b: {  	s6 =	sld [smem:$0x3FAD]  }
0x2c: {  	s7 =	sld [smem:$0x3FAE]  }
0x2d: {  	s3 =	simm.s32 $0x108;
	s8 =	sld [smem:$0x3FAF]  }
0x2e: {  	s3 =	simm.s32 @!p0 $0x1082;
	s9 =	sld [smem:$0x3FB0]  }
0x2f: {  	lr =	sadd.s32 s0, s3;
	s0 =	sld [smem:$0x3FA7]  }
0x30: {  	s3 =	sld [smem:$0x3FAA]  }
0x31: {  	[smem:$0x3FB3] =	sst s10  }
0x32: {  	s10 =	sld [smem:$0x3FB1];
	_ =	sdelay $0x3  }
0x33: {  	p0 =	seq.s32 s10, $0x1;
	s10 =	sld [smem:$0x3FB3];
	_ =	sdelay $0x3  }
0x34: {  	[smem:$0x3FB3] =	sst s10  }
0x35: {  	s10 =	sld [smem:$0x3FB2];
	_ =	sdelay $0x3  }
0x36: {  	p1 =	seq.s32 s10, $0x1;
	s10 =	sld [smem:$0x3FB3];
	_ =	sdelay $0x3  }
0x37: {  	[smem:$0x3FB3] =	sst s10  }
0x38: {  	s10 =	sld [smem:$0x3FB4]  }
0x39: {  	_ = 	snop;
	(pc) =	sbr.ind lr, $3  }
0x3a: {  	_ = 	snop  }
0x3b: {  	_ = 	snop  }
0x3c: {  	p2 =	seq.s32 s10, $0x1;
	s10 =	sld [smem:$0x3FB3]  }
0x3d: {  	_ =	shalt  }
0x3e: {  	_ =	shalt  }
0x3f: {  	_ =	shalt  }
0x40: {  	_ =	shalt  }
0x41: {  	_ =	shalt  }
0x42: {  	_ =	shalt  }
0x43: {  	_ =	shalt  }
0x44: {  	_ =	shalt  }
0x45: {  	_ =	shalt  }
0x46: {  	_ =	shalt  }
0x47: {  	_ =	shalt  }
0x48: {  	_ =	shalt  }
0x49: {  	_ =	shalt  }
0x4a: {  	_ =	shalt  }
0x4b: {  	_ =	shalt  }
0x4c: {  	_ =	shalt  }
0x4d: {  	_ =	shalt  }
0x4e: {  	_ =	shalt  }
0x4f: {  	_ =	shalt  }
0x50: {  	_ =	shalt  }
0x51: {  	_ =	shalt  }
0x52: {  	_ =	shalt  }
0x53: {  	_ =	shalt  }
0x54: {  	_ =	shalt  }
0x55: {  	_ =	shalt  }
0x56: {  	_ =	shalt  }
0x57: {  	_ =	shalt  }
0x58: {  	_ =	shalt  }
0x59: {  	_ =	shalt  }
0x5a: {  	_ =	shalt  }
0x5b: {  	_ =	shalt  }
0x5c: {  	_ =	shalt  }
0x5d: {  	_ =	shalt  }
0x5e: {  	_ =	shalt  }
0x5f: {  	_ =	shalt  }
0x60: {  	_ =	shalt  }
0x61: {  	_ =	shalt  }
0x62: {  	_ =	shalt  }
0x63: {  	_ =	shalt  }
0x64: {  	_ =	shalt  }
0x65: {  	_ =	shalt  }
0x66: {  	_ =	shalt  }
0x67: {  	_ =	shalt  }
0x68: {  	_ =	shalt  }
0x69: {  	_ =	shalt  }
0x6a: {  	_ =	shalt  }
0x6b: {  	_ =	shalt  }
0x6c: {  	_ =	shalt  }
0x6d: {  	_ =	shalt  }
0x6e: {  	_ =	shalt  }
0x6f: {  	_ =	shalt  }
0x70: {  	_ =	shalt  }
0x71: {  	_ =	shalt  }
0x72: {  	_ =	shalt  }
0x73: {  	_ =	shalt  }
0x74: {  	_ =	shalt  }
0x75: {  	_ =	shalt  }
0x76: {  	_ =	shalt  }
0x77: {  	_ =	shalt  }
0x78: {  	_ =	shalt  }
0x79: {  	_ =	shalt  }
0x7a: {  	_ =	shalt  }
0x7b: {  	_ =	shalt  }
0x7c: {  	_ =	shalt  }
0x7d: {  	_ =	shalt  }
0x7e: {  	_ =	shalt  }
0x7f: {  	_ =	shalt  }
0x80: {  	_ =	shalt  }
0x81: {  	_ =	shalt  }
0x82: {  	_ =	shalt  }
0x83: {  	_ =	shalt  }
0x84: {  	_ =	shalt  }
0x85: {  	_ =	shalt  }
0x86: {  	_ =	shalt  }
0x87: {  	_ =	shalt  }
.Lfunc_end0:
.L_simem_size_0:
called_computation.1_lowered:
.L_overlay_start_0:
0x88: {  	s2 =	sld [smem:$0x3FD9]  }
0x89: {  	s3 =	sld [smem:$0x3FFE];
	_ =	sdelay $0x1  }
0x8a: {  	s1 =	srdreg.scid  }
0x8b: {  	s0 =	sand.u32 $0x1, s1  }
0x8c: {  	s16 =	sshll.u32 s0, $0xA;
	s2 =	sadd.s32 s3, s2  }
0x8d: {  	s2 =	sadd.s32 s2, s16  }
0x8e: {  	[smem:$0x3FBF] =	sst s2  }
0x8f: {  	_ = 	snop  }
0x90: {  	(tm) =	ssettm $0x1  }
0x91: {  	s17 =	sld [smem:$0x3FFB];
	_ =	sdelay $0x3  }
0x92: {  	_ =	strace s17  }
0x93: {  	s2 =	sld [smem:$0x3FFC];
	_ =	sdelay $0x3  }
0x94: {  	_ =	strace s2  }
0x95: {  	s2 =	sld [smem:$0x3FFD];
	_ =	sdelay $0x3  }
0x96: {  	_ =	strace s2  }
0x97: {  	_ =	strace $0x8FFFFFFF  }
0x98: {  	s18 =	sld [smem:$0x3FDB];
	_ =	sdelay $0x1  }
0x99: {  	s19 =	simm.s32 $_scs_section_size  }
0x9a: {  	s4 =	simm.s32 $_size__tile_overlayer_lowered;
	s5 =	simm.s32 $_tile_overlayer_lowered  }
0x9b: {  	s22 =	simm.s32 $0x1BFF;
	s21 =	sshll.u32 s5, $0x1;
	s2 =	sadd.s32 s19, s18  }
0x9c: {  	s6 =	simm.s32 $0x0;
	s20 =	sshll.u32 s4, $0x1;
	s4 =	sadd.s32 s21, s2  }
0x9d: {  	[timem:s6], [sflag:s22] =	dma.local [hbm:s4], s20  }
0x9e: {  	_ =	swait.ge [sflag:s22], s20  }
0x9f: {  	s3 =	ssub.s32 $0x0, s20;
	[sflag:s22] =	ssyncset.done $0x0  }
0xa0: {  	[sflag:s22] =	ssyncadd.s32 s3;
	_ =	sdelay $0x1  }
0xa1: {  	s23 =	simm.s32 $0x1B8B  }
0xa2: {  	_ =	swait.ge [sflag:s23], $0x1  }
0xa3: {  	[sflag:s23] =	ssyncset.done $0x0  }
0xa4: {  	s25 =	simm.s32 $0x1B8E;
	s24 =	sld [smem:$0x3FFE];
	[sflag:s23] =	ssyncadd.s32 $0xFFFFFFFF  }
0xa5: {  	s26 =	simm.s32 $execute0_lowered;
	[smem:$0x3FD2] =	sst s25  }
0xa6: {  	s4 =	sshll.u32 s26, $0x1;
	_ =	strace $0x80000049;
	[dreg:$0x1] =	wrdreg $0xFFFFFFFF  }
0xa7: {  	s28 =	simm.s32 $_size_execute0_lowered;
	s2 =	sadd.s32 s2, s4;
	[dreg:$0x0] =	wrdreg $0x0  }
0xa8: {  	s4 =	sshll.u32 s28, $0x1;
	[dreg:$0x2] =	wrdreg s2  }
0xa9: {  	[dreg:$0x3] =	wrdreg s4  }
0xaa: {  	[dreg:$0x4] =	wrdreg $0xC0  }
0xab: {  	_ =	task [dreg:s6], $0x5FFFF  }
0xac: {  	[dreg:$0x1] =	wrdreg $0xFFFFFFFF  }
0xad: {  	[dreg:$0x0] =	wrdreg $0x60  }
0xae: {  	[dreg:$0x2] =	wrdreg s24  }
0xaf: {  	[dreg:$0x3] =	wrdreg $0x18700  }
0xb0: {  	[dreg:$0x4] =	wrdreg $0x0  }
0xb1: {  	[dreg:$0x5] =	wrdreg $0x9  }
0xb2: {  	_ =	task.clear_ibuf [dreg:s6], $0x6FFFF;
	_ =	strace $0x90000049  }
0xb3: {  	s29 =	simm.s32 $0x9;
	_ =	strace $0x8000004B  }
0xb4: {  	_ =	swait.ge [sflag:s29], $0x1  }
0xb5: {  	[sflag:s29] =	ssyncadd.s32 $0xFFFFFFFF  }
0xb6: {  	_ =	strace $0x9000004B  }
0xb7: {  	_ =	sfence  }
0xb8: {  	s30 =	sld [smem:$0x0];
	_ =	sdelay $0x2  }
0xb9: {  	s31 =	sshll.u32 s1, $0xD;
	s1 =	sshrl.u32 s1, $0x2  }
0xba: {  	s3 =	sand.u32 $0x4000, s31;
	s1 =	sadd.s32 s1, s30  }
0xbb: {  	s0 =	sor.u32 s3, s0;
	s1 =	sshll.u32 s1, $0x11  }
0xbc: {  	s0 =	sor.u32 s1, s0  }
0xbd: {  	s0 =	sadd.s32 $0x8F2B, s0  }
0xbe: {  	[sflag:s0] =	ssyncadd.remote.s32 $0x1  }
0xbf: {  	_ =	sfence.sel $0xFFFF  }
0xc0: {  	[dreg:$0x0] =	wrdreg $0xFFFFFFFF;
	(pc) =	sbr.abs _section_cstart, $3  }
0xc1: {  	[dreg:$0x1] =	wrdreg $0xFFFFFFFF  }
0xc2: {  	_ =	task.clear_ibuf [dreg:s6], $0x2FFFF;
	_ =	strace $0x9FFFFFFF  }
0xc3: {  	(tm) =	ssettm $0x7FFFFFFF  }
tec
execute0_lowered:
.L_overlay_start_1:
0x0: {  	(tag) =	ssettag $0x1  }
0x1: {  	s0 =	rddreg [dreg:$0x0]  }
0x2: {  	s1 =	rddreg [dreg:$0x1]  }
0x3: {  	s2 =	rddreg [dreg:$0x2];
	s3 =	srdreg.scid  }
0x4: {  	s4 =	simm.s32 $0x0;
	s11 =	stileid.u32;
	s13 =	simm.s32 $0x4F60  }
0x5: {  	s21 =	simm.s32 $0x30E0;
	s14 =	simm.s32 $0x4FE0;
	s23 =	simm.s32 $0x2  }
0x6: {  	s15 =	simm.s32 $0x5060;
	s16 =	simm.s32 $0x50E0;
	s17 =	simm.s32 $0x5560  }
0x7: {  	s18 =	simm.s32 $0x55E0;
	s20 =	simm.s32 $0x5660;
	s22 =	simm.s32 $0x56E0  }
0x8: {  	s29 =	simm.s32 $0x5BE0;
	s31 =	simm.s32 $0x5C60;
	[smem:$0x7FF] =	sst s4  }
0x9: {  	s28 =	simm.s32 $0x0;
	_ =	strace $0x8000004A;
	[dreg:$0xa] =	wrdreg s13  }
0xa: {  	s3 =	sand.u32 $0x1, s3;
	s6 =	smul.u32 $0x1870, s11;
	[dreg:$0xb] =	wrdreg s14  }
0xb: {  	s12 =	sadd.s32 $0x35A00, s0;
	s5 =	sshll.u32 s3, $0x4;
	[dreg:$0xc] =	wrdreg s15  }
0xc: {  	s8 =	ssub.s32 $0x2, s3;
	s9 =	smul.u32 $0xC4000, s3;
	[dreg:$0xd] =	wrdreg s16  }
0xd: {  	p0 =	seq.s32 s3, $0x1;
	s3 =	simm.s32 $0x6CE00;
	[dreg:$0xe] =	wrdreg s17  }
0xe: {  	s14 =	simm.s32 $0x4960;
	s15 =	simm.s32 $0x5160;
	[dreg:$0xf] =	wrdreg s18  }
0xf: {  	s16 =	simm.s32 $0x1;
	s17 =	simm.s32 $0x80;
	[dreg:$0x10] =	wrdreg s20  }
0x10: {  	s18 =	simm.s32 $0x5960;
	[dreg:$0x11] =	wrdreg s22;
	s20 =	simm.s32 $0x59E0  }
0x11: {  	s22 =	simm.s32 $0x5A60;
	s13 =	simm.s32 $0x0;
	s5 =	sor.u32 s11, s5  }
0x12: {  	s7 =	sshrl.u32 s6, $0x3;
	s10 =	sshrl.u32 s8, $0x1;
	s11 =	smul.u32 $0xC400, s11  }
0x13: {  	s25 =	sadd.s32 s6, s1;
	s19 =	sadd.s32 s6, s2;
	s6 =	simm.s32 $0x4D60  }
0x14: {  	s3 =	simm.s32 @!p0 $0x69C00;
	s5 =	smul.u32 $0xC400, s5;
	[dreg:$0x17] =	wrdreg s25  }
0x15: {  	s7 =	sadd.s32 s7, s0;
	s0 =	sadd.s32 $0x4A00, s0;
	[dreg:$0x6] =	wrdreg s6  }
0x16: {  	s8 =	ssub.s32 s8, s10;
	s10 =	simm.s32 $0x4DE0;
	[dreg:$0x18] =	wrdreg s19  }
0x17: {  	s25 =	simm.s32 $0x57E0;
	s6 =	simm.s32 $0x5DE0;
	[dreg:$0x7] =	wrdreg s10  }
0x18: {  	s24 =	sadd.s32 $0x66A00, s7;
	s9 =	sadd.s32 s11, s9;
	[dreg:$0x13] =	wrdreg s25  }
0x19: {  	s11 =	simm.s32 $0x4E60;
	s3 =	sadd.s32 s3, s7;
	[dreg:$0x16] =	wrdreg s24  }
0x1a: {  	s10 =	simm.s32 $0x5F60;
	s5 =	sshrl.u32 s5, $0x3;
	[dreg:$0x8] =	wrdreg s11  }
0x1b: {  	s9 =	sshrl.u32 s9, $0x3;
	[dreg:$0x1c] =	wrdreg s3;
	s24 =	simm.s32 $0x5760  }
0x1c: {  	s5 =	sadd.s32 $0x1800, s5;
	s30 =	sadd.s32 s9, s0;
	[dreg:$0x12] =	wrdreg s24  }
0x1d: {  	s7 =	simm.s32 $0x6060;
	s26 =	sadd.s32 s12, s5;
	[dreg:$0x4] =	wrdreg s30  }
0x1e: {  	s3 =	simm.s32 $0x5CE0;
	s0 =	sadd.s32 s0, s5;
	[dreg:$0x19] =	wrdreg s26  }
0x1f: {  	s11 =	simm.s32 $0x5FE0;
	s5 =	sadd.s32 s9, s12;
	[dreg:$0x1a] =	wrdreg s0  }
0x20: {  	s24 =	simm.s32 $0x5AE0;
	s9 =	smax.u32 s8, $0x1;
	[dreg:$0x5] =	wrdreg s5  }
0x21: {  	s12 =	simm.s32 $0x4EE0;
	s30 =	simm.s32 $0x58E0;
	[dreg:$0x1b] =	wrdreg s9  }
0x22: {  	s8 =	simm.s32 $0x5E60;
	[dreg:$0x9] =	wrdreg s12;
	s26 =	simm.s32 $0x5860  }
0x23: {  	[dreg:$0x15] =	wrdreg s30;
	s5 =	simm.s32 $0x5D60;
	s9 =	simm.s32 $0x5EE0  }
0x24: {  	v0 =	vimm.f32 $0.0e+00;
	s12 =	simm.s32 $0x60E0;
	[dreg:$0x14] =	wrdreg s26;
	s26 =	simm.s32 $0x5B60  }
.LBB2_1:
0x25: {  	[dreg:$0x1d] =	wrdreg s13  }
0x26: {  	s0 =	rddreg [dreg:$0x16]  }
0x27: {  	[tilespmem:s21], [sflag:$0x2] =	stream.linear.gather [hbm4b:s0+s4], $0x1870, $0x38;
	[tilespmem:$0x6160] =	vst v63  }
0x28: {  	_ =	swait.ge [sflag:s23], $0x1870  }
0x29: {  	[sflag:s23] =	ssyncset.done $0x0  }
0x2a: {  	s30 =	rddreg [dreg:$0x17];
	[sflag:s23] =	ssyncadd.s32 $0xFFFFE790  }
0x2b: {  	[spmem:s30] =	stream.linear.scatter [tilespmem:s21], [sflag:$0x2], $0x1870, $0x38;
	[tilespmem:$0x6160] =	vst v63  }
0x2c: {  	_ =	swait.ge [sflag:s23], $0x1870  }
0x2d: {  	[sflag:s23] =	ssyncset.done $0x0  }
0x2e: {  	s13 =	simm.s32 $0x0;
	s0 =	simm.s32 $0x40;
	[sflag:s23] =	ssyncadd.s32 $0xFFFFE790  }
.LBB2_2:
0x2f: {  	p0 =	sne.s32 s0, $0x6180;
	[tilespmem:s13+$0x30E0] =	vst v0;
	s13 =	smov.u32 s0;
	s0 =	sadd.s32 $0x40, s0  }
.Ltmp0:
0x30: {  	(pc) =	sbr.rel @p0 .LBB2_2-.Ltmp0, $2  }
0x31: {  	_ =	sdelay $0x2  }
0x32: {  	s13 =	sshra.s32 s13, $0x2  }
0x33: {  	[tilespmem:s13+$0x30E0] =	vst v0  }
0x34: {  	[spmem:s19] =	stream.linear.scatter [tilespmem:s21], [sflag:$0x2], $0x1870, $0x38;
	[tilespmem:$0x6160] =	vst v63  }
0x35: {  	_ =	swait.ge [sflag:s23], $0x1870  }
0x36: {  	[sflag:s23] =	ssyncset.done $0x0  }
0x37: {  	[sflag:s23] =	ssyncadd.s32 $0xFFFFE790  }
0x38: {  	[bflag:$0x0] =	sbarrier.arrive $0xFFFF  }
0x39: {  	s0 =	rddreg [dreg:$0x5]  }
0x3a: {  	s25 =	rddreg [dreg:$0x4];
	s0 =	sadd.s32 $0x0, s0  }
0x3b: {  	[tilespmem:s14], [sflag:$0x1] =	stream.linear.gather [hbm4b:s0+s4], $0x800, $0x38;
	[tilespmem:$0x6160] =	vst v63  }
0x3c: {  	s19 =	sadd.s32 $0x0, s25  }
0x3d: {  	[tilespmem:s15], [sflag:$0x1] =	stream.linear.gather [hbm4b:s19+s4], $0x800, $0x38;
	[tilespmem:$0x6160] =	vst v63  }
0x3e: {  	_ =	swait.ge [sflag:s16], $0x800  }
0x3f: {  	[sflag:s16] =	ssyncset.done $0x0  }
0x40: {  	[sflag:s16] =	ssyncadd.s32 $0xFFFFF800  }
0x41: {  	_ =	swait.ge [sflag:s16], $0x800  }
0x42: {  	[sflag:s16] =	ssyncset.done $0x0  }
0x43: {  	[sflag:s16] =	ssyncadd.s32 $0xFFFFF800  }
0x44: {  	[tilespmem:s18], [sflag:$0x1] =	stream.indirect.gather [spmem:s1], $0x1, s14, s17, $0xb8;
	[tilespmem:$0x6160] =	vst v63  }
0x45: {  	s21 =	simm.s32 $0x49E0  }
0x46: {  	[tilespmem:s20], [sflag:$0x1] =	stream.indirect.gather [spmem:s1], $0x1, s21, s17, $0xb8;
	[tilespmem:$0x6160] =	vst v63  }
0x47: {  	s23 =	simm.s32 $0x4A60  }
0x48: {  	[tilespmem:s22], [sflag:$0x1] =	stream.indirect.gather [spmem:s1], $0x1, s23, s17, $0xb8;
	[tilespmem:$0x6160] =	vst v63  }
0x49: {  	s25 =	simm.s32 $0x4AE0  }
0x4a: {  	[tilespmem:s24], [sflag:$0x1] =	stream.indirect.gather [spmem:s1], $0x1, s25, s17, $0xb8;
	[tilespmem:$0x6160] =	vst v63  }
0x4b: {  	s4 =	simm.s32 $0x4B60  }
0x4c: {  	[tilespmem:s26], [sflag:$0x1] =	stream.indirect.gather [spmem:s1], $0x1, s4, s17, $0xb8;
	[tilespmem:$0x6160] =	vst v63  }
0x4d: {  	s13 =	simm.s32 $0x4BE0  }
0x4e: {  	[tilespmem:s29], [sflag:$0x1] =	stream.indirect.gather [spmem:s1], $0x1, s13, s17, $0xb8;
	[tilespmem:$0x6160] =	vst v63  }
0x4f: {  	s19 =	simm.s32 $0x4C60  }
0x50: {  	[tilespmem:s31], [sflag:$0x1] =	stream.indirect.gather [spmem:s1], $0x1, s19, s17, $0xb8;
	[tilespmem:$0x6160] =	vst v63  }
0x51: {  	s23 =	simm.s32 $0x4CE0  }
0x52: {  	[tilespmem:s3], [sflag:$0x1] =	stream.indirect.gather [spmem:s1], $0x1, s23, s17, $0xb8;
	[tilespmem:$0x6160] =	vst v63  }
0x53: {  	s21 =	rddreg [dreg:$0x6]  }
0x54: {  	[tilespmem:s5], [sflag:$0x1] =	stream.indirect.gather [spmem:s1], $0x1, s21, s17, $0xb8;
	[tilespmem:$0x6160] =	vst v63  }
0x55: {  	s25 =	rddreg [dreg:$0x7]  }
0x56: {  	[tilespmem:s6], [sflag:$0x1] =	stream.indirect.gather [spmem:s1], $0x1, s25, s17, $0xb8;
	[tilespmem:$0x6160] =	vst v63  }
0x57: {  	s4 =	rddreg [dreg:$0x8]  }
0x58: {  	[tilespmem:s8], [sflag:$0x1] =	stream.indirect.gather [spmem:s1], $0x1, s4, s17, $0xb8;
	[tilespmem:$0x6160] =	vst v63  }
0x59: {  	s19 =	rddreg [dreg:$0x9]  }
0x5a: {  	[tilespmem:s9], [sflag:$0x1] =	stream.indirect.gather [spmem:s1], $0x1, s19, s17, $0xb8;
	[tilespmem:$0x6160] =	vst v63  }
0x5b: {  	s21 =	rddreg [dreg:$0xa]  }
0x5c: {  	[tilespmem:s10], [sflag:$0x1] =	stream.indirect.gather [spmem:s1], $0x1, s21, s17, $0xb8;
	[tilespmem:$0x6160] =	vst v63  }
0x5d: {  	s23 =	rddreg [dreg:$0xb]  }
0x5e: {  	[tilespmem:s11], [sflag:$0x1] =	stream.indirect.gather [spmem:s1], $0x1, s23, s17, $0xb8;
	[tilespmem:$0x6160] =	vst v63  }
0x5f: {  	s25 =	rddreg [dreg:$0xc]  }
0x60: {  	[tilespmem:s7], [sflag:$0x1] =	stream.indirect.gather [spmem:s1], $0x1, s25, s17, $0xb8;
	[tilespmem:$0x6160] =	vst v63  }
0x61: {  	s4 =	rddreg [dreg:$0xd]  }
0x62: {  	[tilespmem:s12], [sflag:$0x1] =	stream.indirect.gather [spmem:s1], $0x1, s4, s17, $0xb8;
	[tilespmem:$0x6160] =	vst v63  }
0x63: {  	_ =	swait.ge [sflag:s16], $0x80  }
0x64: {  	[sflag:s16] =	ssyncset.done $0x0  }
0x65: {  	[sflag:s16] =	ssyncadd.s32 $0xFFFFFF80  }
0x66: {  	_ =	swait.ge [sflag:s16], $0x80  }
0x67: {  	[sflag:s16] =	ssyncset.done $0x0  }
0x68: {  	[sflag:s16] =	ssyncadd.s32 $0xFFFFFF80  }
0x69: {  	_ =	swait.ge [sflag:s16], $0x80  }
0x6a: {  	[sflag:s16] =	ssyncset.done $0x0  }
0x6b: {  	[sflag:s16] =	ssyncadd.s32 $0xFFFFFF80  }
0x6c: {  	_ =	swait.ge [sflag:s16], $0x80  }
0x6d: {  	[sflag:s16] =	ssyncset.done $0x0  }
0x6e: {  	[sflag:s16] =	ssyncadd.s32 $0xFFFFFF80  }
0x6f: {  	_ =	swait.ge [sflag:s16], $0x80  }
0x70: {  	[sflag:s16] =	ssyncset.done $0x0  }
0x71: {  	[sflag:s16] =	ssyncadd.s32 $0xFFFFFF80  }
0x72: {  	_ =	swait.ge [sflag:s16], $0x80  }
0x73: {  	[sflag:s16] =	ssyncset.done $0x0  }
0x74: {  	[sflag:s16] =	ssyncadd.s32 $0xFFFFFF80  }
0x75: {  	_ =	swait.ge [sflag:s16], $0x80  }
0x76: {  	[sflag:s16] =	ssyncset.done $0x0  }
0x77: {  	[sflag:s16] =	ssyncadd.s32 $0xFFFFFF80  }
0x78: {  	_ =	swait.ge [sflag:s16], $0x80  }
0x79: {  	[sflag:s16] =	ssyncset.done $0x0  }
0x7a: {  	[sflag:s16] =	ssyncadd.s32 $0xFFFFFF80  }
0x7b: {  	_ =	swait.ge [sflag:s16], $0x80  }
0x7c: {  	[sflag:s16] =	ssyncset.done $0x0  }
0x7d: {  	[sflag:s16] =	ssyncadd.s32 $0xFFFFFF80  }
0x7e: {  	_ =	swait.ge [sflag:s16], $0x80  }
0x7f: {  	[sflag:s16] =	ssyncset.done $0x0  }
0x80: {  	[sflag:s16] =	ssyncadd.s32 $0xFFFFFF80  }
0x81: {  	_ =	swait.ge [sflag:s16], $0x80  }
0x82: {  	[sflag:s16] =	ssyncset.done $0x0  }
0x83: {  	[sflag:s16] =	ssyncadd.s32 $0xFFFFFF80  }
0x84: {  	_ =	swait.ge [sflag:s16], $0x80  }
0x85: {  	[sflag:s16] =	ssyncset.done $0x0  }
0x86: {  	[sflag:s16] =	ssyncadd.s32 $0xFFFFFF80  }
0x87: {  	_ =	swait.ge [sflag:s16], $0x80  }
0x88: {  	[sflag:s16] =	ssyncset.done $0x0  }
0x89: {  	[sflag:s16] =	ssyncadd.s32 $0xFFFFFF80  }
0x8a: {  	_ =	swait.ge [sflag:s16], $0x80  }
0x8b: {  	[sflag:s16] =	ssyncset.done $0x0  }
0x8c: {  	[sflag:s16] =	ssyncadd.s32 $0xFFFFFF80  }
0x8d: {  	_ =	swait.ge [sflag:s16], $0x80  }
0x8e: {  	[sflag:s16] =	ssyncset.done $0x0  }
0x8f: {  	[sflag:s16] =	ssyncadd.s32 $0xFFFFFF80  }
0x90: {  	_ =	swait.ge [sflag:s16], $0x80  }
0x91: {  	[sflag:s16] =	ssyncset.done $0x0  }
0x92: {  	[sflag:s16] =	ssyncadd.s32 $0xFFFFFF80  }
0x93: {  	[spmem:s2] =	stream.indirect.scatter.add.f32 [tilespmem:s18], [sflag:$0x1], $0x1, s15, s17, $0xb8;
	[tilespmem:$0x6160] =	vst v63  }
0x94: {  	s19 =	simm.s32 $0x51E0  }
0x95: {  	[spmem:s2] =	stream.indirect.scatter.add.f32 [tilespmem:s20], [sflag:$0x1], $0x1, s19, s17, $0xb8;
	[tilespmem:$0x6160] =	vst v63  }
0x96: {  	s21 =	simm.s32 $0x5260  }
0x97: {  	[spmem:s2] =	stream.indirect.scatter.add.f32 [tilespmem:s22], [sflag:$0x1], $0x1, s21, s17, $0xb8;
	[tilespmem:$0x6160] =	vst v63  }
0x98: {  	s23 =	simm.s32 $0x52E0  }
0x99: {  	[spmem:s2] =	stream.indirect.scatter.add.f32 [tilespmem:s24], [sflag:$0x1], $0x1, s23, s17, $0xb8;
	[tilespmem:$0x6160] =	vst v63  }
0x9a: {  	s25 =	simm.s32 $0x5360  }
0x9b: {  	[spmem:s2] =	stream.indirect.scatter.add.f32 [tilespmem:s26], [sflag:$0x1], $0x1, s25, s17, $0xb8;
	[tilespmem:$0x6160] =	vst v63  }
0x9c: {  	s4 =	simm.s32 $0x53E0  }
0x9d: {  	[spmem:s2] =	stream.indirect.scatter.add.f32 [tilespmem:s29], [sflag:$0x1], $0x1, s4, s17, $0xb8;
	[tilespmem:$0x6160] =	vst v63  }
0x9e: {  	s13 =	simm.s32 $0x5460  }
0x9f: {  	[spmem:s2] =	stream.indirect.scatter.add.f32 [tilespmem:s31], [sflag:$0x1], $0x1, s13, s17, $0xb8;
	[tilespmem:$0x6160] =	vst v63  }
0xa0: {  	s21 =	simm.s32 $0x54E0  }
0xa1: {  	[spmem:s2] =	stream.indirect.scatter.add.f32 [tilespmem:s3], [sflag:$0x1], $0x1, s21, s17, $0xb8;
	[tilespmem:$0x6160] =	vst v63  }
0xa2: {  	s19 =	rddreg [dreg:$0xe]  }
0xa3: {  	[spmem:s2] =	stream.indirect.scatter.add.f32 [tilespmem:s5], [sflag:$0x1], $0x1, s19, s17, $0xb8;
	[tilespmem:$0x6160] =	vst v63  }
0xa4: {  	s23 =	rddreg [dreg:$0xf]  }
0xa5: {  	[spmem:s2] =	stream.indirect.scatter.add.f32 [tilespmem:s6], [sflag:$0x1], $0x1, s23, s17, $0xb8;
	[tilespmem:$0x6160] =	vst v63  }
0xa6: {  	s19 =	rddreg [dreg:$0x10]  }
0xa7: {  	[spmem:s2] =	stream.indirect.scatter.add.f32 [tilespmem:s8], [sflag:$0x1], $0x1, s19, s17, $0xb8;
	[tilespmem:$0x6160] =	vst v63  }
0xa8: {  	s21 =	rddreg [dreg:$0x11]  }
0xa9: {  	[spmem:s2] =	stream.indirect.scatter.add.f32 [tilespmem:s9], [sflag:$0x1], $0x1, s21, s17, $0xb8;
	[tilespmem:$0x6160] =	vst v63  }
0xaa: {  	s23 =	rddreg [dreg:$0x12]  }
0xab: {  	[spmem:s2] =	stream.indirect.scatter.add.f32 [tilespmem:s10], [sflag:$0x1], $0x1, s23, s17, $0xb8;
	[tilespmem:$0x6160] =	vst v63  }
0xac: {  	s19 =	rddreg [dreg:$0x13]  }
0xad: {  	[spmem:s2] =	stream.indirect.scatter.add.f32 [tilespmem:s11], [sflag:$0x1], $0x1, s19, s17, $0xb8;
	[tilespmem:$0x6160] =	vst v63  }
0xae: {  	s21 =	rddreg [dreg:$0x14]  }
0xaf: {  	[spmem:s2] =	stream.indirect.scatter.add.f32 [tilespmem:s7], [sflag:$0x1], $0x1, s21, s17, $0xb8;
	[tilespmem:$0x6160] =	vst v63  }
0xb0: {  	s23 =	rddreg [dreg:$0x15]  }
0xb1: {  	[spmem:s2] =	stream.indirect.scatter.add.f32 [tilespmem:s12], [sflag:$0x1], $0x1, s23, s17, $0xb8;
	[tilespmem:$0x6160] =	vst v63  }
0xb2: {  	_ =	swait.ge [sflag:s16], $0x80  }
0xb3: {  	[sflag:s16] =	ssyncset.done $0x0  }
0xb4: {  	[sflag:s16] =	ssyncadd.s32 $0xFFFFFF80  }
0xb5: {  	_ =	swait.ge [sflag:s16], $0x80  }
0xb6: {  	[sflag:s16] =	ssyncset.done $0x0  }
0xb7: {  	[sflag:s16] =	ssyncadd.s32 $0xFFFFFF80  }
0xb8: {  	_ =	swait.ge [sflag:s16], $0x80  }
0xb9: {  	[sflag:s16] =	ssyncset.done $0x0  }
0xba: {  	[sflag:s16] =	ssyncadd.s32 $0xFFFFFF80  }
0xbb: {  	_ =	swait.ge [sflag:s16], $0x80  }
0xbc: {  	[sflag:s16] =	ssyncset.done $0x0  }
0xbd: {  	[sflag:s16] =	ssyncadd.s32 $0xFFFFFF80  }
0xbe: {  	_ =	swait.ge [sflag:s16], $0x80  }
0xbf: {  	[sflag:s16] =	ssyncset.done $0x0  }
0xc0: {  	[sflag:s16] =	ssyncadd.s32 $0xFFFFFF80  }
0xc1: {  	_ =	swait.ge [sflag:s16], $0x80  }
0xc2: {  	[sflag:s16] =	ssyncset.done $0x0  }
0xc3: {  	[sflag:s16] =	ssyncadd.s32 $0xFFFFFF80  }
0xc4: {  	_ =	swait.ge [sflag:s16], $0x80  }
0xc5: {  	[sflag:s16] =	ssyncset.done $0x0  }
0xc6: {  	[sflag:s16] =	ssyncadd.s32 $0xFFFFFF80  }
0xc7: {  	_ =	swait.ge [sflag:s16], $0x80  }
0xc8: {  	[sflag:s16] =	ssyncset.done $0x0  }
0xc9: {  	[sflag:s16] =	ssyncadd.s32 $0xFFFFFF80  }
0xca: {  	_ =	swait.ge [sflag:s16], $0x80  }
0xcb: {  	[sflag:s16] =	ssyncset.done $0x0  }
0xcc: {  	[sflag:s16] =	ssyncadd.s32 $0xFFFFFF80  }
0xcd: {  	_ =	swait.ge [sflag:s16], $0x80  }
0xce: {  	[sflag:s16] =	ssyncset.done $0x0  }
0xcf: {  	[sflag:s16] =	ssyncadd.s32 $0xFFFFFF80  }
0xd0: {  	_ =	swait.ge [sflag:s16], $0x80  }
0xd1: {  	[sflag:s16] =	ssyncset.done $0x0  }
0xd2: {  	[sflag:s16] =	ssyncadd.s32 $0xFFFFFF80  }
0xd3: {  	_ =	swait.ge [sflag:s16], $0x80  }
0xd4: {  	[sflag:s16] =	ssyncset.done $0x0  }
0xd5: {  	[sflag:s16] =	ssyncadd.s32 $0xFFFFFF80  }
0xd6: {  	_ =	swait.ge [sflag:s16], $0x80  }
0xd7: {  	[sflag:s16] =	ssyncset.done $0x0  }
0xd8: {  	[sflag:s16] =	ssyncadd.s32 $0xFFFFFF80  }
0xd9: {  	_ =	swait.ge [sflag:s16], $0x80  }
0xda: {  	[sflag:s16] =	ssyncset.done $0x0  }
0xdb: {  	[sflag:s16] =	ssyncadd.s32 $0xFFFFFF80  }
0xdc: {  	_ =	swait.ge [sflag:s16], $0x80  }
0xdd: {  	[sflag:s16] =	ssyncset.done $0x0  }
0xde: {  	s30 =	simm.s32 $0x53E0;
	s0 =	simm.s32 $0x100;
	[sflag:s16] =	ssyncadd.s32 $0xFFFFFF80  }
0xdf: {  	s25 =	simm.s32 $0x5460;
	s4 =	simm.s32 $0x54E0;
	_ =	swait.ge [sflag:s16], $0x80  }
0xe0: {  	s13 =	simm.s32 $0x200;
	s19 =	rddreg [dreg:$0x5];
	[sflag:s16] =	ssyncset.done $0x0  }
.LBB2_4:
0xe1: {  	[sflag:s16] =	ssyncadd.s32 $0xFFFFFF80;
	s23 =	rddreg [dreg:$0x4];
	s19 =	sadd.s32 s0, s19  }
0xe2: {  	[tilespmem:s14], [sflag:$0x1] =	stream.linear.gather [hbm4b:s19+s28], $0x800, $0x38;
	[tilespmem:$0x6160] =	vst v63  }
0xe3: {  	s19 =	sadd.s32 s0, s23  }
0xe4: {  	[tilespmem:s15], [sflag:$0x1] =	stream.linear.gather [hbm4b:s19+s28], $0x800, $0x38;
	[tilespmem:$0x6160] =	vst v63  }
0xe5: {  	_ =	swait.ge [sflag:s16], $0x800  }
0xe6: {  	[sflag:s16] =	ssyncset.done $0x0  }
0xe7: {  	[sflag:s16] =	ssyncadd.s32 $0xFFFFF800  }
0xe8: {  	_ =	swait.ge [sflag:s16], $0x800  }
0xe9: {  	[sflag:s16] =	ssyncset.done $0x0  }
0xea: {  	[sflag:s16] =	ssyncadd.s32 $0xFFFFF800  }
0xeb: {  	[tilespmem:s18], [sflag:$0x1] =	stream.indirect.gather [spmem:s1], $0x1, s14, s17, $0xb8;
	[tilespmem:$0x6160] =	vst v63  }
0xec: {  	s21 =	smov.u32 s13;
	s23 =	simm.s32 $0x49E0  }
0xed: {  	[tilespmem:s20], [sflag:$0x1] =	stream.indirect.gather [spmem:s1], $0x1, s23, s17, $0xb8;
	[tilespmem:$0x6160] =	vst v63  }
0xee: {  	s0 =	smov.u32 s21;
	s21 =	simm.s32 $0x4A60  }
0xef: {  	[tilespmem:s22], [sflag:$0x1] =	stream.indirect.gather [spmem:s1], $0x1, s21, s17, $0xb8;
	[tilespmem:$0x6160] =	vst v63  }
0xf0: {  	s21 =	simm.s32 $0x4AE0  }
0xf1: {  	[tilespmem:s24], [sflag:$0x1] =	stream.indirect.gather [spmem:s1], $0x1, s21, s17, $0xb8;
	[tilespmem:$0x6160] =	vst v63  }
0xf2: {  	s21 =	simm.s32 $0x4B60  }
0xf3: {  	[tilespmem:s26], [sflag:$0x1] =	stream.indirect.gather [spmem:s1], $0x1, s21, s17, $0xb8;
	[tilespmem:$0x6160] =	vst v63  }
0xf4: {  	s21 =	simm.s32 $0x4BE0  }
0xf5: {  	[tilespmem:s29], [sflag:$0x1] =	stream.indirect.gather [spmem:s1], $0x1, s21, s17, $0xb8;
	[tilespmem:$0x6160] =	vst v63  }
0xf6: {  	s21 =	simm.s32 $0x4C60  }
0xf7: {  	[tilespmem:s31], [sflag:$0x1] =	stream.indirect.gather [spmem:s1], $0x1, s21, s17, $0xb8;
	[tilespmem:$0x6160] =	vst v63  }
0xf8: {  	s21 =	simm.s32 $0x4CE0  }
0xf9: {  	[tilespmem:s3], [sflag:$0x1] =	stream.indirect.gather [spmem:s1], $0x1, s21, s17, $0xb8;
	[tilespmem:$0x6160] =	vst v63  }
0xfa: {  	s19 =	rddreg [dreg:$0x6]  }
0xfb: {  	[tilespmem:s5], [sflag:$0x1] =	stream.indirect.gather [spmem:s1], $0x1, s19, s17, $0xb8;
	[tilespmem:$0x6160] =	vst v63  }
0xfc: {  	s21 =	rddreg [dreg:$0x7]  }
0xfd: {  	[tilespmem:s6], [sflag:$0x1] =	stream.indirect.gather [spmem:s1], $0x1, s21, s17, $0xb8;
	[tilespmem:$0x6160] =	vst v63  }
0xfe: {  	s19 =	rddreg [dreg:$0x8]  }
0xff: {  	[tilespmem:s8], [sflag:$0x1] =	stream.indirect.gather [spmem:s1], $0x1, s19, s17, $0xb8;
	[tilespmem:$0x6160] =	vst v63  }
0x100: {  	s21 =	rddreg [dreg:$0x9]  }
0x101: {  	[tilespmem:s9], [sflag:$0x1] =	stream.indirect.gather [spmem:s1], $0x1, s21, s17, $0xb8;
	[tilespmem:$0x6160] =	vst v63  }
0x102: {  	s19 =	rddreg [dreg:$0xa]  }
0x103: {  	[tilespmem:s10], [sflag:$0x1] =	stream.indirect.gather [spmem:s1], $0x1, s19, s17, $0xb8;
	[tilespmem:$0x6160] =	vst v63  }
0x104: {  	s21 =	rddreg [dreg:$0xb]  }
0x105: {  	[tilespmem:s11], [sflag:$0x1] =	stream.indirect.gather [spmem:s1], $0x1, s21, s17, $0xb8;
	[tilespmem:$0x6160] =	vst v63  }
0x106: {  	s19 =	rddreg [dreg:$0xc]  }
0x107: {  	[tilespmem:s7], [sflag:$0x1] =	stream.indirect.gather [spmem:s1], $0x1, s19, s17, $0xb8;
	[tilespmem:$0x6160] =	vst v63  }
0x108: {  	s21 =	rddreg [dreg:$0xd]  }
0x109: {  	[tilespmem:s12], [sflag:$0x1] =	stream.indirect.gather [spmem:s1], $0x1, s21, s17, $0xb8;
	[tilespmem:$0x6160] =	vst v63  }
0x10a: {  	_ =	swait.ge [sflag:s16], $0x80  }
0x10b: {  	[sflag:s16] =	ssyncset.done $0x0  }
0x10c: {  	[sflag:s16] =	ssyncadd.s32 $0xFFFFFF80  }
0x10d: {  	_ =	swait.ge [sflag:s16], $0x80  }
0x10e: {  	[sflag:s16] =	ssyncset.done $0x0  }
0x10f: {  	[sflag:s16] =	ssyncadd.s32 $0xFFFFFF80  }
0x110: {  	_ =	swait.ge [sflag:s16], $0x80  }
0x111: {  	[sflag:s16] =	ssyncset.done $0x0  }
0x112: {  	[sflag:s16] =	ssyncadd.s32 $0xFFFFFF80  }
0x113: {  	_ =	swait.ge [sflag:s16], $0x80  }
0x114: {  	[sflag:s16] =	ssyncset.done $0x0  }
0x115: {  	[sflag:s16] =	ssyncadd.s32 $0xFFFFFF80  }
0x116: {  	_ =	swait.ge [sflag:s16], $0x80  }
0x117: {  	[sflag:s16] =	ssyncset.done $0x0  }
0x118: {  	[sflag:s16] =	ssyncadd.s32 $0xFFFFFF80  }
0x119: {  	_ =	swait.ge [sflag:s16], $0x80  }
0x11a: {  	[sflag:s16] =	ssyncset.done $0x0  }
0x11b: {  	[sflag:s16] =	ssyncadd.s32 $0xFFFFFF80  }
0x11c: {  	_ =	swait.ge [sflag:s16], $0x80  }
0x11d: {  	[sflag:s16] =	ssyncset.done $0x0  }
0x11e: {  	[sflag:s16] =	ssyncadd.s32 $0xFFFFFF80  }
0x11f: {  	_ =	swait.ge [sflag:s16], $0x80  }
0x120: {  	[sflag:s16] =	ssyncset.done $0x0  }
0x121: {  	[sflag:s16] =	ssyncadd.s32 $0xFFFFFF80  }
0x122: {  	_ =	swait.ge [sflag:s16], $0x80  }
0x123: {  	[sflag:s16] =	ssyncset.done $0x0  }
0x124: {  	[sflag:s16] =	ssyncadd.s32 $0xFFFFFF80  }
0x125: {  	_ =	swait.ge [sflag:s16], $0x80  }
0x126: {  	[sflag:s16] =	ssyncset.done $0x0  }
0x127: {  	[sflag:s16] =	ssyncadd.s32 $0xFFFFFF80  }
0x128: {  	_ =	swait.ge [sflag:s16], $0x80  }
0x129: {  	[sflag:s16] =	ssyncset.done $0x0  }
0x12a: {  	[sflag:s16] =	ssyncadd.s32 $0xFFFFFF80  }
0x12b: {  	_ =	swait.ge [sflag:s16], $0x80  }
0x12c: {  	[sflag:s16] =	ssyncset.done $0x0  }
0x12d: {  	[sflag:s16] =	ssyncadd.s32 $0xFFFFFF80  }
0x12e: {  	_ =	swait.ge [sflag:s16], $0x80  }
0x12f: {  	[sflag:s16] =	ssyncset.done $0x0  }
0x130: {  	[sflag:s16] =	ssyncadd.s32 $0xFFFFFF80  }
0x131: {  	_ =	swait.ge [sflag:s16], $0x80  }
0x132: {  	[sflag:s16] =	ssyncset.done $0x0  }
0x133: {  	[sflag:s16] =	ssyncadd.s32 $0xFFFFFF80  }
0x134: {  	_ =	swait.ge [sflag:s16], $0x80  }
0x135: {  	[sflag:s16] =	ssyncset.done $0x0  }
0x136: {  	[sflag:s16] =	ssyncadd.s32 $0xFFFFFF80  }
0x137: {  	_ =	swait.ge [sflag:s16], $0x80  }
0x138: {  	[sflag:s16] =	ssyncset.done $0x0  }
0x139: {  	[sflag:s16] =	ssyncadd.s32 $0xFFFFFF80  }
0x13a: {  	[spmem:s2] =	stream.indirect.scatter.add.f32 [tilespmem:s18], [sflag:$0x1], $0x1, s15, s17, $0xb8;
	[tilespmem:$0x6160] =	vst v63  }
0x13b: {  	s21 =	simm.s32 $0x51E0  }
0x13c: {  	[spmem:s2] =	stream.indirect.scatter.add.f32 [tilespmem:s20], [sflag:$0x1], $0x1, s21, s17, $0xb8;
	[tilespmem:$0x6160] =	vst v63  }
0x13d: {  	s21 =	simm.s32 $0x5260  }
0x13e: {  	[spmem:s2] =	stream.indirect.scatter.add.f32 [tilespmem:s22], [sflag:$0x1], $0x1, s21, s17, $0xb8;
	[tilespmem:$0x6160] =	vst v63  }
0x13f: {  	s21 =	simm.s32 $0x52E0  }
0x140: {  	[spmem:s2] =	stream.indirect.scatter.add.f32 [tilespmem:s24], [sflag:$0x1], $0x1, s21, s17, $0xb8;
	[tilespmem:$0x6160] =	vst v63  }
0x141: {  	s21 =	simm.s32 $0x5360  }
0x142: {  	[spmem:s2] =	stream.indirect.scatter.add.f32 [tilespmem:s26], [sflag:$0x1], $0x1, s21, s17, $0xb8;
	[tilespmem:$0x6160] =	vst v63  }
0x143: {  	_ = 	snop  }
0x144: {  	[spmem:s2] =	stream.indirect.scatter.add.f32 [tilespmem:s29], [sflag:$0x1], $0x1, s30, s17, $0xb8;
	[tilespmem:$0x6160] =	vst v63  }
0x145: {  	_ = 	snop  }
0x146: {  	[spmem:s2] =	stream.indirect.scatter.add.f32 [tilespmem:s31], [sflag:$0x1], $0x1, s25, s17, $0xb8;
	[tilespmem:$0x6160] =	vst v63  }
0x147: {  	_ = 	snop  }
0x148: {  	[spmem:s2] =	stream.indirect.scatter.add.f32 [tilespmem:s3], [sflag:$0x1], $0x1, s4, s17, $0xb8;
	[tilespmem:$0x6160] =	vst v63  }
0x149: {  	s19 =	rddreg [dreg:$0xe]  }
0x14a: {  	[spmem:s2] =	stream.indirect.scatter.add.f32 [tilespmem:s5], [sflag:$0x1], $0x1, s19, s17, $0xb8;
	[tilespmem:$0x6160] =	vst v63  }
0x14b: {  	s21 =	rddreg [dreg:$0xf]  }
0x14c: {  	[spmem:s2] =	stream.indirect.scatter.add.f32 [tilespmem:s6], [sflag:$0x1], $0x1, s21, s17, $0xb8;
	[tilespmem:$0x6160] =	vst v63  }
0x14d: {  	s19 =	rddreg [dreg:$0x10]  }
0x14e: {  	[spmem:s2] =	stream.indirect.scatter.add.f32 [tilespmem:s8], [sflag:$0x1], $0x1, s19, s17, $0xb8;
	[tilespmem:$0x6160] =	vst v63  }
0x14f: {  	s21 =	rddreg [dreg:$0x11]  }
0x150: {  	[spmem:s2] =	stream.indirect.scatter.add.f32 [tilespmem:s9], [sflag:$0x1], $0x1, s21, s17, $0xb8;
	[tilespmem:$0x6160] =	vst v63  }
0x151: {  	s19 =	rddreg [dreg:$0x12]  }
0x152: {  	[spmem:s2] =	stream.indirect.scatter.add.f32 [tilespmem:s10], [sflag:$0x1], $0x1, s19, s17, $0xb8;
	[tilespmem:$0x6160] =	vst v63  }
0x153: {  	s21 =	rddreg [dreg:$0x13]  }
0x154: {  	[spmem:s2] =	stream.indirect.scatter.add.f32 [tilespmem:s11], [sflag:$0x1], $0x1, s21, s17, $0xb8;
	[tilespmem:$0x6160] =	vst v63  }
0x155: {  	s19 =	rddreg [dreg:$0x14]  }
0x156: {  	[spmem:s2] =	stream.indirect.scatter.add.f32 [tilespmem:s7], [sflag:$0x1], $0x1, s19, s17, $0xb8;
	[tilespmem:$0x6160] =	vst v63  }
0x157: {  	s21 =	rddreg [dreg:$0x15]  }
0x158: {  	[spmem:s2] =	stream.indirect.scatter.add.f32 [tilespmem:s12], [sflag:$0x1], $0x1, s21, s17, $0xb8;
	[tilespmem:$0x6160] =	vst v63  }
0x159: {  	_ =	swait.ge [sflag:s16], $0x80  }
0x15a: {  	[sflag:s16] =	ssyncset.done $0x0  }
0x15b: {  	[sflag:s16] =	ssyncadd.s32 $0xFFFFFF80  }
0x15c: {  	_ =	swait.ge [sflag:s16], $0x80  }
0x15d: {  	[sflag:s16] =	ssyncset.done $0x0  }
0x15e: {  	[sflag:s16] =	ssyncadd.s32 $0xFFFFFF80  }
0x15f: {  	_ =	swait.ge [sflag:s16], $0x80  }
0x160: {  	[sflag:s16] =	ssyncset.done $0x0  }
0x161: {  	[sflag:s16] =	ssyncadd.s32 $0xFFFFFF80  }
0x162: {  	_ =	swait.ge [sflag:s16], $0x80  }
0x163: {  	[sflag:s16] =	ssyncset.done $0x0  }
0x164: {  	[sflag:s16] =	ssyncadd.s32 $0xFFFFFF80  }
0x165: {  	_ =	swait.ge [sflag:s16], $0x80  }
0x166: {  	[sflag:s16] =	ssyncset.done $0x0  }
0x167: {  	[sflag:s16] =	ssyncadd.s32 $0xFFFFFF80  }
0x168: {  	_ =	swait.ge [sflag:s16], $0x80  }
0x169: {  	[sflag:s16] =	ssyncset.done $0x0  }
0x16a: {  	[sflag:s16] =	ssyncadd.s32 $0xFFFFFF80  }
0x16b: {  	_ =	swait.ge [sflag:s16], $0x80  }
0x16c: {  	[sflag:s16] =	ssyncset.done $0x0  }
0x16d: {  	[sflag:s16] =	ssyncadd.s32 $0xFFFFFF80  }
0x16e: {  	_ =	swait.ge [sflag:s16], $0x80  }
0x16f: {  	[sflag:s16] =	ssyncset.done $0x0  }
0x170: {  	[sflag:s16] =	ssyncadd.s32 $0xFFFFFF80  }
0x171: {  	_ =	swait.ge [sflag:s16], $0x80  }
0x172: {  	[sflag:s16] =	ssyncset.done $0x0  }
0x173: {  	[sflag:s16] =	ssyncadd.s32 $0xFFFFFF80  }
0x174: {  	_ =	swait.ge [sflag:s16], $0x80  }
0x175: {  	[sflag:s16] =	ssyncset.done $0x0  }
0x176: {  	[sflag:s16] =	ssyncadd.s32 $0xFFFFFF80  }
0x177: {  	_ =	swait.ge [sflag:s16], $0x80  }
0x178: {  	[sflag:s16] =	ssyncset.done $0x0  }
0x179: {  	[sflag:s16] =	ssyncadd.s32 $0xFFFFFF80  }
0x17a: {  	_ =	swait.ge [sflag:s16], $0x80  }
0x17b: {  	[sflag:s16] =	ssyncset.done $0x0  }
0x17c: {  	[sflag:s16] =	ssyncadd.s32 $0xFFFFFF80  }
0x17d: {  	_ =	swait.ge [sflag:s16], $0x80  }
0x17e: {  	[sflag:s16] =	ssyncset.done $0x0  }
0x17f: {  	[sflag:s16] =	ssyncadd.s32 $0xFFFFFF80  }
0x180: {  	_ =	swait.ge [sflag:s16], $0x80  }
0x181: {  	[sflag:s16] =	ssyncset.done $0x0  }
0x182: {  	p0 =	sne.s32 s13, $0x1700;
	[sflag:s16] =	ssyncadd.s32 $0xFFFFFF80  }
.Ltmp1:
0x183: {  	_ =	swait.ge [sflag:s16], $0x80;
	(pc) =	sbr.rel @p0 .LBB2_4-.Ltmp1, $4  }
0x184: {  	[sflag:s16] =	ssyncset.done $0x0  }
0x185: {  	[sflag:s16] =	ssyncadd.s32 $0xFFFFFF80  }
0x186: {  	_ =	swait.ge [sflag:s16], $0x80  }
0x187: {  	s13 =	sadd.s32 $0x100, s13;
	s19 =	rddreg [dreg:$0x5];
	[sflag:s16] =	ssyncset.done $0x0  }
0x188: {  	s13 =	rddreg [dreg:$0x4];
	[sflag:s16] =	ssyncadd.s32 $0xFFFFFF80;
	s19 =	sadd.s32 s0, s19  }
0x189: {  	[tilespmem:s14], [sflag:$0x1] =	stream.linear.gather [hbm4b:s19+s28], $0x800, $0x38;
	[tilespmem:$0x6160] =	vst v63  }
0x18a: {  	s19 =	sadd.s32 s0, s13  }
0x18b: {  	[tilespmem:s15], [sflag:$0x1] =	stream.linear.gather [hbm4b:s19+s28], $0x800, $0x38;
	[tilespmem:$0x6160] =	vst v63  }
0x18c: {  	_ =	swait.ge [sflag:s16], $0x800  }
0x18d: {  	[sflag:s16] =	ssyncset.done $0x0  }
0x18e: {  	[sflag:s16] =	ssyncadd.s32 $0xFFFFF800  }
0x18f: {  	_ =	swait.ge [sflag:s16], $0x800  }
0x190: {  	[sflag:s16] =	ssyncset.done $0x0  }
0x191: {  	[sflag:s16] =	ssyncadd.s32 $0xFFFFF800  }
0x192: {  	[tilespmem:s18], [sflag:$0x1] =	stream.indirect.gather [spmem:s1], $0x1, s14, s17, $0xb8;
	[tilespmem:$0x6160] =	vst v63  }
0x193: {  	_ = 	snop  }
0x194: {  	[tilespmem:s20], [sflag:$0x1] =	stream.indirect.gather [spmem:s1], $0x1, s23, s17, $0xb8;
	[tilespmem:$0x6160] =	vst v63  }
0x195: {  	s21 =	simm.s32 $0x4A60  }
0x196: {  	[tilespmem:s22], [sflag:$0x1] =	stream.indirect.gather [spmem:s1], $0x1, s21, s17, $0xb8;
	[tilespmem:$0x6160] =	vst v63  }
0x197: {  	s25 =	simm.s32 $0x4AE0  }
0x198: {  	[tilespmem:s24], [sflag:$0x1] =	stream.indirect.gather [spmem:s1], $0x1, s25, s17, $0xb8;
	[tilespmem:$0x6160] =	vst v63  }
0x199: {  	s30 =	simm.s32 $0x4B60  }
0x19a: {  	[tilespmem:s26], [sflag:$0x1] =	stream.indirect.gather [spmem:s1], $0x1, s30, s17, $0xb8;
	[tilespmem:$0x6160] =	vst v63  }
0x19b: {  	s4 =	simm.s32 $0x4BE0  }
0x19c: {  	[tilespmem:s29], [sflag:$0x1] =	stream.indirect.gather [spmem:s1], $0x1, s4, s17, $0xb8;
	[tilespmem:$0x6160] =	vst v63  }
0x19d: {  	s13 =	simm.s32 $0x4C60  }
0x19e: {  	[tilespmem:s31], [sflag:$0x1] =	stream.indirect.gather [spmem:s1], $0x1, s13, s17, $0xb8;
	[tilespmem:$0x6160] =	vst v63  }
0x19f: {  	s4 =	simm.s32 $0x4CE0  }
0x1a0: {  	[tilespmem:s3], [sflag:$0x1] =	stream.indirect.gather [spmem:s1], $0x1, s4, s17, $0xb8;
	[tilespmem:$0x6160] =	vst v63  }
0x1a1: {  	s19 =	rddreg [dreg:$0x6]  }
0x1a2: {  	[tilespmem:s5], [sflag:$0x1] =	stream.indirect.gather [spmem:s1], $0x1, s19, s17, $0xb8;
	[tilespmem:$0x6160] =	vst v63  }
0x1a3: {  	s21 =	rddreg [dreg:$0x7]  }
0x1a4: {  	[tilespmem:s6], [sflag:$0x1] =	stream.indirect.gather [spmem:s1], $0x1, s21, s17, $0xb8;
	[tilespmem:$0x6160] =	vst v63  }
0x1a5: {  	s25 =	rddreg [dreg:$0x8]  }
0x1a6: {  	[tilespmem:s8], [sflag:$0x1] =	stream.indirect.gather [spmem:s1], $0x1, s25, s17, $0xb8;
	[tilespmem:$0x6160] =	vst v63  }
0x1a7: {  	s30 =	rddreg [dreg:$0x9]  }
0x1a8: {  	[tilespmem:s9], [sflag:$0x1] =	stream.indirect.gather [spmem:s1], $0x1, s30, s17, $0xb8;
	[tilespmem:$0x6160] =	vst v63  }
0x1a9: {  	s4 =	rddreg [dreg:$0xa]  }
0x1aa: {  	[tilespmem:s10], [sflag:$0x1] =	stream.indirect.gather [spmem:s1], $0x1, s4, s17, $0xb8;
	[tilespmem:$0x6160] =	vst v63  }
0x1ab: {  	s19 =	rddreg [dreg:$0xb]  }
0x1ac: {  	[tilespmem:s11], [sflag:$0x1] =	stream.indirect.gather [spmem:s1], $0x1, s19, s17, $0xb8;
	[tilespmem:$0x6160] =	vst v63  }
0x1ad: {  	s21 =	rddreg [dreg:$0xc]  }
0x1ae: {  	[tilespmem:s7], [sflag:$0x1] =	stream.indirect.gather [spmem:s1], $0x1, s21, s17, $0xb8;
	[tilespmem:$0x6160] =	vst v63  }
0x1af: {  	s25 =	rddreg [dreg:$0xd]  }
0x1b0: {  	[tilespmem:s12], [sflag:$0x1] =	stream.indirect.gather [spmem:s1], $0x1, s25, s17, $0xb8;
	[tilespmem:$0x6160] =	vst v63  }
0x1b1: {  	_ =	swait.ge [sflag:s16], $0x80  }
0x1b2: {  	[sflag:s16] =	ssyncset.done $0x0  }
0x1b3: {  	[sflag:s16] =	ssyncadd.s32 $0xFFFFFF80  }
0x1b4: {  	_ =	swait.ge [sflag:s16], $0x80  }
0x1b5: {  	[sflag:s16] =	ssyncset.done $0x0  }
0x1b6: {  	[sflag:s16] =	ssyncadd.s32 $0xFFFFFF80  }
0x1b7: {  	_ =	swait.ge [sflag:s16], $0x80  }
0x1b8: {  	[sflag:s16] =	ssyncset.done $0x0  }
0x1b9: {  	[sflag:s16] =	ssyncadd.s32 $0xFFFFFF80  }
0x1ba: {  	_ =	swait.ge [sflag:s16], $0x80  }
0x1bb: {  	[sflag:s16] =	ssyncset.done $0x0  }
0x1bc: {  	[sflag:s16] =	ssyncadd.s32 $0xFFFFFF80  }
0x1bd: {  	_ =	swait.ge [sflag:s16], $0x80  }
0x1be: {  	[sflag:s16] =	ssyncset.done $0x0  }
0x1bf: {  	[sflag:s16] =	ssyncadd.s32 $0xFFFFFF80  }
0x1c0: {  	_ =	swait.ge [sflag:s16], $0x80  }
0x1c1: {  	[sflag:s16] =	ssyncset.done $0x0  }
0x1c2: {  	[sflag:s16] =	ssyncadd.s32 $0xFFFFFF80  }
0x1c3: {  	_ =	swait.ge [sflag:s16], $0x80  }
0x1c4: {  	[sflag:s16] =	ssyncset.done $0x0  }
0x1c5: {  	[sflag:s16] =	ssyncadd.s32 $0xFFFFFF80  }
0x1c6: {  	_ =	swait.ge [sflag:s16], $0x80  }
0x1c7: {  	[sflag:s16] =	ssyncset.done $0x0  }
0x1c8: {  	[sflag:s16] =	ssyncadd.s32 $0xFFFFFF80  }
0x1c9: {  	_ =	swait.ge [sflag:s16], $0x80  }
0x1ca: {  	[sflag:s16] =	ssyncset.done $0x0  }
0x1cb: {  	[sflag:s16] =	ssyncadd.s32 $0xFFFFFF80  }
0x1cc: {  	_ =	swait.ge [sflag:s16], $0x80  }
0x1cd: {  	[sflag:s16] =	ssyncset.done $0x0  }
0x1ce: {  	[sflag:s16] =	ssyncadd.s32 $0xFFFFFF80  }
0x1cf: {  	_ =	swait.ge [sflag:s16], $0x80  }
0x1d0: {  	[sflag:s16] =	ssyncset.done $0x0  }
0x1d1: {  	[sflag:s16] =	ssyncadd.s32 $0xFFFFFF80  }
0x1d2: {  	_ =	swait.ge [sflag:s16], $0x80  }
0x1d3: {  	[sflag:s16] =	ssyncset.done $0x0  }
0x1d4: {  	[sflag:s16] =	ssyncadd.s32 $0xFFFFFF80  }
0x1d5: {  	_ =	swait.ge [sflag:s16], $0x80  }
0x1d6: {  	[sflag:s16] =	ssyncset.done $0x0  }
0x1d7: {  	[sflag:s16] =	ssyncadd.s32 $0xFFFFFF80  }
0x1d8: {  	_ =	swait.ge [sflag:s16], $0x80  }
0x1d9: {  	[sflag:s16] =	ssyncset.done $0x0  }
0x1da: {  	[sflag:s16] =	ssyncadd.s32 $0xFFFFFF80  }
0x1db: {  	_ =	swait.ge [sflag:s16], $0x80  }
0x1dc: {  	[sflag:s16] =	ssyncset.done $0x0  }
0x1dd: {  	[sflag:s16] =	ssyncadd.s32 $0xFFFFFF80  }
0x1de: {  	_ =	swait.ge [sflag:s16], $0x80  }
0x1df: {  	[sflag:s16] =	ssyncset.done $0x0  }
0x1e0: {  	[sflag:s16] =	ssyncadd.s32 $0xFFFFFF80  }
0x1e1: {  	[spmem:s2] =	stream.indirect.scatter.add.f32 [tilespmem:s18], [sflag:$0x1], $0x1, s15, s17, $0xb8;
	[tilespmem:$0x6160] =	vst v63  }
0x1e2: {  	s19 =	simm.s32 $0x51E0  }
0x1e3: {  	[spmem:s2] =	stream.indirect.scatter.add.f32 [tilespmem:s20], [sflag:$0x1], $0x1, s19, s17, $0xb8;
	[tilespmem:$0x6160] =	vst v63  }
0x1e4: {  	s21 =	simm.s32 $0x5260  }
0x1e5: {  	[spmem:s2] =	stream.indirect.scatter.add.f32 [tilespmem:s22], [sflag:$0x1], $0x1, s21, s17, $0xb8;
	[tilespmem:$0x6160] =	vst v63  }
0x1e6: {  	s25 =	simm.s32 $0x52E0  }
0x1e7: {  	[spmem:s2] =	stream.indirect.scatter.add.f32 [tilespmem:s24], [sflag:$0x1], $0x1, s25, s17, $0xb8;
	[tilespmem:$0x6160] =	vst v63  }
0x1e8: {  	s30 =	simm.s32 $0x5360  }
0x1e9: {  	[spmem:s2] =	stream.indirect.scatter.add.f32 [tilespmem:s26], [sflag:$0x1], $0x1, s30, s17, $0xb8;
	[tilespmem:$0x6160] =	vst v63  }
0x1ea: {  	s30 =	simm.s32 $0x53E0  }
0x1eb: {  	[spmem:s2] =	stream.indirect.scatter.add.f32 [tilespmem:s29], [sflag:$0x1], $0x1, s30, s17, $0xb8;
	[tilespmem:$0x6160] =	vst v63  }
0x1ec: {  	s4 =	simm.s32 $0x5460  }
0x1ed: {  	[spmem:s2] =	stream.indirect.scatter.add.f32 [tilespmem:s31], [sflag:$0x1], $0x1, s4, s17, $0xb8;
	[tilespmem:$0x6160] =	vst v63  }
0x1ee: {  	s4 =	simm.s32 $0x54E0  }
0x1ef: {  	[spmem:s2] =	stream.indirect.scatter.add.f32 [tilespmem:s3], [sflag:$0x1], $0x1, s4, s17, $0xb8;
	[tilespmem:$0x6160] =	vst v63  }
0x1f0: {  	s0 =	rddreg [dreg:$0xe]  }
0x1f1: {  	[spmem:s2] =	stream.indirect.scatter.add.f32 [tilespmem:s5], [sflag:$0x1], $0x1, s0, s17, $0xb8;
	[tilespmem:$0x6160] =	vst v63  }
0x1f2: {  	s13 =	rddreg [dreg:$0xf]  }
0x1f3: {  	[spmem:s2] =	stream.indirect.scatter.add.f32 [tilespmem:s6], [sflag:$0x1], $0x1, s13, s17, $0xb8;
	[tilespmem:$0x6160] =	vst v63  }
0x1f4: {  	s0 =	rddreg [dreg:$0x10]  }
0x1f5: {  	[spmem:s2] =	stream.indirect.scatter.add.f32 [tilespmem:s8], [sflag:$0x1], $0x1, s0, s17, $0xb8;
	[tilespmem:$0x6160] =	vst v63  }
0x1f6: {  	s13 =	rddreg [dreg:$0x11]  }
0x1f7: {  	[spmem:s2] =	stream.indirect.scatter.add.f32 [tilespmem:s9], [sflag:$0x1], $0x1, s13, s17, $0xb8;
	[tilespmem:$0x6160] =	vst v63  }
0x1f8: {  	s0 =	rddreg [dreg:$0x12]  }
0x1f9: {  	[spmem:s2] =	stream.indirect.scatter.add.f32 [tilespmem:s10], [sflag:$0x1], $0x1, s0, s17, $0xb8;
	[tilespmem:$0x6160] =	vst v63  }
0x1fa: {  	s13 =	rddreg [dreg:$0x13]  }
0x1fb: {  	[spmem:s2] =	stream.indirect.scatter.add.f32 [tilespmem:s11], [sflag:$0x1], $0x1, s13, s17, $0xb8;
	[tilespmem:$0x6160] =	vst v63  }
0x1fc: {  	s0 =	rddreg [dreg:$0x14]  }
0x1fd: {  	[spmem:s2] =	stream.indirect.scatter.add.f32 [tilespmem:s7], [sflag:$0x1], $0x1, s0, s17, $0xb8;
	[tilespmem:$0x6160] =	vst v63  }
0x1fe: {  	s13 =	rddreg [dreg:$0x15]  }
0x1ff: {  	[spmem:s2] =	stream.indirect.scatter.add.f32 [tilespmem:s12], [sflag:$0x1], $0x1, s13, s17, $0xb8;
	[tilespmem:$0x6160] =	vst v63  }
0x200: {  	_ =	swait.ge [sflag:s16], $0x80  }
0x201: {  	[sflag:s16] =	ssyncset.done $0x0  }
0x202: {  	[sflag:s16] =	ssyncadd.s32 $0xFFFFFF80  }
0x203: {  	_ =	swait.ge [sflag:s16], $0x80  }
0x204: {  	[sflag:s16] =	ssyncset.done $0x0  }
0x205: {  	[sflag:s16] =	ssyncadd.s32 $0xFFFFFF80  }
0x206: {  	_ =	swait.ge [sflag:s16], $0x80  }
0x207: {  	[sflag:s16] =	ssyncset.done $0x0  }
0x208: {  	[sflag:s16] =	ssyncadd.s32 $0xFFFFFF80  }
0x209: {  	_ =	swait.ge [sflag:s16], $0x80  }
0x20a: {  	[sflag:s16] =	ssyncset.done $0x0  }
0x20b: {  	[sflag:s16] =	ssyncadd.s32 $0xFFFFFF80  }
0x20c: {  	_ =	swait.ge [sflag:s16], $0x80  }
0x20d: {  	[sflag:s16] =	ssyncset.done $0x0  }
0x20e: {  	[sflag:s16] =	ssyncadd.s32 $0xFFFFFF80  }
0x20f: {  	_ =	swait.ge [sflag:s16], $0x80  }
0x210: {  	[sflag:s16] =	ssyncset.done $0x0  }
0x211: {  	[sflag:s16] =	ssyncadd.s32 $0xFFFFFF80  }
0x212: {  	_ =	swait.ge [sflag:s16], $0x80  }
0x213: {  	[sflag:s16] =	ssyncset.done $0x0  }
0x214: {  	[sflag:s16] =	ssyncadd.s32 $0xFFFFFF80  }
0x215: {  	_ =	swait.ge [sflag:s16], $0x80  }
0x216: {  	[sflag:s16] =	ssyncset.done $0x0  }
0x217: {  	[sflag:s16] =	ssyncadd.s32 $0xFFFFFF80  }
0x218: {  	_ =	swait.ge [sflag:s16], $0x80  }
0x219: {  	[sflag:s16] =	ssyncset.done $0x0  }
0x21a: {  	[sflag:s16] =	ssyncadd.s32 $0xFFFFFF80  }
0x21b: {  	_ =	swait.ge [sflag:s16], $0x80  }
0x21c: {  	[sflag:s16] =	ssyncset.done $0x0  }
0x21d: {  	[sflag:s16] =	ssyncadd.s32 $0xFFFFFF80  }
0x21e: {  	_ =	swait.ge [sflag:s16], $0x80  }
0x21f: {  	[sflag:s16] =	ssyncset.done $0x0  }
0x220: {  	[sflag:s16] =	ssyncadd.s32 $0xFFFFFF80  }
0x221: {  	_ =	swait.ge [sflag:s16], $0x80  }
0x222: {  	[sflag:s16] =	ssyncset.done $0x0  }
0x223: {  	[sflag:s16] =	ssyncadd.s32 $0xFFFFFF80  }
0x224: {  	_ =	swait.ge [sflag:s16], $0x80  }
0x225: {  	[sflag:s16] =	ssyncset.done $0x0  }
0x226: {  	[sflag:s16] =	ssyncadd.s32 $0xFFFFFF80  }
0x227: {  	_ =	swait.ge [sflag:s16], $0x80  }
0x228: {  	[sflag:s16] =	ssyncset.done $0x0  }
0x229: {  	[sflag:s16] =	ssyncadd.s32 $0xFFFFFF80  }
0x22a: {  	_ =	swait.ge [sflag:s16], $0x80  }
0x22b: {  	[sflag:s16] =	ssyncset.done $0x0  }
0x22c: {  	[sflag:s16] =	ssyncadd.s32 $0xFFFFFF80  }
0x22d: {  	_ =	swait.ge [sflag:s16], $0x80  }
0x22e: {  	[sflag:s16] =	ssyncset.done $0x0  }
0x22f: {  	s13 =	rddreg [dreg:$0x19];
	[sflag:s16] =	ssyncadd.s32 $0xFFFFFF80  }
0x230: {  	[tilespmem:s14], [sflag:$0x1] =	stream.linear.gather [hbm4b:s13+s28], $0x400, $0x38;
	[tilespmem:$0x6160] =	vst v63  }
0x231: {  	s13 =	rddreg [dreg:$0x1a]  }
0x232: {  	[tilespmem:s15], [sflag:$0x1] =	stream.linear.gather [hbm4b:s13+s28], $0x400, $0x38;
	[tilespmem:$0x6160] =	vst v63  }
0x233: {  	_ =	swait.ge [sflag:s16], $0x400  }
0x234: {  	[sflag:s16] =	ssyncset.done $0x0  }
0x235: {  	[sflag:s16] =	ssyncadd.s32 $0xFFFFFC00  }
0x236: {  	_ =	swait.ge [sflag:s16], $0x400  }
0x237: {  	[sflag:s16] =	ssyncset.done $0x0  }
0x238: {  	[sflag:s16] =	ssyncadd.s32 $0xFFFFFC00  }
0x239: {  	[tilespmem:s18], [sflag:$0x1] =	stream.indirect.gather [spmem:s1], $0x1, s14, s17, $0xb8;
	[tilespmem:$0x6160] =	vst v63  }
0x23a: {  	_ = 	snop  }
0x23b: {  	[tilespmem:s20], [sflag:$0x1] =	stream.indirect.gather [spmem:s1], $0x1, s23, s17, $0xb8;
	[tilespmem:$0x6160] =	vst v63  }
0x23c: {  	s13 =	simm.s32 $0x4A60  }
0x23d: {  	[tilespmem:s22], [sflag:$0x1] =	stream.indirect.gather [spmem:s1], $0x1, s13, s17, $0xb8;
	[tilespmem:$0x6160] =	vst v63  }
0x23e: {  	s23 =	simm.s32 $0x4AE0  }
0x23f: {  	[tilespmem:s24], [sflag:$0x1] =	stream.indirect.gather [spmem:s1], $0x1, s23, s17, $0xb8;
	[tilespmem:$0x6160] =	vst v63  }
0x240: {  	s13 =	simm.s32 $0x4B60  }
0x241: {  	[tilespmem:s26], [sflag:$0x1] =	stream.indirect.gather [spmem:s1], $0x1, s13, s17, $0xb8;
	[tilespmem:$0x6160] =	vst v63  }
0x242: {  	s23 =	simm.s32 $0x4BE0  }
0x243: {  	[tilespmem:s29], [sflag:$0x1] =	stream.indirect.gather [spmem:s1], $0x1, s23, s17, $0xb8;
	[tilespmem:$0x6160] =	vst v63  }
0x244: {  	s13 =	simm.s32 $0x4C60  }
0x245: {  	[tilespmem:s31], [sflag:$0x1] =	stream.indirect.gather [spmem:s1], $0x1, s13, s17, $0xb8;
	[tilespmem:$0x6160] =	vst v63  }
0x246: {  	s23 =	simm.s32 $0x4CE0  }
0x247: {  	[tilespmem:s3], [sflag:$0x1] =	stream.indirect.gather [spmem:s1], $0x1, s23, s17, $0xb8;
	[tilespmem:$0x6160] =	vst v63  }
0x248: {  	_ =	swait.ge [sflag:s16], $0x80  }
0x249: {  	[sflag:s16] =	ssyncset.done $0x0  }
0x24a: {  	[sflag:s16] =	ssyncadd.s32 $0xFFFFFF80  }
0x24b: {  	_ =	swait.ge [sflag:s16], $0x80  }
0x24c: {  	[sflag:s16] =	ssyncset.done $0x0  }
0x24d: {  	[sflag:s16] =	ssyncadd.s32 $0xFFFFFF80  }
0x24e: {  	_ =	swait.ge [sflag:s16], $0x80  }
0x24f: {  	[sflag:s16] =	ssyncset.done $0x0  }
0x250: {  	[sflag:s16] =	ssyncadd.s32 $0xFFFFFF80  }
0x251: {  	_ =	swait.ge [sflag:s16], $0x80  }
0x252: {  	[sflag:s16] =	ssyncset.done $0x0  }
0x253: {  	[sflag:s16] =	ssyncadd.s32 $0xFFFFFF80  }
0x254: {  	_ =	swait.ge [sflag:s16], $0x80  }
0x255: {  	[sflag:s16] =	ssyncset.done $0x0  }
0x256: {  	[sflag:s16] =	ssyncadd.s32 $0xFFFFFF80  }
0x257: {  	_ =	swait.ge [sflag:s16], $0x80  }
0x258: {  	[sflag:s16] =	ssyncset.done $0x0  }
0x259: {  	[sflag:s16] =	ssyncadd.s32 $0xFFFFFF80  }
0x25a: {  	_ =	swait.ge [sflag:s16], $0x80  }
0x25b: {  	[sflag:s16] =	ssyncset.done $0x0  }
0x25c: {  	[sflag:s16] =	ssyncadd.s32 $0xFFFFFF80  }
0x25d: {  	_ =	swait.ge [sflag:s16], $0x80  }
0x25e: {  	[sflag:s16] =	ssyncset.done $0x0  }
0x25f: {  	[sflag:s16] =	ssyncadd.s32 $0xFFFFFF80  }
0x260: {  	[spmem:s2] =	stream.indirect.scatter.add.f32 [tilespmem:s18], [sflag:$0x1], $0x1, s15, s17, $0xb8;
	[tilespmem:$0x6160] =	vst v63  }
0x261: {  	_ = 	snop  }
0x262: {  	[spmem:s2] =	stream.indirect.scatter.add.f32 [tilespmem:s20], [sflag:$0x1], $0x1, s19, s17, $0xb8;
	[tilespmem:$0x6160] =	vst v63  }
0x263: {  	_ = 	snop  }
0x264: {  	[spmem:s2] =	stream.indirect.scatter.add.f32 [tilespmem:s22], [sflag:$0x1], $0x1, s21, s17, $0xb8;
	[tilespmem:$0x6160] =	vst v63  }
0x265: {  	_ = 	snop  }
0x266: {  	[spmem:s2] =	stream.indirect.scatter.add.f32 [tilespmem:s24], [sflag:$0x1], $0x1, s25, s17, $0xb8;
	[tilespmem:$0x6160] =	vst v63  }
0x267: {  	s25 =	simm.s32 $0x5360  }
0x268: {  	[spmem:s2] =	stream.indirect.scatter.add.f32 [tilespmem:s26], [sflag:$0x1], $0x1, s25, s17, $0xb8;
	[tilespmem:$0x6160] =	vst v63  }
0x269: {  	_ = 	snop  }
0x26a: {  	[spmem:s2] =	stream.indirect.scatter.add.f32 [tilespmem:s29], [sflag:$0x1], $0x1, s30, s17, $0xb8;
	[tilespmem:$0x6160] =	vst v63  }
0x26b: {  	s30 =	simm.s32 $0x5460  }
0x26c: {  	[spmem:s2] =	stream.indirect.scatter.add.f32 [tilespmem:s31], [sflag:$0x1], $0x1, s30, s17, $0xb8;
	[tilespmem:$0x6160] =	vst v63  }
0x26d: {  	_ = 	snop  }
0x26e: {  	[spmem:s2] =	stream.indirect.scatter.add.f32 [tilespmem:s3], [sflag:$0x1], $0x1, s4, s17, $0xb8;
	[tilespmem:$0x6160] =	vst v63  }
0x26f: {  	_ =	swait.ge [sflag:s16], $0x80  }
0x270: {  	[sflag:s16] =	ssyncset.done $0x0  }
0x271: {  	[sflag:s16] =	ssyncadd.s32 $0xFFFFFF80  }
0x272: {  	_ =	swait.ge [sflag:s16], $0x80  }
0x273: {  	[sflag:s16] =	ssyncset.done $0x0  }
0x274: {  	[sflag:s16] =	ssyncadd.s32 $0xFFFFFF80  }
0x275: {  	_ =	swait.ge [sflag:s16], $0x80  }
0x276: {  	[sflag:s16] =	ssyncset.done $0x0  }
0x277: {  	[sflag:s16] =	ssyncadd.s32 $0xFFFFFF80  }
0x278: {  	_ =	swait.ge [sflag:s16], $0x80  }
0x279: {  	[sflag:s16] =	ssyncset.done $0x0  }
0x27a: {  	[sflag:s16] =	ssyncadd.s32 $0xFFFFFF80  }
0x27b: {  	_ =	swait.ge [sflag:s16], $0x80  }
0x27c: {  	[sflag:s16] =	ssyncset.done $0x0  }
0x27d: {  	[sflag:s16] =	ssyncadd.s32 $0xFFFFFF80  }
0x27e: {  	_ =	swait.ge [sflag:s16], $0x80  }
0x27f: {  	[sflag:s16] =	ssyncset.done $0x0  }
0x280: {  	[sflag:s16] =	ssyncadd.s32 $0xFFFFFF80  }
0x281: {  	_ =	swait.ge [sflag:s16], $0x80  }
0x282: {  	[sflag:s16] =	ssyncset.done $0x0  }
0x283: {  	[sflag:s16] =	ssyncadd.s32 $0xFFFFFF80  }
0x284: {  	_ =	swait.ge [sflag:s16], $0x80  }
0x285: {  	[sflag:s16] =	ssyncset.done $0x0  }
0x286: {  	[sflag:s16] =	ssyncadd.s32 $0xFFFFFF80  }
0x287: {  	[bflag:$0x0] =	sbarrier.arrive $0xFFFF  }
0x288: {  	s23 =	simm.s32 $0x2;
	s21 =	simm.s32 $0x30E0;
	s19 =	rddreg [dreg:$0x18]  }
0x289: {  	[tilespmem:s21], [sflag:$0x2] =	stream.linear.gather [spmem:s19], $0x1870, $0x38;
	[tilespmem:$0x6160] =	vst v63  }
0x28a: {  	_ =	swait.ge [sflag:s23], $0x1870  }
0x28b: {  	[sflag:s23] =	ssyncset.done $0x0  }
0x28c: {  	s13 =	rddreg [dreg:$0x1c];
	[sflag:s23] =	ssyncadd.s32 $0xFFFFE790  }
0x28d: {  	[hbm4b:s13+s28] =	stream.linear.scatter [tilespmem:s21], [sflag:$0x2], $0x1870, $0x38;
	[tilespmem:$0x6160] =	vst v63  }
0x28e: {  	_ =	swait.ge [sflag:s23], $0x1870  }
0x28f: {  	s25 =	rddreg [dreg:$0x1d]  }
0x290: {  	s30 =	rddreg [dreg:$0x1b];
	s13 =	sadd.s32 $0x1, s25  }
0x291: {  	p0 =	sne.s32 s13, s30  }
.Ltmp2:
0x292: {  	_ = 	snop;
	(pc) =	sbr.rel @p0 .LBB2_1-.Ltmp2, $3  }
0x293: {  	_ =	sdelay $0x1  }
0x294: {  	[sflag:s23] =	ssyncset.done $0x0  }
0x295: {  	s4 =	simm.s32 $0x0;
	[sflag:s23] =	ssyncadd.s32 $0xFFFFE790  }
0x296: {  	_ =	sfence.sel $0x180000  }
0x297: {  	[bflag:$0x0] =	sbarrier.arrive $0xFFFF  }
0x298: {  	_ =	strace $0x9000004A  }
0x299: {  	s0 =	stileid.u32;
	[bflag:$0x2] =	sbarrier.arrive $0xFFFF  }
0x29a: {  	p0 =	sne.s32 s0, $0x0;
	s0 =	rddreg [dreg:$0x3]  }
0x29b: {  	s0 =	sadd.s32 @!p0 $0x100000, s0  }
0x29c: {  	[sflag:s0] =	ssyncadd.tile.s32 @!p0 $0x1;
	_ =	shalt  }
.Lfunc_end2:
_tile_overlayer_lowered:
.L_overlay_start_2:
0x29d: {  	(tag) =	ssettag $0x2  }
0x29e: {  	s0 =	rddreg [dreg:$0x0];
	s2 =	stileid.u32  }
0x29f: {  	s1 =	rddreg [dreg:$0x1];
	p0 =	sne.s32 s2, $0x0  }
0x2a0: {  	s3 =	rddreg [dreg:$0x2];
	[bflag:$0x3] =	sbarrier.arrive $0xFFFF;
	s2 =	simm.s32 @!p0 $0x1C02  }
0x2a1: {  	[timem:s3], [sflag:s2] =	dma.local @!p0 [hbm:s0], s1  }
0x2a2: {  	s0 =	simm.s32 @!p0 $0x2  }
0x2a3: {  	_ =	swait.ge @!p0 [sflag:s0], s1  }
0x2a4: {  	s1 =	ssub.s32 @!p0 $0x0, s1;
	[sflag:s0] =	ssyncset.done @!p0 $0x0  }
0x2a5: {  	[sflag:s0] =	ssyncadd.s32 @!p0 s1  }
0x2a6: {  	[bflag:$0x3] =	sbarrier.arrive $0xFFFF  }
0x2a7: {  	_ =	shalt  }

// kernel: kernel.14.cloned.1.call-start
scs
__scs_entry_jumppad:
0x0: {  	(pc) =	sbr.rel $0x88, $3  }
0x1: {  	(tag) =	ssettag $0x0;
	lr =	simm.s32 $0x1  }
0x2: {  	[smem:$0x3F98] =	sst lr;
	_ =	strace $0xD0000000  }
0x3: {  	_ = 	snop  }
0x4: {  	_ = 	snop  }
0x5: {  	_ = 	snop  }
0x6: {  	_ = 	snop  }
0x7: {  	_ = 	snop  }
__scs_overlays_trampoline_lowered:
0x8: {  	[smem:$0x3FA7] =	sst s0  }
0x9: {  	[smem:$0x3FA8] =	sst s1  }
0xa: {  	[smem:$0x3FA9] =	sst s2  }
0xb: {  	[smem:$0x3FAA] =	sst s3  }
0xc: {  	[smem:$0x3FAB] =	sst s4  }
0xd: {  	[smem:$0x3FAC] =	sst s5  }
0xe: {  	[smem:$0x3FAD] =	sst s6  }
0xf: {  	[smem:$0x3FAE] =	sst s7  }
0x10: {  	[smem:$0x3FAF] =	sst s8  }
0x11: {  	[smem:$0x3FB0] =	sst s9;
	s0 =	simm.s32 @!p0 $0x0  }
0x12: {  	s1 =	sld [smem:$0x3F96];
	s0 =	simm.s32 @p0 $0x1  }
0x13: {  	[smem:$0x3FB1] =	sst s0;
	s0 =	simm.s32 @!p1 $0x0  }
0x14: {  	s2 =	sld [smem:$0x3F95];
	s0 =	simm.s32 @p1 $0x1  }
0x15: {  	[smem:$0x3FB2] =	sst s0;
	s0 =	simm.s32 @!p2 $0x0  }
0x16: {  	s3 =	sld [smem:$0x3FDB];
	s0 =	simm.s32 @p2 $0x1  }
0x17: {  	s4 =	simm.s32 $0x1BF5;
	[smem:$0x3FB4] =	sst s0  }
0x18: {  	s0 =	sld [smem:$0x3F97];
	_ =	swait.ge [sflag:s4], $0x0  }
0x19: {  	s7 =	sld [smem:$0x3F98]  }
0x1a: {  	s8 =	sadd.s32 $0xFFFFE003, lr  }
0x1b: {  	s9 =	sadd.s32 $0xFFFFFEF7, lr;
	s5 =	simm.s32 $0xFFFFFFFF;
	p2 =	slt.u32 s8, $0xFFFFF086  }
0x1c: {  	p1 =	slt.u32 s9, $0xF7A;
	s5 =	simm.s32 @!p2 $0x0  }
0x1d: {  	s5 =	simm.s32 @p1 $0x1;
	p0 =	seq.s32 s7, s2  }
0x1e: {  	s7 =	smul.u32 @!p0 $0xF7A, s2;
	p2 =	seq.s32 @!p0 s5, $0x0  }
0x1f: {  	s9 =	smul.u32 $0xF7A, s1;
	s8 =	simm.s32 @!p0 $0x1BF5;
	p2 =	por !p2, p0  }
0x20: {  	[sflag:s8] =	ssyncset.s32 @!p0 $0xFFFFF086;
	s6 =	sadd.s32 @!p0 s3, s7;
	s7 =	simm.s32 @!p0 $0x108  }
0x21: {  	s3 =	sadd.s32 s3, s9;
	s6 =	sadd.s32 @!p0 $0x88, s6;
	s7 =	simm.s32 @p2 $0x1082  }
0x22: {  	[simem:s7], [sflag:s8] =	dma.local @!p0 [hbm:s6], $0xF7A  }
0x23: {  	s9 =	sor.u32 $0xD0000000, s2;
	s6 =	simm.s32 $0x108;
	_ =	swait.ge @!p0 [sflag:s8], $0x0  }
0x24: {  	s3 =	sadd.s32 $0x88, s3;
	s6 =	simm.s32 @!p1 $0x1082;
	[sflag:s4] =	ssyncset.s32 $0xFFFFF086  }
0x25: {  	[simem:s6], [sflag:s4] =	dma.local [hbm:s3], $0xF7A  }
0x26: {  	[smem:$0x3F98] =	sst s1;
	(tag) =	ssettag s2;
	_ =	strace s9  }
0x27: {  	s1 =	sld [smem:$0x3FA8]  }
0x28: {  	s2 =	sld [smem:$0x3FA9]  }
0x29: {  	s4 =	sld [smem:$0x3FAB]  }
0x2a: {  	p0 =	seq.s32 s5, $0x0;
	s5 =	sld [smem:$0x3FAC]  }
0x2b: {  	s6 =	sld [smem:$0x3FAD]  }
0x2c: {  	s7 =	sld [smem:$0x3FAE]  }
0x2d: {  	s3 =	simm.s32 $0x108;
	s8 =	sld [smem:$0x3FAF]  }
0x2e: {  	s3 =	simm.s32 @!p0 $0x1082;
	s9 =	sld [smem:$0x3FB0]  }
0x2f: {  	lr =	sadd.s32 s0, s3;
	s0 =	sld [smem:$0x3FA7]  }
0x30: {  	s3 =	sld [smem:$0x3FAA]  }
0x31: {  	[smem:$0x3FB3] =	sst s10  }
0x32: {  	s10 =	sld [smem:$0x3FB1];
	_ =	sdelay $0x3  }
0x33: {  	p0 =	seq.s32 s10, $0x1;
	s10 =	sld [smem:$0x3FB3];
	_ =	sdelay $0x3  }
0x34: {  	[smem:$0x3FB3] =	sst s10  }
0x35: {  	s10 =	sld [smem:$0x3FB2];
	_ =	sdelay $0x3  }
0x36: {  	p1 =	seq.s32 s10, $0x1;
	s10 =	sld [smem:$0x3FB3];
	_ =	sdelay $0x3  }
0x37: {  	[smem:$0x3FB3] =	sst s10  }
0x38: {  	s10 =	sld [smem:$0x3FB4]  }
0x39: {  	_ = 	snop;
	(pc) =	sbr.ind lr, $3  }
0x3a: {  	_ = 	snop  }
0x3b: {  	_ = 	snop  }
0x3c: {  	p2 =	seq.s32 s10, $0x1;
	s10 =	sld [smem:$0x3FB3]  }
0x3d: {  	_ =	shalt  }
0x3e: {  	_ =	shalt  }
0x3f: {  	_ =	shalt  }
0x40: {  	_ =	shalt  }
0x41: {  	_ =	shalt  }
0x42: {  	_ =	shalt  }
0x43: {  	_ =	shalt  }
0x44: {  	_ =	shalt  }
0x45: {  	_ =	shalt  }
0x46: {  	_ =	shalt  }
0x47: {  	_ =	shalt  }
0x48: {  	_ =	shalt  }
0x49: {  	_ =	shalt  }
0x4a: {  	_ =	shalt  }
0x4b: {  	_ =	shalt  }
0x4c: {  	_ =	shalt  }
0x4d: {  	_ =	shalt  }
0x4e: {  	_ =	shalt  }
0x4f: {  	_ =	shalt  }
0x50: {  	_ =	shalt  }
0x51: {  	_ =	shalt  }
0x52: {  	_ =	shalt  }
0x53: {  	_ =	shalt  }
0x54: {  	_ =	shalt  }
0x55: {  	_ =	shalt  }
0x56: {  	_ =	shalt  }
0x57: {  	_ =	shalt  }
0x58: {  	_ =	shalt  }
0x59: {  	_ =	shalt  }
0x5a: {  	_ =	shalt  }
0x5b: {  	_ =	shalt  }
0x5c: {  	_ =	shalt  }
0x5d: {  	_ =	shalt  }
0x5e: {  	_ =	shalt  }
0x5f: {  	_ =	shalt  }
0x60: {  	_ =	shalt  }
0x61: {  	_ =	shalt  }
0x62: {  	_ =	shalt  }
0x63: {  	_ =	shalt  }
0x64: {  	_ =	shalt  }
0x65: {  	_ =	shalt  }
0x66: {  	_ =	shalt  }
0x67: {  	_ =	shalt  }
0x68: {  	_ =	shalt  }
0x69: {  	_ =	shalt  }
0x6a: {  	_ =	shalt  }
0x6b: {  	_ =	shalt  }
0x6c: {  	_ =	shalt  }
0x6d: {  	_ =	shalt  }
0x6e: {  	_ =	shalt  }
0x6f: {  	_ =	shalt  }
0x70: {  	_ =	shalt  }
0x71: {  	_ =	shalt  }
0x72: {  	_ =	shalt  }
0x73: {  	_ =	shalt  }
0x74: {  	_ =	shalt  }
0x75: {  	_ =	shalt  }
0x76: {  	_ =	shalt  }
0x77: {  	_ =	shalt  }
0x78: {  	_ =	shalt  }
0x79: {  	_ =	shalt  }
0x7a: {  	_ =	shalt  }
0x7b: {  	_ =	shalt  }
0x7c: {  	_ =	shalt  }
0x7d: {  	_ =	shalt  }
0x7e: {  	_ =	shalt  }
0x7f: {  	_ =	shalt  }
0x80: {  	_ =	shalt  }
0x81: {  	_ =	shalt  }
0x82: {  	_ =	shalt  }
0x83: {  	_ =	shalt  }
0x84: {  	_ =	shalt  }
0x85: {  	_ =	shalt  }
0x86: {  	_ =	shalt  }
0x87: {  	_ =	shalt  }
.Lfunc_end0:
.L_simem_size_0:
called_computation.2_lowered:
.L_overlay_start_0:
0x88: {  	s2 =	sld [smem:$0x3FD9]  }
0x89: {  	s3 =	sld [smem:$0x3FFE];
	_ =	sdelay $0x1  }
0x8a: {  	s1 =	srdreg.scid  }
0x8b: {  	s0 =	sand.u32 $0x1, s1  }
0x8c: {  	s16 =	sshll.u32 s0, $0xA;
	s2 =	sadd.s32 s3, s2  }
0x8d: {  	s2 =	sadd.s32 s2, s16  }
0x8e: {  	[smem:$0x3FBF] =	sst s2  }
0x8f: {  	_ = 	snop  }
0x90: {  	(tm) =	ssettm $0x1  }
0x91: {  	s17 =	sld [smem:$0x3FFB];
	_ =	sdelay $0x3  }
0x92: {  	_ =	strace s17  }
0x93: {  	s2 =	sld [smem:$0x3FFC];
	_ =	sdelay $0x3  }
0x94: {  	_ =	strace s2  }
0x95: {  	s2 =	sld [smem:$0x3FFD];
	_ =	sdelay $0x3  }
0x96: {  	_ =	strace s2  }
0x97: {  	_ =	strace $0x8FFFFFFF  }
0x98: {  	s18 =	sld [smem:$0x3FDB];
	_ =	sdelay $0x1  }
0x99: {  	s19 =	simm.s32 $_scs_section_size  }
0x9a: {  	s4 =	simm.s32 $_size__tile_overlayer_lowered;
	s5 =	simm.s32 $_tile_overlayer_lowered  }
0x9b: {  	s22 =	simm.s32 $0x1BFF;
	s21 =	sshll.u32 s5, $0x1;
	s2 =	sadd.s32 s19, s18  }
0x9c: {  	s6 =	simm.s32 $0x0;
	s20 =	sshll.u32 s4, $0x1;
	s4 =	sadd.s32 s21, s2  }
0x9d: {  	[timem:s6], [sflag:s22] =	dma.local [hbm:s4], s20  }
0x9e: {  	_ =	swait.ge [sflag:s22], s20  }
0x9f: {  	s3 =	ssub.s32 $0x0, s20;
	[sflag:s22] =	ssyncset.done $0x0  }
0xa0: {  	[sflag:s22] =	ssyncadd.s32 s3;
	_ =	sdelay $0x1  }
0xa1: {  	s23 =	simm.s32 $0x1B8B  }
0xa2: {  	_ =	swait.ge [sflag:s23], $0x1  }
0xa3: {  	[sflag:s23] =	ssyncset.done $0x0  }
0xa4: {  	s25 =	simm.s32 $0x1B8E;
	s24 =	sld [smem:$0x3FFE];
	[sflag:s23] =	ssyncadd.s32 $0xFFFFFFFF  }
0xa5: {  	s26 =	simm.s32 $execute0_lowered;
	[smem:$0x3FD2] =	sst s25  }
0xa6: {  	s4 =	sshll.u32 s26, $0x1;
	_ =	strace $0x8000004C;
	[dreg:$0x1] =	wrdreg $0xFFFFFFFF  }
0xa7: {  	s28 =	simm.s32 $_size_execute0_lowered;
	s2 =	sadd.s32 s2, s4;
	[dreg:$0x0] =	wrdreg $0x0  }
0xa8: {  	s4 =	sshll.u32 s28, $0x1;
	[dreg:$0x2] =	wrdreg s2  }
0xa9: {  	[dreg:$0x3] =	wrdreg s4  }
0xaa: {  	[dreg:$0x4] =	wrdreg $0xC0  }
0xab: {  	_ =	task [dreg:s6], $0x5FFFF  }
0xac: {  	[dreg:$0x1] =	wrdreg $0xFFFFFFFF  }
0xad: {  	[dreg:$0x0] =	wrdreg $0x60  }
0xae: {  	[dreg:$0x2] =	wrdreg s24  }
0xaf: {  	[dreg:$0x3] =	wrdreg $0x18700  }
0xb0: {  	[dreg:$0x4] =	wrdreg $0x0  }
0xb1: {  	[dreg:$0x5] =	wrdreg $0x9  }
0xb2: {  	_ =	task.clear_ibuf [dreg:s6], $0x6FFFF;
	_ =	strace $0x9000004C  }
0xb3: {  	s29 =	simm.s32 $0x9;
	_ =	strace $0x8000004E  }
0xb4: {  	_ =	swait.ge [sflag:s29], $0x1  }
0xb5: {  	[sflag:s29] =	ssyncadd.s32 $0xFFFFFFFF  }
0xb6: {  	_ =	strace $0x9000004E  }
0xb7: {  	_ =	sfence  }
0xb8: {  	s30 =	sld [smem:$0x0];
	_ =	sdelay $0x2  }
0xb9: {  	s31 =	sshll.u32 s1, $0xD;
	s1 =	sshrl.u32 s1, $0x2  }
0xba: {  	s3 =	sand.u32 $0x4000, s31;
	s1 =	sadd.s32 s1, s30  }
0xbb: {  	s0 =	sor.u32 s3, s0;
	s1 =	sshll.u32 s1, $0x11  }
0xbc: {  	s0 =	sor.u32 s1, s0  }
0xbd: {  	s0 =	sadd.s32 $0x8F2B, s0  }
0xbe: {  	[sflag:s0] =	ssyncadd.remote.s32 $0x1  }
0xbf: {  	_ =	sfence.sel $0xFFFF  }
0xc0: {  	[dreg:$0x0] =	wrdreg $0xFFFFFFFF;
	(pc) =	sbr.abs _section_cstart, $3  }
0xc1: {  	[dreg:$0x1] =	wrdreg $0xFFFFFFFF  }
0xc2: {  	_ =	task.clear_ibuf [dreg:s6], $0x2FFFF;
	_ =	strace $0x9FFFFFFF  }
0xc3: {  	(tm) =	ssettm $0x7FFFFFFF  }
tec
execute0_lowered:
.L_overlay_start_1:
0x0: {  	(tag) =	ssettag $0x1  }
0x1: {  	s0 =	rddreg [dreg:$0x0]  }
0x2: {  	s1 =	rddreg [dreg:$0x1]  }
0x3: {  	s2 =	rddreg [dreg:$0x2];
	s3 =	srdreg.scid  }
0x4: {  	s4 =	simm.s32 $0x0;
	s11 =	stileid.u32;
	s13 =	simm.s32 $0x4F60  }
0x5: {  	s21 =	simm.s32 $0x30E0;
	s14 =	simm.s32 $0x4FE0;
	s23 =	simm.s32 $0x2  }
0x6: {  	s15 =	simm.s32 $0x5060;
	s16 =	simm.s32 $0x50E0;
	s17 =	simm.s32 $0x5560  }
0x7: {  	s18 =	simm.s32 $0x55E0;
	s20 =	simm.s32 $0x5660;
	s22 =	simm.s32 $0x56E0  }
0x8: {  	s29 =	simm.s32 $0x5BE0;
	s31 =	simm.s32 $0x5C60;
	[smem:$0x7FF] =	sst s4  }
0x9: {  	s28 =	simm.s32 $0x0;
	_ =	strace $0x8000004D;
	[dreg:$0xa] =	wrdreg s13  }
0xa: {  	s3 =	sand.u32 $0x1, s3;
	s6 =	smul.u32 $0x1870, s11;
	[dreg:$0xb] =	wrdreg s14  }
0xb: {  	s12 =	sadd.s32 $0x35A00, s0;
	s5 =	sshll.u32 s3, $0x4;
	[dreg:$0xc] =	wrdreg s15  }
0xc: {  	s8 =	ssub.s32 $0x2, s3;
	s9 =	smul.u32 $0xC4000, s3;
	[dreg:$0xd] =	wrdreg s16  }
0xd: {  	p0 =	seq.s32 s3, $0x1;
	s3 =	simm.s32 $0x6CE00;
	[dreg:$0xe] =	wrdreg s17  }
0xe: {  	s14 =	simm.s32 $0x4960;
	s15 =	simm.s32 $0x5160;
	[dreg:$0xf] =	wrdreg s18  }
0xf: {  	s16 =	simm.s32 $0x1;
	s17 =	simm.s32 $0x80;
	[dreg:$0x10] =	wrdreg s20  }
0x10: {  	s18 =	simm.s32 $0x5960;
	[dreg:$0x11] =	wrdreg s22;
	s20 =	simm.s32 $0x59E0  }
0x11: {  	s22 =	simm.s32 $0x5A60;
	s13 =	simm.s32 $0x0;
	s5 =	sor.u32 s11, s5  }
0x12: {  	s7 =	sshrl.u32 s6, $0x3;
	s10 =	sshrl.u32 s8, $0x1;
	s11 =	smul.u32 $0xC400, s11  }
0x13: {  	s25 =	sadd.s32 s6, s1;
	s19 =	sadd.s32 s6, s2;
	s6 =	simm.s32 $0x4D60  }
0x14: {  	s3 =	simm.s32 @!p0 $0x69C00;
	s5 =	smul.u32 $0xC400, s5;
	[dreg:$0x17] =	wrdreg s25  }
0x15: {  	s7 =	sadd.s32 s7, s0;
	s0 =	sadd.s32 $0x4A00, s0;
	[dreg:$0x6] =	wrdreg s6  }
0x16: {  	s8 =	ssub.s32 s8, s10;
	s10 =	simm.s32 $0x4DE0;
	[dreg:$0x18] =	wrdreg s19  }
0x17: {  	s25 =	simm.s32 $0x57E0;
	s6 =	simm.s32 $0x5DE0;
	[dreg:$0x7] =	wrdreg s10  }
0x18: {  	s24 =	sadd.s32 $0x66A00, s7;
	s9 =	sadd.s32 s11, s9;
	[dreg:$0x13] =	wrdreg s25  }
0x19: {  	s11 =	simm.s32 $0x4E60;
	s3 =	sadd.s32 s3, s7;
	[dreg:$0x16] =	wrdreg s24  }
0x1a: {  	s10 =	simm.s32 $0x5F60;
	s5 =	sshrl.u32 s5, $0x3;
	[dreg:$0x8] =	wrdreg s11  }
0x1b: {  	s9 =	sshrl.u32 s9, $0x3;
	[dreg:$0x1c] =	wrdreg s3;
	s24 =	simm.s32 $0x5760  }
0x1c: {  	s5 =	sadd.s32 $0x1800, s5;
	s30 =	sadd.s32 s9, s0;
	[dreg:$0x12] =	wrdreg s24  }
0x1d: {  	s7 =	simm.s32 $0x6060;
	s26 =	sadd.s32 s12, s5;
	[dreg:$0x4] =	wrdreg s30  }
0x1e: {  	s3 =	simm.s32 $0x5CE0;
	s0 =	sadd.s32 s0, s5;
	[dreg:$0x19] =	wrdreg s26  }
0x1f: {  	s11 =	simm.s32 $0x5FE0;
	s5 =	sadd.s32 s9, s12;
	[dreg:$0x1a] =	wrdreg s0  }
0x20: {  	s24 =	simm.s32 $0x5AE0;
	s9 =	smax.u32 s8, $0x1;
	[dreg:$0x5] =	wrdreg s5  }
0x21: {  	s12 =	simm.s32 $0x4EE0;
	s30 =	simm.s32 $0x58E0;
	[dreg:$0x1b] =	wrdreg s9  }
0x22: {  	s8 =	simm.s32 $0x5E60;
	[dreg:$0x9] =	wrdreg s12;
	s26 =	simm.s32 $0x5860  }
0x23: {  	[dreg:$0x15] =	wrdreg s30;
	s5 =	simm.s32 $0x5D60;
	s9 =	simm.s32 $0x5EE0  }
0x24: {  	v0 =	vimm.f32 $0.0e+00;
	s12 =	simm.s32 $0x60E0;
	[dreg:$0x14] =	wrdreg s26;
	s26 =	simm.s32 $0x5B60  }
.LBB2_1:
0x25: {  	[dreg:$0x1d] =	wrdreg s13  }
0x26: {  	s0 =	rddreg [dreg:$0x16]  }
0x27: {  	[tilespmem:s21], [sflag:$0x2] =	stream.linear.gather [hbm4b:s0+s4], $0x1870, $0x38;
	[tilespmem:$0x6160] =	vst v63  }
0x28: {  	_ =	swait.ge [sflag:s23], $0x1870  }
0x29: {  	[sflag:s23] =	ssyncset.done $0x0  }
0x2a: {  	s30 =	rddreg [dreg:$0x17];
	[sflag:s23] =	ssyncadd.s32 $0xFFFFE790  }
0x2b: {  	[spmem:s30] =	stream.linear.scatter [tilespmem:s21], [sflag:$0x2], $0x1870, $0x38;
	[tilespmem:$0x6160] =	vst v63  }
0x2c: {  	_ =	swait.ge [sflag:s23], $0x1870  }
0x2d: {  	[sflag:s23] =	ssyncset.done $0x0  }
0x2e: {  	s13 =	simm.s32 $0x0;
	s0 =	simm.s32 $0x40;
	[sflag:s23] =	ssyncadd.s32 $0xFFFFE790  }
.LBB2_2:
0x2f: {  	p0 =	sne.s32 s0, $0x6180;
	[tilespmem:s13+$0x30E0] =	vst v0;
	s13 =	smov.u32 s0;
	s0 =	sadd.s32 $0x40, s0  }
.Ltmp0:
0x30: {  	(pc) =	sbr.rel @p0 .LBB2_2-.Ltmp0, $2  }
0x31: {  	_ =	sdelay $0x2  }
0x32: {  	s13 =	sshra.s32 s13, $0x2  }
0x33: {  	[tilespmem:s13+$0x30E0] =	vst v0  }
0x34: {  	[spmem:s19] =	stream.linear.scatter [tilespmem:s21], [sflag:$0x2], $0x1870, $0x38;
	[tilespmem:$0x6160] =	vst v63  }
0x35: {  	_ =	swait.ge [sflag:s23], $0x1870  }
0x36: {  	[sflag:s23] =	ssyncset.done $0x0  }
0x37: {  	[sflag:s23] =	ssyncadd.s32 $0xFFFFE790  }
0x38: {  	[bflag:$0x0] =	sbarrier.arrive $0xFFFF  }
0x39: {  	s0 =	rddreg [dreg:$0x5]  }
0x3a: {  	s25 =	rddreg [dreg:$0x4];
	s0 =	sadd.s32 $0x0, s0  }
0x3b: {  	[tilespmem:s14], [sflag:$0x1] =	stream.linear.gather [hbm4b:s0+s4], $0x800, $0x38;
	[tilespmem:$0x6160] =	vst v63  }
0x3c: {  	s19 =	sadd.s32 $0x0, s25  }
0x3d: {  	[tilespmem:s15], [sflag:$0x1] =	stream.linear.gather [hbm4b:s19+s4], $0x800, $0x38;
	[tilespmem:$0x6160] =	vst v63  }
0x3e: {  	_ =	swait.ge [sflag:s16], $0x800  }
0x3f: {  	[sflag:s16] =	ssyncset.done $0x0  }
0x40: {  	[sflag:s16] =	ssyncadd.s32 $0xFFFFF800  }
0x41: {  	_ =	swait.ge [sflag:s16], $0x800  }
0x42: {  	[sflag:s16] =	ssyncset.done $0x0  }
0x43: {  	[sflag:s16] =	ssyncadd.s32 $0xFFFFF800  }
0x44: {  	[tilespmem:s18], [sflag:$0x1] =	stream.indirect.gather [spmem:s1], $0x1, s14, s17, $0xb8;
	[tilespmem:$0x6160] =	vst v63  }
0x45: {  	s21 =	simm.s32 $0x49E0  }
0x46: {  	[tilespmem:s20], [sflag:$0x1] =	stream.indirect.gather [spmem:s1], $0x1, s21, s17, $0xb8;
	[tilespmem:$0x6160] =	vst v63  }
0x47: {  	s23 =	simm.s32 $0x4A60  }
0x48: {  	[tilespmem:s22], [sflag:$0x1] =	stream.indirect.gather [spmem:s1], $0x1, s23, s17, $0xb8;
	[tilespmem:$0x6160] =	vst v63  }
0x49: {  	s25 =	simm.s32 $0x4AE0  }
0x4a: {  	[tilespmem:s24], [sflag:$0x1] =	stream.indirect.gather [spmem:s1], $0x1, s25, s17, $0xb8;
	[tilespmem:$0x6160] =	vst v63  }
0x4b: {  	s4 =	simm.s32 $0x4B60  }
0x4c: {  	[tilespmem:s26], [sflag:$0x1] =	stream.indirect.gather [spmem:s1], $0x1, s4, s17, $0xb8;
	[tilespmem:$0x6160] =	vst v63  }
0x4d: {  	s13 =	simm.s32 $0x4BE0  }
0x4e: {  	[tilespmem:s29], [sflag:$0x1] =	stream.indirect.gather [spmem:s1], $0x1, s13, s17, $0xb8;
	[tilespmem:$0x6160] =	vst v63  }
0x4f: {  	s19 =	simm.s32 $0x4C60  }
0x50: {  	[tilespmem:s31], [sflag:$0x1] =	stream.indirect.gather [spmem:s1], $0x1, s19, s17, $0xb8;
	[tilespmem:$0x6160] =	vst v63  }
0x51: {  	s23 =	simm.s32 $0x4CE0  }
0x52: {  	[tilespmem:s3], [sflag:$0x1] =	stream.indirect.gather [spmem:s1], $0x1, s23, s17, $0xb8;
	[tilespmem:$0x6160] =	vst v63  }
0x53: {  	s21 =	rddreg [dreg:$0x6]  }
0x54: {  	[tilespmem:s5], [sflag:$0x1] =	stream.indirect.gather [spmem:s1], $0x1, s21, s17, $0xb8;
	[tilespmem:$0x6160] =	vst v63  }
0x55: {  	s25 =	rddreg [dreg:$0x7]  }
0x56: {  	[tilespmem:s6], [sflag:$0x1] =	stream.indirect.gather [spmem:s1], $0x1, s25, s17, $0xb8;
	[tilespmem:$0x6160] =	vst v63  }
0x57: {  	s4 =	rddreg [dreg:$0x8]  }
0x58: {  	[tilespmem:s8], [sflag:$0x1] =	stream.indirect.gather [spmem:s1], $0x1, s4, s17, $0xb8;
	[tilespmem:$0x6160] =	vst v63  }
0x59: {  	s19 =	rddreg [dreg:$0x9]  }
0x5a: {  	[tilespmem:s9], [sflag:$0x1] =	stream.indirect.gather [spmem:s1], $0x1, s19, s17, $0xb8;
	[tilespmem:$0x6160] =	vst v63  }
0x5b: {  	s21 =	rddreg [dreg:$0xa]  }
0x5c: {  	[tilespmem:s10], [sflag:$0x1] =	stream.indirect.gather [spmem:s1], $0x1, s21, s17, $0xb8;
	[tilespmem:$0x6160] =	vst v63  }
0x5d: {  	s23 =	rddreg [dreg:$0xb]  }
0x5e: {  	[tilespmem:s11], [sflag:$0x1] =	stream.indirect.gather [spmem:s1], $0x1, s23, s17, $0xb8;
	[tilespmem:$0x6160] =	vst v63  }
0x5f: {  	s25 =	rddreg [dreg:$0xc]  }
0x60: {  	[tilespmem:s7], [sflag:$0x1] =	stream.indirect.gather [spmem:s1], $0x1, s25, s17, $0xb8;
	[tilespmem:$0x6160] =	vst v63  }
0x61: {  	s4 =	rddreg [dreg:$0xd]  }
0x62: {  	[tilespmem:s12], [sflag:$0x1] =	stream.indirect.gather [spmem:s1], $0x1, s4, s17, $0xb8;
	[tilespmem:$0x6160] =	vst v63  }
0x63: {  	_ =	swait.ge [sflag:s16], $0x80  }
0x64: {  	[sflag:s16] =	ssyncset.done $0x0  }
0x65: {  	[sflag:s16] =	ssyncadd.s32 $0xFFFFFF80  }
0x66: {  	_ =	swait.ge [sflag:s16], $0x80  }
0x67: {  	[sflag:s16] =	ssyncset.done $0x0  }
0x68: {  	[sflag:s16] =	ssyncadd.s32 $0xFFFFFF80  }
0x69: {  	_ =	swait.ge [sflag:s16], $0x80  }
0x6a: {  	[sflag:s16] =	ssyncset.done $0x0  }
0x6b: {  	[sflag:s16] =	ssyncadd.s32 $0xFFFFFF80  }
0x6c: {  	_ =	swait.ge [sflag:s16], $0x80  }
0x6d: {  	[sflag:s16] =	ssyncset.done $0x0  }
0x6e: {  	[sflag:s16] =	ssyncadd.s32 $0xFFFFFF80  }
0x6f: {  	_ =	swait.ge [sflag:s16], $0x80  }
0x70: {  	[sflag:s16] =	ssyncset.done $0x0  }
0x71: {  	[sflag:s16] =	ssyncadd.s32 $0xFFFFFF80  }
0x72: {  	_ =	swait.ge [sflag:s16], $0x80  }
0x73: {  	[sflag:s16] =	ssyncset.done $0x0  }
0x74: {  	[sflag:s16] =	ssyncadd.s32 $0xFFFFFF80  }
0x75: {  	_ =	swait.ge [sflag:s16], $0x80  }
0x76: {  	[sflag:s16] =	ssyncset.done $0x0  }
0x77: {  	[sflag:s16] =	ssyncadd.s32 $0xFFFFFF80  }
0x78: {  	_ =	swait.ge [sflag:s16], $0x80  }
0x79: {  	[sflag:s16] =	ssyncset.done $0x0  }
0x7a: {  	[sflag:s16] =	ssyncadd.s32 $0xFFFFFF80  }
0x7b: {  	_ =	swait.ge [sflag:s16], $0x80  }
0x7c: {  	[sflag:s16] =	ssyncset.done $0x0  }
0x7d: {  	[sflag:s16] =	ssyncadd.s32 $0xFFFFFF80  }
0x7e: {  	_ =	swait.ge [sflag:s16], $0x80  }
0x7f: {  	[sflag:s16] =	ssyncset.done $0x0  }
0x80: {  	[sflag:s16] =	ssyncadd.s32 $0xFFFFFF80  }
0x81: {  	_ =	swait.ge [sflag:s16], $0x80  }
0x82: {  	[sflag:s16] =	ssyncset.done $0x0  }
0x83: {  	[sflag:s16] =	ssyncadd.s32 $0xFFFFFF80  }
0x84: {  	_ =	swait.ge [sflag:s16], $0x80  }
0x85: {  	[sflag:s16] =	ssyncset.done $0x0  }
0x86: {  	[sflag:s16] =	ssyncadd.s32 $0xFFFFFF80  }
0x87: {  	_ =	swait.ge [sflag:s16], $0x80  }
0x88: {  	[sflag:s16] =	ssyncset.done $0x0  }
0x89: {  	[sflag:s16] =	ssyncadd.s32 $0xFFFFFF80  }
0x8a: {  	_ =	swait.ge [sflag:s16], $0x80  }
0x8b: {  	[sflag:s16] =	ssyncset.done $0x0  }
0x8c: {  	[sflag:s16] =	ssyncadd.s32 $0xFFFFFF80  }
0x8d: {  	_ =	swait.ge [sflag:s16], $0x80  }
0x8e: {  	[sflag:s16] =	ssyncset.done $0x0  }
0x8f: {  	[sflag:s16] =	ssyncadd.s32 $0xFFFFFF80  }
0x90: {  	_ =	swait.ge [sflag:s16], $0x80  }
0x91: {  	[sflag:s16] =	ssyncset.done $0x0  }
0x92: {  	[sflag:s16] =	ssyncadd.s32 $0xFFFFFF80  }
0x93: {  	[spmem:s2] =	stream.indirect.scatter.add.f32 [tilespmem:s18], [sflag:$0x1], $0x1, s15, s17, $0xb8;
	[tilespmem:$0x6160] =	vst v63  }
0x94: {  	s19 =	simm.s32 $0x51E0  }
0x95: {  	[spmem:s2] =	stream.indirect.scatter.add.f32 [tilespmem:s20], [sflag:$0x1], $0x1, s19, s17, $0xb8;
	[tilespmem:$0x6160] =	vst v63  }
0x96: {  	s21 =	simm.s32 $0x5260  }
0x97: {  	[spmem:s2] =	stream.indirect.scatter.add.f32 [tilespmem:s22], [sflag:$0x1], $0x1, s21, s17, $0xb8;
	[tilespmem:$0x6160] =	vst v63  }
0x98: {  	s23 =	simm.s32 $0x52E0  }
0x99: {  	[spmem:s2] =	stream.indirect.scatter.add.f32 [tilespmem:s24], [sflag:$0x1], $0x1, s23, s17, $0xb8;
	[tilespmem:$0x6160] =	vst v63  }
0x9a: {  	s25 =	simm.s32 $0x5360  }
0x9b: {  	[spmem:s2] =	stream.indirect.scatter.add.f32 [tilespmem:s26], [sflag:$0x1], $0x1, s25, s17, $0xb8;
	[tilespmem:$0x6160] =	vst v63  }
0x9c: {  	s4 =	simm.s32 $0x53E0  }
0x9d: {  	[spmem:s2] =	stream.indirect.scatter.add.f32 [tilespmem:s29], [sflag:$0x1], $0x1, s4, s17, $0xb8;
	[tilespmem:$0x6160] =	vst v63  }
0x9e: {  	s13 =	simm.s32 $0x5460  }
0x9f: {  	[spmem:s2] =	stream.indirect.scatter.add.f32 [tilespmem:s31], [sflag:$0x1], $0x1, s13, s17, $0xb8;
	[tilespmem:$0x6160] =	vst v63  }
0xa0: {  	s21 =	simm.s32 $0x54E0  }
0xa1: {  	[spmem:s2] =	stream.indirect.scatter.add.f32 [tilespmem:s3], [sflag:$0x1], $0x1, s21, s17, $0xb8;
	[tilespmem:$0x6160] =	vst v63  }
0xa2: {  	s19 =	rddreg [dreg:$0xe]  }
0xa3: {  	[spmem:s2] =	stream.indirect.scatter.add.f32 [tilespmem:s5], [sflag:$0x1], $0x1, s19, s17, $0xb8;
	[tilespmem:$0x6160] =	vst v63  }
0xa4: {  	s23 =	rddreg [dreg:$0xf]  }
0xa5: {  	[spmem:s2] =	stream.indirect.scatter.add.f32 [tilespmem:s6], [sflag:$0x1], $0x1, s23, s17, $0xb8;
	[tilespmem:$0x6160] =	vst v63  }
0xa6: {  	s19 =	rddreg [dreg:$0x10]  }
0xa7: {  	[spmem:s2] =	stream.indirect.scatter.add.f32 [tilespmem:s8], [sflag:$0x1], $0x1, s19, s17, $0xb8;
	[tilespmem:$0x6160] =	vst v63  }
0xa8: {  	s21 =	rddreg [dreg:$0x11]  }
0xa9: {  	[spmem:s2] =	stream.indirect.scatter.add.f32 [tilespmem:s9], [sflag:$0x1], $0x1, s21, s17, $0xb8;
	[tilespmem:$0x6160] =	vst v63  }
0xaa: {  	s23 =	rddreg [dreg:$0x12]  }
0xab: {  	[spmem:s2] =	stream.indirect.scatter.add.f32 [tilespmem:s10], [sflag:$0x1], $0x1, s23, s17, $0xb8;
	[tilespmem:$0x6160] =	vst v63  }
0xac: {  	s19 =	rddreg [dreg:$0x13]  }
0xad: {  	[spmem:s2] =	stream.indirect.scatter.add.f32 [tilespmem:s11], [sflag:$0x1], $0x1, s19, s17, $0xb8;
	[tilespmem:$0x6160] =	vst v63  }
0xae: {  	s21 =	rddreg [dreg:$0x14]  }
0xaf: {  	[spmem:s2] =	stream.indirect.scatter.add.f32 [tilespmem:s7], [sflag:$0x1], $0x1, s21, s17, $0xb8;
	[tilespmem:$0x6160] =	vst v63  }
0xb0: {  	s23 =	rddreg [dreg:$0x15]  }
0xb1: {  	[spmem:s2] =	stream.indirect.scatter.add.f32 [tilespmem:s12], [sflag:$0x1], $0x1, s23, s17, $0xb8;
	[tilespmem:$0x6160] =	vst v63  }
0xb2: {  	_ =	swait.ge [sflag:s16], $0x80  }
0xb3: {  	[sflag:s16] =	ssyncset.done $0x0  }
0xb4: {  	[sflag:s16] =	ssyncadd.s32 $0xFFFFFF80  }
0xb5: {  	_ =	swait.ge [sflag:s16], $0x80  }
0xb6: {  	[sflag:s16] =	ssyncset.done $0x0  }
0xb7: {  	[sflag:s16] =	ssyncadd.s32 $0xFFFFFF80  }
0xb8: {  	_ =	swait.ge [sflag:s16], $0x80  }
0xb9: {  	[sflag:s16] =	ssyncset.done $0x0  }
0xba: {  	[sflag:s16] =	ssyncadd.s32 $0xFFFFFF80  }
0xbb: {  	_ =	swait.ge [sflag:s16], $0x80  }
0xbc: {  	[sflag:s16] =	ssyncset.done $0x0  }
0xbd: {  	[sflag:s16] =	ssyncadd.s32 $0xFFFFFF80  }
0xbe: {  	_ =	swait.ge [sflag:s16], $0x80  }
0xbf: {  	[sflag:s16] =	ssyncset.done $0x0  }
0xc0: {  	[sflag:s16] =	ssyncadd.s32 $0xFFFFFF80  }
0xc1: {  	_ =	swait.ge [sflag:s16], $0x80  }
0xc2: {  	[sflag:s16] =	ssyncset.done $0x0  }
0xc3: {  	[sflag:s16] =	ssyncadd.s32 $0xFFFFFF80  }
0xc4: {  	_ =	swait.ge [sflag:s16], $0x80  }
0xc5: {  	[sflag:s16] =	ssyncset.done $0x0  }
0xc6: {  	[sflag:s16] =	ssyncadd.s32 $0xFFFFFF80  }
0xc7: {  	_ =	swait.ge [sflag:s16], $0x80  }
0xc8: {  	[sflag:s16] =	ssyncset.done $0x0  }
0xc9: {  	[sflag:s16] =	ssyncadd.s32 $0xFFFFFF80  }
0xca: {  	_ =	swait.ge [sflag:s16], $0x80  }
0xcb: {  	[sflag:s16] =	ssyncset.done $0x0  }
0xcc: {  	[sflag:s16] =	ssyncadd.s32 $0xFFFFFF80  }
0xcd: {  	_ =	swait.ge [sflag:s16], $0x80  }
0xce: {  	[sflag:s16] =	ssyncset.done $0x0  }
0xcf: {  	[sflag:s16] =	ssyncadd.s32 $0xFFFFFF80  }
0xd0: {  	_ =	swait.ge [sflag:s16], $0x80  }
0xd1: {  	[sflag:s16] =	ssyncset.done $0x0  }
0xd2: {  	[sflag:s16] =	ssyncadd.s32 $0xFFFFFF80  }
0xd3: {  	_ =	swait.ge [sflag:s16], $0x80  }
0xd4: {  	[sflag:s16] =	ssyncset.done $0x0  }
0xd5: {  	[sflag:s16] =	ssyncadd.s32 $0xFFFFFF80  }
0xd6: {  	_ =	swait.ge [sflag:s16], $0x80  }
0xd7: {  	[sflag:s16] =	ssyncset.done $0x0  }
0xd8: {  	[sflag:s16] =	ssyncadd.s32 $0xFFFFFF80  }
0xd9: {  	_ =	swait.ge [sflag:s16], $0x80  }
0xda: {  	[sflag:s16] =	ssyncset.done $0x0  }
0xdb: {  	[sflag:s16] =	ssyncadd.s32 $0xFFFFFF80  }
0xdc: {  	_ =	swait.ge [sflag:s16], $0x80  }
0xdd: {  	[sflag:s16] =	ssyncset.done $0x0  }
0xde: {  	s30 =	simm.s32 $0x53E0;
	s0 =	simm.s32 $0x100;
	[sflag:s16] =	ssyncadd.s32 $0xFFFFFF80  }
0xdf: {  	s25 =	simm.s32 $0x5460;
	s4 =	simm.s32 $0x54E0;
	_ =	swait.ge [sflag:s16], $0x80  }
0xe0: {  	s13 =	simm.s32 $0x200;
	s19 =	rddreg [dreg:$0x5];
	[sflag:s16] =	ssyncset.done $0x0  }
.LBB2_4:
0xe1: {  	[sflag:s16] =	ssyncadd.s32 $0xFFFFFF80;
	s23 =	rddreg [dreg:$0x4];
	s19 =	sadd.s32 s0, s19  }
0xe2: {  	[tilespmem:s14], [sflag:$0x1] =	stream.linear.gather [hbm4b:s19+s28], $0x800, $0x38;
	[tilespmem:$0x6160] =	vst v63  }
0xe3: {  	s19 =	sadd.s32 s0, s23  }
0xe4: {  	[tilespmem:s15], [sflag:$0x1] =	stream.linear.gather [hbm4b:s19+s28], $0x800, $0x38;
	[tilespmem:$0x6160] =	vst v63  }
0xe5: {  	_ =	swait.ge [sflag:s16], $0x800  }
0xe6: {  	[sflag:s16] =	ssyncset.done $0x0  }
0xe7: {  	[sflag:s16] =	ssyncadd.s32 $0xFFFFF800  }
0xe8: {  	_ =	swait.ge [sflag:s16], $0x800  }
0xe9: {  	[sflag:s16] =	ssyncset.done $0x0  }
0xea: {  	[sflag:s16] =	ssyncadd.s32 $0xFFFFF800  }
0xeb: {  	[tilespmem:s18], [sflag:$0x1] =	stream.indirect.gather [spmem:s1], $0x1, s14, s17, $0xb8;
	[tilespmem:$0x6160] =	vst v63  }
0xec: {  	s21 =	smov.u32 s13;
	s23 =	simm.s32 $0x49E0  }
0xed: {  	[tilespmem:s20], [sflag:$0x1] =	stream.indirect.gather [spmem:s1], $0x1, s23, s17, $0xb8;
	[tilespmem:$0x6160] =	vst v63  }
0xee: {  	s0 =	smov.u32 s21;
	s21 =	simm.s32 $0x4A60  }
0xef: {  	[tilespmem:s22], [sflag:$0x1] =	stream.indirect.gather [spmem:s1], $0x1, s21, s17, $0xb8;
	[tilespmem:$0x6160] =	vst v63  }
0xf0: {  	s21 =	simm.s32 $0x4AE0  }
0xf1: {  	[tilespmem:s24], [sflag:$0x1] =	stream.indirect.gather [spmem:s1], $0x1, s21, s17, $0xb8;
	[tilespmem:$0x6160] =	vst v63  }
0xf2: {  	s21 =	simm.s32 $0x4B60  }
0xf3: {  	[tilespmem:s26], [sflag:$0x1] =	stream.indirect.gather [spmem:s1], $0x1, s21, s17, $0xb8;
	[tilespmem:$0x6160] =	vst v63  }
0xf4: {  	s21 =	simm.s32 $0x4BE0  }
0xf5: {  	[tilespmem:s29], [sflag:$0x1] =	stream.indirect.gather [spmem:s1], $0x1, s21, s17, $0xb8;
	[tilespmem:$0x6160] =	vst v63  }
0xf6: {  	s21 =	simm.s32 $0x4C60  }
0xf7: {  	[tilespmem:s31], [sflag:$0x1] =	stream.indirect.gather [spmem:s1], $0x1, s21, s17, $0xb8;
	[tilespmem:$0x6160] =	vst v63  }
0xf8: {  	s21 =	simm.s32 $0x4CE0  }
0xf9: {  	[tilespmem:s3], [sflag:$0x1] =	stream.indirect.gather [spmem:s1], $0x1, s21, s17, $0xb8;
	[tilespmem:$0x6160] =	vst v63  }
0xfa: {  	s19 =	rddreg [dreg:$0x6]  }
0xfb: {  	[tilespmem:s5], [sflag:$0x1] =	stream.indirect.gather [spmem:s1], $0x1, s19, s17, $0xb8;
	[tilespmem:$0x6160] =	vst v63  }
0xfc: {  	s21 =	rddreg [dreg:$0x7]  }
0xfd: {  	[tilespmem:s6], [sflag:$0x1] =	stream.indirect.gather [spmem:s1], $0x1, s21, s17, $0xb8;
	[tilespmem:$0x6160] =	vst v63  }
0xfe: {  	s19 =	rddreg [dreg:$0x8]  }
0xff: {  	[tilespmem:s8], [sflag:$0x1] =	stream.indirect.gather [spmem:s1], $0x1, s19, s17, $0xb8;
	[tilespmem:$0x6160] =	vst v63  }
0x100: {  	s21 =	rddreg [dreg:$0x9]  }
0x101: {  	[tilespmem:s9], [sflag:$0x1] =	stream.indirect.gather [spmem:s1], $0x1, s21, s17, $0xb8;
	[tilespmem:$0x6160] =	vst v63  }
0x102: {  	s19 =	rddreg [dreg:$0xa]  }
0x103: {  	[tilespmem:s10], [sflag:$0x1] =	stream.indirect.gather [spmem:s1], $0x1, s19, s17, $0xb8;
	[tilespmem:$0x6160] =	vst v63  }
0x104: {  	s21 =	rddreg [dreg:$0xb]  }
0x105: {  	[tilespmem:s11], [sflag:$0x1] =	stream.indirect.gather [spmem:s1], $0x1, s21, s17, $0xb8;
	[tilespmem:$0x6160] =	vst v63  }
0x106: {  	s19 =	rddreg [dreg:$0xc]  }
0x107: {  	[tilespmem:s7], [sflag:$0x1] =	stream.indirect.gather [spmem:s1], $0x1, s19, s17, $0xb8;
	[tilespmem:$0x6160] =	vst v63  }
0x108: {  	s21 =	rddreg [dreg:$0xd]  }
0x109: {  	[tilespmem:s12], [sflag:$0x1] =	stream.indirect.gather [spmem:s1], $0x1, s21, s17, $0xb8;
	[tilespmem:$0x6160] =	vst v63  }
0x10a: {  	_ =	swait.ge [sflag:s16], $0x80  }
0x10b: {  	[sflag:s16] =	ssyncset.done $0x0  }
0x10c: {  	[sflag:s16] =	ssyncadd.s32 $0xFFFFFF80  }
0x10d: {  	_ =	swait.ge [sflag:s16], $0x80  }
0x10e: {  	[sflag:s16] =	ssyncset.done $0x0  }
0x10f: {  	[sflag:s16] =	ssyncadd.s32 $0xFFFFFF80  }
0x110: {  	_ =	swait.ge [sflag:s16], $0x80  }
0x111: {  	[sflag:s16] =	ssyncset.done $0x0  }
0x112: {  	[sflag:s16] =	ssyncadd.s32 $0xFFFFFF80  }
0x113: {  	_ =	swait.ge [sflag:s16], $0x80  }
0x114: {  	[sflag:s16] =	ssyncset.done $0x0  }
0x115: {  	[sflag:s16] =	ssyncadd.s32 $0xFFFFFF80  }
0x116: {  	_ =	swait.ge [sflag:s16], $0x80  }
0x117: {  	[sflag:s16] =	ssyncset.done $0x0  }
0x118: {  	[sflag:s16] =	ssyncadd.s32 $0xFFFFFF80  }
0x119: {  	_ =	swait.ge [sflag:s16], $0x80  }
0x11a: {  	[sflag:s16] =	ssyncset.done $0x0  }
0x11b: {  	[sflag:s16] =	ssyncadd.s32 $0xFFFFFF80  }
0x11c: {  	_ =	swait.ge [sflag:s16], $0x80  }
0x11d: {  	[sflag:s16] =	ssyncset.done $0x0  }
0x11e: {  	[sflag:s16] =	ssyncadd.s32 $0xFFFFFF80  }
0x11f: {  	_ =	swait.ge [sflag:s16], $0x80  }
0x120: {  	[sflag:s16] =	ssyncset.done $0x0  }
0x121: {  	[sflag:s16] =	ssyncadd.s32 $0xFFFFFF80  }
0x122: {  	_ =	swait.ge [sflag:s16], $0x80  }
0x123: {  	[sflag:s16] =	ssyncset.done $0x0  }
0x124: {  	[sflag:s16] =	ssyncadd.s32 $0xFFFFFF80  }
0x125: {  	_ =	swait.ge [sflag:s16], $0x80  }
0x126: {  	[sflag:s16] =	ssyncset.done $0x0  }
0x127: {  	[sflag:s16] =	ssyncadd.s32 $0xFFFFFF80  }
0x128: {  	_ =	swait.ge [sflag:s16], $0x80  }
0x129: {  	[sflag:s16] =	ssyncset.done $0x0  }
0x12a: {  	[sflag:s16] =	ssyncadd.s32 $0xFFFFFF80  }
0x12b: {  	_ =	swait.ge [sflag:s16], $0x80  }
0x12c: {  	[sflag:s16] =	ssyncset.done $0x0  }
0x12d: {  	[sflag:s16] =	ssyncadd.s32 $0xFFFFFF80  }
0x12e: {  	_ =	swait.ge [sflag:s16], $0x80  }
0x12f: {  	[sflag:s16] =	ssyncset.done $0x0  }
0x130: {  	[sflag:s16] =	ssyncadd.s32 $0xFFFFFF80  }
0x131: {  	_ =	swait.ge [sflag:s16], $0x80  }
0x132: {  	[sflag:s16] =	ssyncset.done $0x0  }
0x133: {  	[sflag:s16] =	ssyncadd.s32 $0xFFFFFF80  }
0x134: {  	_ =	swait.ge [sflag:s16], $0x80  }
0x135: {  	[sflag:s16] =	ssyncset.done $0x0  }
0x136: {  	[sflag:s16] =	ssyncadd.s32 $0xFFFFFF80  }
0x137: {  	_ =	swait.ge [sflag:s16], $0x80  }
0x138: {  	[sflag:s16] =	ssyncset.done $0x0  }
0x139: {  	[sflag:s16] =	ssyncadd.s32 $0xFFFFFF80  }
0x13a: {  	[spmem:s2] =	stream.indirect.scatter.add.f32 [tilespmem:s18], [sflag:$0x1], $0x1, s15, s17, $0xb8;
	[tilespmem:$0x6160] =	vst v63  }
0x13b: {  	s21 =	simm.s32 $0x51E0  }
0x13c: {  	[spmem:s2] =	stream.indirect.scatter.add.f32 [tilespmem:s20], [sflag:$0x1], $0x1, s21, s17, $0xb8;
	[tilespmem:$0x6160] =	vst v63  }
0x13d: {  	s21 =	simm.s32 $0x5260  }
0x13e: {  	[spmem:s2] =	stream.indirect.scatter.add.f32 [tilespmem:s22], [sflag:$0x1], $0x1, s21, s17, $0xb8;
	[tilespmem:$0x6160] =	vst v63  }
0x13f: {  	s21 =	simm.s32 $0x52E0  }
0x140: {  	[spmem:s2] =	stream.indirect.scatter.add.f32 [tilespmem:s24], [sflag:$0x1], $0x1, s21, s17, $0xb8;
	[tilespmem:$0x6160] =	vst v63  }
0x141: {  	s21 =	simm.s32 $0x5360  }
0x142: {  	[spmem:s2] =	stream.indirect.scatter.add.f32 [tilespmem:s26], [sflag:$0x1], $0x1, s21, s17, $0xb8;
	[tilespmem:$0x6160] =	vst v63  }
0x143: {  	_ = 	snop  }
0x144: {  	[spmem:s2] =	stream.indirect.scatter.add.f32 [tilespmem:s29], [sflag:$0x1], $0x1, s30, s17, $0xb8;
	[tilespmem:$0x6160] =	vst v63  }
0x145: {  	_ = 	snop  }
0x146: {  	[spmem:s2] =	stream.indirect.scatter.add.f32 [tilespmem:s31], [sflag:$0x1], $0x1, s25, s17, $0xb8;
	[tilespmem:$0x6160] =	vst v63  }
0x147: {  	_ = 	snop  }
0x148: {  	[spmem:s2] =	stream.indirect.scatter.add.f32 [tilespmem:s3], [sflag:$0x1], $0x1, s4, s17, $0xb8;
	[tilespmem:$0x6160] =	vst v63  }
0x149: {  	s19 =	rddreg [dreg:$0xe]  }
0x14a: {  	[spmem:s2] =	stream.indirect.scatter.add.f32 [tilespmem:s5], [sflag:$0x1], $0x1, s19, s17, $0xb8;
	[tilespmem:$0x6160] =	vst v63  }
0x14b: {  	s21 =	rddreg [dreg:$0xf]  }
0x14c: {  	[spmem:s2] =	stream.indirect.scatter.add.f32 [tilespmem:s6], [sflag:$0x1], $0x1, s21, s17, $0xb8;
	[tilespmem:$0x6160] =	vst v63  }
0x14d: {  	s19 =	rddreg [dreg:$0x10]  }
0x14e: {  	[spmem:s2] =	stream.indirect.scatter.add.f32 [tilespmem:s8], [sflag:$0x1], $0x1, s19, s17, $0xb8;
	[tilespmem:$0x6160] =	vst v63  }
0x14f: {  	s21 =	rddreg [dreg:$0x11]  }
0x150: {  	[spmem:s2] =	stream.indirect.scatter.add.f32 [tilespmem:s9], [sflag:$0x1], $0x1, s21, s17, $0xb8;
	[tilespmem:$0x6160] =	vst v63  }
0x151: {  	s19 =	rddreg [dreg:$0x12]  }
0x152: {  	[spmem:s2] =	stream.indirect.scatter.add.f32 [tilespmem:s10], [sflag:$0x1], $0x1, s19, s17, $0xb8;
	[tilespmem:$0x6160] =	vst v63  }
0x153: {  	s21 =	rddreg [dreg:$0x13]  }
0x154: {  	[spmem:s2] =	stream.indirect.scatter.add.f32 [tilespmem:s11], [sflag:$0x1], $0x1, s21, s17, $0xb8;
	[tilespmem:$0x6160] =	vst v63  }
0x155: {  	s19 =	rddreg [dreg:$0x14]  }
0x156: {  	[spmem:s2] =	stream.indirect.scatter.add.f32 [tilespmem:s7], [sflag:$0x1], $0x1, s19, s17, $0xb8;
	[tilespmem:$0x6160] =	vst v63  }
0x157: {  	s21 =	rddreg [dreg:$0x15]  }
0x158: {  	[spmem:s2] =	stream.indirect.scatter.add.f32 [tilespmem:s12], [sflag:$0x1], $0x1, s21, s17, $0xb8;
	[tilespmem:$0x6160] =	vst v63  }
0x159: {  	_ =	swait.ge [sflag:s16], $0x80  }
0x15a: {  	[sflag:s16] =	ssyncset.done $0x0  }
0x15b: {  	[sflag:s16] =	ssyncadd.s32 $0xFFFFFF80  }
0x15c: {  	_ =	swait.ge [sflag:s16], $0x80  }
0x15d: {  	[sflag:s16] =	ssyncset.done $0x0  }
0x15e: {  	[sflag:s16] =	ssyncadd.s32 $0xFFFFFF80  }
0x15f: {  	_ =	swait.ge [sflag:s16], $0x80  }
0x160: {  	[sflag:s16] =	ssyncset.done $0x0  }
0x161: {  	[sflag:s16] =	ssyncadd.s32 $0xFFFFFF80  }
0x162: {  	_ =	swait.ge [sflag:s16], $0x80  }
0x163: {  	[sflag:s16] =	ssyncset.done $0x0  }
0x164: {  	[sflag:s16] =	ssyncadd.s32 $0xFFFFFF80  }
0x165: {  	_ =	swait.ge [sflag:s16], $0x80  }
0x166: {  	[sflag:s16] =	ssyncset.done $0x0  }
0x167: {  	[sflag:s16] =	ssyncadd.s32 $0xFFFFFF80  }
0x168: {  	_ =	swait.ge [sflag:s16], $0x80  }
0x169: {  	[sflag:s16] =	ssyncset.done $0x0  }
0x16a: {  	[sflag:s16] =	ssyncadd.s32 $0xFFFFFF80  }
0x16b: {  	_ =	swait.ge [sflag:s16], $0x80  }
0x16c: {  	[sflag:s16] =	ssyncset.done $0x0  }
0x16d: {  	[sflag:s16] =	ssyncadd.s32 $0xFFFFFF80  }
0x16e: {  	_ =	swait.ge [sflag:s16], $0x80  }
0x16f: {  	[sflag:s16] =	ssyncset.done $0x0  }
0x170: {  	[sflag:s16] =	ssyncadd.s32 $0xFFFFFF80  }
0x171: {  	_ =	swait.ge [sflag:s16], $0x80  }
0x172: {  	[sflag:s16] =	ssyncset.done $0x0  }
0x173: {  	[sflag:s16] =	ssyncadd.s32 $0xFFFFFF80  }
0x174: {  	_ =	swait.ge [sflag:s16], $0x80  }
0x175: {  	[sflag:s16] =	ssyncset.done $0x0  }
0x176: {  	[sflag:s16] =	ssyncadd.s32 $0xFFFFFF80  }
0x177: {  	_ =	swait.ge [sflag:s16], $0x80  }
0x178: {  	[sflag:s16] =	ssyncset.done $0x0  }
0x179: {  	[sflag:s16] =	ssyncadd.s32 $0xFFFFFF80  }
0x17a: {  	_ =	swait.ge [sflag:s16], $0x80  }
0x17b: {  	[sflag:s16] =	ssyncset.done $0x0  }
0x17c: {  	[sflag:s16] =	ssyncadd.s32 $0xFFFFFF80  }
0x17d: {  	_ =	swait.ge [sflag:s16], $0x80  }
0x17e: {  	[sflag:s16] =	ssyncset.done $0x0  }
0x17f: {  	[sflag:s16] =	ssyncadd.s32 $0xFFFFFF80  }
0x180: {  	_ =	swait.ge [sflag:s16], $0x80  }
0x181: {  	[sflag:s16] =	ssyncset.done $0x0  }
0x182: {  	p0 =	sne.s32 s13, $0x1700;
	[sflag:s16] =	ssyncadd.s32 $0xFFFFFF80  }
.Ltmp1:
0x183: {  	_ =	swait.ge [sflag:s16], $0x80;
	(pc) =	sbr.rel @p0 .LBB2_4-.Ltmp1, $4  }
0x184: {  	[sflag:s16] =	ssyncset.done $0x0  }
0x185: {  	[sflag:s16] =	ssyncadd.s32 $0xFFFFFF80  }
0x186: {  	_ =	swait.ge [sflag:s16], $0x80  }
0x187: {  	s13 =	sadd.s32 $0x100, s13;
	s19 =	rddreg [dreg:$0x5];
	[sflag:s16] =	ssyncset.done $0x0  }
0x188: {  	s13 =	rddreg [dreg:$0x4];
	[sflag:s16] =	ssyncadd.s32 $0xFFFFFF80;
	s19 =	sadd.s32 s0, s19  }
0x189: {  	[tilespmem:s14], [sflag:$0x1] =	stream.linear.gather [hbm4b:s19+s28], $0x800, $0x38;
	[tilespmem:$0x6160] =	vst v63  }
0x18a: {  	s19 =	sadd.s32 s0, s13  }
0x18b: {  	[tilespmem:s15], [sflag:$0x1] =	stream.linear.gather [hbm4b:s19+s28], $0x800, $0x38;
	[tilespmem:$0x6160] =	vst v63  }
0x18c: {  	_ =	swait.ge [sflag:s16], $0x800  }
0x18d: {  	[sflag:s16] =	ssyncset.done $0x0  }
0x18e: {  	[sflag:s16] =	ssyncadd.s32 $0xFFFFF800  }
0x18f: {  	_ =	swait.ge [sflag:s16], $0x800  }
0x190: {  	[sflag:s16] =	ssyncset.done $0x0  }
0x191: {  	[sflag:s16] =	ssyncadd.s32 $0xFFFFF800  }
0x192: {  	[tilespmem:s18], [sflag:$0x1] =	stream.indirect.gather [spmem:s1], $0x1, s14, s17, $0xb8;
	[tilespmem:$0x6160] =	vst v63  }
0x193: {  	_ = 	snop  }
0x194: {  	[tilespmem:s20], [sflag:$0x1] =	stream.indirect.gather [spmem:s1], $0x1, s23, s17, $0xb8;
	[tilespmem:$0x6160] =	vst v63  }
0x195: {  	s21 =	simm.s32 $0x4A60  }
0x196: {  	[tilespmem:s22], [sflag:$0x1] =	stream.indirect.gather [spmem:s1], $0x1, s21, s17, $0xb8;
	[tilespmem:$0x6160] =	vst v63  }
0x197: {  	s25 =	simm.s32 $0x4AE0  }
0x198: {  	[tilespmem:s24], [sflag:$0x1] =	stream.indirect.gather [spmem:s1], $0x1, s25, s17, $0xb8;
	[tilespmem:$0x6160] =	vst v63  }
0x199: {  	s30 =	simm.s32 $0x4B60  }
0x19a: {  	[tilespmem:s26], [sflag:$0x1] =	stream.indirect.gather [spmem:s1], $0x1, s30, s17, $0xb8;
	[tilespmem:$0x6160] =	vst v63  }
0x19b: {  	s4 =	simm.s32 $0x4BE0  }
0x19c: {  	[tilespmem:s29], [sflag:$0x1] =	stream.indirect.gather [spmem:s1], $0x1, s4, s17, $0xb8;
	[tilespmem:$0x6160] =	vst v63  }
0x19d: {  	s13 =	simm.s32 $0x4C60  }
0x19e: {  	[tilespmem:s31], [sflag:$0x1] =	stream.indirect.gather [spmem:s1], $0x1, s13, s17, $0xb8;
	[tilespmem:$0x6160] =	vst v63  }
0x19f: {  	s4 =	simm.s32 $0x4CE0  }
0x1a0: {  	[tilespmem:s3], [sflag:$0x1] =	stream.indirect.gather [spmem:s1], $0x1, s4, s17, $0xb8;
	[tilespmem:$0x6160] =	vst v63  }
0x1a1: {  	s19 =	rddreg [dreg:$0x6]  }
0x1a2: {  	[tilespmem:s5], [sflag:$0x1] =	stream.indirect.gather [spmem:s1], $0x1, s19, s17, $0xb8;
	[tilespmem:$0x6160] =	vst v63  }
0x1a3: {  	s21 =	rddreg [dreg:$0x7]  }
0x1a4: {  	[tilespmem:s6], [sflag:$0x1] =	stream.indirect.gather [spmem:s1], $0x1, s21, s17, $0xb8;
	[tilespmem:$0x6160] =	vst v63  }
0x1a5: {  	s25 =	rddreg [dreg:$0x8]  }
0x1a6: {  	[tilespmem:s8], [sflag:$0x1] =	stream.indirect.gather [spmem:s1], $0x1, s25, s17, $0xb8;
	[tilespmem:$0x6160] =	vst v63  }
0x1a7: {  	s30 =	rddreg [dreg:$0x9]  }
0x1a8: {  	[tilespmem:s9], [sflag:$0x1] =	stream.indirect.gather [spmem:s1], $0x1, s30, s17, $0xb8;
	[tilespmem:$0x6160] =	vst v63  }
0x1a9: {  	s4 =	rddreg [dreg:$0xa]  }
0x1aa: {  	[tilespmem:s10], [sflag:$0x1] =	stream.indirect.gather [spmem:s1], $0x1, s4, s17, $0xb8;
	[tilespmem:$0x6160] =	vst v63  }
0x1ab: {  	s19 =	rddreg [dreg:$0xb]  }
0x1ac: {  	[tilespmem:s11], [sflag:$0x1] =	stream.indirect.gather [spmem:s1], $0x1, s19, s17, $0xb8;
	[tilespmem:$0x6160] =	vst v63  }
0x1ad: {  	s21 =	rddreg [dreg:$0xc]  }
0x1ae: {  	[tilespmem:s7], [sflag:$0x1] =	stream.indirect.gather [spmem:s1], $0x1, s21, s17, $0xb8;
	[tilespmem:$0x6160] =	vst v63  }
0x1af: {  	s25 =	rddreg [dreg:$0xd]  }
0x1b0: {  	[tilespmem:s12], [sflag:$0x1] =	stream.indirect.gather [spmem:s1], $0x1, s25, s17, $0xb8;
	[tilespmem:$0x6160] =	vst v63  }
0x1b1: {  	_ =	swait.ge [sflag:s16], $0x80  }
0x1b2: {  	[sflag:s16] =	ssyncset.done $0x0  }
0x1b3: {  	[sflag:s16] =	ssyncadd.s32 $0xFFFFFF80  }
0x1b4: {  	_ =	swait.ge [sflag:s16], $0x80  }
0x1b5: {  	[sflag:s16] =	ssyncset.done $0x0  }
0x1b6: {  	[sflag:s16] =	ssyncadd.s32 $0xFFFFFF80  }
0x1b7: {  	_ =	swait.ge [sflag:s16], $0x80  }
0x1b8: {  	[sflag:s16] =	ssyncset.done $0x0  }
0x1b9: {  	[sflag:s16] =	ssyncadd.s32 $0xFFFFFF80  }
0x1ba: {  	_ =	swait.ge [sflag:s16], $0x80  }
0x1bb: {  	[sflag:s16] =	ssyncset.done $0x0  }
0x1bc: {  	[sflag:s16] =	ssyncadd.s32 $0xFFFFFF80  }
0x1bd: {  	_ =	swait.ge [sflag:s16], $0x80  }
0x1be: {  	[sflag:s16] =	ssyncset.done $0x0  }
0x1bf: {  	[sflag:s16] =	ssyncadd.s32 $0xFFFFFF80  }
0x1c0: {  	_ =	swait.ge [sflag:s16], $0x80  }
0x1c1: {  	[sflag:s16] =	ssyncset.done $0x0  }
0x1c2: {  	[sflag:s16] =	ssyncadd.s32 $0xFFFFFF80  }
0x1c3: {  	_ =	swait.ge [sflag:s16], $0x80  }
0x1c4: {  	[sflag:s16] =	ssyncset.done $0x0  }
0x1c5: {  	[sflag:s16] =	ssyncadd.s32 $0xFFFFFF80  }
0x1c6: {  	_ =	swait.ge [sflag:s16], $0x80  }
0x1c7: {  	[sflag:s16] =	ssyncset.done $0x0  }
0x1c8: {  	[sflag:s16] =	ssyncadd.s32 $0xFFFFFF80  }
0x1c9: {  	_ =	swait.ge [sflag:s16], $0x80  }
0x1ca: {  	[sflag:s16] =	ssyncset.done $0x0  }
0x1cb: {  	[sflag:s16] =	ssyncadd.s32 $0xFFFFFF80  }
0x1cc: {  	_ =	swait.ge [sflag:s16], $0x80  }
0x1cd: {  	[sflag:s16] =	ssyncset.done $0x0  }
0x1ce: {  	[sflag:s16] =	ssyncadd.s32 $0xFFFFFF80  }
0x1cf: {  	_ =	swait.ge [sflag:s16], $0x80  }
0x1d0: {  	[sflag:s16] =	ssyncset.done $0x0  }
0x1d1: {  	[sflag:s16] =	ssyncadd.s32 $0xFFFFFF80  }
0x1d2: {  	_ =	swait.ge [sflag:s16], $0x80  }
0x1d3: {  	[sflag:s16] =	ssyncset.done $0x0  }
0x1d4: {  	[sflag:s16] =	ssyncadd.s32 $0xFFFFFF80  }
0x1d5: {  	_ =	swait.ge [sflag:s16], $0x80  }
0x1d6: {  	[sflag:s16] =	ssyncset.done $0x0  }
0x1d7: {  	[sflag:s16] =	ssyncadd.s32 $0xFFFFFF80  }
0x1d8: {  	_ =	swait.ge [sflag:s16], $0x80  }
0x1d9: {  	[sflag:s16] =	ssyncset.done $0x0  }
0x1da: {  	[sflag:s16] =	ssyncadd.s32 $0xFFFFFF80  }
0x1db: {  	_ =	swait.ge [sflag:s16], $0x80  }
0x1dc: {  	[sflag:s16] =	ssyncset.done $0x0  }
0x1dd: {  	[sflag:s16] =	ssyncadd.s32 $0xFFFFFF80  }
0x1de: {  	_ =	swait.ge [sflag:s16], $0x80  }
0x1df: {  	[sflag:s16] =	ssyncset.done $0x0  }
0x1e0: {  	[sflag:s16] =	ssyncadd.s32 $0xFFFFFF80  }
0x1e1: {  	[spmem:s2] =	stream.indirect.scatter.add.f32 [tilespmem:s18], [sflag:$0x1], $0x1, s15, s17, $0xb8;
	[tilespmem:$0x6160] =	vst v63  }
0x1e2: {  	s19 =	simm.s32 $0x51E0  }
0x1e3: {  	[spmem:s2] =	stream.indirect.scatter.add.f32 [tilespmem:s20], [sflag:$0x1], $0x1, s19, s17, $0xb8;
	[tilespmem:$0x6160] =	vst v63  }
0x1e4: {  	s21 =	simm.s32 $0x5260  }
0x1e5: {  	[spmem:s2] =	stream.indirect.scatter.add.f32 [tilespmem:s22], [sflag:$0x1], $0x1, s21, s17, $0xb8;
	[tilespmem:$0x6160] =	vst v63  }
0x1e6: {  	s25 =	simm.s32 $0x52E0  }
0x1e7: {  	[spmem:s2] =	stream.indirect.scatter.add.f32 [tilespmem:s24], [sflag:$0x1], $0x1, s25, s17, $0xb8;
	[tilespmem:$0x6160] =	vst v63  }
0x1e8: {  	s30 =	simm.s32 $0x5360  }
0x1e9: {  	[spmem:s2] =	stream.indirect.scatter.add.f32 [tilespmem:s26], [sflag:$0x1], $0x1, s30, s17, $0xb8;
	[tilespmem:$0x6160] =	vst v63  }
0x1ea: {  	s30 =	simm.s32 $0x53E0  }
0x1eb: {  	[spmem:s2] =	stream.indirect.scatter.add.f32 [tilespmem:s29], [sflag:$0x1], $0x1, s30, s17, $0xb8;
	[tilespmem:$0x6160] =	vst v63  }
0x1ec: {  	s4 =	simm.s32 $0x5460  }
0x1ed: {  	[spmem:s2] =	stream.indirect.scatter.add.f32 [tilespmem:s31], [sflag:$0x1], $0x1, s4, s17, $0xb8;
	[tilespmem:$0x6160] =	vst v63  }
0x1ee: {  	s4 =	simm.s32 $0x54E0  }
0x1ef: {  	[spmem:s2] =	stream.indirect.scatter.add.f32 [tilespmem:s3], [sflag:$0x1], $0x1, s4, s17, $0xb8;
	[tilespmem:$0x6160] =	vst v63  }
0x1f0: {  	s0 =	rddreg [dreg:$0xe]  }
0x1f1: {  	[spmem:s2] =	stream.indirect.scatter.add.f32 [tilespmem:s5], [sflag:$0x1], $0x1, s0, s17, $0xb8;
	[tilespmem:$0x6160] =	vst v63  }
0x1f2: {  	s13 =	rddreg [dreg:$0xf]  }
0x1f3: {  	[spmem:s2] =	stream.indirect.scatter.add.f32 [tilespmem:s6], [sflag:$0x1], $0x1, s13, s17, $0xb8;
	[tilespmem:$0x6160] =	vst v63  }
0x1f4: {  	s0 =	rddreg [dreg:$0x10]  }
0x1f5: {  	[spmem:s2] =	stream.indirect.scatter.add.f32 [tilespmem:s8], [sflag:$0x1], $0x1, s0, s17, $0xb8;
	[tilespmem:$0x6160] =	vst v63  }
0x1f6: {  	s13 =	rddreg [dreg:$0x11]  }
0x1f7: {  	[spmem:s2] =	stream.indirect.scatter.add.f32 [tilespmem:s9], [sflag:$0x1], $0x1, s13, s17, $0xb8;
	[tilespmem:$0x6160] =	vst v63  }
0x1f8: {  	s0 =	rddreg [dreg:$0x12]  }
0x1f9: {  	[spmem:s2] =	stream.indirect.scatter.add.f32 [tilespmem:s10], [sflag:$0x1], $0x1, s0, s17, $0xb8;
	[tilespmem:$0x6160] =	vst v63  }
0x1fa: {  	s13 =	rddreg [dreg:$0x13]  }
0x1fb: {  	[spmem:s2] =	stream.indirect.scatter.add.f32 [tilespmem:s11], [sflag:$0x1], $0x1, s13, s17, $0xb8;
	[tilespmem:$0x6160] =	vst v63  }
0x1fc: {  	s0 =	rddreg [dreg:$0x14]  }
0x1fd: {  	[spmem:s2] =	stream.indirect.scatter.add.f32 [tilespmem:s7], [sflag:$0x1], $0x1, s0, s17, $0xb8;
	[tilespmem:$0x6160] =	vst v63  }
0x1fe: {  	s13 =	rddreg [dreg:$0x15]  }
0x1ff: {  	[spmem:s2] =	stream.indirect.scatter.add.f32 [tilespmem:s12], [sflag:$0x1], $0x1, s13, s17, $0xb8;
	[tilespmem:$0x6160] =	vst v63  }
0x200: {  	_ =	swait.ge [sflag:s16], $0x80  }
0x201: {  	[sflag:s16] =	ssyncset.done $0x0  }
0x202: {  	[sflag:s16] =	ssyncadd.s32 $0xFFFFFF80  }
0x203: {  	_ =	swait.ge [sflag:s16], $0x80  }
0x204: {  	[sflag:s16] =	ssyncset.done $0x0  }
0x205: {  	[sflag:s16] =	ssyncadd.s32 $0xFFFFFF80  }
0x206: {  	_ =	swait.ge [sflag:s16], $0x80  }
0x207: {  	[sflag:s16] =	ssyncset.done $0x0  }
0x208: {  	[sflag:s16] =	ssyncadd.s32 $0xFFFFFF80  }
0x209: {  	_ =	swait.ge [sflag:s16], $0x80  }
0x20a: {  	[sflag:s16] =	ssyncset.done $0x0  }
0x20b: {  	[sflag:s16] =	ssyncadd.s32 $0xFFFFFF80  }
0x20c: {  	_ =	swait.ge [sflag:s16], $0x80  }
0x20d: {  	[sflag:s16] =	ssyncset.done $0x0  }
0x20e: {  	[sflag:s16] =	ssyncadd.s32 $0xFFFFFF80  }
0x20f: {  	_ =	swait.ge [sflag:s16], $0x80  }
0x210: {  	[sflag:s16] =	ssyncset.done $0x0  }
0x211: {  	[sflag:s16] =	ssyncadd.s32 $0xFFFFFF80  }
0x212: {  	_ =	swait.ge [sflag:s16], $0x80  }
0x213: {  	[sflag:s16] =	ssyncset.done $0x0  }
0x214: {  	[sflag:s16] =	ssyncadd.s32 $0xFFFFFF80  }
0x215: {  	_ =	swait.ge [sflag:s16], $0x80  }
0x216: {  	[sflag:s16] =	ssyncset.done $0x0  }
0x217: {  	[sflag:s16] =	ssyncadd.s32 $0xFFFFFF80  }
0x218: {  	_ =	swait.ge [sflag:s16], $0x80  }
0x219: {  	[sflag:s16] =	ssyncset.done $0x0  }
0x21a: {  	[sflag:s16] =	ssyncadd.s32 $0xFFFFFF80  }
0x21b: {  	_ =	swait.ge [sflag:s16], $0x80  }
0x21c: {  	[sflag:s16] =	ssyncset.done $0x0  }
0x21d: {  	[sflag:s16] =	ssyncadd.s32 $0xFFFFFF80  }
0x21e: {  	_ =	swait.ge [sflag:s16], $0x80  }
0x21f: {  	[sflag:s16] =	ssyncset.done $0x0  }
0x220: {  	[sflag:s16] =	ssyncadd.s32 $0xFFFFFF80  }
0x221: {  	_ =	swait.ge [sflag:s16], $0x80  }
0x222: {  	[sflag:s16] =	ssyncset.done $0x0  }
0x223: {  	[sflag:s16] =	ssyncadd.s32 $0xFFFFFF80  }
0x224: {  	_ =	swait.ge [sflag:s16], $0x80  }
0x225: {  	[sflag:s16] =	ssyncset.done $0x0  }
0x226: {  	[sflag:s16] =	ssyncadd.s32 $0xFFFFFF80  }
0x227: {  	_ =	swait.ge [sflag:s16], $0x80  }
0x228: {  	[sflag:s16] =	ssyncset.done $0x0  }
0x229: {  	[sflag:s16] =	ssyncadd.s32 $0xFFFFFF80  }
0x22a: {  	_ =	swait.ge [sflag:s16], $0x80  }
0x22b: {  	[sflag:s16] =	ssyncset.done $0x0  }
0x22c: {  	[sflag:s16] =	ssyncadd.s32 $0xFFFFFF80  }
0x22d: {  	_ =	swait.ge [sflag:s16], $0x80  }
0x22e: {  	[sflag:s16] =	ssyncset.done $0x0  }
0x22f: {  	s13 =	rddreg [dreg:$0x19];
	[sflag:s16] =	ssyncadd.s32 $0xFFFFFF80  }
0x230: {  	[tilespmem:s14], [sflag:$0x1] =	stream.linear.gather [hbm4b:s13+s28], $0x400, $0x38;
	[tilespmem:$0x6160] =	vst v63  }
0x231: {  	s13 =	rddreg [dreg:$0x1a]  }
0x232: {  	[tilespmem:s15], [sflag:$0x1] =	stream.linear.gather [hbm4b:s13+s28], $0x400, $0x38;
	[tilespmem:$0x6160] =	vst v63  }
0x233: {  	_ =	swait.ge [sflag:s16], $0x400  }
0x234: {  	[sflag:s16] =	ssyncset.done $0x0  }
0x235: {  	[sflag:s16] =	ssyncadd.s32 $0xFFFFFC00  }
0x236: {  	_ =	swait.ge [sflag:s16], $0x400  }
0x237: {  	[sflag:s16] =	ssyncset.done $0x0  }
0x238: {  	[sflag:s16] =	ssyncadd.s32 $0xFFFFFC00  }
0x239: {  	[tilespmem:s18], [sflag:$0x1] =	stream.indirect.gather [spmem:s1], $0x1, s14, s17, $0xb8;
	[tilespmem:$0x6160] =	vst v63  }
0x23a: {  	_ = 	snop  }
0x23b: {  	[tilespmem:s20], [sflag:$0x1] =	stream.indirect.gather [spmem:s1], $0x1, s23, s17, $0xb8;
	[tilespmem:$0x6160] =	vst v63  }
0x23c: {  	s13 =	simm.s32 $0x4A60  }
0x23d: {  	[tilespmem:s22], [sflag:$0x1] =	stream.indirect.gather [spmem:s1], $0x1, s13, s17, $0xb8;
	[tilespmem:$0x6160] =	vst v63  }
0x23e: {  	s23 =	simm.s32 $0x4AE0  }
0x23f: {  	[tilespmem:s24], [sflag:$0x1] =	stream.indirect.gather [spmem:s1], $0x1, s23, s17, $0xb8;
	[tilespmem:$0x6160] =	vst v63  }
0x240: {  	s13 =	simm.s32 $0x4B60  }
0x241: {  	[tilespmem:s26], [sflag:$0x1] =	stream.indirect.gather [spmem:s1], $0x1, s13, s17, $0xb8;
	[tilespmem:$0x6160] =	vst v63  }
0x242: {  	s23 =	simm.s32 $0x4BE0  }
0x243: {  	[tilespmem:s29], [sflag:$0x1] =	stream.indirect.gather [spmem:s1], $0x1, s23, s17, $0xb8;
	[tilespmem:$0x6160] =	vst v63  }
0x244: {  	s13 =	simm.s32 $0x4C60  }
0x245: {  	[tilespmem:s31], [sflag:$0x1] =	stream.indirect.gather [spmem:s1], $0x1, s13, s17, $0xb8;
	[tilespmem:$0x6160] =	vst v63  }
0x246: {  	s23 =	simm.s32 $0x4CE0  }
0x247: {  	[tilespmem:s3], [sflag:$0x1] =	stream.indirect.gather [spmem:s1], $0x1, s23, s17, $0xb8;
	[tilespmem:$0x6160] =	vst v63  }
0x248: {  	_ =	swait.ge [sflag:s16], $0x80  }
0x249: {  	[sflag:s16] =	ssyncset.done $0x0  }
0x24a: {  	[sflag:s16] =	ssyncadd.s32 $0xFFFFFF80  }
0x24b: {  	_ =	swait.ge [sflag:s16], $0x80  }
0x24c: {  	[sflag:s16] =	ssyncset.done $0x0  }
0x24d: {  	[sflag:s16] =	ssyncadd.s32 $0xFFFFFF80  }
0x24e: {  	_ =	swait.ge [sflag:s16], $0x80  }
0x24f: {  	[sflag:s16] =	ssyncset.done $0x0  }
0x250: {  	[sflag:s16] =	ssyncadd.s32 $0xFFFFFF80  }
0x251: {  	_ =	swait.ge [sflag:s16], $0x80  }
0x252: {  	[sflag:s16] =	ssyncset.done $0x0  }
0x253: {  	[sflag:s16] =	ssyncadd.s32 $0xFFFFFF80  }
0x254: {  	_ =	swait.ge [sflag:s16], $0x80  }
0x255: {  	[sflag:s16] =	ssyncset.done $0x0  }
0x256: {  	[sflag:s16] =	ssyncadd.s32 $0xFFFFFF80  }
0x257: {  	_ =	swait.ge [sflag:s16], $0x80  }
0x258: {  	[sflag:s16] =	ssyncset.done $0x0  }
0x259: {  	[sflag:s16] =	ssyncadd.s32 $0xFFFFFF80  }
0x25a: {  	_ =	swait.ge [sflag:s16], $0x80  }
0x25b: {  	[sflag:s16] =	ssyncset.done $0x0  }
0x25c: {  	[sflag:s16] =	ssyncadd.s32 $0xFFFFFF80  }
0x25d: {  	_ =	swait.ge [sflag:s16], $0x80  }
0x25e: {  	[sflag:s16] =	ssyncset.done $0x0  }
0x25f: {  	[sflag:s16] =	ssyncadd.s32 $0xFFFFFF80  }
0x260: {  	[spmem:s2] =	stream.indirect.scatter.add.f32 [tilespmem:s18], [sflag:$0x1], $0x1, s15, s17, $0xb8;
	[tilespmem:$0x6160] =	vst v63  }
0x261: {  	_ = 	snop  }
0x262: {  	[spmem:s2] =	stream.indirect.scatter.add.f32 [tilespmem:s20], [sflag:$0x1], $0x1, s19, s17, $0xb8;
	[tilespmem:$0x6160] =	vst v63  }
0x263: {  	_ = 	snop  }
0x264: {  	[spmem:s2] =	stream.indirect.scatter.add.f32 [tilespmem:s22], [sflag:$0x1], $0x1, s21, s17, $0xb8;
	[tilespmem:$0x6160] =	vst v63  }
0x265: {  	_ = 	snop  }
0x266: {  	[spmem:s2] =	stream.indirect.scatter.add.f32 [tilespmem:s24], [sflag:$0x1], $0x1, s25, s17, $0xb8;
	[tilespmem:$0x6160] =	vst v63  }
0x267: {  	s25 =	simm.s32 $0x5360  }
0x268: {  	[spmem:s2] =	stream.indirect.scatter.add.f32 [tilespmem:s26], [sflag:$0x1], $0x1, s25, s17, $0xb8;
	[tilespmem:$0x6160] =	vst v63  }
0x269: {  	_ = 	snop  }
0x26a: {  	[spmem:s2] =	stream.indirect.scatter.add.f32 [tilespmem:s29], [sflag:$0x1], $0x1, s30, s17, $0xb8;
	[tilespmem:$0x6160] =	vst v63  }
0x26b: {  	s30 =	simm.s32 $0x5460  }
0x26c: {  	[spmem:s2] =	stream.indirect.scatter.add.f32 [tilespmem:s31], [sflag:$0x1], $0x1, s30, s17, $0xb8;
	[tilespmem:$0x6160] =	vst v63  }
0x26d: {  	_ = 	snop  }
0x26e: {  	[spmem:s2] =	stream.indirect.scatter.add.f32 [tilespmem:s3], [sflag:$0x1], $0x1, s4, s17, $0xb8;
	[tilespmem:$0x6160] =	vst v63  }
0x26f: {  	_ =	swait.ge [sflag:s16], $0x80  }
0x270: {  	[sflag:s16] =	ssyncset.done $0x0  }
0x271: {  	[sflag:s16] =	ssyncadd.s32 $0xFFFFFF80  }
0x272: {  	_ =	swait.ge [sflag:s16], $0x80  }
0x273: {  	[sflag:s16] =	ssyncset.done $0x0  }
0x274: {  	[sflag:s16] =	ssyncadd.s32 $0xFFFFFF80  }
0x275: {  	_ =	swait.ge [sflag:s16], $0x80  }
0x276: {  	[sflag:s16] =	ssyncset.done $0x0  }
0x277: {  	[sflag:s16] =	ssyncadd.s32 $0xFFFFFF80  }
0x278: {  	_ =	swait.ge [sflag:s16], $0x80  }
0x279: {  	[sflag:s16] =	ssyncset.done $0x0  }
0x27a: {  	[sflag:s16] =	ssyncadd.s32 $0xFFFFFF80  }
0x27b: {  	_ =	swait.ge [sflag:s16], $0x80  }
0x27c: {  	[sflag:s16] =	ssyncset.done $0x0  }
0x27d: {  	[sflag:s16] =	ssyncadd.s32 $0xFFFFFF80  }
0x27e: {  	_ =	swait.ge [sflag:s16], $0x80  }
0x27f: {  	[sflag:s16] =	ssyncset.done $0x0  }
0x280: {  	[sflag:s16] =	ssyncadd.s32 $0xFFFFFF80  }
0x281: {  	_ =	swait.ge [sflag:s16], $0x80  }
0x282: {  	[sflag:s16] =	ssyncset.done $0x0  }
0x283: {  	[sflag:s16] =	ssyncadd.s32 $0xFFFFFF80  }
0x284: {  	_ =	swait.ge [sflag:s16], $0x80  }
0x285: {  	[sflag:s16] =	ssyncset.done $0x0  }
0x286: {  	[sflag:s16] =	ssyncadd.s32 $0xFFFFFF80  }
0x287: {  	[bflag:$0x0] =	sbarrier.arrive $0xFFFF  }
0x288: {  	s23 =	simm.s32 $0x2;
	s21 =	simm.s32 $0x30E0;
	s19 =	rddreg [dreg:$0x18]  }
0x289: {  	[tilespmem:s21], [sflag:$0x2] =	stream.linear.gather [spmem:s19], $0x1870, $0x38;
	[tilespmem:$0x6160] =	vst v63  }
0x28a: {  	_ =	swait.ge [sflag:s23], $0x1870  }
0x28b: {  	[sflag:s23] =	ssyncset.done $0x0  }
0x28c: {  	s13 =	rddreg [dreg:$0x1c];
	[sflag:s23] =	ssyncadd.s32 $0xFFFFE790  }
0x28d: {  	[hbm4b:s13+s28] =	stream.linear.scatter [tilespmem:s21], [sflag:$0x2], $0x1870, $0x38;
	[tilespmem:$0x6160] =	vst v63  }
0x28e: {  	_ =	swait.ge [sflag:s23], $0x1870  }
0x28f: {  	s25 =	rddreg [dreg:$0x1d]  }
0x290: {  	s30 =	rddreg [dreg:$0x1b];
	s13 =	sadd.s32 $0x1, s25  }
0x291: {  	p0 =	sne.s32 s13, s30  }
.Ltmp2:
0x292: {  	_ = 	snop;
	(pc) =	sbr.rel @p0 .LBB2_1-.Ltmp2, $3  }
0x293: {  	_ =	sdelay $0x1  }
0x294: {  	[sflag:s23] =	ssyncset.done $0x0  }
0x295: {  	s4 =	simm.s32 $0x0;
	[sflag:s23] =	ssyncadd.s32 $0xFFFFE790  }
0x296: {  	_ =	sfence.sel $0x180000  }
0x297: {  	[bflag:$0x0] =	sbarrier.arrive $0xFFFF  }
0x298: {  	_ =	strace $0x9000004D  }
0x299: {  	s0 =	stileid.u32;
	[bflag:$0x2] =	sbarrier.arrive $0xFFFF  }
0x29a: {  	p0 =	sne.s32 s0, $0x0;
	s0 =	rddreg [dreg:$0x3]  }
0x29b: {  	s0 =	sadd.s32 @!p0 $0x100000, s0  }
0x29c: {  	[sflag:s0] =	ssyncadd.tile.s32 @!p0 $0x1;
	_ =	shalt  }
.Lfunc_end2:
_tile_overlayer_lowered:
.L_overlay_start_2:
0x29d: {  	(tag) =	ssettag $0x2  }
0x29e: {  	s0 =	rddreg [dreg:$0x0];
	s2 =	stileid.u32  }
0x29f: {  	s1 =	rddreg [dreg:$0x1];
	p0 =	sne.s32 s2, $0x0  }
0x2a0: {  	s3 =	rddreg [dreg:$0x2];
	[bflag:$0x3] =	sbarrier.arrive $0xFFFF;
	s2 =	simm.s32 @!p0 $0x1C02  }
0x2a1: {  	[timem:s3], [sflag:s2] =	dma.local @!p0 [hbm:s0], s1  }
0x2a2: {  	s0 =	simm.s32 @!p0 $0x2  }
0x2a3: {  	_ =	swait.ge @!p0 [sflag:s0], s1  }
0x2a4: {  	s1 =	ssub.s32 @!p0 $0x0, s1;
	[sflag:s0] =	ssyncset.done @!p0 $0x0  }
0x2a5: {  	[sflag:s0] =	ssyncadd.s32 @!p0 s1  }
0x2a6: {  	[bflag:$0x3] =	sbarrier.arrive $0xFFFF  }
0x2a7: {  	_ =	shalt  }

// kernel: kernel.8.cloned.1.call-start
scs
__scs_entry_jumppad:
0x0: {  	(pc) =	sbr.rel $0x88, $3  }
0x1: {  	(tag) =	ssettag $0x0;
	lr =	simm.s32 $0x1  }
0x2: {  	[smem:$0x3F98] =	sst lr;
	_ =	strace $0xD0000000  }
0x3: {  	_ = 	snop  }
0x4: {  	_ = 	snop  }
0x5: {  	_ = 	snop  }
0x6: {  	_ = 	snop  }
0x7: {  	_ = 	snop  }
__scs_overlays_trampoline_lowered:
0x8: {  	[smem:$0x3FA7] =	sst s0  }
0x9: {  	[smem:$0x3FA8] =	sst s1  }
0xa: {  	[smem:$0x3FA9] =	sst s2  }
0xb: {  	[smem:$0x3FAA] =	sst s3  }
0xc: {  	[smem:$0x3FAB] =	sst s4  }
0xd: {  	[smem:$0x3FAC] =	sst s5  }
0xe: {  	[smem:$0x3FAD] =	sst s6  }
0xf: {  	[smem:$0x3FAE] =	sst s7  }
0x10: {  	[smem:$0x3FAF] =	sst s8  }
0x11: {  	[smem:$0x3FB0] =	sst s9;
	s0 =	simm.s32 @!p0 $0x0  }
0x12: {  	s1 =	sld [smem:$0x3F96];
	s0 =	simm.s32 @p0 $0x1  }
0x13: {  	[smem:$0x3FB1] =	sst s0;
	s0 =	simm.s32 @!p1 $0x0  }
0x14: {  	s2 =	sld [smem:$0x3F95];
	s0 =	simm.s32 @p1 $0x1  }
0x15: {  	[smem:$0x3FB2] =	sst s0;
	s0 =	simm.s32 @!p2 $0x0  }
0x16: {  	s3 =	sld [smem:$0x3FDB];
	s0 =	simm.s32 @p2 $0x1  }
0x17: {  	s4 =	simm.s32 $0x1BF5;
	[smem:$0x3FB4] =	sst s0  }
0x18: {  	s0 =	sld [smem:$0x3F97];
	_ =	swait.ge [sflag:s4], $0x0  }
0x19: {  	s7 =	sld [smem:$0x3F98]  }
0x1a: {  	s8 =	sadd.s32 $0xFFFFE003, lr  }
0x1b: {  	s9 =	sadd.s32 $0xFFFFFEF7, lr;
	s5 =	simm.s32 $0xFFFFFFFF;
	p2 =	slt.u32 s8, $0xFFFFF086  }
0x1c: {  	p1 =	slt.u32 s9, $0xF7A;
	s5 =	simm.s32 @!p2 $0x0  }
0x1d: {  	s5 =	simm.s32 @p1 $0x1;
	p0 =	seq.s32 s7, s2  }
0x1e: {  	s7 =	smul.u32 @!p0 $0xF7A, s2;
	p2 =	seq.s32 @!p0 s5, $0x0  }
0x1f: {  	s9 =	smul.u32 $0xF7A, s1;
	s8 =	simm.s32 @!p0 $0x1BF5;
	p2 =	por !p2, p0  }
0x20: {  	[sflag:s8] =	ssyncset.s32 @!p0 $0xFFFFF086;
	s6 =	sadd.s32 @!p0 s3, s7;
	s7 =	simm.s32 @!p0 $0x108  }
0x21: {  	s3 =	sadd.s32 s3, s9;
	s6 =	sadd.s32 @!p0 $0x88, s6;
	s7 =	simm.s32 @p2 $0x1082  }
0x22: {  	[simem:s7], [sflag:s8] =	dma.local @!p0 [hbm:s6], $0xF7A  }
0x23: {  	s9 =	sor.u32 $0xD0000000, s2;
	s6 =	simm.s32 $0x108;
	_ =	swait.ge @!p0 [sflag:s8], $0x0  }
0x24: {  	s3 =	sadd.s32 $0x88, s3;
	s6 =	simm.s32 @!p1 $0x1082;
	[sflag:s4] =	ssyncset.s32 $0xFFFFF086  }
0x25: {  	[simem:s6], [sflag:s4] =	dma.local [hbm:s3], $0xF7A  }
0x26: {  	[smem:$0x3F98] =	sst s1;
	(tag) =	ssettag s2;
	_ =	strace s9  }
0x27: {  	s1 =	sld [smem:$0x3FA8]  }
0x28: {  	s2 =	sld [smem:$0x3FA9]  }
0x29: {  	s4 =	sld [smem:$0x3FAB]  }
0x2a: {  	p0 =	seq.s32 s5, $0x0;
	s5 =	sld [smem:$0x3FAC]  }
0x2b: {  	s6 =	sld [smem:$0x3FAD]  }
0x2c: {  	s7 =	sld [smem:$0x3FAE]  }
0x2d: {  	s3 =	simm.s32 $0x108;
	s8 =	sld [smem:$0x3FAF]  }
0x2e: {  	s3 =	simm.s32 @!p0 $0x1082;
	s9 =	sld [smem:$0x3FB0]  }
0x2f: {  	lr =	sadd.s32 s0, s3;
	s0 =	sld [smem:$0x3FA7]  }
0x30: {  	s3 =	sld [smem:$0x3FAA]  }
0x31: {  	[smem:$0x3FB3] =	sst s10  }
0x32: {  	s10 =	sld [smem:$0x3FB1];
	_ =	sdelay $0x3  }
0x33: {  	p0 =	seq.s32 s10, $0x1;
	s10 =	sld [smem:$0x3FB3];
	_ =	sdelay $0x3  }
0x34: {  	[smem:$0x3FB3] =	sst s10  }
0x35: {  	s10 =	sld [smem:$0x3FB2];
	_ =	sdelay $0x3  }
0x36: {  	p1 =	seq.s32 s10, $0x1;
	s10 =	sld [smem:$0x3FB3];
	_ =	sdelay $0x3  }
0x37: {  	[smem:$0x3FB3] =	sst s10  }
0x38: {  	s10 =	sld [smem:$0x3FB4]  }
0x39: {  	_ = 	snop;
	(pc) =	sbr.ind lr, $3  }
0x3a: {  	_ = 	snop  }
0x3b: {  	_ = 	snop  }
0x3c: {  	p2 =	seq.s32 s10, $0x1;
	s10 =	sld [smem:$0x3FB3]  }
0x3d: {  	_ =	shalt  }
0x3e: {  	_ =	shalt  }
0x3f: {  	_ =	shalt  }
0x40: {  	_ =	shalt  }
0x41: {  	_ =	shalt  }
0x42: {  	_ =	shalt  }
0x43: {  	_ =	shalt  }
0x44: {  	_ =	shalt  }
0x45: {  	_ =	shalt  }
0x46: {  	_ =	shalt  }
0x47: {  	_ =	shalt  }
0x48: {  	_ =	shalt  }
0x49: {  	_ =	shalt  }
0x4a: {  	_ =	shalt  }
0x4b: {  	_ =	shalt  }
0x4c: {  	_ =	shalt  }
0x4d: {  	_ =	shalt  }
0x4e: {  	_ =	shalt  }
0x4f: {  	_ =	shalt  }
0x50: {  	_ =	shalt  }
0x51: {  	_ =	shalt  }
0x52: {  	_ =	shalt  }
0x53: {  	_ =	shalt  }
0x54: {  	_ =	shalt  }
0x55: {  	_ =	shalt  }
0x56: {  	_ =	shalt  }
0x57: {  	_ =	shalt  }
0x58: {  	_ =	shalt  }
0x59: {  	_ =	shalt  }
0x5a: {  	_ =	shalt  }
0x5b: {  	_ =	shalt  }
0x5c: {  	_ =	shalt  }
0x5d: {  	_ =	shalt  }
0x5e: {  	_ =	shalt  }
0x5f: {  	_ =	shalt  }
0x60: {  	_ =	shalt  }
0x61: {  	_ =	shalt  }
0x62: {  	_ =	shalt  }
0x63: {  	_ =	shalt  }
0x64: {  	_ =	shalt  }
0x65: {  	_ =	shalt  }
0x66: {  	_ =	shalt  }
0x67: {  	_ =	shalt  }
0x68: {  	_ =	shalt  }
0x69: {  	_ =	shalt  }
0x6a: {  	_ =	shalt  }
0x6b: {  	_ =	shalt  }
0x6c: {  	_ =	shalt  }
0x6d: {  	_ =	shalt  }
0x6e: {  	_ =	shalt  }
0x6f: {  	_ =	shalt  }
0x70: {  	_ =	shalt  }
0x71: {  	_ =	shalt  }
0x72: {  	_ =	shalt  }
0x73: {  	_ =	shalt  }
0x74: {  	_ =	shalt  }
0x75: {  	_ =	shalt  }
0x76: {  	_ =	shalt  }
0x77: {  	_ =	shalt  }
0x78: {  	_ =	shalt  }
0x79: {  	_ =	shalt  }
0x7a: {  	_ =	shalt  }
0x7b: {  	_ =	shalt  }
0x7c: {  	_ =	shalt  }
0x7d: {  	_ =	shalt  }
0x7e: {  	_ =	shalt  }
0x7f: {  	_ =	shalt  }
0x80: {  	_ =	shalt  }
0x81: {  	_ =	shalt  }
0x82: {  	_ =	shalt  }
0x83: {  	_ =	shalt  }
0x84: {  	_ =	shalt  }
0x85: {  	_ =	shalt  }
0x86: {  	_ =	shalt  }
0x87: {  	_ =	shalt  }
.Lfunc_end0:
.L_simem_size_0:
called_computation_lowered:
.L_overlay_start_0:
0x88: {  	s2 =	sld [smem:$0x3FD9]  }
0x89: {  	s3 =	sld [smem:$0x3FFE];
	_ =	sdelay $0x1  }
0x8a: {  	s1 =	srdreg.scid  }
0x8b: {  	s0 =	sand.u32 $0x1, s1  }
0x8c: {  	s16 =	sshll.u32 s0, $0xA;
	s2 =	sadd.s32 s3, s2  }
0x8d: {  	s2 =	sadd.s32 s2, s16  }
0x8e: {  	[smem:$0x3FBF] =	sst s2  }
0x8f: {  	_ = 	snop  }
0x90: {  	(tm) =	ssettm $0x1  }
0x91: {  	s17 =	sld [smem:$0x3FFB];
	_ =	sdelay $0x3  }
0x92: {  	_ =	strace s17  }
0x93: {  	s2 =	sld [smem:$0x3FFC];
	_ =	sdelay $0x3  }
0x94: {  	_ =	strace s2  }
0x95: {  	s2 =	sld [smem:$0x3FFD];
	_ =	sdelay $0x3  }
0x96: {  	_ =	strace s2  }
0x97: {  	_ =	strace $0x8FFFFFFF  }
0x98: {  	s18 =	sld [smem:$0x3FDB];
	_ =	sdelay $0x1  }
0x99: {  	s19 =	simm.s32 $_scs_section_size  }
0x9a: {  	s4 =	simm.s32 $_size__tile_overlayer_lowered;
	s5 =	simm.s32 $_tile_overlayer_lowered  }
0x9b: {  	s22 =	simm.s32 $0x1BFF;
	s21 =	sshll.u32 s5, $0x1;
	s2 =	sadd.s32 s19, s18  }
0x9c: {  	s6 =	simm.s32 $0x0;
	s20 =	sshll.u32 s4, $0x1;
	s4 =	sadd.s32 s21, s2  }
0x9d: {  	[timem:s6], [sflag:s22] =	dma.local [hbm:s4], s20  }
0x9e: {  	_ =	swait.ge [sflag:s22], s20  }
0x9f: {  	s3 =	ssub.s32 $0x0, s20;
	[sflag:s22] =	ssyncset.done $0x0  }
0xa0: {  	[sflag:s22] =	ssyncadd.s32 s3;
	_ =	sdelay $0x1  }
0xa1: {  	s23 =	simm.s32 $0x1B8B  }
0xa2: {  	_ =	swait.ge [sflag:s23], $0x1  }
0xa3: {  	[sflag:s23] =	ssyncset.done $0x0  }
0xa4: {  	s25 =	simm.s32 $0x1B8E;
	s24 =	sld [smem:$0x3FFE];
	[sflag:s23] =	ssyncadd.s32 $0xFFFFFFFF  }
0xa5: {  	s26 =	simm.s32 $execute0_lowered;
	[smem:$0x3FD2] =	sst s25  }
0xa6: {  	s4 =	sshll.u32 s26, $0x1;
	_ =	strace $0x80000046;
	[dreg:$0x1] =	wrdreg $0xFFFFFFFF  }
0xa7: {  	s28 =	simm.s32 $_size_execute0_lowered;
	s2 =	sadd.s32 s2, s4;
	[dreg:$0x0] =	wrdreg $0x0  }
0xa8: {  	s4 =	sshll.u32 s28, $0x1;
	[dreg:$0x2] =	wrdreg s2  }
0xa9: {  	[dreg:$0x3] =	wrdreg s4  }
0xaa: {  	[dreg:$0x4] =	wrdreg $0xC0  }
0xab: {  	_ =	task [dreg:s6], $0x5FFFF  }
0xac: {  	[dreg:$0x1] =	wrdreg $0xFFFFFFFF  }
0xad: {  	[dreg:$0x0] =	wrdreg $0x60  }
0xae: {  	[dreg:$0x2] =	wrdreg s24  }
0xaf: {  	[dreg:$0x3] =	wrdreg $0x0  }
0xb0: {  	[dreg:$0x4] =	wrdreg $0x9  }
0xb1: {  	_ =	task.clear_ibuf [dreg:s6], $0x5FFFF;
	_ =	strace $0x90000046  }
0xb2: {  	s29 =	simm.s32 $0x9;
	_ =	strace $0x80000048  }
0xb3: {  	_ =	swait.ge [sflag:s29], $0x1  }
0xb4: {  	[sflag:s29] =	ssyncadd.s32 $0xFFFFFFFF  }
0xb5: {  	_ =	strace $0x90000048  }
0xb6: {  	_ =	sfence  }
0xb7: {  	s30 =	sld [smem:$0x0];
	_ =	sdelay $0x2  }
0xb8: {  	s31 =	sshll.u32 s1, $0xD;
	s1 =	sshrl.u32 s1, $0x2  }
0xb9: {  	s3 =	sand.u32 $0x4000, s31;
	s1 =	sadd.s32 s1, s30  }
0xba: {  	s0 =	sor.u32 s3, s0;
	s1 =	sshll.u32 s1, $0x11  }
0xbb: {  	s0 =	sor.u32 s1, s0  }
0xbc: {  	s0 =	sadd.s32 $0x8F2B, s0  }
0xbd: {  	[sflag:s0] =	ssyncadd.remote.s32 $0x1  }
0xbe: {  	_ =	sfence.sel $0xFFFF  }
0xbf: {  	[dreg:$0x0] =	wrdreg $0xFFFFFFFF;
	(pc) =	sbr.abs _section_cstart, $3  }
0xc0: {  	[dreg:$0x1] =	wrdreg $0xFFFFFFFF  }
0xc1: {  	_ =	task.clear_ibuf [dreg:s6], $0x2FFFF;
	_ =	strace $0x9FFFFFFF  }
0xc2: {  	(tm) =	ssettm $0x7FFFFFFF  }
0xc3: {  	_ =	shalt  }
tec
execute0_lowered:
.L_overlay_start_1:
0x0: {  	(tag) =	ssettag $0x1  }
0x1: {  	s0 =	rddreg [dreg:$0x0]  }
0x2: {  	s1 =	rddreg [dreg:$0x1];
	s3 =	simm.s32 $0x0  }
0x3: {  	s2 =	srdreg.scid;
	s10 =	stileid.u32;
	s11 =	simm.s32 $0x80  }
0x4: {  	s12 =	simm.s32 $0x38F0;
	s13 =	simm.s32 $0x3170;
	s14 =	simm.s32 $0x31F0  }
0x5: {  	s15 =	simm.s32 $0x3270;
	s16 =	simm.s32 $0x32F0;
	s17 =	simm.s32 $0x3370  }
0x6: {  	s18 =	simm.s32 $0x33F0;
	s19 =	simm.s32 $0x3470;
	s20 =	simm.s32 $0x34F0  }
0x7: {  	s21 =	simm.s32 $0x3570;
	s22 =	simm.s32 $0x35F0;
	s23 =	simm.s32 $0x3670  }
0x8: {  	s24 =	simm.s32 $0x36F0;
	s25 =	simm.s32 $0x3770;
	s28 =	simm.s32 $0x3870  }
0x9: {  	s29 =	simm.s32 $0x1;
	s30 =	simm.s32 $0x0;
	[smem:$0x7FF] =	sst s3  }
0xa: {  	s2 =	sand.u32 $0x1, s2;
	s6 =	sadd.s32 $0x35A00, s0;
	s5 =	smul.u32 $0x1870, s10  }
0xb: {  	s7 =	sadd.s32 $0x4A00, s0;
	s8 =	sadd.s32 $0x66A00, s0;
	s0 =	sadd.s32 $0x69C00, s0  }
0xc: {  	s10 =	smul.u32 $0x3100, s10;
	_ =	strace $0x80000047;
	s4 =	ssub.s32 $0x2, s2  }
0xd: {  	p0 =	seq.s32 s2, $0x1;
	s9 =	sshrl.u32 s4, $0x1;
	s26 =	sshrl.u32 s5, $0x3  }
0xe: {  	s6 =	smov.u32 @p0 s7;
	s8 =	smov.u32 @p0 s0;
	s9 =	ssub.s32 s4, s9  }
0xf: {  	s4 =	sadd.s32 s5, s1;
	s6 =	sadd.s32 s6, s10;
	s7 =	sadd.s32 s8, s26  }
0x10: {  	s8 =	simm.s32 $0x1870;
	s10 =	simm.s32 $0x30F0;
	s31 =	smax.u32 s9, $0x1  }
0x11: {  	v0 =	vimm.f32 $0.0e+00;
	v1 =	vimm.f32 $1.000000000e+00;
	s26 =	simm.s32 $0x37F0;
	s9 =	simm.s32 $0x2;
	[dreg:$0x3] =	wrdreg s31  }
.LBB2_1:
0x12: {  	s0 =	simm.s32 $0x40;
	s2 =	simm.s32 $0x0  }
.LBB2_2:
0x13: {  	p0 =	sne.s32 s0, $0x6180;
	[tilespmem:s2+$0x1870] =	vst v0;
	s2 =	smov.u32 s0;
	s0 =	sadd.s32 $0x40, s0  }
.Ltmp0:
0x14: {  	(pc) =	sbr.rel @p0 .LBB2_2-.Ltmp0, $2  }
0x15: {  	_ =	sdelay $0x2  }
0x16: {  	s2 =	sshra.s32 s2, $0x2  }
0x17: {  	[tilespmem:s2+$0x1870] =	vst v0  }
0x18: {  	[tilespmem:$0x38F0] =	vst v1  }
0x19: {  	[tilespmem:$0x3900] =	vst v1  }
0x1a: {  	[tilespmem:$0x3910] =	vst v1  }
0x1b: {  	[tilespmem:$0x3920] =	vst v1  }
0x1c: {  	[tilespmem:$0x3930] =	vst v1  }
0x1d: {  	[tilespmem:$0x3940] =	vst v1  }
0x1e: {  	[tilespmem:$0x3950] =	vst v1  }
0x1f: {  	[tilespmem:$0x3960] =	vst v1  }
0x20: {  	[spmem:s4] =	stream.linear.scatter [tilespmem:s8], [sflag:$0x2], $0x1870, $0x38;
	[tilespmem:$0x3970] =	vst v63  }
0x21: {  	_ =	swait.ge [sflag:s9], $0x1870  }
0x22: {  	[sflag:s9] =	ssyncset.done $0x0  }
0x23: {  	[sflag:s9] =	ssyncadd.s32 $0xFFFFE790  }
0x24: {  	s0 =	sadd.s32 $0x0, s6;
	[bflag:$0x0] =	sbarrier.arrive $0xFFFF  }
0x25: {  	[tilespmem:s10], [sflag:$0x2] =	stream.linear.gather [hbm4b:s0+s3], $0x800, $0x38;
	[tilespmem:$0x3970] =	vst v63  }
0x26: {  	_ =	swait.ge [sflag:s9], $0x800  }
0x27: {  	[sflag:s9] =	ssyncset.done $0x0  }
0x28: {  	[sflag:s9] =	ssyncadd.s32 $0xFFFFF800  }
0x29: {  	[spmem:s1] =	stream.indirect.scatter.add.f32 [tilespmem:s12], [sflag:$0x1], $0x1, s10, s11, $0xb8;
	[tilespmem:$0x3970] =	vst v63  }
0x2a: {  	_ = 	snop  }
0x2b: {  	[spmem:s1] =	stream.indirect.scatter.add.f32 [tilespmem:s12], [sflag:$0x1], $0x1, s13, s11, $0xb8;
	[tilespmem:$0x3970] =	vst v63  }
0x2c: {  	_ = 	snop  }
0x2d: {  	[spmem:s1] =	stream.indirect.scatter.add.f32 [tilespmem:s12], [sflag:$0x1], $0x1, s14, s11, $0xb8;
	[tilespmem:$0x3970] =	vst v63  }
0x2e: {  	_ = 	snop  }
0x2f: {  	[spmem:s1] =	stream.indirect.scatter.add.f32 [tilespmem:s12], [sflag:$0x1], $0x1, s15, s11, $0xb8;
	[tilespmem:$0x3970] =	vst v63  }
0x30: {  	_ = 	snop  }
0x31: {  	[spmem:s1] =	stream.indirect.scatter.add.f32 [tilespmem:s12], [sflag:$0x1], $0x1, s16, s11, $0xb8;
	[tilespmem:$0x3970] =	vst v63  }
0x32: {  	_ = 	snop  }
0x33: {  	[spmem:s1] =	stream.indirect.scatter.add.f32 [tilespmem:s12], [sflag:$0x1], $0x1, s17, s11, $0xb8;
	[tilespmem:$0x3970] =	vst v63  }
0x34: {  	_ = 	snop  }
0x35: {  	[spmem:s1] =	stream.indirect.scatter.add.f32 [tilespmem:s12], [sflag:$0x1], $0x1, s18, s11, $0xb8;
	[tilespmem:$0x3970] =	vst v63  }
0x36: {  	_ = 	snop  }
0x37: {  	[spmem:s1] =	stream.indirect.scatter.add.f32 [tilespmem:s12], [sflag:$0x1], $0x1, s19, s11, $0xb8;
	[tilespmem:$0x3970] =	vst v63  }
0x38: {  	_ = 	snop  }
0x39: {  	[spmem:s1] =	stream.indirect.scatter.add.f32 [tilespmem:s12], [sflag:$0x1], $0x1, s20, s11, $0xb8;
	[tilespmem:$0x3970] =	vst v63  }
0x3a: {  	_ = 	snop  }
0x3b: {  	[spmem:s1] =	stream.indirect.scatter.add.f32 [tilespmem:s12], [sflag:$0x1], $0x1, s21, s11, $0xb8;
	[tilespmem:$0x3970] =	vst v63  }
0x3c: {  	_ = 	snop  }
0x3d: {  	[spmem:s1] =	stream.indirect.scatter.add.f32 [tilespmem:s12], [sflag:$0x1], $0x1, s22, s11, $0xb8;
	[tilespmem:$0x3970] =	vst v63  }
0x3e: {  	_ = 	snop  }
0x3f: {  	[spmem:s1] =	stream.indirect.scatter.add.f32 [tilespmem:s12], [sflag:$0x1], $0x1, s23, s11, $0xb8;
	[tilespmem:$0x3970] =	vst v63  }
0x40: {  	_ = 	snop  }
0x41: {  	[spmem:s1] =	stream.indirect.scatter.add.f32 [tilespmem:s12], [sflag:$0x1], $0x1, s24, s11, $0xb8;
	[tilespmem:$0x3970] =	vst v63  }
0x42: {  	_ = 	snop  }
0x43: {  	[spmem:s1] =	stream.indirect.scatter.add.f32 [tilespmem:s12], [sflag:$0x1], $0x1, s25, s11, $0xb8;
	[tilespmem:$0x3970] =	vst v63  }
0x44: {  	_ = 	snop  }
0x45: {  	[spmem:s1] =	stream.indirect.scatter.add.f32 [tilespmem:s12], [sflag:$0x1], $0x1, s26, s11, $0xb8;
	[tilespmem:$0x3970] =	vst v63  }
0x46: {  	_ = 	snop  }
0x47: {  	[spmem:s1] =	stream.indirect.scatter.add.f32 [tilespmem:s12], [sflag:$0x1], $0x1, s28, s11, $0xb8;
	[tilespmem:$0x3970] =	vst v63  }
0x48: {  	_ =	swait.ge [sflag:s29], $0x80  }
0x49: {  	[sflag:s29] =	ssyncset.done $0x0  }
0x4a: {  	[sflag:s29] =	ssyncadd.s32 $0xFFFFFF80  }
0x4b: {  	_ =	swait.ge [sflag:s29], $0x80  }
0x4c: {  	[sflag:s29] =	ssyncset.done $0x0  }
0x4d: {  	[sflag:s29] =	ssyncadd.s32 $0xFFFFFF80  }
0x4e: {  	_ =	swait.ge [sflag:s29], $0x80  }
0x4f: {  	[sflag:s29] =	ssyncset.done $0x0  }
0x50: {  	[sflag:s29] =	ssyncadd.s32 $0xFFFFFF80  }
0x51: {  	_ =	swait.ge [sflag:s29], $0x80  }
0x52: {  	[sflag:s29] =	ssyncset.done $0x0  }
0x53: {  	[sflag:s29] =	ssyncadd.s32 $0xFFFFFF80  }
0x54: {  	_ =	swait.ge [sflag:s29], $0x80  }
0x55: {  	[sflag:s29] =	ssyncset.done $0x0  }
0x56: {  	[sflag:s29] =	ssyncadd.s32 $0xFFFFFF80  }
0x57: {  	_ =	swait.ge [sflag:s29], $0x80  }
0x58: {  	[sflag:s29] =	ssyncset.done $0x0  }
0x59: {  	[sflag:s29] =	ssyncadd.s32 $0xFFFFFF80  }
0x5a: {  	_ =	swait.ge [sflag:s29], $0x80  }
0x5b: {  	[sflag:s29] =	ssyncset.done $0x0  }
0x5c: {  	[sflag:s29] =	ssyncadd.s32 $0xFFFFFF80  }
0x5d: {  	_ =	swait.ge [sflag:s29], $0x80  }
0x5e: {  	[sflag:s29] =	ssyncset.done $0x0  }
0x5f: {  	[sflag:s29] =	ssyncadd.s32 $0xFFFFFF80  }
0x60: {  	_ =	swait.ge [sflag:s29], $0x80  }
0x61: {  	[sflag:s29] =	ssyncset.done $0x0  }
0x62: {  	[sflag:s29] =	ssyncadd.s32 $0xFFFFFF80  }
0x63: {  	_ =	swait.ge [sflag:s29], $0x80  }
0x64: {  	[sflag:s29] =	ssyncset.done $0x0  }
0x65: {  	[sflag:s29] =	ssyncadd.s32 $0xFFFFFF80  }
0x66: {  	_ =	swait.ge [sflag:s29], $0x80  }
0x67: {  	[sflag:s29] =	ssyncset.done $0x0  }
0x68: {  	[sflag:s29] =	ssyncadd.s32 $0xFFFFFF80  }
0x69: {  	_ =	swait.ge [sflag:s29], $0x80  }
0x6a: {  	[sflag:s29] =	ssyncset.done $0x0  }
0x6b: {  	[sflag:s29] =	ssyncadd.s32 $0xFFFFFF80  }
0x6c: {  	_ =	swait.ge [sflag:s29], $0x80  }
0x6d: {  	[sflag:s29] =	ssyncset.done $0x0  }
0x6e: {  	[sflag:s29] =	ssyncadd.s32 $0xFFFFFF80  }
0x6f: {  	_ =	swait.ge [sflag:s29], $0x80  }
0x70: {  	[sflag:s29] =	ssyncset.done $0x0  }
0x71: {  	[sflag:s29] =	ssyncadd.s32 $0xFFFFFF80  }
0x72: {  	_ =	swait.ge [sflag:s29], $0x80  }
0x73: {  	[sflag:s29] =	ssyncset.done $0x0  }
0x74: {  	[sflag:s29] =	ssyncadd.s32 $0xFFFFFF80  }
0x75: {  	_ =	swait.ge [sflag:s29], $0x80  }
0x76: {  	s31 =	simm.s32 $0x100;
	s0 =	simm.s32 $0x200;
	[sflag:s29] =	ssyncset.done $0x0  }
.LBB2_4:
0x77: {  	s5 =	sadd.s32 s31, s6  }
0x78: {  	[sflag:s29] =	ssyncadd.s32 $0xFFFFFF80;
	s31 =	smov.u32 s0;
	s2 =	sadd.s32 $0x100, s0  }
0x79: {  	[tilespmem:s10], [sflag:$0x2] =	stream.linear.gather [hbm4b:s5+s3], $0x800, $0x38;
	[tilespmem:$0x3970] =	vst v63  }
0x7a: {  	p0 =	sne.s32 s0, $0x3000;
	_ =	swait.ge [sflag:s9], $0x800  }
0x7b: {  	[sflag:s9] =	ssyncset.done $0x0  }
0x7c: {  	[sflag:s9] =	ssyncadd.s32 $0xFFFFF800  }
0x7d: {  	[spmem:s1] =	stream.indirect.scatter.add.f32 [tilespmem:s12], [sflag:$0x1], $0x1, s10, s11, $0xb8;
	[tilespmem:$0x3970] =	vst v63  }
0x7e: {  	_ = 	snop  }
0x7f: {  	[spmem:s1] =	stream.indirect.scatter.add.f32 [tilespmem:s12], [sflag:$0x1], $0x1, s13, s11, $0xb8;
	[tilespmem:$0x3970] =	vst v63  }
0x80: {  	_ = 	snop  }
0x81: {  	[spmem:s1] =	stream.indirect.scatter.add.f32 [tilespmem:s12], [sflag:$0x1], $0x1, s14, s11, $0xb8;
	[tilespmem:$0x3970] =	vst v63  }
0x82: {  	_ = 	snop  }
0x83: {  	[spmem:s1] =	stream.indirect.scatter.add.f32 [tilespmem:s12], [sflag:$0x1], $0x1, s15, s11, $0xb8;
	[tilespmem:$0x3970] =	vst v63  }
0x84: {  	_ = 	snop  }
0x85: {  	[spmem:s1] =	stream.indirect.scatter.add.f32 [tilespmem:s12], [sflag:$0x1], $0x1, s16, s11, $0xb8;
	[tilespmem:$0x3970] =	vst v63  }
0x86: {  	_ = 	snop  }
0x87: {  	[spmem:s1] =	stream.indirect.scatter.add.f32 [tilespmem:s12], [sflag:$0x1], $0x1, s17, s11, $0xb8;
	[tilespmem:$0x3970] =	vst v63  }
0x88: {  	_ = 	snop  }
0x89: {  	[spmem:s1] =	stream.indirect.scatter.add.f32 [tilespmem:s12], [sflag:$0x1], $0x1, s18, s11, $0xb8;
	[tilespmem:$0x3970] =	vst v63  }
0x8a: {  	_ = 	snop  }
0x8b: {  	[spmem:s1] =	stream.indirect.scatter.add.f32 [tilespmem:s12], [sflag:$0x1], $0x1, s19, s11, $0xb8;
	[tilespmem:$0x3970] =	vst v63  }
0x8c: {  	_ = 	snop  }
0x8d: {  	[spmem:s1] =	stream.indirect.scatter.add.f32 [tilespmem:s12], [sflag:$0x1], $0x1, s20, s11, $0xb8;
	[tilespmem:$0x3970] =	vst v63  }
0x8e: {  	_ = 	snop  }
0x8f: {  	[spmem:s1] =	stream.indirect.scatter.add.f32 [tilespmem:s12], [sflag:$0x1], $0x1, s21, s11, $0xb8;
	[tilespmem:$0x3970] =	vst v63  }
0x90: {  	_ = 	snop  }
0x91: {  	[spmem:s1] =	stream.indirect.scatter.add.f32 [tilespmem:s12], [sflag:$0x1], $0x1, s22, s11, $0xb8;
	[tilespmem:$0x3970] =	vst v63  }
0x92: {  	_ = 	snop  }
0x93: {  	[spmem:s1] =	stream.indirect.scatter.add.f32 [tilespmem:s12], [sflag:$0x1], $0x1, s23, s11, $0xb8;
	[tilespmem:$0x3970] =	vst v63  }
0x94: {  	_ = 	snop  }
0x95: {  	[spmem:s1] =	stream.indirect.scatter.add.f32 [tilespmem:s12], [sflag:$0x1], $0x1, s24, s11, $0xb8;
	[tilespmem:$0x3970] =	vst v63  }
0x96: {  	_ = 	snop  }
0x97: {  	[spmem:s1] =	stream.indirect.scatter.add.f32 [tilespmem:s12], [sflag:$0x1], $0x1, s25, s11, $0xb8;
	[tilespmem:$0x3970] =	vst v63  }
0x98: {  	_ = 	snop  }
0x99: {  	[spmem:s1] =	stream.indirect.scatter.add.f32 [tilespmem:s12], [sflag:$0x1], $0x1, s26, s11, $0xb8;
	[tilespmem:$0x3970] =	vst v63  }
0x9a: {  	_ = 	snop  }
0x9b: {  	[spmem:s1] =	stream.indirect.scatter.add.f32 [tilespmem:s12], [sflag:$0x1], $0x1, s28, s11, $0xb8;
	[tilespmem:$0x3970] =	vst v63  }
0x9c: {  	_ =	swait.ge [sflag:s29], $0x80  }
0x9d: {  	[sflag:s29] =	ssyncset.done $0x0  }
0x9e: {  	[sflag:s29] =	ssyncadd.s32 $0xFFFFFF80  }
0x9f: {  	_ =	swait.ge [sflag:s29], $0x80  }
0xa0: {  	[sflag:s29] =	ssyncset.done $0x0  }
0xa1: {  	[sflag:s29] =	ssyncadd.s32 $0xFFFFFF80  }
0xa2: {  	_ =	swait.ge [sflag:s29], $0x80  }
0xa3: {  	[sflag:s29] =	ssyncset.done $0x0  }
0xa4: {  	[sflag:s29] =	ssyncadd.s32 $0xFFFFFF80  }
0xa5: {  	_ =	swait.ge [sflag:s29], $0x80  }
0xa6: {  	[sflag:s29] =	ssyncset.done $0x0  }
0xa7: {  	[sflag:s29] =	ssyncadd.s32 $0xFFFFFF80  }
0xa8: {  	_ =	swait.ge [sflag:s29], $0x80  }
0xa9: {  	[sflag:s29] =	ssyncset.done $0x0  }
0xaa: {  	[sflag:s29] =	ssyncadd.s32 $0xFFFFFF80  }
0xab: {  	_ =	swait.ge [sflag:s29], $0x80  }
0xac: {  	[sflag:s29] =	ssyncset.done $0x0  }
0xad: {  	[sflag:s29] =	ssyncadd.s32 $0xFFFFFF80  }
0xae: {  	_ =	swait.ge [sflag:s29], $0x80  }
0xaf: {  	[sflag:s29] =	ssyncset.done $0x0  }
0xb0: {  	[sflag:s29] =	ssyncadd.s32 $0xFFFFFF80  }
0xb1: {  	_ =	swait.ge [sflag:s29], $0x80  }
0xb2: {  	[sflag:s29] =	ssyncset.done $0x0  }
0xb3: {  	[sflag:s29] =	ssyncadd.s32 $0xFFFFFF80  }
0xb4: {  	_ =	swait.ge [sflag:s29], $0x80  }
0xb5: {  	[sflag:s29] =	ssyncset.done $0x0  }
0xb6: {  	[sflag:s29] =	ssyncadd.s32 $0xFFFFFF80  }
0xb7: {  	_ =	swait.ge [sflag:s29], $0x80  }
0xb8: {  	[sflag:s29] =	ssyncset.done $0x0  }
0xb9: {  	[sflag:s29] =	ssyncadd.s32 $0xFFFFFF80  }
0xba: {  	_ =	swait.ge [sflag:s29], $0x80  }
0xbb: {  	[sflag:s29] =	ssyncset.done $0x0  }
0xbc: {  	[sflag:s29] =	ssyncadd.s32 $0xFFFFFF80  }
0xbd: {  	_ =	swait.ge [sflag:s29], $0x80  }
0xbe: {  	[sflag:s29] =	ssyncset.done $0x0  }
0xbf: {  	[sflag:s29] =	ssyncadd.s32 $0xFFFFFF80  }
0xc0: {  	_ =	swait.ge [sflag:s29], $0x80  }
0xc1: {  	[sflag:s29] =	ssyncset.done $0x0  }
0xc2: {  	[sflag:s29] =	ssyncadd.s32 $0xFFFFFF80  }
0xc3: {  	_ =	swait.ge [sflag:s29], $0x80  }
0xc4: {  	[sflag:s29] =	ssyncset.done $0x0  }
0xc5: {  	[sflag:s29] =	ssyncadd.s32 $0xFFFFFF80  }
.Ltmp1:
0xc6: {  	_ =	swait.ge [sflag:s29], $0x80;
	(pc) =	sbr.rel @p0 .LBB2_4-.Ltmp1, $4  }
0xc7: {  	[sflag:s29] =	ssyncset.done $0x0  }
0xc8: {  	[sflag:s29] =	ssyncadd.s32 $0xFFFFFF80  }
0xc9: {  	_ =	swait.ge [sflag:s29], $0x80  }
0xca: {  	s0 =	smov.u32 s2;
	[sflag:s29] =	ssyncset.done $0x0  }
0xcb: {  	s0 =	sadd.s32 s31, s6;
	[sflag:s29] =	ssyncadd.s32 $0xFFFFFF80  }
0xcc: {  	[tilespmem:s10], [sflag:$0x2] =	stream.linear.gather [hbm4b:s0+s3], $0x800, $0x38;
	[tilespmem:$0x3970] =	vst v63  }
0xcd: {  	_ =	swait.ge [sflag:s9], $0x800  }
0xce: {  	[sflag:s9] =	ssyncset.done $0x0  }
0xcf: {  	[sflag:s9] =	ssyncadd.s32 $0xFFFFF800  }
0xd0: {  	[spmem:s1] =	stream.indirect.scatter.add.f32 [tilespmem:s12], [sflag:$0x1], $0x1, s10, s11, $0xb8;
	[tilespmem:$0x3970] =	vst v63  }
0xd1: {  	_ = 	snop  }
0xd2: {  	[spmem:s1] =	stream.indirect.scatter.add.f32 [tilespmem:s12], [sflag:$0x1], $0x1, s13, s11, $0xb8;
	[tilespmem:$0x3970] =	vst v63  }
0xd3: {  	_ = 	snop  }
0xd4: {  	[spmem:s1] =	stream.indirect.scatter.add.f32 [tilespmem:s12], [sflag:$0x1], $0x1, s14, s11, $0xb8;
	[tilespmem:$0x3970] =	vst v63  }
0xd5: {  	_ = 	snop  }
0xd6: {  	[spmem:s1] =	stream.indirect.scatter.add.f32 [tilespmem:s12], [sflag:$0x1], $0x1, s15, s11, $0xb8;
	[tilespmem:$0x3970] =	vst v63  }
0xd7: {  	_ = 	snop  }
0xd8: {  	[spmem:s1] =	stream.indirect.scatter.add.f32 [tilespmem:s12], [sflag:$0x1], $0x1, s16, s11, $0xb8;
	[tilespmem:$0x3970] =	vst v63  }
0xd9: {  	_ = 	snop  }
0xda: {  	[spmem:s1] =	stream.indirect.scatter.add.f32 [tilespmem:s12], [sflag:$0x1], $0x1, s17, s11, $0xb8;
	[tilespmem:$0x3970] =	vst v63  }
0xdb: {  	_ = 	snop  }
0xdc: {  	[spmem:s1] =	stream.indirect.scatter.add.f32 [tilespmem:s12], [sflag:$0x1], $0x1, s18, s11, $0xb8;
	[tilespmem:$0x3970] =	vst v63  }
0xdd: {  	_ = 	snop  }
0xde: {  	[spmem:s1] =	stream.indirect.scatter.add.f32 [tilespmem:s12], [sflag:$0x1], $0x1, s19, s11, $0xb8;
	[tilespmem:$0x3970] =	vst v63  }
0xdf: {  	_ = 	snop  }
0xe0: {  	[spmem:s1] =	stream.indirect.scatter.add.f32 [tilespmem:s12], [sflag:$0x1], $0x1, s20, s11, $0xb8;
	[tilespmem:$0x3970] =	vst v63  }
0xe1: {  	_ = 	snop  }
0xe2: {  	[spmem:s1] =	stream.indirect.scatter.add.f32 [tilespmem:s12], [sflag:$0x1], $0x1, s21, s11, $0xb8;
	[tilespmem:$0x3970] =	vst v63  }
0xe3: {  	_ = 	snop  }
0xe4: {  	[spmem:s1] =	stream.indirect.scatter.add.f32 [tilespmem:s12], [sflag:$0x1], $0x1, s22, s11, $0xb8;
	[tilespmem:$0x3970] =	vst v63  }
0xe5: {  	_ = 	snop  }
0xe6: {  	[spmem:s1] =	stream.indirect.scatter.add.f32 [tilespmem:s12], [sflag:$0x1], $0x1, s23, s11, $0xb8;
	[tilespmem:$0x3970] =	vst v63  }
0xe7: {  	_ = 	snop  }
0xe8: {  	[spmem:s1] =	stream.indirect.scatter.add.f32 [tilespmem:s12], [sflag:$0x1], $0x1, s24, s11, $0xb8;
	[tilespmem:$0x3970] =	vst v63  }
0xe9: {  	_ = 	snop  }
0xea: {  	[spmem:s1] =	stream.indirect.scatter.add.f32 [tilespmem:s12], [sflag:$0x1], $0x1, s25, s11, $0xb8;
	[tilespmem:$0x3970] =	vst v63  }
0xeb: {  	_ = 	snop  }
0xec: {  	[spmem:s1] =	stream.indirect.scatter.add.f32 [tilespmem:s12], [sflag:$0x1], $0x1, s26, s11, $0xb8;
	[tilespmem:$0x3970] =	vst v63  }
0xed: {  	_ = 	snop  }
0xee: {  	[spmem:s1] =	stream.indirect.scatter.add.f32 [tilespmem:s12], [sflag:$0x1], $0x1, s28, s11, $0xb8;
	[tilespmem:$0x3970] =	vst v63  }
0xef: {  	_ =	swait.ge [sflag:s29], $0x80  }
0xf0: {  	[sflag:s29] =	ssyncset.done $0x0  }
0xf1: {  	[sflag:s29] =	ssyncadd.s32 $0xFFFFFF80  }
0xf2: {  	_ =	swait.ge [sflag:s29], $0x80  }
0xf3: {  	[sflag:s29] =	ssyncset.done $0x0  }
0xf4: {  	[sflag:s29] =	ssyncadd.s32 $0xFFFFFF80  }
0xf5: {  	_ =	swait.ge [sflag:s29], $0x80  }
0xf6: {  	[sflag:s29] =	ssyncset.done $0x0  }
0xf7: {  	[sflag:s29] =	ssyncadd.s32 $0xFFFFFF80  }
0xf8: {  	_ =	swait.ge [sflag:s29], $0x80  }
0xf9: {  	[sflag:s29] =	ssyncset.done $0x0  }
0xfa: {  	[sflag:s29] =	ssyncadd.s32 $0xFFFFFF80  }
0xfb: {  	_ =	swait.ge [sflag:s29], $0x80  }
0xfc: {  	[sflag:s29] =	ssyncset.done $0x0  }
0xfd: {  	[sflag:s29] =	ssyncadd.s32 $0xFFFFFF80  }
0xfe: {  	_ =	swait.ge [sflag:s29], $0x80  }
0xff: {  	[sflag:s29] =	ssyncset.done $0x0  }
0x100: {  	[sflag:s29] =	ssyncadd.s32 $0xFFFFFF80  }
0x101: {  	_ =	swait.ge [sflag:s29], $0x80  }
0x102: {  	[sflag:s29] =	ssyncset.done $0x0  }
0x103: {  	[sflag:s29] =	ssyncadd.s32 $0xFFFFFF80  }
0x104: {  	_ =	swait.ge [sflag:s29], $0x80  }
0x105: {  	[sflag:s29] =	ssyncset.done $0x0  }
0x106: {  	[sflag:s29] =	ssyncadd.s32 $0xFFFFFF80  }
0x107: {  	_ =	swait.ge [sflag:s29], $0x80  }
0x108: {  	[sflag:s29] =	ssyncset.done $0x0  }
0x109: {  	[sflag:s29] =	ssyncadd.s32 $0xFFFFFF80  }
0x10a: {  	_ =	swait.ge [sflag:s29], $0x80  }
0x10b: {  	[sflag:s29] =	ssyncset.done $0x0  }
0x10c: {  	[sflag:s29] =	ssyncadd.s32 $0xFFFFFF80  }
0x10d: {  	_ =	swait.ge [sflag:s29], $0x80  }
0x10e: {  	[sflag:s29] =	ssyncset.done $0x0  }
0x10f: {  	[sflag:s29] =	ssyncadd.s32 $0xFFFFFF80  }
0x110: {  	_ =	swait.ge [sflag:s29], $0x80  }
0x111: {  	[sflag:s29] =	ssyncset.done $0x0  }
0x112: {  	[sflag:s29] =	ssyncadd.s32 $0xFFFFFF80  }
0x113: {  	_ =	swait.ge [sflag:s29], $0x80  }
0x114: {  	[sflag:s29] =	ssyncset.done $0x0  }
0x115: {  	[sflag:s29] =	ssyncadd.s32 $0xFFFFFF80  }
0x116: {  	_ =	swait.ge [sflag:s29], $0x80  }
0x117: {  	[sflag:s29] =	ssyncset.done $0x0  }
0x118: {  	[sflag:s29] =	ssyncadd.s32 $0xFFFFFF80  }
0x119: {  	_ =	swait.ge [sflag:s29], $0x80  }
0x11a: {  	[sflag:s29] =	ssyncset.done $0x0  }
0x11b: {  	[sflag:s29] =	ssyncadd.s32 $0xFFFFFF80  }
0x11c: {  	_ =	swait.ge [sflag:s29], $0x80  }
0x11d: {  	[sflag:s29] =	ssyncset.done $0x0  }
0x11e: {  	[sflag:s29] =	ssyncadd.s32 $0xFFFFFF80  }
0x11f: {  	[bflag:$0x0] =	sbarrier.arrive $0xFFFF  }
0x120: {  	[tilespmem:s8], [sflag:$0x2] =	stream.linear.gather [spmem:s4], $0x1870, $0x38;
	[tilespmem:$0x3970] =	vst v63  }
0x121: {  	_ =	swait.ge [sflag:s9], $0x1870  }
0x122: {  	[sflag:s9] =	ssyncset.done $0x0  }
0x123: {  	[sflag:s9] =	ssyncadd.s32 $0xFFFFE790  }
0x124: {  	[hbm4b:s7+s3] =	stream.linear.scatter [tilespmem:s8], [sflag:$0x2], $0x1870, $0x38;
	[tilespmem:$0x3970] =	vst v63  }
0x125: {  	_ =	swait.ge [sflag:s9], $0x1870  }
0x126: {  	s30 =	sadd.s32 $0x1, s30;
	s31 =	rddreg [dreg:$0x3]  }
0x127: {  	p0 =	sne.s32 s30, s31  }
.Ltmp2:
0x128: {  	_ = 	snop;
	(pc) =	sbr.rel @p0 .LBB2_1-.Ltmp2, $3  }
0x129: {  	_ =	sdelay $0x1  }
0x12a: {  	[sflag:s9] =	ssyncset.done $0x0  }
0x12b: {  	[sflag:s9] =	ssyncadd.s32 $0xFFFFE790  }
0x12c: {  	_ =	sfence.sel $0x180000  }
0x12d: {  	[bflag:$0x0] =	sbarrier.arrive $0xFFFF  }
0x12e: {  	_ =	strace $0x90000047  }
0x12f: {  	s0 =	stileid.u32;
	[bflag:$0x2] =	sbarrier.arrive $0xFFFF  }
0x130: {  	p0 =	sne.s32 s0, $0x0;
	s0 =	rddreg [dreg:$0x2]  }
0x131: {  	s0 =	sadd.s32 @!p0 $0x100000, s0  }
0x132: {  	[sflag:s0] =	ssyncadd.tile.s32 @!p0 $0x1;
	_ =	shalt  }
.Lfunc_end2:
_tile_overlayer_lowered:
.L_overlay_start_2:
0x133: {  	(tag) =	ssettag $0x2  }
0x134: {  	s0 =	rddreg [dreg:$0x0];
	s2 =	stileid.u32  }
0x135: {  	s1 =	rddreg [dreg:$0x1];
	p0 =	sne.s32 s2, $0x0  }
0x136: {  	s3 =	rddreg [dreg:$0x2];
	[bflag:$0x3] =	sbarrier.arrive $0xFFFF;
	s2 =	simm.s32 @!p0 $0x1C02  }
0x137: {  	[timem:s3], [sflag:s2] =	dma.local @!p0 [hbm:s0], s1  }
0x138: {  	s0 =	simm.s32 @!p0 $0x2  }
0x139: {  	_ =	swait.ge @!p0 [sflag:s0], s1  }
0x13a: {  	s1 =	ssub.s32 @!p0 $0x0, s1;
	[sflag:s0] =	ssyncset.done @!p0 $0x0  }
0x13b: {  	[sflag:s0] =	ssyncadd.s32 @!p0 s1  }
0x13c: {  	[bflag:$0x3] =	sbarrier.arrive $0xFFFF  }
0x13d: {  	_ =	shalt  }

</sc_bundles>
